<compile_context>
chip_gen: v7x
topology: tpu7x:2x2x1
jax: 0.10.2.dev20260603
libtpu: 0.0.44.dev20260713+nightly
codegen_flags: <defaults>
</compile_context>

<pallas_src>
import jax
import jax.numpy as jnp
from jax import lax
from jax.experimental import pallas as pl
from jax.experimental.pallas import tpu as pltpu
from jax.experimental.pallas import tpu_sc as plsc

N = 10000
E = 320000
D = 128
NC = 2
NS = 16
NW = NC * NS
L = 16
CH = 128
NCH = 80
EPT = NCH * CH
EPAD = NW * EPT
NPAD = 10240
ROWS_PT = NPAD // NS

GP = 10
NBLK = N // GP
EB = E // GP
GC = 10
CB = NPAD // GC


def _prep_body(x_ref, wmap_ref, a12_ref, kern_ref, ev_ref,
               val_ref, sa_ref, mx_ref):
    xb = x_ref[...]
    w12 = jnp.dot(wmap_ref[...], a12_ref[...],
                  preferred_element_type=jnp.float32)
    sab = jnp.dot(xb, w12, preferred_element_type=jnp.float32)
    sa_ref[...] = sab
    val_ref[...] = jnp.dot(xb, kern_ref[...],
                           preferred_element_type=jnp.float32)
    m1 = jnp.max(jnp.abs(sab[:, 0]))
    m2 = jnp.max(jnp.abs(sab[:, 1]))
    mev = jnp.max(jnp.abs(ev_ref[...]))
    z = jnp.float32(0.0)
    row = jnp.stack([m1, m2, mev, z, z, z, z, z])[None, :]
    mx_ref[pl.ds(pl.program_id(0), 1), :] = row


_prep = pl.pallas_call(
    _prep_body,
    grid=(GP,),
    in_specs=[
        pl.BlockSpec((NBLK, D), lambda i: (i, 0)),
        pl.BlockSpec((D, D), lambda i: (0, 0)),
        pl.BlockSpec((D, 2), lambda i: (0, 0)),
        pl.BlockSpec((D, D), lambda i: (0, 0)),
        pl.BlockSpec((1, 8, EB // 8), lambda i: (i, 0, 0)),
    ],
    out_specs=[
        pl.BlockSpec((NBLK, D), lambda i: (i, 0)),
        pl.BlockSpec((NBLK, 2), lambda i: (i, 0)),
        pl.BlockSpec((GP, 8), lambda i: (0, 0)),
    ],
    out_shape=[
        jax.ShapeDtypeStruct((N, D), jnp.float32),
        jax.ShapeDtypeStruct((N, 2), jnp.float32),
        jax.ShapeDtypeStruct((GP, 8), jnp.float32),
    ],
)


def _sc_body(edg_ref, sa1_ref, sa2_ref, val_ref, bsh_ref,
             u_ref, d_ref,
             bsv, edg0, edg1, ex0, ex1, s10, s11, s20, s21,
             rows0, rows1, gsem0, gsem1, ssem0, ssem1, sasem0, sasem1,
             spU, spd, spsa1, spsa2):
    cid = lax.axis_index("c")
    sid = lax.axis_index("s")
    wid = cid * NS + sid

    zeros16 = jnp.zeros((L,), jnp.float32)

    def _zero_row(r, carry):
        for c8 in range(D // L):
            rows0[r, pl.ds(c8 * L, L)] = zeros16
        return carry

    lax.fori_loop(0, CH, _zero_row, 0)
    for c8 in range(CH // L):
        ex0[pl.ds(c8 * L, L)] = zeros16

    for k in range(ROWS_PT // CH):
        pltpu.sync_copy(rows0, spU.at[pl.ds(sid * ROWS_PT + k * CH, CH)])
        pltpu.sync_copy(ex0, spd.at[pl.ds(sid * ROWS_PT + k * CH, CH)])
    pltpu.sync_copy(bsh_ref, bsv)

    @pl.when(sid == 0)
    def _():
        pltpu.sync_copy(sa1_ref, spsa1)
        pltpu.sync_copy(sa2_ref, spsa2)

    plsc.subcore_barrier()

    def stage(c, edg, s1, s2, sasem):
        pltpu.sync_copy(edg_ref.at[wid, c], edg)
        pltpu.async_copy(spsa1.at[edg.at[0]], s1, sasem)
        pltpu.async_copy(spsa2.at[edg.at[1]], s2, sasem)

    def wait_sa(edg, s1, s2, sasem):
        pltpu.make_async_copy(spsa1.at[edg.at[0]], s1, sasem).wait()
        pltpu.make_async_copy(spsa2.at[edg.at[1]], s2, sasem).wait()

    def compute_ex(c, edg, ex, s1, s2):
        bs = bsv[...]
        for i in range(CH // L):
            e16 = plsc.bitcast(edg[2, pl.ds(i * L, L)], jnp.float32)
            g1 = s1[pl.ds(i * L, L)]
            g2 = s2[pl.ds(i * L, L)]
            e = e16 * g1 + e16 * g2
            lg = jnp.maximum(e, 0.0) + 0.2 * jnp.minimum(e, 0.0)
            ex[pl.ds(i * L, L)] = jnp.exp(lg - bs)

    def scale(ex, rows):
        def _s(i, cr):
            ex16 = ex[pl.ds(i * L, L)]
            for j in range(L):
                s = ex16[j]
                r = i * L + j
                for c8 in range(D // L):
                    rows[r, pl.ds(c8 * L, L)] = rows[r, pl.ds(c8 * L, L)] * s
            return cr

        lax.fori_loop(0, CH // L, _s, 0)

    def start_gather(edg, rows, sem):
        pltpu.async_copy(val_ref.at[edg.at[1]], rows, sem)

    def wait_gather(edg, rows, sem):
        pltpu.make_async_copy(val_ref.at[edg.at[1]], rows, sem).wait()

    def start_scatter(edg, ex, rows, sem):
        pltpu.async_copy(rows, spU.at[edg.at[0]], sem, add=True)
        pltpu.async_copy(ex, spd.at[edg.at[0]], sem, add=True)

    def wait_scatter(edg, ex, rows, sem):
        pltpu.make_async_copy(rows, spU.at[edg.at[0]], sem).wait()
        pltpu.make_async_copy(ex, spd.at[edg.at[0]], sem).wait()

    stage(0, edg0, s10, s20, sasem0)
    start_gather(edg0, rows0, gsem0)
    NK = NCH // 2

    def step(k, carry):
        c0 = 2 * k
        c1 = c0 + 1
        wait_sa(edg0, s10, s20, sasem0)
        compute_ex(c0, edg0, ex0, s10, s20)
        wait_gather(edg0, rows0, gsem0)

        @pl.when(k > 0)
        def _():
            wait_scatter(edg1, ex1, rows1, ssem1)

        stage(c1, edg1, s11, s21, sasem1)
        start_gather(edg1, rows1, gsem1)
        scale(ex0, rows0)
        start_scatter(edg0, ex0, rows0, ssem0)
        wait_sa(edg1, s11, s21, sasem1)
        compute_ex(c1, edg1, ex1, s11, s21)
        wait_gather(edg1, rows1, gsem1)
        wait_scatter(edg0, ex0, rows0, ssem0)

        @pl.when(k < NK - 1)
        def _():
            stage(c0 + 2, edg0, s10, s20, sasem0)
            start_gather(edg0, rows0, gsem0)

        scale(ex1, rows1)
        start_scatter(edg1, ex1, rows1, ssem1)
        return carry

    lax.fori_loop(0, NK, step, 0)
    wait_scatter(edg1, ex1, rows1, ssem1)

    plsc.subcore_barrier()
    r0 = sid * ROWS_PT
    pltpu.sync_copy(spU.at[pl.ds(r0, ROWS_PT)],
                    u_ref.at[cid, pl.ds(r0, ROWS_PT)])
    pltpu.sync_copy(spd.at[pl.ds(r0, ROWS_PT)],
                    d_ref.at[cid, pl.ds(r0, ROWS_PT)])


def _make_sc():
    mesh = plsc.VectorSubcoreMesh(core_axis_name="c", subcore_axis_name="s",
                                  num_cores=NC, num_subcores=NS)
    return pl.kernel(
        _sc_body,
        out_type=[
            jax.ShapeDtypeStruct((NC, NPAD, D), jnp.float32),
            jax.ShapeDtypeStruct((NC, NPAD), jnp.float32),
        ],
        mesh=mesh,
        compiler_params=pltpu.CompilerParams(needs_layout_passes=False),
        scratch_types=[
            pltpu.VMEM((L,), jnp.float32),
            pltpu.VMEM((3, CH), jnp.int32),
            pltpu.VMEM((3, CH), jnp.int32),
            pltpu.VMEM((CH,), jnp.float32),
            pltpu.VMEM((CH,), jnp.float32),
            pltpu.VMEM((CH,), jnp.float32),
            pltpu.VMEM((CH,), jnp.float32),
            pltpu.VMEM((CH,), jnp.float32),
            pltpu.VMEM((CH,), jnp.float32),
            pltpu.VMEM((CH, D), jnp.float32),
            pltpu.VMEM((CH, D), jnp.float32),
            pltpu.SemaphoreType.DMA,
            pltpu.SemaphoreType.DMA,
            pltpu.SemaphoreType.DMA,
            pltpu.SemaphoreType.DMA,
            pltpu.SemaphoreType.DMA,
            pltpu.SemaphoreType.DMA,
            pltpu.VMEM_SHARED((NPAD, D), jnp.float32),
            pltpu.VMEM_SHARED((NPAD,), jnp.float32),
            pltpu.VMEM_SHARED((NPAD,), jnp.float32),
            pltpu.VMEM_SHARED((NPAD,), jnp.float32),
        ],
    )


def _comb_body(u_ref, d_ref, b_ref, o_ref):
    us = u_ref[0] + u_ref[1]
    dns = d_ref[0] + d_ref[1]
    o_ref[...] = us / jnp.maximum(dns, 1e-16)[:, None] + b_ref[...]


_combine = pl.pallas_call(
    _comb_body,
    grid=(GC,),
    in_specs=[
        pl.BlockSpec((NC, CB, D), lambda i: (0, i, 0)),
        pl.BlockSpec((NC, CB), lambda i: (0, i)),
        pl.BlockSpec((1, D), lambda i: (0, 0)),
    ],
    out_specs=pl.BlockSpec((CB, D), lambda i: (i, 0)),
    out_shape=jax.ShapeDtypeStruct((NPAD, D), jnp.float32),
)


def kernel(x, edge_index, edge_values, W_map, a1, b1, a2, b2, kernel, bias):
    a12 = jnp.concatenate([a1, a2], axis=1)
    ev2 = edge_values.reshape(GP, 8, EB // 8)
    value, sa12, mx = _prep(x, W_map, a12, kernel, ev2)
    sa12 = sa12 + jnp.concatenate([b1, b2])[None, :]
    shift = (jnp.max(mx[:, 0]) + jnp.max(mx[:, 1])) * jnp.max(mx[:, 2])
    bsv = jnp.full((L,), shift, jnp.float32)

    pad = EPAD - E
    src = jnp.concatenate(
        [edge_index[0],
         jnp.full((pad,), N, jnp.int32)]).reshape(NW, NCH, 1, CH)
    dst = jnp.concatenate(
        [edge_index[1], jnp.zeros((pad,), jnp.int32)]).reshape(NW, NCH, 1, CH)
    evb = lax.bitcast_convert_type(
        jnp.concatenate([edge_values, jnp.zeros((pad,), jnp.float32)]),
        jnp.int32).reshape(NW, NCH, 1, CH)
    edg = jnp.concatenate([src, dst, evb], axis=2)

    sc_fn = _make_sc()
    zpad = jnp.zeros((NPAD - N,), jnp.float32)
    U, dn = sc_fn(edg, jnp.concatenate([sa12[:, 0], zpad]),
                  jnp.concatenate([sa12[:, 1], zpad]), value, bsv)
    out = _combine(U, dn, bias.reshape(1, D))
    return out[:N]

# --- scband reference (transcript-rebuilt; emitter-appended) ---
"""Pipeline reference for scband-graph-attention-layer-14439680049610 (READ-ONLY COPY).

The authoritative reference and input builder live on the scoring server;
editing this copy changes nothing except your own understanding.
"""

import jax, jax.numpy as jnp
import numpy as np

N = 10000
E = 320000
D_IN = 128
D_OUT = 128


def setup_inputs(seed: int = 0):
    key = jax.random.key(seed)
    ks = jax.random.split(key, 8)
    x = jax.random.normal(ks[0], (N, D_IN), dtype=jnp.float32)
    edge_index = jax.random.randint(ks[1], (2, E), 0, N, dtype=jnp.int32)
    edge_values = jnp.ones((E,), dtype=jnp.float32)
    W_map = jax.random.normal(ks[2], (D_IN, D_OUT), dtype=jnp.float32) * 0.05
    a1 = jax.random.normal(ks[3], (D_OUT, 1), dtype=jnp.float32) * 0.05
    b1 = jnp.zeros((1,), dtype=jnp.float32)
    a2 = jax.random.normal(ks[4], (D_OUT, 1), dtype=jnp.float32) * 0.05
    b2 = jnp.zeros((1,), dtype=jnp.float32)
    kernel = jax.random.normal(ks[5], (D_IN, D_OUT), dtype=jnp.float32) * 0.05
    bias = jnp.zeros((D_OUT,), dtype=jnp.float32)
    return {"x": x, "edge_index": edge_index, "edge_values": edge_values,
            "W_map": W_map, "a1": a1, "b1": b1, "a2": a2, "b2": b2,
            "kernel": kernel, "bias": bias}


def reference(x, edge_index, edge_values, W_map, a1, b1, a2, b2, kernel, bias):
    src = edge_index[0]
    dst = edge_index[1]
    # Conv1D(output_dim, 1, use_bias=False) over [1, N, D_IN] == x @ W_map
    mapped = x @ W_map                              # [N, D_OUT]
    # Conv1D(1, 1) twice: self-attention scalar scores per node
    sa1 = mapped @ a1 + b1                          # [N, 1]
    sa2 = mapped @ a2 + b2                          # [N, 1]
    # con_sa_1 = adj * sa1 (col-vector broadcast over rows: a_ij * sa1[i])
    # con_sa_2 = adj * sa2^T (row-vector broadcast over cols: a_ij * sa2[j])
    # weights = sparse_add(con_sa_1, con_sa_2)
    e = edge_values * sa1[src, 0] + edge_values * sa2[dst, 0]   # [E]
    # leaky_relu on sparse values (tf.nn.leaky_relu default alpha=0.2)
    logits = jax.nn.leaky_relu(e, negative_slope=0.2)
    # tf.sparse.softmax: softmax over columns within each row (group by src)
    row_max = jax.ops.segment_max(logits, src, num_segments=N)
    row_max = jnp.where(jnp.isfinite(row_max), row_max, 0.0)
    ex = jnp.exp(logits - row_max[src])
    denom = jax.ops.segment_sum(ex, src, num_segments=N)
    attn = ex / jnp.maximum(denom[src], 1e-16)      # [E]
    # value = inputs @ kernel; out = sparse_dense_matmul(attention, value)
    value = x @ kernel                              # [N, D_OUT]
    out = jax.ops.segment_sum(attn[:, None] * value[dst], src, num_segments=N)
    out = out + bias                                # use_bias=True
    # activation is None (linear)
    return out

if __name__ == "__main__":
    import jax
    _d = setup_inputs()
    print(jax.jit(kernel)(*tuple(_d.values())))

</pallas_src>

<mosaic_0001>
#map = affine_map<(d0, d1) -> (0, 0, 0, 0)>
#map1 = affine_map<(d0, d1) -> (0)>
#map2 = affine_map<(d0, d1) -> (0, 0)>
#map3 = affine_map<(d0, d1) -> (0, 0, 0)>
module attributes {stable_mosaic.version = 14 : i64} {
  func.func @_sc_body(%arg0: i32, %arg1: i32, %arg2: memref<32x80x3x128xi32, #tpu.memory_space<hbm>>, %arg3: memref<10240xf32, #tpu.memory_space<hbm>>, %arg4: memref<10240xf32, #tpu.memory_space<hbm>>, %arg5: memref<10000x128xf32, #tpu.memory_space<hbm>>, %arg6: memref<16xf32, #tpu.memory_space<hbm>>, %arg7: memref<2x10240x128xf32, #tpu.memory_space<hbm>>, %arg8: memref<2x10240xf32, #tpu.memory_space<hbm>>, %arg9: memref<16xf32, #tpu.memory_space<vmem>>, %arg10: memref<3x128xi32, #tpu.memory_space<vmem>>, %arg11: memref<3x128xi32, #tpu.memory_space<vmem>>, %arg12: memref<128xf32, #tpu.memory_space<vmem>>, %arg13: memref<128xf32, #tpu.memory_space<vmem>>, %arg14: memref<128xf32, #tpu.memory_space<vmem>>, %arg15: memref<128xf32, #tpu.memory_space<vmem>>, %arg16: memref<128xf32, #tpu.memory_space<vmem>>, %arg17: memref<128xf32, #tpu.memory_space<vmem>>, %arg18: memref<128x128xf32, #tpu.memory_space<vmem>>, %arg19: memref<128x128xf32, #tpu.memory_space<vmem>>, %arg20: memref<!tpu.dma_semaphore, #tpu.memory_space<semaphore_mem>>, %arg21: memref<!tpu.dma_semaphore, #tpu.memory_space<semaphore_mem>>, %arg22: memref<!tpu.dma_semaphore, #tpu.memory_space<semaphore_mem>>, %arg23: memref<!tpu.dma_semaphore, #tpu.memory_space<semaphore_mem>>, %arg24: memref<!tpu.dma_semaphore, #tpu.memory_space<semaphore_mem>>, %arg25: memref<!tpu.dma_semaphore, #tpu.memory_space<semaphore_mem>>, %arg26: memref<10240x128xf32, #tpu.memory_space<vmem_shared>>, %arg27: memref<10240xf32, #tpu.memory_space<vmem_shared>>, %arg28: memref<10240xf32, #tpu.memory_space<vmem_shared>>, %arg29: memref<10240xf32, #tpu.memory_space<vmem_shared>>) attributes {dimension_semantics = [#tpu.dimension_semantics<core_parallel>, #tpu.dimension_semantics<subcore_parallel>], iteration_bounds = array<i64: 2, 16>, scalar_prefetch = 0 : i64, scratch_operands = 21 : i64, tpu.core_type = #tpu.core_type<sc_vector_subcore>, window_params = [{transform_indices = #map}, {transform_indices = #map1}, {transform_indices = #map1}, {transform_indices = #map2}, {transform_indices = #map1}, {transform_indices = #map3}, {transform_indices = #map2}]} {
    %mul3A = arith.constant 16 : i32
    %mul3A_0 = arith.muli %arg0, %mul3A : i32
    %add3A = arith.addi %mul3A_0, %arg1 : i32
    %broadcast_in_dim3A = arith.constant 0.000000e+00 : f32
    %broadcast_in_dim3A_1 = vector.broadcast %broadcast_in_dim3A : f32 to vector<16xf32>
    %scan3A = arith.constant 0 : i32
    %scan3A_2 = arith.constant 0 : i32
    %scan3A_3 = arith.constant 128 : i32
    %scan3A_4 = arith.addi %scan3A_2, %scan3A_3 : i32
    %scan3A_5 = arith.constant 1 : i32
    scf.for %scan3A_103 = %scan3A_2 to %scan3A_4 step %scan3A_5  : i32 {
      %swap3A_104 = arith.index_cast %scan3A_103 : i32 to index
      %swap3A_105 = arith.constant 0 : index
      %swap3A_106 = tpu.vector_load %arg18[%swap3A_104, %swap3A_105] {strides = array<i32>} : memref<128x128xf32, #tpu.memory_space<vmem>>, vector<16xf32>,
      tpu.vector_store %arg18[%swap3A_104, %swap3A_105], %broadcast_in_dim3A_1 {strides = array<i32>} : memref<128x128xf32, #tpu.memory_space<vmem>>, vector<16xf32>,
      %swap3A_107 = arith.index_cast %scan3A_103 : i32 to index
      %swap3A_108 = arith.constant 16 : index
      %swap3A_109 = tpu.vector_load %arg18[%swap3A_107, %swap3A_108] {strides = array<i32>} : memref<128x128xf32, #tpu.memory_space<vmem>>, vector<16xf32>,
      tpu.vector_store %arg18[%swap3A_107, %swap3A_108], %broadcast_in_dim3A_1 {strides = array<i32>} : memref<128x128xf32, #tpu.memory_space<vmem>>, vector<16xf32>,
      %swap3A_110 = arith.index_cast %scan3A_103 : i32 to index
      %swap3A_111 = arith.constant 32 : index
      %swap3A_112 = tpu.vector_load %arg18[%swap3A_110, %swap3A_111] {strides = array<i32>} : memref<128x128xf32, #tpu.memory_space<vmem>>, vector<16xf32>,
      tpu.vector_store %arg18[%swap3A_110, %swap3A_111], %broadcast_in_dim3A_1 {strides = array<i32>} : memref<128x128xf32, #tpu.memory_space<vmem>>, vector<16xf32>,
      %swap3A_113 = arith.index_cast %scan3A_103 : i32 to index
      %swap3A_114 = arith.constant 48 : index
      %swap3A_115 = tpu.vector_load %arg18[%swap3A_113, %swap3A_114] {strides = array<i32>} : memref<128x128xf32, #tpu.memory_space<vmem>>, vector<16xf32>,
      tpu.vector_store %arg18[%swap3A_113, %swap3A_114], %broadcast_in_dim3A_1 {strides = array<i32>} : memref<128x128xf32, #tpu.memory_space<vmem>>, vector<16xf32>,
      %swap3A_116 = arith.index_cast %scan3A_103 : i32 to index
      %swap3A_117 = arith.constant 64 : index
      %swap3A_118 = tpu.vector_load %arg18[%swap3A_116, %swap3A_117] {strides = array<i32>} : memref<128x128xf32, #tpu.memory_space<vmem>>, vector<16xf32>,
      tpu.vector_store %arg18[%swap3A_116, %swap3A_117], %broadcast_in_dim3A_1 {strides = array<i32>} : memref<128x128xf32, #tpu.memory_space<vmem>>, vector<16xf32>,
      %swap3A_119 = arith.index_cast %scan3A_103 : i32 to index
      %swap3A_120 = arith.constant 80 : index
      %swap3A_121 = tpu.vector_load %arg18[%swap3A_119, %swap3A_120] {strides = array<i32>} : memref<128x128xf32, #tpu.memory_space<vmem>>, vector<16xf32>,
      tpu.vector_store %arg18[%swap3A_119, %swap3A_120], %broadcast_in_dim3A_1 {strides = array<i32>} : memref<128x128xf32, #tpu.memory_space<vmem>>, vector<16xf32>,
      %swap3A_122 = arith.index_cast %scan3A_103 : i32 to index
      %swap3A_123 = arith.constant 96 : index
      %swap3A_124 = tpu.vector_load %arg18[%swap3A_122, %swap3A_123] {strides = array<i32>} : memref<128x128xf32, #tpu.memory_space<vmem>>, vector<16xf32>,
      tpu.vector_store %arg18[%swap3A_122, %swap3A_123], %broadcast_in_dim3A_1 {strides = array<i32>} : memref<128x128xf32, #tpu.memory_space<vmem>>, vector<16xf32>,
      %swap3A_125 = arith.index_cast %scan3A_103 : i32 to index
      %swap3A_126 = arith.constant 112 : index
      %swap3A_127 = tpu.vector_load %arg18[%swap3A_125, %swap3A_126] {strides = array<i32>} : memref<128x128xf32, #tpu.memory_space<vmem>>, vector<16xf32>,
      tpu.vector_store %arg18[%swap3A_125, %swap3A_126], %broadcast_in_dim3A_1 {strides = array<i32>} : memref<128x128xf32, #tpu.memory_space<vmem>>, vector<16xf32>,
    }
    %scan3A_6 = arith.constant 128 : i32
    %swap3A = arith.constant 0 : index
    %swap3A_7 = tpu.vector_load %arg12[%swap3A] {strides = array<i32>} : memref<128xf32, #tpu.memory_space<vmem>>, vector<16xf32>,
    tpu.vector_store %arg12[%swap3A], %broadcast_in_dim3A_1 {strides = array<i32>} : memref<128xf32, #tpu.memory_space<vmem>>, vector<16xf32>,
    %swap3A_8 = arith.constant 16 : index
    %swap3A_9 = tpu.vector_load %arg12[%swap3A_8] {strides = array<i32>} : memref<128xf32, #tpu.memory_space<vmem>>, vector<16xf32>,
    tpu.vector_store %arg12[%swap3A_8], %broadcast_in_dim3A_1 {strides = array<i32>} : memref<128xf32, #tpu.memory_space<vmem>>, vector<16xf32>,
    %swap3A_10 = arith.constant 32 : index
    %swap3A_11 = tpu.vector_load %arg12[%swap3A_10] {strides = array<i32>} : memref<128xf32, #tpu.memory_space<vmem>>, vector<16xf32>,
    tpu.vector_store %arg12[%swap3A_10], %broadcast_in_dim3A_1 {strides = array<i32>} : memref<128xf32, #tpu.memory_space<vmem>>, vector<16xf32>,
    %swap3A_12 = arith.constant 48 : index
    %swap3A_13 = tpu.vector_load %arg12[%swap3A_12] {strides = array<i32>} : memref<128xf32, #tpu.memory_space<vmem>>, vector<16xf32>,
    tpu.vector_store %arg12[%swap3A_12], %broadcast_in_dim3A_1 {strides = array<i32>} : memref<128xf32, #tpu.memory_space<vmem>>, vector<16xf32>,
    %swap3A_14 = arith.constant 64 : index
    %swap3A_15 = tpu.vector_load %arg12[%swap3A_14] {strides = array<i32>} : memref<128xf32, #tpu.memory_space<vmem>>, vector<16xf32>,
    tpu.vector_store %arg12[%swap3A_14], %broadcast_in_dim3A_1 {strides = array<i32>} : memref<128xf32, #tpu.memory_space<vmem>>, vector<16xf32>,
    %swap3A_16 = arith.constant 80 : index
    %swap3A_17 = tpu.vector_load %arg12[%swap3A_16] {strides = array<i32>} : memref<128xf32, #tpu.memory_space<vmem>>, vector<16xf32>,
    tpu.vector_store %arg12[%swap3A_16], %broadcast_in_dim3A_1 {strides = array<i32>} : memref<128xf32, #tpu.memory_space<vmem>>, vector<16xf32>,
    %swap3A_18 = arith.constant 96 : index
    %swap3A_19 = tpu.vector_load %arg12[%swap3A_18] {strides = array<i32>} : memref<128xf32, #tpu.memory_space<vmem>>, vector<16xf32>,
    tpu.vector_store %arg12[%swap3A_18], %broadcast_in_dim3A_1 {strides = array<i32>} : memref<128xf32, #tpu.memory_space<vmem>>, vector<16xf32>,
    %swap3A_20 = arith.constant 112 : index
    %swap3A_21 = tpu.vector_load %arg12[%swap3A_20] {strides = array<i32>} : memref<128xf32, #tpu.memory_space<vmem>>, vector<16xf32>,
    tpu.vector_store %arg12[%swap3A_20], %broadcast_in_dim3A_1 {strides = array<i32>} : memref<128xf32, #tpu.memory_space<vmem>>, vector<16xf32>,
    %mul3A_22 = arith.constant 640 : i32
    %mul3A_23 = arith.muli %arg1, %mul3A_22 : i32
    %add3A_24 = arith.constant 0 : i32
    %add3A_25 = arith.addi %mul3A_23, %add3A_24 : i32
    "tpu.region"() ({
      %run_scoped3A_103 = tpu.sem_alloc : memref<!tpu.dma_semaphore, #tpu.memory_space<semaphore_mem>>
      %dma_start3A_104 = arith.constant 0 : i32
      %dma_start3A_105 = tpu.memref_slice %arg26[%add3A_25, %dma_start3A_104] : memref<10240x128xf32, #tpu.memory_space<vmem_shared>> -> memref<128x128xf32, #tpu.memory_space<vmem_shared>>
      %dma_start3A_106 = arith.constant 0 : i32
      %dma_start3A_107 = tpu.memref_slice %arg26[%add3A_25, %dma_start3A_106] : memref<10240x128xf32, #tpu.memory_space<vmem_shared>> -> memref<128x128xf32, #tpu.memory_space<vmem_shared>>
      tpu.enqueue_dma source(%arg18 : memref<128x128xf32, #tpu.memory_space<vmem>>) target(%dma_start3A_107 : memref<128x128xf32, #tpu.memory_space<vmem_shared>>) target_semaphore(%run_scoped3A_103 : memref<!tpu.dma_semaphore, #tpu.memory_space<semaphore_mem>>)
      %dma_wait3A_108 = arith.constant 0 : i32
      %dma_wait3A_109 = tpu.memref_slice %arg26[%add3A_25, %dma_wait3A_108] : memref<10240x128xf32, #tpu.memory_space<vmem_shared>> -> memref<128x128xf32, #tpu.memory_space<vmem_shared>>
      %dma_wait3A_110 = arith.constant 0 : i32
      %dma_wait3A_111 = tpu.memref_slice %arg26[%add3A_25, %dma_wait3A_110] : memref<10240x128xf32, #tpu.memory_space<vmem_shared>> -> memref<128x128xf32, #tpu.memory_space<vmem_shared>>
      tpu.wait_dma2 semaphore(%run_scoped3A_103 : memref<!tpu.dma_semaphore, #tpu.memory_space<semaphore_mem>>) src(%arg18 : memref<128x128xf32, #tpu.memory_space<vmem>>) dst(%dma_wait3A_111 : memref<128x128xf32, #tpu.memory_space<vmem_shared>>)
      tpu.yield
    }) : () -> ()
    %mul3A_26 = arith.constant 640 : i32
    %mul3A_27 = arith.muli %arg1, %mul3A_26 : i32
    %add3A_28 = arith.constant 0 : i32
    %add3A_29 = arith.addi %mul3A_27, %add3A_28 : i32
    "tpu.region"() ({
      %run_scoped3A_103 = tpu.sem_alloc : memref<!tpu.dma_semaphore, #tpu.memory_space<semaphore_mem>>
      %dma_start3A_104 = tpu.memref_slice %arg27[%add3A_29] : memref<10240xf32, #tpu.memory_space<vmem_shared>> -> memref<128xf32, #tpu.memory_space<vmem_shared>>
      %dma_start3A_105 = tpu.memref_slice %arg27[%add3A_29] : memref<10240xf32, #tpu.memory_space<vmem_shared>> -> memref<128xf32, #tpu.memory_space<vmem_shared>>
      tpu.enqueue_dma source(%arg12 : memref<128xf32, #tpu.memory_space<vmem>>) target(%dma_start3A_105 : memref<128xf32, #tpu.memory_space<vmem_shared>>) target_semaphore(%run_scoped3A_103 : memref<!tpu.dma_semaphore, #tpu.memory_space<semaphore_mem>>)
      %dma_wait3A_106 = tpu.memref_slice %arg27[%add3A_29] : memref<10240xf32, #tpu.memory_space<vmem_shared>> -> memref<128xf32, #tpu.memory_space<vmem_shared>>
      %dma_wait3A_107 = tpu.memref_slice %arg27[%add3A_29] : memref<10240xf32, #tpu.memory_space<vmem_shared>> -> memref<128xf32, #tpu.memory_space<vmem_shared>>
      tpu.wait_dma2 semaphore(%run_scoped3A_103 : memref<!tpu.dma_semaphore, #tpu.memory_space<semaphore_mem>>) src(%arg12 : memref<128xf32, #tpu.memory_space<vmem>>) dst(%dma_wait3A_107 : memref<128xf32, #tpu.memory_space<vmem_shared>>)
      tpu.yield
    }) : () -> ()
    %mul3A_30 = arith.constant 640 : i32
    %mul3A_31 = arith.muli %arg1, %mul3A_30 : i32
    %add3A_32 = arith.constant 128 : i32
    %add3A_33 = arith.addi %mul3A_31, %add3A_32 : i32
    "tpu.region"() ({
      %run_scoped3A_103 = tpu.sem_alloc : memref<!tpu.dma_semaphore, #tpu.memory_space<semaphore_mem>>
      %dma_start3A_104 = arith.constant 0 : i32
      %dma_start3A_105 = tpu.memref_slice %arg26[%add3A_33, %dma_start3A_104] : memref<10240x128xf32, #tpu.memory_space<vmem_shared>> -> memref<128x128xf32, #tpu.memory_space<vmem_shared>>
      %dma_start3A_106 = arith.constant 0 : i32
      %dma_start3A_107 = tpu.memref_slice %arg26[%add3A_33, %dma_start3A_106] : memref<10240x128xf32, #tpu.memory_space<vmem_shared>> -> memref<128x128xf32, #tpu.memory_space<vmem_shared>>
      tpu.enqueue_dma source(%arg18 : memref<128x128xf32, #tpu.memory_space<vmem>>) target(%dma_start3A_107 : memref<128x128xf32, #tpu.memory_space<vmem_shared>>) target_semaphore(%run_scoped3A_103 : memref<!tpu.dma_semaphore, #tpu.memory_space<semaphore_mem>>)
      %dma_wait3A_108 = arith.constant 0 : i32
      %dma_wait3A_109 = tpu.memref_slice %arg26[%add3A_33, %dma_wait3A_108] : memref<10240x128xf32, #tpu.memory_space<vmem_shared>> -> memref<128x128xf32, #tpu.memory_space<vmem_shared>>
      %dma_wait3A_110 = arith.constant 0 : i32
      %dma_wait3A_111 = tpu.memref_slice %arg26[%add3A_33, %dma_wait3A_110] : memref<10240x128xf32, #tpu.memory_space<vmem_shared>> -> memref<128x128xf32, #tpu.memory_space<vmem_shared>>
      tpu.wait_dma2 semaphore(%run_scoped3A_103 : memref<!tpu.dma_semaphore, #tpu.memory_space<semaphore_mem>>) src(%arg18 : memref<128x128xf32, #tpu.memory_space<vmem>>) dst(%dma_wait3A_111 : memref<128x128xf32, #tpu.memory_space<vmem_shared>>)
      tpu.yield
    }) : () -> ()
    %mul3A_34 = arith.constant 640 : i32
    %mul3A_35 = arith.muli %arg1, %mul3A_34 : i32
    %add3A_36 = arith.constant 128 : i32
    %add3A_37 = arith.addi %mul3A_35, %add3A_36 : i32
    "tpu.region"() ({
      %run_scoped3A_103 = tpu.sem_alloc : memref<!tpu.dma_semaphore, #tpu.memory_space<semaphore_mem>>
      %dma_start3A_104 = tpu.memref_slice %arg27[%add3A_37] : memref<10240xf32, #tpu.memory_space<vmem_shared>> -> memref<128xf32, #tpu.memory_space<vmem_shared>>
      %dma_start3A_105 = tpu.memref_slice %arg27[%add3A_37] : memref<10240xf32, #tpu.memory_space<vmem_shared>> -> memref<128xf32, #tpu.memory_space<vmem_shared>>
      tpu.enqueue_dma source(%arg12 : memref<128xf32, #tpu.memory_space<vmem>>) target(%dma_start3A_105 : memref<128xf32, #tpu.memory_space<vmem_shared>>) target_semaphore(%run_scoped3A_103 : memref<!tpu.dma_semaphore, #tpu.memory_space<semaphore_mem>>)
      %dma_wait3A_106 = tpu.memref_slice %arg27[%add3A_37] : memref<10240xf32, #tpu.memory_space<vmem_shared>> -> memref<128xf32, #tpu.memory_space<vmem_shared>>
      %dma_wait3A_107 = tpu.memref_slice %arg27[%add3A_37] : memref<10240xf32, #tpu.memory_space<vmem_shared>> -> memref<128xf32, #tpu.memory_space<vmem_shared>>
      tpu.wait_dma2 semaphore(%run_scoped3A_103 : memref<!tpu.dma_semaphore, #tpu.memory_space<semaphore_mem>>) src(%arg12 : memref<128xf32, #tpu.memory_space<vmem>>) dst(%dma_wait3A_107 : memref<128xf32, #tpu.memory_space<vmem_shared>>)
      tpu.yield
    }) : () -> ()
    %mul3A_38 = arith.constant 640 : i32
    %mul3A_39 = arith.muli %arg1, %mul3A_38 : i32
    %add3A_40 = arith.constant 256 : i32
    %add3A_41 = arith.addi %mul3A_39, %add3A_40 : i32
    "tpu.region"() ({
      %run_scoped3A_103 = tpu.sem_alloc : memref<!tpu.dma_semaphore, #tpu.memory_space<semaphore_mem>>
      %dma_start3A_104 = arith.constant 0 : i32
      %dma_start3A_105 = tpu.memref_slice %arg26[%add3A_41, %dma_start3A_104] : memref<10240x128xf32, #tpu.memory_space<vmem_shared>> -> memref<128x128xf32, #tpu.memory_space<vmem_shared>>
      %dma_start3A_106 = arith.constant 0 : i32
      %dma_start3A_107 = tpu.memref_slice %arg26[%add3A_41, %dma_start3A_106] : memref<10240x128xf32, #tpu.memory_space<vmem_shared>> -> memref<128x128xf32, #tpu.memory_space<vmem_shared>>
      tpu.enqueue_dma source(%arg18 : memref<128x128xf32, #tpu.memory_space<vmem>>) target(%dma_start3A_107 : memref<128x128xf32, #tpu.memory_space<vmem_shared>>) target_semaphore(%run_scoped3A_103 : memref<!tpu.dma_semaphore, #tpu.memory_space<semaphore_mem>>)
      %dma_wait3A_108 = arith.constant 0 : i32
      %dma_wait3A_109 = tpu.memref_slice %arg26[%add3A_41, %dma_wait3A_108] : memref<10240x128xf32, #tpu.memory_space<vmem_shared>> -> memref<128x128xf32, #tpu.memory_space<vmem_shared>>
      %dma_wait3A_110 = arith.constant 0 : i32
      %dma_wait3A_111 = tpu.memref_slice %arg26[%add3A_41, %dma_wait3A_110] : memref<10240x128xf32, #tpu.memory_space<vmem_shared>> -> memref<128x128xf32, #tpu.memory_space<vmem_shared>>
      tpu.wait_dma2 semaphore(%run_scoped3A_103 : memref<!tpu.dma_semaphore, #tpu.memory_space<semaphore_mem>>) src(%arg18 : memref<128x128xf32, #tpu.memory_space<vmem>>) dst(%dma_wait3A_111 : memref<128x128xf32, #tpu.memory_space<vmem_shared>>)
      tpu.yield
    }) : () -> ()
    %mul3A_42 = arith.constant 640 : i32
    %mul3A_43 = arith.muli %arg1, %mul3A_42 : i32
    %add3A_44 = arith.constant 256 : i32
    %add3A_45 = arith.addi %mul3A_43, %add3A_44 : i32
    "tpu.region"() ({
      %run_scoped3A_103 = tpu.sem_alloc : memref<!tpu.dma_semaphore, #tpu.memory_space<semaphore_mem>>
      %dma_start3A_104 = tpu.memref_slice %arg27[%add3A_45] : memref<10240xf32, #tpu.memory_space<vmem_shared>> -> memref<128xf32, #tpu.memory_space<vmem_shared>>
      %dma_start3A_105 = tpu.memref_slice %arg27[%add3A_45] : memref<10240xf32, #tpu.memory_space<vmem_shared>> -> memref<128xf32, #tpu.memory_space<vmem_shared>>
      tpu.enqueue_dma source(%arg12 : memref<128xf32, #tpu.memory_space<vmem>>) target(%dma_start3A_105 : memref<128xf32, #tpu.memory_space<vmem_shared>>) target_semaphore(%run_scoped3A_103 : memref<!tpu.dma_semaphore, #tpu.memory_space<semaphore_mem>>)
      %dma_wait3A_106 = tpu.memref_slice %arg27[%add3A_45] : memref<10240xf32, #tpu.memory_space<vmem_shared>> -> memref<128xf32, #tpu.memory_space<vmem_shared>>
      %dma_wait3A_107 = tpu.memref_slice %arg27[%add3A_45] : memref<10240xf32, #tpu.memory_space<vmem_shared>> -> memref<128xf32, #tpu.memory_space<vmem_shared>>
      tpu.wait_dma2 semaphore(%run_scoped3A_103 : memref<!tpu.dma_semaphore, #tpu.memory_space<semaphore_mem>>) src(%arg12 : memref<128xf32, #tpu.memory_space<vmem>>) dst(%dma_wait3A_107 : memref<128xf32, #tpu.memory_space<vmem_shared>>)
      tpu.yield
    }) : () -> ()
    %mul3A_46 = arith.constant 640 : i32
    %mul3A_47 = arith.muli %arg1, %mul3A_46 : i32
    %add3A_48 = arith.constant 384 : i32
    %add3A_49 = arith.addi %mul3A_47, %add3A_48 : i32
    "tpu.region"() ({
      %run_scoped3A_103 = tpu.sem_alloc : memref<!tpu.dma_semaphore, #tpu.memory_space<semaphore_mem>>
      %dma_start3A_104 = arith.constant 0 : i32
      %dma_start3A_105 = tpu.memref_slice %arg26[%add3A_49, %dma_start3A_104] : memref<10240x128xf32, #tpu.memory_space<vmem_shared>> -> memref<128x128xf32, #tpu.memory_space<vmem_shared>>
      %dma_start3A_106 = arith.constant 0 : i32
      %dma_start3A_107 = tpu.memref_slice %arg26[%add3A_49, %dma_start3A_106] : memref<10240x128xf32, #tpu.memory_space<vmem_shared>> -> memref<128x128xf32, #tpu.memory_space<vmem_shared>>
      tpu.enqueue_dma source(%arg18 : memref<128x128xf32, #tpu.memory_space<vmem>>) target(%dma_start3A_107 : memref<128x128xf32, #tpu.memory_space<vmem_shared>>) target_semaphore(%run_scoped3A_103 : memref<!tpu.dma_semaphore, #tpu.memory_space<semaphore_mem>>)
      %dma_wait3A_108 = arith.constant 0 : i32
      %dma_wait3A_109 = tpu.memref_slice %arg26[%add3A_49, %dma_wait3A_108] : memref<10240x128xf32, #tpu.memory_space<vmem_shared>> -> memref<128x128xf32, #tpu.memory_space<vmem_shared>>
      %dma_wait3A_110 = arith.constant 0 : i32
      %dma_wait3A_111 = tpu.memref_slice %arg26[%add3A_49, %dma_wait3A_110] : memref<10240x128xf32, #tpu.memory_space<vmem_shared>> -> memref<128x128xf32, #tpu.memory_space<vmem_shared>>
      tpu.wait_dma2 semaphore(%run_scoped3A_103 : memref<!tpu.dma_semaphore, #tpu.memory_space<semaphore_mem>>) src(%arg18 : memref<128x128xf32, #tpu.memory_space<vmem>>) dst(%dma_wait3A_111 : memref<128x128xf32, #tpu.memory_space<vmem_shared>>)
      tpu.yield
    }) : () -> ()
    %mul3A_50 = arith.constant 640 : i32
    %mul3A_51 = arith.muli %arg1, %mul3A_50 : i32
    %add3A_52 = arith.constant 384 : i32
    %add3A_53 = arith.addi %mul3A_51, %add3A_52 : i32
    "tpu.region"() ({
      %run_scoped3A_103 = tpu.sem_alloc : memref<!tpu.dma_semaphore, #tpu.memory_space<semaphore_mem>>
      %dma_start3A_104 = tpu.memref_slice %arg27[%add3A_53] : memref<10240xf32, #tpu.memory_space<vmem_shared>> -> memref<128xf32, #tpu.memory_space<vmem_shared>>
      %dma_start3A_105 = tpu.memref_slice %arg27[%add3A_53] : memref<10240xf32, #tpu.memory_space<vmem_shared>> -> memref<128xf32, #tpu.memory_space<vmem_shared>>
      tpu.enqueue_dma source(%arg12 : memref<128xf32, #tpu.memory_space<vmem>>) target(%dma_start3A_105 : memref<128xf32, #tpu.memory_space<vmem_shared>>) target_semaphore(%run_scoped3A_103 : memref<!tpu.dma_semaphore, #tpu.memory_space<semaphore_mem>>)
      %dma_wait3A_106 = tpu.memref_slice %arg27[%add3A_53] : memref<10240xf32, #tpu.memory_space<vmem_shared>> -> memref<128xf32, #tpu.memory_space<vmem_shared>>
      %dma_wait3A_107 = tpu.memref_slice %arg27[%add3A_53] : memref<10240xf32, #tpu.memory_space<vmem_shared>> -> memref<128xf32, #tpu.memory_space<vmem_shared>>
      tpu.wait_dma2 semaphore(%run_scoped3A_103 : memref<!tpu.dma_semaphore, #tpu.memory_space<semaphore_mem>>) src(%arg12 : memref<128xf32, #tpu.memory_space<vmem>>) dst(%dma_wait3A_107 : memref<128xf32, #tpu.memory_space<vmem_shared>>)
      tpu.yield
    }) : () -> ()
    %mul3A_54 = arith.constant 640 : i32
    %mul3A_55 = arith.muli %arg1, %mul3A_54 : i32
    %add3A_56 = arith.constant 512 : i32
    %add3A_57 = arith.addi %mul3A_55, %add3A_56 : i32
    "tpu.region"() ({
      %run_scoped3A_103 = tpu.sem_alloc : memref<!tpu.dma_semaphore, #tpu.memory_space<semaphore_mem>>
      %dma_start3A_104 = arith.constant 0 : i32
      %dma_start3A_105 = tpu.memref_slice %arg26[%add3A_57, %dma_start3A_104] : memref<10240x128xf32, #tpu.memory_space<vmem_shared>> -> memref<128x128xf32, #tpu.memory_space<vmem_shared>>
      %dma_start3A_106 = arith.constant 0 : i32
      %dma_start3A_107 = tpu.memref_slice %arg26[%add3A_57, %dma_start3A_106] : memref<10240x128xf32, #tpu.memory_space<vmem_shared>> -> memref<128x128xf32, #tpu.memory_space<vmem_shared>>
      tpu.enqueue_dma source(%arg18 : memref<128x128xf32, #tpu.memory_space<vmem>>) target(%dma_start3A_107 : memref<128x128xf32, #tpu.memory_space<vmem_shared>>) target_semaphore(%run_scoped3A_103 : memref<!tpu.dma_semaphore, #tpu.memory_space<semaphore_mem>>)
      %dma_wait3A_108 = arith.constant 0 : i32
      %dma_wait3A_109 = tpu.memref_slice %arg26[%add3A_57, %dma_wait3A_108] : memref<10240x128xf32, #tpu.memory_space<vmem_shared>> -> memref<128x128xf32, #tpu.memory_space<vmem_shared>>
      %dma_wait3A_110 = arith.constant 0 : i32
      %dma_wait3A_111 = tpu.memref_slice %arg26[%add3A_57, %dma_wait3A_110] : memref<10240x128xf32, #tpu.memory_space<vmem_shared>> -> memref<128x128xf32, #tpu.memory_space<vmem_shared>>
      tpu.wait_dma2 semaphore(%run_scoped3A_103 : memref<!tpu.dma_semaphore, #tpu.memory_space<semaphore_mem>>) src(%arg18 : memref<128x128xf32, #tpu.memory_space<vmem>>) dst(%dma_wait3A_111 : memref<128x128xf32, #tpu.memory_space<vmem_shared>>)
      tpu.yield
    }) : () -> ()
    %mul3A_58 = arith.constant 640 : i32
    %mul3A_59 = arith.muli %arg1, %mul3A_58 : i32
    %add3A_60 = arith.constant 512 : i32
    %add3A_61 = arith.addi %mul3A_59, %add3A_60 : i32
    "tpu.region"() ({
      %run_scoped3A_103 = tpu.sem_alloc : memref<!tpu.dma_semaphore, #tpu.memory_space<semaphore_mem>>
      %dma_start3A_104 = tpu.memref_slice %arg27[%add3A_61] : memref<10240xf32, #tpu.memory_space<vmem_shared>> -> memref<128xf32, #tpu.memory_space<vmem_shared>>
      %dma_start3A_105 = tpu.memref_slice %arg27[%add3A_61] : memref<10240xf32, #tpu.memory_space<vmem_shared>> -> memref<128xf32, #tpu.memory_space<vmem_shared>>
      tpu.enqueue_dma source(%arg12 : memref<128xf32, #tpu.memory_space<vmem>>) target(%dma_start3A_105 : memref<128xf32, #tpu.memory_space<vmem_shared>>) target_semaphore(%run_scoped3A_103 : memref<!tpu.dma_semaphore, #tpu.memory_space<semaphore_mem>>)
      %dma_wait3A_106 = tpu.memref_slice %arg27[%add3A_61] : memref<10240xf32, #tpu.memory_space<vmem_shared>> -> memref<128xf32, #tpu.memory_space<vmem_shared>>
      %dma_wait3A_107 = tpu.memref_slice %arg27[%add3A_61] : memref<10240xf32, #tpu.memory_space<vmem_shared>> -> memref<128xf32, #tpu.memory_space<vmem_shared>>
      tpu.wait_dma2 semaphore(%run_scoped3A_103 : memref<!tpu.dma_semaphore, #tpu.memory_space<semaphore_mem>>) src(%arg12 : memref<128xf32, #tpu.memory_space<vmem>>) dst(%dma_wait3A_107 : memref<128xf32, #tpu.memory_space<vmem_shared>>)
      tpu.yield
    }) : () -> ()
    "tpu.region"() ({
      %run_scoped3A_103 = tpu.sem_alloc : memref<!tpu.dma_semaphore, #tpu.memory_space<semaphore_mem>>
      tpu.enqueue_dma source(%arg6 : memref<16xf32, #tpu.memory_space<hbm>>) target(%arg9 : memref<16xf32, #tpu.memory_space<vmem>>) target_semaphore(%run_scoped3A_103 : memref<!tpu.dma_semaphore, #tpu.memory_space<semaphore_mem>>)
      tpu.wait_dma2 semaphore(%run_scoped3A_103 : memref<!tpu.dma_semaphore, #tpu.memory_space<semaphore_mem>>) src(%arg6 : memref<16xf32, #tpu.memory_space<hbm>>) dst(%arg9 : memref<16xf32, #tpu.memory_space<vmem>>)
      tpu.yield
    }) : () -> ()
    %eq3A = arith.constant 0 : i32
    %eq3A_62 = arith.cmpi eq, %arg1, %eq3A : i32
    %convert_element_type3A = arith.extui %eq3A_62 : i1 to i32
    %cond3A = arith.constant 0 : i32
    %cond3A_63 = arith.cmpi ne, %convert_element_type3A, %cond3A : i32
    scf.if %cond3A_63 {
      "tpu.region"() ({
        %run_scoped3A_103 = tpu.sem_alloc : memref<!tpu.dma_semaphore, #tpu.memory_space<semaphore_mem>>
        tpu.enqueue_dma source(%arg3 : memref<10240xf32, #tpu.memory_space<hbm>>) target(%arg28 : memref<10240xf32, #tpu.memory_space<vmem_shared>>) target_semaphore(%run_scoped3A_103 : memref<!tpu.dma_semaphore, #tpu.memory_space<semaphore_mem>>)
        tpu.wait_dma2 semaphore(%run_scoped3A_103 : memref<!tpu.dma_semaphore, #tpu.memory_space<semaphore_mem>>) src(%arg3 : memref<10240xf32, #tpu.memory_space<hbm>>) dst(%arg28 : memref<10240xf32, #tpu.memory_space<vmem_shared>>)
        tpu.yield
      }) : () -> ()
      "tpu.region"() ({
        %run_scoped3A_103 = tpu.sem_alloc : memref<!tpu.dma_semaphore, #tpu.memory_space<semaphore_mem>>
        tpu.enqueue_dma source(%arg4 : memref<10240xf32, #tpu.memory_space<hbm>>) target(%arg29 : memref<10240xf32, #tpu.memory_space<vmem_shared>>) target_semaphore(%run_scoped3A_103 : memref<!tpu.dma_semaphore, #tpu.memory_space<semaphore_mem>>)
        tpu.wait_dma2 semaphore(%run_scoped3A_103 : memref<!tpu.dma_semaphore, #tpu.memory_space<semaphore_mem>>) src(%arg4 : memref<10240xf32, #tpu.memory_space<hbm>>) dst(%arg29 : memref<10240xf32, #tpu.memory_space<vmem_shared>>)
        tpu.yield
      }) : () -> ()
    } else {
    }
    %barrier3A = arith.constant 0 : index
    tpu.barrier barrier_id(%barrier3A)
    %run_scoped3A = arith.constant 0 : i32
    "tpu.region"() ({
      %run_scoped3A_103 = tpu.sem_alloc : memref<!tpu.dma_semaphore, #tpu.memory_space<semaphore_mem>>
      %dma_start3A_104 = arith.constant 0 : i32
      %dma_start3A_105 = arith.constant 0 : i32
      %dma_start3A_106 = tpu.memref_slice %arg2[%add3A, %run_scoped3A, %dma_start3A_104, %dma_start3A_105] : memref<32x80x3x128xi32, #tpu.memory_space<hbm>> -> memref<1x1x3x128xi32, #tpu.memory_space<hbm>>
      %dma_start3A_107 = tpu.memref_squeeze %dma_start3A_106 : memref<1x1x3x128xi32, #tpu.memory_space<hbm>> -> memref<3x128xi32, #tpu.memory_space<hbm>>
      %dma_start3A_108 = arith.constant 0 : i32
      %dma_start3A_109 = arith.constant 0 : i32
      %dma_start3A_110 = tpu.memref_slice %arg2[%add3A, %run_scoped3A, %dma_start3A_108, %dma_start3A_109] : memref<32x80x3x128xi32, #tpu.memory_space<hbm>> -> memref<1x1x3x128xi32, #tpu.memory_space<hbm>>
      %dma_start3A_111 = tpu.memref_squeeze %dma_start3A_110 : memref<1x1x3x128xi32, #tpu.memory_space<hbm>> -> memref<3x128xi32, #tpu.memory_space<hbm>>
      tpu.enqueue_dma source(%dma_start3A_111 : memref<3x128xi32, #tpu.memory_space<hbm>>) target(%arg10 : memref<3x128xi32, #tpu.memory_space<vmem>>) target_semaphore(%run_scoped3A_103 : memref<!tpu.dma_semaphore, #tpu.memory_space<semaphore_mem>>)
      %dma_wait3A_112 = arith.constant 0 : i32
      %dma_wait3A_113 = arith.constant 0 : i32
      %dma_wait3A_114 = tpu.memref_slice %arg2[%add3A, %run_scoped3A, %dma_wait3A_112, %dma_wait3A_113] : memref<32x80x3x128xi32, #tpu.memory_space<hbm>> -> memref<1x1x3x128xi32, #tpu.memory_space<hbm>>
      %dma_wait3A_115 = tpu.memref_squeeze %dma_wait3A_114 : memref<1x1x3x128xi32, #tpu.memory_space<hbm>> -> memref<3x128xi32, #tpu.memory_space<hbm>>
      %dma_wait3A_116 = arith.constant 0 : i32
      %dma_wait3A_117 = arith.constant 0 : i32
      %dma_wait3A_118 = tpu.memref_slice %arg2[%add3A, %run_scoped3A, %dma_wait3A_116, %dma_wait3A_117] : memref<32x80x3x128xi32, #tpu.memory_space<hbm>> -> memref<1x1x3x128xi32, #tpu.memory_space<hbm>>
      %dma_wait3A_119 = tpu.memref_squeeze %dma_wait3A_118 : memref<1x1x3x128xi32, #tpu.memory_space<hbm>> -> memref<3x128xi32, #tpu.memory_space<hbm>>
      tpu.wait_dma2 semaphore(%run_scoped3A_103 : memref<!tpu.dma_semaphore, #tpu.memory_space<semaphore_mem>>) src(%dma_wait3A_119 : memref<3x128xi32, #tpu.memory_space<hbm>>) dst(%arg10 : memref<3x128xi32, #tpu.memory_space<vmem>>)
      tpu.yield
    }) : () -> ()
    %dma_start3A = arith.constant 0 : i32
    %dma_start3A_64 = arith.constant 0 : i32
    %dma_start3A_65 = tpu.memref_slice %arg10[%dma_start3A, %dma_start3A_64] : memref<3x128xi32, #tpu.memory_space<vmem>> -> memref<1x128xi32, #tpu.memory_space<vmem>>
    %dma_start3A_66 = tpu.memref_squeeze %dma_start3A_65 : memref<1x128xi32, #tpu.memory_space<vmem>> -> memref<128xi32, #tpu.memory_space<vmem>>
    %dma_start3A_67 = arith.constant 0 : i32
    %dma_start3A_68 = tpu.memref_slice %arg28[%dma_start3A_67] : memref<10240xf32, #tpu.memory_space<vmem_shared>> -> memref<10240xf32, #tpu.memory_space<vmem_shared>>
    tpu.enqueue_indirect_dma source(%dma_start3A_68 : memref<10240xf32, #tpu.memory_space<vmem_shared>>) target(%arg14 : memref<128xf32, #tpu.memory_space<vmem>>) offsets(%dma_start3A_66 : memref<128xi32, #tpu.memory_space<vmem>>) semaphore(%arg24 : memref<!tpu.dma_semaphore, #tpu.memory_space<semaphore_mem>>)
    %dma_start3A_69 = arith.constant 1 : i32
    %dma_start3A_70 = arith.constant 0 : i32
    %dma_start3A_71 = tpu.memref_slice %arg10[%dma_start3A_69, %dma_start3A_70] : memref<3x128xi32, #tpu.memory_space<vmem>> -> memref<1x128xi32, #tpu.memory_space<vmem>>
    %dma_start3A_72 = tpu.memref_squeeze %dma_start3A_71 : memref<1x128xi32, #tpu.memory_space<vmem>> -> memref<128xi32, #tpu.memory_space<vmem>>
    %dma_start3A_73 = arith.constant 0 : i32
    %dma_start3A_74 = tpu.memref_slice %arg29[%dma_start3A_73] : memref<10240xf32, #tpu.memory_space<vmem_shared>> -> memref<10240xf32, #tpu.memory_space<vmem_shared>>
    tpu.enqueue_indirect_dma source(%dma_start3A_74 : memref<10240xf32, #tpu.memory_space<vmem_shared>>) target(%arg16 : memref<128xf32, #tpu.memory_space<vmem>>) offsets(%dma_start3A_72 : memref<128xi32, #tpu.memory_space<vmem>>) semaphore(%arg24 : memref<!tpu.dma_semaphore, #tpu.memory_space<semaphore_mem>>)
    %dma_start3A_75 = arith.constant 1 : i32
    %dma_start3A_76 = arith.constant 0 : i32
    %dma_start3A_77 = tpu.memref_slice %arg10[%dma_start3A_75, %dma_start3A_76] : memref<3x128xi32, #tpu.memory_space<vmem>> -> memref<1x128xi32, #tpu.memory_space<vmem>>
    %dma_start3A_78 = tpu.memref_squeeze %dma_start3A_77 : memref<1x128xi32, #tpu.memory_space<vmem>> -> memref<128xi32, #tpu.memory_space<vmem>>
    %dma_start3A_79 = arith.constant 0 : i32
    %dma_start3A_80 = arith.constant 0 : i32
    %dma_start3A_81 = tpu.memref_slice %arg5[%dma_start3A_79, %dma_start3A_80] : memref<10000x128xf32, #tpu.memory_space<hbm>> -> memref<10000x128xf32, #tpu.memory_space<hbm>>
    tpu.enqueue_indirect_dma source(%dma_start3A_81 : memref<10000x128xf32, #tpu.memory_space<hbm>>) target(%arg18 : memref<128x128xf32, #tpu.memory_space<vmem>>) offsets(%dma_start3A_78 : memref<128xi32, #tpu.memory_space<vmem>>) semaphore(%arg20 : memref<!tpu.dma_semaphore, #tpu.memory_space<semaphore_mem>>)
    %scan3A_82 = arith.constant 0 : i32
    %scan3A_83 = arith.constant 0 : i32
    %scan3A_84 = arith.constant 40 : i32
    %scan3A_85 = arith.addi %scan3A_83, %scan3A_84 : i32
    %scan3A_86 = arith.constant 1 : i32
    scf.for %scan3A_103 = %scan3A_83 to %scan3A_85 step %scan3A_86  : i32 {
      %mul3A_104 = arith.constant 2 : i32
      %mul3A_105 = arith.muli %mul3A_104, %scan3A_103 : i32
      %add3A_106 = arith.constant 1 : i32
      %add3A_107 = arith.addi %mul3A_105, %add3A_106 : i32
      %dma_wait3A_108 = arith.constant 0 : i32
      %dma_wait3A_109 = arith.constant 0 : i32
      %dma_wait3A_110 = tpu.memref_slice %arg10[%dma_wait3A_108, %dma_wait3A_109] : memref<3x128xi32, #tpu.memory_space<vmem>> -> memref<1x128xi32, #tpu.memory_space<vmem>>
      %dma_wait3A_111 = tpu.memref_squeeze %dma_wait3A_110 : memref<1x128xi32, #tpu.memory_space<vmem>> -> memref<128xi32, #tpu.memory_space<vmem>>
      %dma_wait3A_112 = arith.constant 0 : i32
      %dma_wait3A_113 = tpu.memref_slice %arg28[%dma_wait3A_112] : memref<10240xf32, #tpu.memory_space<vmem_shared>> -> memref<10240xf32, #tpu.memory_space<vmem_shared>>
      tpu.wait_indirect_dma semaphore(%arg24 : memref<!tpu.dma_semaphore, #tpu.memory_space<semaphore_mem>>) src(%dma_wait3A_113 : memref<10240xf32, #tpu.memory_space<vmem_shared>>) dst(%arg14 : memref<128xf32, #tpu.memory_space<vmem>>)
      %dma_wait3A_114 = arith.constant 1 : i32
      %dma_wait3A_115 = arith.constant 0 : i32
      %dma_wait3A_116 = tpu.memref_slice %arg10[%dma_wait3A_114, %dma_wait3A_115] : memref<3x128xi32, #tpu.memory_space<vmem>> -> memref<1x128xi32, #tpu.memory_space<vmem>>
      %dma_wait3A_117 = tpu.memref_squeeze %dma_wait3A_116 : memref<1x128xi32, #tpu.memory_space<vmem>> -> memref<128xi32, #tpu.memory_space<vmem>>
      %dma_wait3A_118 = arith.constant 0 : i32
      %dma_wait3A_119 = tpu.memref_slice %arg29[%dma_wait3A_118] : memref<10240xf32, #tpu.memory_space<vmem_shared>> -> memref<10240xf32, #tpu.memory_space<vmem_shared>>
      tpu.wait_indirect_dma semaphore(%arg24 : memref<!tpu.dma_semaphore, #tpu.memory_space<semaphore_mem>>) src(%dma_wait3A_119 : memref<10240xf32, #tpu.memory_space<vmem_shared>>) dst(%arg16 : memref<128xf32, #tpu.memory_space<vmem>>)
      %get3A = arith.constant 0 : index
      %get3A_120 = tpu.vector_load %arg9[%get3A] {strides = array<i32>} : memref<16xf32, #tpu.memory_space<vmem>>, vector<16xf32>,
      %get3A_121 = arith.constant 2 : i32
      %get3A_122 = arith.index_cast %get3A_121 : i32 to index
      %get3A_123 = arith.constant 0 : index
      %get3A_124 = tpu.vector_load %arg10[%get3A_122, %get3A_123] {strides = array<i32>} : memref<3x128xi32, #tpu.memory_space<vmem>>, vector<16xi32>,
      %bitcast3A = vector.bitcast %get3A_124 : vector<16xi32> to vector<16xf32>
      %get3A_125 = arith.constant 0 : index
      %get3A_126 = tpu.vector_load %arg14[%get3A_125] {strides = array<i32>} : memref<128xf32, #tpu.memory_space<vmem>>, vector<16xf32>,
      %get3A_127 = arith.constant 0 : index
      %get3A_128 = tpu.vector_load %arg16[%get3A_127] {strides = array<i32>} : memref<128xf32, #tpu.memory_space<vmem>>, vector<16xf32>,
      %mul3A_129 = arith.mulf %bitcast3A, %get3A_126 : vector<16xf32>
      %mul3A_130 = arith.mulf %bitcast3A, %get3A_128 : vector<16xf32>
      %add3A_131 = arith.addf %mul3A_129, %mul3A_130 : vector<16xf32>
      %max3A = arith.constant 0.000000e+00 : f32
      %max3A_132 = vector.broadcast %max3A : f32 to vector<16xf32>
      %max3A_133 = arith.maximumf %add3A_131, %max3A_132 : vector<16xf32>
      %min3A = arith.constant 0.000000e+00 : f32
      %min3A_134 = vector.broadcast %min3A : f32 to vector<16xf32>
      %min3A_135 = arith.minimumf %add3A_131, %min3A_134 : vector<16xf32>
      %mul3A_136 = arith.constant 2.000000e-01 : f32
      %mul3A_137 = vector.broadcast %mul3A_136 : f32 to vector<16xf32>
      %mul3A_138 = arith.mulf %mul3A_137, %min3A_135 : vector<16xf32>
      %add3A_139 = arith.addf %max3A_133, %mul3A_138 : vector<16xf32>
      %sub3A = arith.subf %add3A_139, %get3A_120 : vector<16xf32>
      %exp3A = math.exp %sub3A : vector<16xf32>
      %swap3A_140 = arith.constant 0 : index
      %swap3A_141 = tpu.vector_load %arg12[%swap3A_140] {strides = array<i32>} : memref<128xf32, #tpu.memory_space<vmem>>, vector<16xf32>,
      tpu.vector_store %arg12[%swap3A_140], %exp3A {strides = array<i32>} : memref<128xf32, #tpu.memory_space<vmem>>, vector<16xf32>,
      %get3A_142 = arith.constant 2 : i32
      %get3A_143 = arith.index_cast %get3A_142 : i32 to index
      %get3A_144 = arith.constant 16 : index
      %get3A_145 = tpu.vector_load %arg10[%get3A_143, %get3A_144] {strides = array<i32>} : memref<3x128xi32, #tpu.memory_space<vmem>>, vector<16xi32>,
      %bitcast3A_146 = vector.bitcast %get3A_145 : vector<16xi32> to vector<16xf32>
      %get3A_147 = arith.constant 16 : index
      %get3A_148 = tpu.vector_load %arg14[%get3A_147] {strides = array<i32>} : memref<128xf32, #tpu.memory_space<vmem>>, vector<16xf32>,
      %get3A_149 = arith.constant 16 : index
      %get3A_150 = tpu.vector_load %arg16[%get3A_149] {strides = array<i32>} : memref<128xf32, #tpu.memory_space<vmem>>, vector<16xf32>,
      %mul3A_151 = arith.mulf %bitcast3A_146, %get3A_148 : vector<16xf32>
      %mul3A_152 = arith.mulf %bitcast3A_146, %get3A_150 : vector<16xf32>
      %add3A_153 = arith.addf %mul3A_151, %mul3A_152 : vector<16xf32>
      %max3A_154 = arith.constant 0.000000e+00 : f32
      %max3A_155 = vector.broadcast %max3A_154 : f32 to vector<16xf32>
      %max3A_156 = arith.maximumf %add3A_153, %max3A_155 : vector<16xf32>
      %min3A_157 = arith.constant 0.000000e+00 : f32
      %min3A_158 = vector.broadcast %min3A_157 : f32 to vector<16xf32>
      %min3A_159 = arith.minimumf %add3A_153, %min3A_158 : vector<16xf32>
      %mul3A_160 = arith.constant 2.000000e-01 : f32
      %mul3A_161 = vector.broadcast %mul3A_160 : f32 to vector<16xf32>
      %mul3A_162 = arith.mulf %mul3A_161, %min3A_159 : vector<16xf32>
      %add3A_163 = arith.addf %max3A_156, %mul3A_162 : vector<16xf32>
      %sub3A_164 = arith.subf %add3A_163, %get3A_120 : vector<16xf32>
      %exp3A_165 = math.exp %sub3A_164 : vector<16xf32>
      %swap3A_166 = arith.constant 16 : index
      %swap3A_167 = tpu.vector_load %arg12[%swap3A_166] {strides = array<i32>} : memref<128xf32, #tpu.memory_space<vmem>>, vector<16xf32>,
      tpu.vector_store %arg12[%swap3A_166], %exp3A_165 {strides = array<i32>} : memref<128xf32, #tpu.memory_space<vmem>>, vector<16xf32>,
      %get3A_168 = arith.constant 2 : i32
      %get3A_169 = arith.index_cast %get3A_168 : i32 to index
      %get3A_170 = arith.constant 32 : index
      %get3A_171 = tpu.vector_load %arg10[%get3A_169, %get3A_170] {strides = array<i32>} : memref<3x128xi32, #tpu.memory_space<vmem>>, vector<16xi32>,
      %bitcast3A_172 = vector.bitcast %get3A_171 : vector<16xi32> to vector<16xf32>
      %get3A_173 = arith.constant 32 : index
      %get3A_174 = tpu.vector_load %arg14[%get3A_173] {strides = array<i32>} : memref<128xf32, #tpu.memory_space<vmem>>, vector<16xf32>,
      %get3A_175 = arith.constant 32 : index
      %get3A_176 = tpu.vector_load %arg16[%get3A_175] {strides = array<i32>} : memref<128xf32, #tpu.memory_space<vmem>>, vector<16xf32>,
      %mul3A_177 = arith.mulf %bitcast3A_172, %get3A_174 : vector<16xf32>
      %mul3A_178 = arith.mulf %bitcast3A_172, %get3A_176 : vector<16xf32>
      %add3A_179 = arith.addf %mul3A_177, %mul3A_178 : vector<16xf32>
      %max3A_180 = arith.constant 0.000000e+00 : f32
      %max3A_181 = vector.broadcast %max3A_180 : f32 to vector<16xf32>
      %max3A_182 = arith.maximumf %add3A_179, %max3A_181 : vector<16xf32>
      %min3A_183 = arith.constant 0.000000e+00 : f32
      %min3A_184 = vector.broadcast %min3A_183 : f32 to vector<16xf32>
      %min3A_185 = arith.minimumf %add3A_179, %min3A_184 : vector<16xf32>
      %mul3A_186 = arith.constant 2.000000e-01 : f32
      %mul3A_187 = vector.broadcast %mul3A_186 : f32 to vector<16xf32>
      %mul3A_188 = arith.mulf %mul3A_187, %min3A_185 : vector<16xf32>
      %add3A_189 = arith.addf %max3A_182, %mul3A_188 : vector<16xf32>
      %sub3A_190 = arith.subf %add3A_189, %get3A_120 : vector<16xf32>
      %exp3A_191 = math.exp %sub3A_190 : vector<16xf32>
      %swap3A_192 = arith.constant 32 : index
      %swap3A_193 = tpu.vector_load %arg12[%swap3A_192] {strides = array<i32>} : memref<128xf32, #tpu.memory_space<vmem>>, vector<16xf32>,
      tpu.vector_store %arg12[%swap3A_192], %exp3A_191 {strides = array<i32>} : memref<128xf32, #tpu.memory_space<vmem>>, vector<16xf32>,
      %get3A_194 = arith.constant 2 : i32
      %get3A_195 = arith.index_cast %get3A_194 : i32 to index
      %get3A_196 = arith.constant 48 : index
      %get3A_197 = tpu.vector_load %arg10[%get3A_195, %get3A_196] {strides = array<i32>} : memref<3x128xi32, #tpu.memory_space<vmem>>, vector<16xi32>,
      %bitcast3A_198 = vector.bitcast %get3A_197 : vector<16xi32> to vector<16xf32>
      %get3A_199 = arith.constant 48 : index
      %get3A_200 = tpu.vector_load %arg14[%get3A_199] {strides = array<i32>} : memref<128xf32, #tpu.memory_space<vmem>>, vector<16xf32>,
      %get3A_201 = arith.constant 48 : index
      %get3A_202 = tpu.vector_load %arg16[%get3A_201] {strides = array<i32>} : memref<128xf32, #tpu.memory_space<vmem>>, vector<16xf32>,
      %mul3A_203 = arith.mulf %bitcast3A_198, %get3A_200 : vector<16xf32>
      %mul3A_204 = arith.mulf %bitcast3A_198, %get3A_202 : vector<16xf32>
      %add3A_205 = arith.addf %mul3A_203, %mul3A_204 : vector<16xf32>
      %max3A_206 = arith.constant 0.000000e+00 : f32
      %max3A_207 = vector.broadcast %max3A_206 : f32 to vector<16xf32>
      %max3A_208 = arith.maximumf %add3A_205, %max3A_207 : vector<16xf32>
      %min3A_209 = arith.constant 0.000000e+00 : f32
      %min3A_210 = vector.broadcast %min3A_209 : f32 to vector<16xf32>
      %min3A_211 = arith.minimumf %add3A_205, %min3A_210 : vector<16xf32>
      %mul3A_212 = arith.constant 2.000000e-01 : f32
      %mul3A_213 = vector.broadcast %mul3A_212 : f32 to vector<16xf32>
      %mul3A_214 = arith.mulf %mul3A_213, %min3A_211 : vector<16xf32>
      %add3A_215 = arith.addf %max3A_208, %mul3A_214 : vector<16xf32>
      %sub3A_216 = arith.subf %add3A_215, %get3A_120 : vector<16xf32>
      %exp3A_217 = math.exp %sub3A_216 : vector<16xf32>
      %swap3A_218 = arith.constant 48 : index
      %swap3A_219 = tpu.vector_load %arg12[%swap3A_218] {strides = array<i32>} : memref<128xf32, #tpu.memory_space<vmem>>, vector<16xf32>,
      tpu.vector_store %arg12[%swap3A_218], %exp3A_217 {strides = array<i32>} : memref<128xf32, #tpu.memory_space<vmem>>, vector<16xf32>,
      %get3A_220 = arith.constant 2 : i32
      %get3A_221 = arith.index_cast %get3A_220 : i32 to index
      %get3A_222 = arith.constant 64 : index
      %get3A_223 = tpu.vector_load %arg10[%get3A_221, %get3A_222] {strides = array<i32>} : memref<3x128xi32, #tpu.memory_space<vmem>>, vector<16xi32>,
      %bitcast3A_224 = vector.bitcast %get3A_223 : vector<16xi32> to vector<16xf32>
      %get3A_225 = arith.constant 64 : index
      %get3A_226 = tpu.vector_load %arg14[%get3A_225] {strides = array<i32>} : memref<128xf32, #tpu.memory_space<vmem>>, vector<16xf32>,
      %get3A_227 = arith.constant 64 : index
      %get3A_228 = tpu.vector_load %arg16[%get3A_227] {strides = array<i32>} : memref<128xf32, #tpu.memory_space<vmem>>, vector<16xf32>,
      %mul3A_229 = arith.mulf %bitcast3A_224, %get3A_226 : vector<16xf32>
      %mul3A_230 = arith.mulf %bitcast3A_224, %get3A_228 : vector<16xf32>
      %add3A_231 = arith.addf %mul3A_229, %mul3A_230 : vector<16xf32>
      %max3A_232 = arith.constant 0.000000e+00 : f32
      %max3A_233 = vector.broadcast %max3A_232 : f32 to vector<16xf32>
      %max3A_234 = arith.maximumf %add3A_231, %max3A_233 : vector<16xf32>
      %min3A_235 = arith.constant 0.000000e+00 : f32
      %min3A_236 = vector.broadcast %min3A_235 : f32 to vector<16xf32>
      %min3A_237 = arith.minimumf %add3A_231, %min3A_236 : vector<16xf32>
      %mul3A_238 = arith.constant 2.000000e-01 : f32
      %mul3A_239 = vector.broadcast %mul3A_238 : f32 to vector<16xf32>
      %mul3A_240 = arith.mulf %mul3A_239, %min3A_237 : vector<16xf32>
      %add3A_241 = arith.addf %max3A_234, %mul3A_240 : vector<16xf32>
      %sub3A_242 = arith.subf %add3A_241, %get3A_120 : vector<16xf32>
      %exp3A_243 = math.exp %sub3A_242 : vector<16xf32>
      %swap3A_244 = arith.constant 64 : index
      %swap3A_245 = tpu.vector_load %arg12[%swap3A_244] {strides = array<i32>} : memref<128xf32, #tpu.memory_space<vmem>>, vector<16xf32>,
      tpu.vector_store %arg12[%swap3A_244], %exp3A_243 {strides = array<i32>} : memref<128xf32, #tpu.memory_space<vmem>>, vector<16xf32>,
      %get3A_246 = arith.constant 2 : i32
      %get3A_247 = arith.index_cast %get3A_246 : i32 to index
      %get3A_248 = arith.constant 80 : index
      %get3A_249 = tpu.vector_load %arg10[%get3A_247, %get3A_248] {strides = array<i32>} : memref<3x128xi32, #tpu.memory_space<vmem>>, vector<16xi32>,
      %bitcast3A_250 = vector.bitcast %get3A_249 : vector<16xi32> to vector<16xf32>
      %get3A_251 = arith.constant 80 : index
      %get3A_252 = tpu.vector_load %arg14[%get3A_251] {strides = array<i32>} : memref<128xf32, #tpu.memory_space<vmem>>, vector<16xf32>,
      %get3A_253 = arith.constant 80 : index
      %get3A_254 = tpu.vector_load %arg16[%get3A_253] {strides = array<i32>} : memref<128xf32, #tpu.memory_space<vmem>>, vector<16xf32>,
      %mul3A_255 = arith.mulf %bitcast3A_250, %get3A_252 : vector<16xf32>
      %mul3A_256 = arith.mulf %bitcast3A_250, %get3A_254 : vector<16xf32>
      %add3A_257 = arith.addf %mul3A_255, %mul3A_256 : vector<16xf32>
      %max3A_258 = arith.constant 0.000000e+00 : f32
      %max3A_259 = vector.broadcast %max3A_258 : f32 to vector<16xf32>
      %max3A_260 = arith.maximumf %add3A_257, %max3A_259 : vector<16xf32>
      %min3A_261 = arith.constant 0.000000e+00 : f32
      %min3A_262 = vector.broadcast %min3A_261 : f32 to vector<16xf32>
      %min3A_263 = arith.minimumf %add3A_257, %min3A_262 : vector<16xf32>
      %mul3A_264 = arith.constant 2.000000e-01 : f32
      %mul3A_265 = vector.broadcast %mul3A_264 : f32 to vector<16xf32>
      %mul3A_266 = arith.mulf %mul3A_265, %min3A_263 : vector<16xf32>
      %add3A_267 = arith.addf %max3A_260, %mul3A_266 : vector<16xf32>
      %sub3A_268 = arith.subf %add3A_267, %get3A_120 : vector<16xf32>
      %exp3A_269 = math.exp %sub3A_268 : vector<16xf32>
      %swap3A_270 = arith.constant 80 : index
      %swap3A_271 = tpu.vector_load %arg12[%swap3A_270] {strides = array<i32>} : memref<128xf32, #tpu.memory_space<vmem>>, vector<16xf32>,
      tpu.vector_store %arg12[%swap3A_270], %exp3A_269 {strides = array<i32>} : memref<128xf32, #tpu.memory_space<vmem>>, vector<16xf32>,
      %get3A_272 = arith.constant 2 : i32
      %get3A_273 = arith.index_cast %get3A_272 : i32 to index
      %get3A_274 = arith.constant 96 : index
      %get3A_275 = tpu.vector_load %arg10[%get3A_273, %get3A_274] {strides = array<i32>} : memref<3x128xi32, #tpu.memory_space<vmem>>, vector<16xi32>,
      %bitcast3A_276 = vector.bitcast %get3A_275 : vector<16xi32> to vector<16xf32>
      %get3A_277 = arith.constant 96 : index
      %get3A_278 = tpu.vector_load %arg14[%get3A_277] {strides = array<i32>} : memref<128xf32, #tpu.memory_space<vmem>>, vector<16xf32>,
      %get3A_279 = arith.constant 96 : index
      %get3A_280 = tpu.vector_load %arg16[%get3A_279] {strides = array<i32>} : memref<128xf32, #tpu.memory_space<vmem>>, vector<16xf32>,
      %mul3A_281 = arith.mulf %bitcast3A_276, %get3A_278 : vector<16xf32>
      %mul3A_282 = arith.mulf %bitcast3A_276, %get3A_280 : vector<16xf32>
      %add3A_283 = arith.addf %mul3A_281, %mul3A_282 : vector<16xf32>
      %max3A_284 = arith.constant 0.000000e+00 : f32
      %max3A_285 = vector.broadcast %max3A_284 : f32 to vector<16xf32>
      %max3A_286 = arith.maximumf %add3A_283, %max3A_285 : vector<16xf32>
      %min3A_287 = arith.constant 0.000000e+00 : f32
      %min3A_288 = vector.broadcast %min3A_287 : f32 to vector<16xf32>
      %min3A_289 = arith.minimumf %add3A_283, %min3A_288 : vector<16xf32>
      %mul3A_290 = arith.constant 2.000000e-01 : f32
      %mul3A_291 = vector.broadcast %mul3A_290 : f32 to vector<16xf32>
      %mul3A_292 = arith.mulf %mul3A_291, %min3A_289 : vector<16xf32>
      %add3A_293 = arith.addf %max3A_286, %mul3A_292 : vector<16xf32>
      %sub3A_294 = arith.subf %add3A_293, %get3A_120 : vector<16xf32>
      %exp3A_295 = math.exp %sub3A_294 : vector<16xf32>
      %swap3A_296 = arith.constant 96 : index
      %swap3A_297 = tpu.vector_load %arg12[%swap3A_296] {strides = array<i32>} : memref<128xf32, #tpu.memory_space<vmem>>, vector<16xf32>,
      tpu.vector_store %arg12[%swap3A_296], %exp3A_295 {strides = array<i32>} : memref<128xf32, #tpu.memory_space<vmem>>, vector<16xf32>,
      %get3A_298 = arith.constant 2 : i32
      %get3A_299 = arith.index_cast %get3A_298 : i32 to index
      %get3A_300 = arith.constant 112 : index
      %get3A_301 = tpu.vector_load %arg10[%get3A_299, %get3A_300] {strides = array<i32>} : memref<3x128xi32, #tpu.memory_space<vmem>>, vector<16xi32>,
      %bitcast3A_302 = vector.bitcast %get3A_301 : vector<16xi32> to vector<16xf32>
      %get3A_303 = arith.constant 112 : index
      %get3A_304 = tpu.vector_load %arg14[%get3A_303] {strides = array<i32>} : memref<128xf32, #tpu.memory_space<vmem>>, vector<16xf32>,
      %get3A_305 = arith.constant 112 : index
      %get3A_306 = tpu.vector_load %arg16[%get3A_305] {strides = array<i32>} : memref<128xf32, #tpu.memory_space<vmem>>, vector<16xf32>,
      %mul3A_307 = arith.mulf %bitcast3A_302, %get3A_304 : vector<16xf32>
      %mul3A_308 = arith.mulf %bitcast3A_302, %get3A_306 : vector<16xf32>
      %add3A_309 = arith.addf %mul3A_307, %mul3A_308 : vector<16xf32>
      %max3A_310 = arith.constant 0.000000e+00 : f32
      %max3A_311 = vector.broadcast %max3A_310 : f32 to vector<16xf32>
      %max3A_312 = arith.maximumf %add3A_309, %max3A_311 : vector<16xf32>
      %min3A_313 = arith.constant 0.000000e+00 : f32
      %min3A_314 = vector.broadcast %min3A_313 : f32 to vector<16xf32>
      %min3A_315 = arith.minimumf %add3A_309, %min3A_314 : vector<16xf32>
      %mul3A_316 = arith.constant 2.000000e-01 : f32
      %mul3A_317 = vector.broadcast %mul3A_316 : f32 to vector<16xf32>
      %mul3A_318 = arith.mulf %mul3A_317, %min3A_315 : vector<16xf32>
      %add3A_319 = arith.addf %max3A_312, %mul3A_318 : vector<16xf32>
      %sub3A_320 = arith.subf %add3A_319, %get3A_120 : vector<16xf32>
      %exp3A_321 = math.exp %sub3A_320 : vector<16xf32>
      %swap3A_322 = arith.constant 112 : index
      %swap3A_323 = tpu.vector_load %arg12[%swap3A_322] {strides = array<i32>} : memref<128xf32, #tpu.memory_space<vmem>>, vector<16xf32>,
      tpu.vector_store %arg12[%swap3A_322], %exp3A_321 {strides = array<i32>} : memref<128xf32, #tpu.memory_space<vmem>>, vector<16xf32>,
      %dma_wait3A_324 = arith.constant 1 : i32
      %dma_wait3A_325 = arith.constant 0 : i32
      %dma_wait3A_326 = tpu.memref_slice %arg10[%dma_wait3A_324, %dma_wait3A_325] : memref<3x128xi32, #tpu.memory_space<vmem>> -> memref<1x128xi32, #tpu.memory_space<vmem>>
      %dma_wait3A_327 = tpu.memref_squeeze %dma_wait3A_326 : memref<1x128xi32, #tpu.memory_space<vmem>> -> memref<128xi32, #tpu.memory_space<vmem>>
      %dma_wait3A_328 = arith.constant 0 : i32
      %dma_wait3A_329 = arith.constant 0 : i32
      %dma_wait3A_330 = tpu.memref_slice %arg5[%dma_wait3A_328, %dma_wait3A_329] : memref<10000x128xf32, #tpu.memory_space<hbm>> -> memref<10000x128xf32, #tpu.memory_space<hbm>>
      tpu.wait_indirect_dma semaphore(%arg20 : memref<!tpu.dma_semaphore, #tpu.memory_space<semaphore_mem>>) src(%dma_wait3A_330 : memref<10000x128xf32, #tpu.memory_space<hbm>>) dst(%arg18 : memref<128x128xf32, #tpu.memory_space<vmem>>)
      %gt3A = arith.constant 0 : i32
      %gt3A_331 = arith.cmpi sgt, %scan3A_103, %gt3A : i32
      %convert_element_type3A_332 = arith.extui %gt3A_331 : i1 to i32
      %cond3A_333 = arith.constant 0 : i32
      %cond3A_334 = arith.cmpi ne, %convert_element_type3A_332, %cond3A_333 : i32
      scf.if %cond3A_334 {
        %dma_wait3A_638 = arith.constant 0 : i32
        %dma_wait3A_639 = arith.constant 0 : i32
        %dma_wait3A_640 = tpu.memref_slice %arg11[%dma_wait3A_638, %dma_wait3A_639] : memref<3x128xi32, #tpu.memory_space<vmem>> -> memref<1x128xi32, #tpu.memory_space<vmem>>
        %dma_wait3A_641 = tpu.memref_squeeze %dma_wait3A_640 : memref<1x128xi32, #tpu.memory_space<vmem>> -> memref<128xi32, #tpu.memory_space<vmem>>
        %dma_wait3A_642 = arith.constant 0 : i32
        %dma_wait3A_643 = arith.constant 0 : i32
        %dma_wait3A_644 = tpu.memref_slice %arg26[%dma_wait3A_642, %dma_wait3A_643] : memref<10240x128xf32, #tpu.memory_space<vmem_shared>> -> memref<10240x128xf32, #tpu.memory_space<vmem_shared>>
        tpu.wait_indirect_dma semaphore(%arg23 : memref<!tpu.dma_semaphore, #tpu.memory_space<semaphore_mem>>) src(%arg19 : memref<128x128xf32, #tpu.memory_space<vmem>>) dst(%dma_wait3A_644 : memref<10240x128xf32, #tpu.memory_space<vmem_shared>>)
        %dma_wait3A_645 = arith.constant 0 : i32
        %dma_wait3A_646 = arith.constant 0 : i32
        %dma_wait3A_647 = tpu.memref_slice %arg11[%dma_wait3A_645, %dma_wait3A_646] : memref<3x128xi32, #tpu.memory_space<vmem>> -> memref<1x128xi32, #tpu.memory_space<vmem>>
        %dma_wait3A_648 = tpu.memref_squeeze %dma_wait3A_647 : memref<1x128xi32, #tpu.memory_space<vmem>> -> memref<128xi32, #tpu.memory_space<vmem>>
        %dma_wait3A_649 = arith.constant 0 : i32
        %dma_wait3A_650 = tpu.memref_slice %arg27[%dma_wait3A_649] : memref<10240xf32, #tpu.memory_space<vmem_shared>> -> memref<10240xf32, #tpu.memory_space<vmem_shared>>
        tpu.wait_indirect_dma semaphore(%arg23 : memref<!tpu.dma_semaphore, #tpu.memory_space<semaphore_mem>>) src(%arg13 : memref<128xf32, #tpu.memory_space<vmem>>) dst(%dma_wait3A_650 : memref<10240xf32, #tpu.memory_space<vmem_shared>>)
      } else {
      }
      "tpu.region"() ({
        %run_scoped3A_638 = tpu.sem_alloc : memref<!tpu.dma_semaphore, #tpu.memory_space<semaphore_mem>>
        %dma_start3A_639 = arith.constant 0 : i32
        %dma_start3A_640 = arith.constant 0 : i32
        %dma_start3A_641 = tpu.memref_slice %arg2[%add3A, %add3A_107, %dma_start3A_639, %dma_start3A_640] : memref<32x80x3x128xi32, #tpu.memory_space<hbm>> -> memref<1x1x3x128xi32, #tpu.memory_space<hbm>>
        %dma_start3A_642 = tpu.memref_squeeze %dma_start3A_641 : memref<1x1x3x128xi32, #tpu.memory_space<hbm>> -> memref<3x128xi32, #tpu.memory_space<hbm>>
        %dma_start3A_643 = arith.constant 0 : i32
        %dma_start3A_644 = arith.constant 0 : i32
        %dma_start3A_645 = tpu.memref_slice %arg2[%add3A, %add3A_107, %dma_start3A_643, %dma_start3A_644] : memref<32x80x3x128xi32, #tpu.memory_space<hbm>> -> memref<1x1x3x128xi32, #tpu.memory_space<hbm>>
        %dma_start3A_646 = tpu.memref_squeeze %dma_start3A_645 : memref<1x1x3x128xi32, #tpu.memory_space<hbm>> -> memref<3x128xi32, #tpu.memory_space<hbm>>
        tpu.enqueue_dma source(%dma_start3A_646 : memref<3x128xi32, #tpu.memory_space<hbm>>) target(%arg11 : memref<3x128xi32, #tpu.memory_space<vmem>>) target_semaphore(%run_scoped3A_638 : memref<!tpu.dma_semaphore, #tpu.memory_space<semaphore_mem>>)
        %dma_wait3A_647 = arith.constant 0 : i32
        %dma_wait3A_648 = arith.constant 0 : i32
        %dma_wait3A_649 = tpu.memref_slice %arg2[%add3A, %add3A_107, %dma_wait3A_647, %dma_wait3A_648] : memref<32x80x3x128xi32, #tpu.memory_space<hbm>> -> memref<1x1x3x128xi32, #tpu.memory_space<hbm>>
        %dma_wait3A_650 = tpu.memref_squeeze %dma_wait3A_649 : memref<1x1x3x128xi32, #tpu.memory_space<hbm>> -> memref<3x128xi32, #tpu.memory_space<hbm>>
        %dma_wait3A_651 = arith.constant 0 : i32
        %dma_wait3A_652 = arith.constant 0 : i32
        %dma_wait3A_653 = tpu.memref_slice %arg2[%add3A, %add3A_107, %dma_wait3A_651, %dma_wait3A_652] : memref<32x80x3x128xi32, #tpu.memory_space<hbm>> -> memref<1x1x3x128xi32, #tpu.memory_space<hbm>>
        %dma_wait3A_654 = tpu.memref_squeeze %dma_wait3A_653 : memref<1x1x3x128xi32, #tpu.memory_space<hbm>> -> memref<3x128xi32, #tpu.memory_space<hbm>>
        tpu.wait_dma2 semaphore(%run_scoped3A_638 : memref<!tpu.dma_semaphore, #tpu.memory_space<semaphore_mem>>) src(%dma_wait3A_654 : memref<3x128xi32, #tpu.memory_space<hbm>>) dst(%arg11 : memref<3x128xi32, #tpu.memory_space<vmem>>)
        tpu.yield
      }) : () -> ()
      %dma_start3A_335 = arith.constant 0 : i32
      %dma_start3A_336 = arith.constant 0 : i32
      %dma_start3A_337 = tpu.memref_slice %arg11[%dma_start3A_335, %dma_start3A_336] : memref<3x128xi32, #tpu.memory_space<vmem>> -> memref<1x128xi32, #tpu.memory_space<vmem>>
      %dma_start3A_338 = tpu.memref_squeeze %dma_start3A_337 : memref<1x128xi32, #tpu.memory_space<vmem>> -> memref<128xi32, #tpu.memory_space<vmem>>
      %dma_start3A_339 = arith.constant 0 : i32
      %dma_start3A_340 = tpu.memref_slice %arg28[%dma_start3A_339] : memref<10240xf32, #tpu.memory_space<vmem_shared>> -> memref<10240xf32, #tpu.memory_space<vmem_shared>>
      tpu.enqueue_indirect_dma source(%dma_start3A_340 : memref<10240xf32, #tpu.memory_space<vmem_shared>>) target(%arg15 : memref<128xf32, #tpu.memory_space<vmem>>) offsets(%dma_start3A_338 : memref<128xi32, #tpu.memory_space<vmem>>) semaphore(%arg25 : memref<!tpu.dma_semaphore, #tpu.memory_space<semaphore_mem>>)
      %dma_start3A_341 = arith.constant 1 : i32
      %dma_start3A_342 = arith.constant 0 : i32
      %dma_start3A_343 = tpu.memref_slice %arg11[%dma_start3A_341, %dma_start3A_342] : memref<3x128xi32, #tpu.memory_space<vmem>> -> memref<1x128xi32, #tpu.memory_space<vmem>>
      %dma_start3A_344 = tpu.memref_squeeze %dma_start3A_343 : memref<1x128xi32, #tpu.memory_space<vmem>> -> memref<128xi32, #tpu.memory_space<vmem>>
      %dma_start3A_345 = arith.constant 0 : i32
      %dma_start3A_346 = tpu.memref_slice %arg29[%dma_start3A_345] : memref<10240xf32, #tpu.memory_space<vmem_shared>> -> memref<10240xf32, #tpu.memory_space<vmem_shared>>
      tpu.enqueue_indirect_dma source(%dma_start3A_346 : memref<10240xf32, #tpu.memory_space<vmem_shared>>) target(%arg17 : memref<128xf32, #tpu.memory_space<vmem>>) offsets(%dma_start3A_344 : memref<128xi32, #tpu.memory_space<vmem>>) semaphore(%arg25 : memref<!tpu.dma_semaphore, #tpu.memory_space<semaphore_mem>>)
      %dma_start3A_347 = arith.constant 1 : i32
      %dma_start3A_348 = arith.constant 0 : i32
      %dma_start3A_349 = tpu.memref_slice %arg11[%dma_start3A_347, %dma_start3A_348] : memref<3x128xi32, #tpu.memory_space<vmem>> -> memref<1x128xi32, #tpu.memory_space<vmem>>
      %dma_start3A_350 = tpu.memref_squeeze %dma_start3A_349 : memref<1x128xi32, #tpu.memory_space<vmem>> -> memref<128xi32, #tpu.memory_space<vmem>>
      %dma_start3A_351 = arith.constant 0 : i32
      %dma_start3A_352 = arith.constant 0 : i32
      %dma_start3A_353 = tpu.memref_slice %arg5[%dma_start3A_351, %dma_start3A_352] : memref<10000x128xf32, #tpu.memory_space<hbm>> -> memref<10000x128xf32, #tpu.memory_space<hbm>>
      tpu.enqueue_indirect_dma source(%dma_start3A_353 : memref<10000x128xf32, #tpu.memory_space<hbm>>) target(%arg19 : memref<128x128xf32, #tpu.memory_space<vmem>>) offsets(%dma_start3A_350 : memref<128xi32, #tpu.memory_space<vmem>>) semaphore(%arg21 : memref<!tpu.dma_semaphore, #tpu.memory_space<semaphore_mem>>)
      %scan3A_354 = arith.constant 0 : i32
      %scan3A_355 = arith.constant 0 : i32
      %scan3A_356 = arith.constant 8 : i32
      %scan3A_357 = arith.addi %scan3A_355, %scan3A_356 : i32
      %scan3A_358 = arith.constant 1 : i32
      scf.for %scan3A_638 = %scan3A_355 to %scan3A_357 step %scan3A_358  : i32 {
        %mul3A_639 = arith.constant 16 : i32
        %mul3A_640 = arith.muli %scan3A_638, %mul3A_639 : i32
        %get3A_641 = arith.index_cast %mul3A_640 : i32 to index
        %get3A_642 = tpu.vector_load %arg12[%get3A_641] {strides = array<i32>} : memref<128xf32, #tpu.memory_space<vmem>>, vector<16xf32>,
        %slice3A = vector.extract_strided_slice %get3A_642 {offsets = [0], sizes = [1], strides = [1]} : vector<16xf32> to vector<1xf32>
        %squeeze3A = vector.extract %slice3A[0] : f32 from vector<1xf32>
        %mul3A_643 = arith.constant 16 : i32
        %mul3A_644 = arith.muli %scan3A_638, %mul3A_643 : i32
        %add3A_645 = arith.constant 0 : i32
        %add3A_646 = arith.addi %mul3A_644, %add3A_645 : i32
        %get3A_647 = arith.index_cast %add3A_646 : i32 to index
        %get3A_648 = arith.constant 0 : index
        %get3A_649 = tpu.vector_load %arg18[%get3A_647, %get3A_648] {strides = array<i32>} : memref<128x128xf32, #tpu.memory_space<vmem>>, vector<16xf32>,
        %mul3A_650 = vector.broadcast %squeeze3A : f32 to vector<16xf32>
        %mul3A_651 = arith.mulf %get3A_649, %mul3A_650 : vector<16xf32>
        %swap3A_652 = arith.index_cast %add3A_646 : i32 to index
        %swap3A_653 = arith.constant 0 : index
        %swap3A_654 = tpu.vector_load %arg18[%swap3A_652, %swap3A_653] {strides = array<i32>} : memref<128x128xf32, #tpu.memory_space<vmem>>, vector<16xf32>,
        tpu.vector_store %arg18[%swap3A_652, %swap3A_653], %mul3A_651 {strides = array<i32>} : memref<128x128xf32, #tpu.memory_space<vmem>>, vector<16xf32>,
        %get3A_655 = arith.index_cast %add3A_646 : i32 to index
        %get3A_656 = arith.constant 16 : index
        %get3A_657 = tpu.vector_load %arg18[%get3A_655, %get3A_656] {strides = array<i32>} : memref<128x128xf32, #tpu.memory_space<vmem>>, vector<16xf32>,
        %mul3A_658 = vector.broadcast %squeeze3A : f32 to vector<16xf32>
        %mul3A_659 = arith.mulf %get3A_657, %mul3A_658 : vector<16xf32>
        %swap3A_660 = arith.index_cast %add3A_646 : i32 to index
        %swap3A_661 = arith.constant 16 : index
        %swap3A_662 = tpu.vector_load %arg18[%swap3A_660, %swap3A_661] {strides = array<i32>} : memref<128x128xf32, #tpu.memory_space<vmem>>, vector<16xf32>,
        tpu.vector_store %arg18[%swap3A_660, %swap3A_661], %mul3A_659 {strides = array<i32>} : memref<128x128xf32, #tpu.memory_space<vmem>>, vector<16xf32>,
        %get3A_663 = arith.index_cast %add3A_646 : i32 to index
        %get3A_664 = arith.constant 32 : index
        %get3A_665 = tpu.vector_load %arg18[%get3A_663, %get3A_664] {strides = array<i32>} : memref<128x128xf32, #tpu.memory_space<vmem>>, vector<16xf32>,
        %mul3A_666 = vector.broadcast %squeeze3A : f32 to vector<16xf32>
        %mul3A_667 = arith.mulf %get3A_665, %mul3A_666 : vector<16xf32>
        %swap3A_668 = arith.index_cast %add3A_646 : i32 to index
        %swap3A_669 = arith.constant 32 : index
        %swap3A_670 = tpu.vector_load %arg18[%swap3A_668, %swap3A_669] {strides = array<i32>} : memref<128x128xf32, #tpu.memory_space<vmem>>, vector<16xf32>,
        tpu.vector_store %arg18[%swap3A_668, %swap3A_669], %mul3A_667 {strides = array<i32>} : memref<128x128xf32, #tpu.memory_space<vmem>>, vector<16xf32>,
        %get3A_671 = arith.index_cast %add3A_646 : i32 to index
        %get3A_672 = arith.constant 48 : index
        %get3A_673 = tpu.vector_load %arg18[%get3A_671, %get3A_672] {strides = array<i32>} : memref<128x128xf32, #tpu.memory_space<vmem>>, vector<16xf32>,
        %mul3A_674 = vector.broadcast %squeeze3A : f32 to vector<16xf32>
        %mul3A_675 = arith.mulf %get3A_673, %mul3A_674 : vector<16xf32>
        %swap3A_676 = arith.index_cast %add3A_646 : i32 to index
        %swap3A_677 = arith.constant 48 : index
        %swap3A_678 = tpu.vector_load %arg18[%swap3A_676, %swap3A_677] {strides = array<i32>} : memref<128x128xf32, #tpu.memory_space<vmem>>, vector<16xf32>,
        tpu.vector_store %arg18[%swap3A_676, %swap3A_677], %mul3A_675 {strides = array<i32>} : memref<128x128xf32, #tpu.memory_space<vmem>>, vector<16xf32>,
        %get3A_679 = arith.index_cast %add3A_646 : i32 to index
        %get3A_680 = arith.constant 64 : index
        %get3A_681 = tpu.vector_load %arg18[%get3A_679, %get3A_680] {strides = array<i32>} : memref<128x128xf32, #tpu.memory_space<vmem>>, vector<16xf32>,
        %mul3A_682 = vector.broadcast %squeeze3A : f32 to vector<16xf32>
        %mul3A_683 = arith.mulf %get3A_681, %mul3A_682 : vector<16xf32>
        %swap3A_684 = arith.index_cast %add3A_646 : i32 to index
        %swap3A_685 = arith.constant 64 : index
        %swap3A_686 = tpu.vector_load %arg18[%swap3A_684, %swap3A_685] {strides = array<i32>} : memref<128x128xf32, #tpu.memory_space<vmem>>, vector<16xf32>,
        tpu.vector_store %arg18[%swap3A_684, %swap3A_685], %mul3A_683 {strides = array<i32>} : memref<128x128xf32, #tpu.memory_space<vmem>>, vector<16xf32>,
        %get3A_687 = arith.index_cast %add3A_646 : i32 to index
        %get3A_688 = arith.constant 80 : index
        %get3A_689 = tpu.vector_load %arg18[%get3A_687, %get3A_688] {strides = array<i32>} : memref<128x128xf32, #tpu.memory_space<vmem>>, vector<16xf32>,
        %mul3A_690 = vector.broadcast %squeeze3A : f32 to vector<16xf32>
        %mul3A_691 = arith.mulf %get3A_689, %mul3A_690 : vector<16xf32>
        %swap3A_692 = arith.index_cast %add3A_646 : i32 to index
        %swap3A_693 = arith.constant 80 : index
        %swap3A_694 = tpu.vector_load %arg18[%swap3A_692, %swap3A_693] {strides = array<i32>} : memref<128x128xf32, #tpu.memory_space<vmem>>, vector<16xf32>,
        tpu.vector_store %arg18[%swap3A_692, %swap3A_693], %mul3A_691 {strides = array<i32>} : memref<128x128xf32, #tpu.memory_space<vmem>>, vector<16xf32>,
        %get3A_695 = arith.index_cast %add3A_646 : i32 to index
        %get3A_696 = arith.constant 96 : index
        %get3A_697 = tpu.vector_load %arg18[%get3A_695, %get3A_696] {strides = array<i32>} : memref<128x128xf32, #tpu.memory_space<vmem>>, vector<16xf32>,
        %mul3A_698 = vector.broadcast %squeeze3A : f32 to vector<16xf32>
        %mul3A_699 = arith.mulf %get3A_697, %mul3A_698 : vector<16xf32>
        %swap3A_700 = arith.index_cast %add3A_646 : i32 to index
        %swap3A_701 = arith.constant 96 : index
        %swap3A_702 = tpu.vector_load %arg18[%swap3A_700, %swap3A_701] {strides = array<i32>} : memref<128x128xf32, #tpu.memory_space<vmem>>, vector<16xf32>,
        tpu.vector_store %arg18[%swap3A_700, %swap3A_701], %mul3A_699 {strides = array<i32>} : memref<128x128xf32, #tpu.memory_space<vmem>>, vector<16xf32>,
        %get3A_703 = arith.index_cast %add3A_646 : i32 to index
        %get3A_704 = arith.constant 112 : index
        %get3A_705 = tpu.vector_load %arg18[%get3A_703, %get3A_704] {strides = array<i32>} : memref<128x128xf32, #tpu.memory_space<vmem>>, vector<16xf32>,
        %mul3A_706 = vector.broadcast %squeeze3A : f32 to vector<16xf32>
        %mul3A_707 = arith.mulf %get3A_705, %mul3A_706 : vector<16xf32>
        %swap3A_708 = arith.index_cast %add3A_646 : i32 to index
        %swap3A_709 = arith.constant 112 : index
        %swap3A_710 = tpu.vector_load %arg18[%swap3A_708, %swap3A_709] {strides = array<i32>} : memref<128x128xf32, #tpu.memory_space<vmem>>, vector<16xf32>,
        tpu.vector_store %arg18[%swap3A_708, %swap3A_709], %mul3A_707 {strides = array<i32>} : memref<128x128xf32, #tpu.memory_space<vmem>>, vector<16xf32>,
        %slice3A_711 = vector.extract_strided_slice %get3A_642 {offsets = [1], sizes = [1], strides = [1]} : vector<16xf32> to vector<1xf32>
        %squeeze3A_712 = vector.extract %slice3A_711[0] : f32 from vector<1xf32>
        %mul3A_713 = arith.constant 16 : i32
        %mul3A_714 = arith.muli %scan3A_638, %mul3A_713 : i32
        %add3A_715 = arith.constant 1 : i32
        %add3A_716 = arith.addi %mul3A_714, %add3A_715 : i32
        %get3A_717 = arith.index_cast %add3A_716 : i32 to index
        %get3A_718 = arith.constant 0 : index
        %get3A_719 = tpu.vector_load %arg18[%get3A_717, %get3A_718] {strides = array<i32>} : memref<128x128xf32, #tpu.memory_space<vmem>>, vector<16xf32>,
        %mul3A_720 = vector.broadcast %squeeze3A_712 : f32 to vector<16xf32>
        %mul3A_721 = arith.mulf %get3A_719, %mul3A_720 : vector<16xf32>
        %swap3A_722 = arith.index_cast %add3A_716 : i32 to index
        %swap3A_723 = arith.constant 0 : index
        %swap3A_724 = tpu.vector_load %arg18[%swap3A_722, %swap3A_723] {strides = array<i32>} : memref<128x128xf32, #tpu.memory_space<vmem>>, vector<16xf32>,
        tpu.vector_store %arg18[%swap3A_722, %swap3A_723], %mul3A_721 {strides = array<i32>} : memref<128x128xf32, #tpu.memory_space<vmem>>, vector<16xf32>,
        %get3A_725 = arith.index_cast %add3A_716 : i32 to index
        %get3A_726 = arith.constant 16 : index
        %get3A_727 = tpu.vector_load %arg18[%get3A_725, %get3A_726] {strides = array<i32>} : memref<128x128xf32, #tpu.memory_space<vmem>>, vector<16xf32>,
        %mul3A_728 = vector.broadcast %squeeze3A_712 : f32 to vector<16xf32>
        %mul3A_729 = arith.mulf %get3A_727, %mul3A_728 : vector<16xf32>
        %swap3A_730 = arith.index_cast %add3A_716 : i32 to index
        %swap3A_731 = arith.constant 16 : index
        %swap3A_732 = tpu.vector_load %arg18[%swap3A_730, %swap3A_731] {strides = array<i32>} : memref<128x128xf32, #tpu.memory_space<vmem>>, vector<16xf32>,
        tpu.vector_store %arg18[%swap3A_730, %swap3A_731], %mul3A_729 {strides = array<i32>} : memref<128x128xf32, #tpu.memory_space<vmem>>, vector<16xf32>,
        %get3A_733 = arith.index_cast %add3A_716 : i32 to index
        %get3A_734 = arith.constant 32 : index
        %get3A_735 = tpu.vector_load %arg18[%get3A_733, %get3A_734] {strides = array<i32>} : memref<128x128xf32, #tpu.memory_space<vmem>>, vector<16xf32>,
        %mul3A_736 = vector.broadcast %squeeze3A_712 : f32 to vector<16xf32>
        %mul3A_737 = arith.mulf %get3A_735, %mul3A_736 : vector<16xf32>
        %swap3A_738 = arith.index_cast %add3A_716 : i32 to index
        %swap3A_739 = arith.constant 32 : index
        %swap3A_740 = tpu.vector_load %arg18[%swap3A_738, %swap3A_739] {strides = array<i32>} : memref<128x128xf32, #tpu.memory_space<vmem>>, vector<16xf32>,
        tpu.vector_store %arg18[%swap3A_738, %swap3A_739], %mul3A_737 {strides = array<i32>} : memref<128x128xf32, #tpu.memory_space<vmem>>, vector<16xf32>,
        %get3A_741 = arith.index_cast %add3A_716 : i32 to index
        %get3A_742 = arith.constant 48 : index
        %get3A_743 = tpu.vector_load %arg18[%get3A_741, %get3A_742] {strides = array<i32>} : memref<128x128xf32, #tpu.memory_space<vmem>>, vector<16xf32>,
        %mul3A_744 = vector.broadcast %squeeze3A_712 : f32 to vector<16xf32>
        %mul3A_745 = arith.mulf %get3A_743, %mul3A_744 : vector<16xf32>
        %swap3A_746 = arith.index_cast %add3A_716 : i32 to index
        %swap3A_747 = arith.constant 48 : index
        %swap3A_748 = tpu.vector_load %arg18[%swap3A_746, %swap3A_747] {strides = array<i32>} : memref<128x128xf32, #tpu.memory_space<vmem>>, vector<16xf32>,
        tpu.vector_store %arg18[%swap3A_746, %swap3A_747], %mul3A_745 {strides = array<i32>} : memref<128x128xf32, #tpu.memory_space<vmem>>, vector<16xf32>,
        %get3A_749 = arith.index_cast %add3A_716 : i32 to index
        %get3A_750 = arith.constant 64 : index
        %get3A_751 = tpu.vector_load %arg18[%get3A_749, %get3A_750] {strides = array<i32>} : memref<128x128xf32, #tpu.memory_space<vmem>>, vector<16xf32>,
        %mul3A_752 = vector.broadcast %squeeze3A_712 : f32 to vector<16xf32>
        %mul3A_753 = arith.mulf %get3A_751, %mul3A_752 : vector<16xf32>
        %swap3A_754 = arith.index_cast %add3A_716 : i32 to index
        %swap3A_755 = arith.constant 64 : index
        %swap3A_756 = tpu.vector_load %arg18[%swap3A_754, %swap3A_755] {strides = array<i32>} : memref<128x128xf32, #tpu.memory_space<vmem>>, vector<16xf32>,
        tpu.vector_store %arg18[%swap3A_754, %swap3A_755], %mul3A_753 {strides = array<i32>} : memref<128x128xf32, #tpu.memory_space<vmem>>, vector<16xf32>,
        %get3A_757 = arith.index_cast %add3A_716 : i32 to index
        %get3A_758 = arith.constant 80 : index
        %get3A_759 = tpu.vector_load %arg18[%get3A_757, %get3A_758] {strides = array<i32>} : memref<128x128xf32, #tpu.memory_space<vmem>>, vector<16xf32>,
        %mul3A_760 = vector.broadcast %squeeze3A_712 : f32 to vector<16xf32>
        %mul3A_761 = arith.mulf %get3A_759, %mul3A_760 : vector<16xf32>
        %swap3A_762 = arith.index_cast %add3A_716 : i32 to index
        %swap3A_763 = arith.constant 80 : index
        %swap3A_764 = tpu.vector_load %arg18[%swap3A_762, %swap3A_763] {strides = array<i32>} : memref<128x128xf32, #tpu.memory_space<vmem>>, vector<16xf32>,
        tpu.vector_store %arg18[%swap3A_762, %swap3A_763], %mul3A_761 {strides = array<i32>} : memref<128x128xf32, #tpu.memory_space<vmem>>, vector<16xf32>,
        %get3A_765 = arith.index_cast %add3A_716 : i32 to index
        %get3A_766 = arith.constant 96 : index
        %get3A_767 = tpu.vector_load %arg18[%get3A_765, %get3A_766] {strides = array<i32>} : memref<128x128xf32, #tpu.memory_space<vmem>>, vector<16xf32>,
        %mul3A_768 = vector.broadcast %squeeze3A_712 : f32 to vector<16xf32>
        %mul3A_769 = arith.mulf %get3A_767, %mul3A_768 : vector<16xf32>
        %swap3A_770 = arith.index_cast %add3A_716 : i32 to index
        %swap3A_771 = arith.constant 96 : index
        %swap3A_772 = tpu.vector_load %arg18[%swap3A_770, %swap3A_771] {strides = array<i32>} : memref<128x128xf32, #tpu.memory_space<vmem>>, vector<16xf32>,
        tpu.vector_store %arg18[%swap3A_770, %swap3A_771], %mul3A_769 {strides = array<i32>} : memref<128x128xf32, #tpu.memory_space<vmem>>, vector<16xf32>,
        %get3A_773 = arith.index_cast %add3A_716 : i32 to index
        %get3A_774 = arith.constant 112 : index
        %get3A_775 = tpu.vector_load %arg18[%get3A_773, %get3A_774] {strides = array<i32>} : memref<128x128xf32, #tpu.memory_space<vmem>>, vector<16xf32>,
        %mul3A_776 = vector.broadcast %squeeze3A_712 : f32 to vector<16xf32>
        %mul3A_777 = arith.mulf %get3A_775, %mul3A_776 : vector<16xf32>
        %swap3A_778 = arith.index_cast %add3A_716 : i32 to index
        %swap3A_779 = arith.constant 112 : index
        %swap3A_780 = tpu.vector_load %arg18[%swap3A_778, %swap3A_779] {strides = array<i32>} : memref<128x128xf32, #tpu.memory_space<vmem>>, vector<16xf32>,
        tpu.vector_store %arg18[%swap3A_778, %swap3A_779], %mul3A_777 {strides = array<i32>} : memref<128x128xf32, #tpu.memory_space<vmem>>, vector<16xf32>,
        %slice3A_781 = vector.extract_strided_slice %get3A_642 {offsets = [2], sizes = [1], strides = [1]} : vector<16xf32> to vector<1xf32>
        %squeeze3A_782 = vector.extract %slice3A_781[0] : f32 from vector<1xf32>
        %mul3A_783 = arith.constant 16 : i32
        %mul3A_784 = arith.muli %scan3A_638, %mul3A_783 : i32
        %add3A_785 = arith.constant 2 : i32
        %add3A_786 = arith.addi %mul3A_784, %add3A_785 : i32
        %get3A_787 = arith.index_cast %add3A_786 : i32 to index
        %get3A_788 = arith.constant 0 : index
        %get3A_789 = tpu.vector_load %arg18[%get3A_787, %get3A_788] {strides = array<i32>} : memref<128x128xf32, #tpu.memory_space<vmem>>, vector<16xf32>,
        %mul3A_790 = vector.broadcast %squeeze3A_782 : f32 to vector<16xf32>
        %mul3A_791 = arith.mulf %get3A_789, %mul3A_790 : vector<16xf32>
        %swap3A_792 = arith.index_cast %add3A_786 : i32 to index
        %swap3A_793 = arith.constant 0 : index
        %swap3A_794 = tpu.vector_load %arg18[%swap3A_792, %swap3A_793] {strides = array<i32>} : memref<128x128xf32, #tpu.memory_space<vmem>>, vector<16xf32>,
        tpu.vector_store %arg18[%swap3A_792, %swap3A_793], %mul3A_791 {strides = array<i32>} : memref<128x128xf32, #tpu.memory_space<vmem>>, vector<16xf32>,
        %get3A_795 = arith.index_cast %add3A_786 : i32 to index
        %get3A_796 = arith.constant 16 : index
        %get3A_797 = tpu.vector_load %arg18[%get3A_795, %get3A_796] {strides = array<i32>} : memref<128x128xf32, #tpu.memory_space<vmem>>, vector<16xf32>,
        %mul3A_798 = vector.broadcast %squeeze3A_782 : f32 to vector<16xf32>
        %mul3A_799 = arith.mulf %get3A_797, %mul3A_798 : vector<16xf32>
        %swap3A_800 = arith.index_cast %add3A_786 : i32 to index
        %swap3A_801 = arith.constant 16 : index
        %swap3A_802 = tpu.vector_load %arg18[%swap3A_800, %swap3A_801] {strides = array<i32>} : memref<128x128xf32, #tpu.memory_space<vmem>>, vector<16xf32>,
        tpu.vector_store %arg18[%swap3A_800, %swap3A_801], %mul3A_799 {strides = array<i32>} : memref<128x128xf32, #tpu.memory_space<vmem>>, vector<16xf32>,
        %get3A_803 = arith.index_cast %add3A_786 : i32 to index
        %get3A_804 = arith.constant 32 : index
        %get3A_805 = tpu.vector_load %arg18[%get3A_803, %get3A_804] {strides = array<i32>} : memref<128x128xf32, #tpu.memory_space<vmem>>, vector<16xf32>,
        %mul3A_806 = vector.broadcast %squeeze3A_782 : f32 to vector<16xf32>
        %mul3A_807 = arith.mulf %get3A_805, %mul3A_806 : vector<16xf32>
        %swap3A_808 = arith.index_cast %add3A_786 : i32 to index
        %swap3A_809 = arith.constant 32 : index
        %swap3A_810 = tpu.vector_load %arg18[%swap3A_808, %swap3A_809] {strides = array<i32>} : memref<128x128xf32, #tpu.memory_space<vmem>>, vector<16xf32>,
        tpu.vector_store %arg18[%swap3A_808, %swap3A_809], %mul3A_807 {strides = array<i32>} : memref<128x128xf32, #tpu.memory_space<vmem>>, vector<16xf32>,
        %get3A_811 = arith.index_cast %add3A_786 : i32 to index
        %get3A_812 = arith.constant 48 : index
        %get3A_813 = tpu.vector_load %arg18[%get3A_811, %get3A_812] {strides = array<i32>} : memref<128x128xf32, #tpu.memory_space<vmem>>, vector<16xf32>,
        %mul3A_814 = vector.broadcast %squeeze3A_782 : f32 to vector<16xf32>
        %mul3A_815 = arith.mulf %get3A_813, %mul3A_814 : vector<16xf32>
        %swap3A_816 = arith.index_cast %add3A_786 : i32 to index
        %swap3A_817 = arith.constant 48 : index
        %swap3A_818 = tpu.vector_load %arg18[%swap3A_816, %swap3A_817] {strides = array<i32>} : memref<128x128xf32, #tpu.memory_space<vmem>>, vector<16xf32>,
        tpu.vector_store %arg18[%swap3A_816, %swap3A_817], %mul3A_815 {strides = array<i32>} : memref<128x128xf32, #tpu.memory_space<vmem>>, vector<16xf32>,
        %get3A_819 = arith.index_cast %add3A_786 : i32 to index
        %get3A_820 = arith.constant 64 : index
        %get3A_821 = tpu.vector_load %arg18[%get3A_819, %get3A_820] {strides = array<i32>} : memref<128x128xf32, #tpu.memory_space<vmem>>, vector<16xf32>,
        %mul3A_822 = vector.broadcast %squeeze3A_782 : f32 to vector<16xf32>
        %mul3A_823 = arith.mulf %get3A_821, %mul3A_822 : vector<16xf32>
        %swap3A_824 = arith.index_cast %add3A_786 : i32 to index
        %swap3A_825 = arith.constant 64 : index
        %swap3A_826 = tpu.vector_load %arg18[%swap3A_824, %swap3A_825] {strides = array<i32>} : memref<128x128xf32, #tpu.memory_space<vmem>>, vector<16xf32>,
        tpu.vector_store %arg18[%swap3A_824, %swap3A_825], %mul3A_823 {strides = array<i32>} : memref<128x128xf32, #tpu.memory_space<vmem>>, vector<16xf32>,
        %get3A_827 = arith.index_cast %add3A_786 : i32 to index
        %get3A_828 = arith.constant 80 : index
        %get3A_829 = tpu.vector_load %arg18[%get3A_827, %get3A_828] {strides = array<i32>} : memref<128x128xf32, #tpu.memory_space<vmem>>, vector<16xf32>,
        %mul3A_830 = vector.broadcast %squeeze3A_782 : f32 to vector<16xf32>
        %mul3A_831 = arith.mulf %get3A_829, %mul3A_830 : vector<16xf32>
        %swap3A_832 = arith.index_cast %add3A_786 : i32 to index
        %swap3A_833 = arith.constant 80 : index
        %swap3A_834 = tpu.vector_load %arg18[%swap3A_832, %swap3A_833] {strides = array<i32>} : memref<128x128xf32, #tpu.memory_space<vmem>>, vector<16xf32>,
        tpu.vector_store %arg18[%swap3A_832, %swap3A_833], %mul3A_831 {strides = array<i32>} : memref<128x128xf32, #tpu.memory_space<vmem>>, vector<16xf32>,
        %get3A_835 = arith.index_cast %add3A_786 : i32 to index
        %get3A_836 = arith.constant 96 : index
        %get3A_837 = tpu.vector_load %arg18[%get3A_835, %get3A_836] {strides = array<i32>} : memref<128x128xf32, #tpu.memory_space<vmem>>, vector<16xf32>,
        %mul3A_838 = vector.broadcast %squeeze3A_782 : f32 to vector<16xf32>
        %mul3A_839 = arith.mulf %get3A_837, %mul3A_838 : vector<16xf32>
        %swap3A_840 = arith.index_cast %add3A_786 : i32 to index
        %swap3A_841 = arith.constant 96 : index
        %swap3A_842 = tpu.vector_load %arg18[%swap3A_840, %swap3A_841] {strides = array<i32>} : memref<128x128xf32, #tpu.memory_space<vmem>>, vector<16xf32>,
        tpu.vector_store %arg18[%swap3A_840, %swap3A_841], %mul3A_839 {strides = array<i32>} : memref<128x128xf32, #tpu.memory_space<vmem>>, vector<16xf32>,
        %get3A_843 = arith.index_cast %add3A_786 : i32 to index
        %get3A_844 = arith.constant 112 : index
        %get3A_845 = tpu.vector_load %arg18[%get3A_843, %get3A_844] {strides = array<i32>} : memref<128x128xf32, #tpu.memory_space<vmem>>, vector<16xf32>,
        %mul3A_846 = vector.broadcast %squeeze3A_782 : f32 to vector<16xf32>
        %mul3A_847 = arith.mulf %get3A_845, %mul3A_846 : vector<16xf32>
        %swap3A_848 = arith.index_cast %add3A_786 : i32 to index
        %swap3A_849 = arith.constant 112 : index
        %swap3A_850 = tpu.vector_load %arg18[%swap3A_848, %swap3A_849] {strides = array<i32>} : memref<128x128xf32, #tpu.memory_space<vmem>>, vector<16xf32>,
        tpu.vector_store %arg18[%swap3A_848, %swap3A_849], %mul3A_847 {strides = array<i32>} : memref<128x128xf32, #tpu.memory_space<vmem>>, vector<16xf32>,
        %slice3A_851 = vector.extract_strided_slice %get3A_642 {offsets = [3], sizes = [1], strides = [1]} : vector<16xf32> to vector<1xf32>
        %squeeze3A_852 = vector.extract %slice3A_851[0] : f32 from vector<1xf32>
        %mul3A_853 = arith.constant 16 : i32
        %mul3A_854 = arith.muli %scan3A_638, %mul3A_853 : i32
        %add3A_855 = arith.constant 3 : i32
        %add3A_856 = arith.addi %mul3A_854, %add3A_855 : i32
        %get3A_857 = arith.index_cast %add3A_856 : i32 to index
        %get3A_858 = arith.constant 0 : index
        %get3A_859 = tpu.vector_load %arg18[%get3A_857, %get3A_858] {strides = array<i32>} : memref<128x128xf32, #tpu.memory_space<vmem>>, vector<16xf32>,
        %mul3A_860 = vector.broadcast %squeeze3A_852 : f32 to vector<16xf32>
        %mul3A_861 = arith.mulf %get3A_859, %mul3A_860 : vector<16xf32>
        %swap3A_862 = arith.index_cast %add3A_856 : i32 to index
        %swap3A_863 = arith.constant 0 : index
        %swap3A_864 = tpu.vector_load %arg18[%swap3A_862, %swap3A_863] {strides = array<i32>} : memref<128x128xf32, #tpu.memory_space<vmem>>, vector<16xf32>,
        tpu.vector_store %arg18[%swap3A_862, %swap3A_863], %mul3A_861 {strides = array<i32>} : memref<128x128xf32, #tpu.memory_space<vmem>>, vector<16xf32>,
        %get3A_865 = arith.index_cast %add3A_856 : i32 to index
        %get3A_866 = arith.constant 16 : index
        %get3A_867 = tpu.vector_load %arg18[%get3A_865, %get3A_866] {strides = array<i32>} : memref<128x128xf32, #tpu.memory_space<vmem>>, vector<16xf32>,
        %mul3A_868 = vector.broadcast %squeeze3A_852 : f32 to vector<16xf32>
        %mul3A_869 = arith.mulf %get3A_867, %mul3A_868 : vector<16xf32>
        %swap3A_870 = arith.index_cast %add3A_856 : i32 to index
        %swap3A_871 = arith.constant 16 : index
        %swap3A_872 = tpu.vector_load %arg18[%swap3A_870, %swap3A_871] {strides = array<i32>} : memref<128x128xf32, #tpu.memory_space<vmem>>, vector<16xf32>,
        tpu.vector_store %arg18[%swap3A_870, %swap3A_871], %mul3A_869 {strides = array<i32>} : memref<128x128xf32, #tpu.memory_space<vmem>>, vector<16xf32>,
        %get3A_873 = arith.index_cast %add3A_856 : i32 to index
        %get3A_874 = arith.constant 32 : index
        %get3A_875 = tpu.vector_load %arg18[%get3A_873, %get3A_874] {strides = array<i32>} : memref<128x128xf32, #tpu.memory_space<vmem>>, vector<16xf32>,
        %mul3A_876 = vector.broadcast %squeeze3A_852 : f32 to vector<16xf32>
        %mul3A_877 = arith.mulf %get3A_875, %mul3A_876 : vector<16xf32>
        %swap3A_878 = arith.index_cast %add3A_856 : i32 to index
        %swap3A_879 = arith.constant 32 : index
        %swap3A_880 = tpu.vector_load %arg18[%swap3A_878, %swap3A_879] {strides = array<i32>} : memref<128x128xf32, #tpu.memory_space<vmem>>, vector<16xf32>,
        tpu.vector_store %arg18[%swap3A_878, %swap3A_879], %mul3A_877 {strides = array<i32>} : memref<128x128xf32, #tpu.memory_space<vmem>>, vector<16xf32>,
        %get3A_881 = arith.index_cast %add3A_856 : i32 to index
        %get3A_882 = arith.constant 48 : index
        %get3A_883 = tpu.vector_load %arg18[%get3A_881, %get3A_882] {strides = array<i32>} : memref<128x128xf32, #tpu.memory_space<vmem>>, vector<16xf32>,
        %mul3A_884 = vector.broadcast %squeeze3A_852 : f32 to vector<16xf32>
        %mul3A_885 = arith.mulf %get3A_883, %mul3A_884 : vector<16xf32>
        %swap3A_886 = arith.index_cast %add3A_856 : i32 to index
        %swap3A_887 = arith.constant 48 : index
        %swap3A_888 = tpu.vector_load %arg18[%swap3A_886, %swap3A_887] {strides = array<i32>} : memref<128x128xf32, #tpu.memory_space<vmem>>, vector<16xf32>,
        tpu.vector_store %arg18[%swap3A_886, %swap3A_887], %mul3A_885 {strides = array<i32>} : memref<128x128xf32, #tpu.memory_space<vmem>>, vector<16xf32>,
        %get3A_889 = arith.index_cast %add3A_856 : i32 to index
        %get3A_890 = arith.constant 64 : index
        %get3A_891 = tpu.vector_load %arg18[%get3A_889, %get3A_890] {strides = array<i32>} : memref<128x128xf32, #tpu.memory_space<vmem>>, vector<16xf32>,
        %mul3A_892 = vector.broadcast %squeeze3A_852 : f32 to vector<16xf32>
        %mul3A_893 = arith.mulf %get3A_891, %mul3A_892 : vector<16xf32>
        %swap3A_894 = arith.index_cast %add3A_856 : i32 to index
        %swap3A_895 = arith.constant 64 : index
        %swap3A_896 = tpu.vector_load %arg18[%swap3A_894, %swap3A_895] {strides = array<i32>} : memref<128x128xf32, #tpu.memory_space<vmem>>, vector<16xf32>,
        tpu.vector_store %arg18[%swap3A_894, %swap3A_895], %mul3A_893 {strides = array<i32>} : memref<128x128xf32, #tpu.memory_space<vmem>>, vector<16xf32>,
        %get3A_897 = arith.index_cast %add3A_856 : i32 to index
        %get3A_898 = arith.constant 80 : index
        %get3A_899 = tpu.vector_load %arg18[%get3A_897, %get3A_898] {strides = array<i32>} : memref<128x128xf32, #tpu.memory_space<vmem>>, vector<16xf32>,
        %mul3A_900 = vector.broadcast %squeeze3A_852 : f32 to vector<16xf32>
        %mul3A_901 = arith.mulf %get3A_899, %mul3A_900 : vector<16xf32>
        %swap3A_902 = arith.index_cast %add3A_856 : i32 to index
        %swap3A_903 = arith.constant 80 : index
        %swap3A_904 = tpu.vector_load %arg18[%swap3A_902, %swap3A_903] {strides = array<i32>} : memref<128x128xf32, #tpu.memory_space<vmem>>, vector<16xf32>,
        tpu.vector_store %arg18[%swap3A_902, %swap3A_903], %mul3A_901 {strides = array<i32>} : memref<128x128xf32, #tpu.memory_space<vmem>>, vector<16xf32>,
        %get3A_905 = arith.index_cast %add3A_856 : i32 to index
        %get3A_906 = arith.constant 96 : index
        %get3A_907 = tpu.vector_load %arg18[%get3A_905, %get3A_906] {strides = array<i32>} : memref<128x128xf32, #tpu.memory_space<vmem>>, vector<16xf32>,
        %mul3A_908 = vector.broadcast %squeeze3A_852 : f32 to vector<16xf32>
        %mul3A_909 = arith.mulf %get3A_907, %mul3A_908 : vector<16xf32>
        %swap3A_910 = arith.index_cast %add3A_856 : i32 to index
        %swap3A_911 = arith.constant 96 : index
        %swap3A_912 = tpu.vector_load %arg18[%swap3A_910, %swap3A_911] {strides = array<i32>} : memref<128x128xf32, #tpu.memory_space<vmem>>, vector<16xf32>,
        tpu.vector_store %arg18[%swap3A_910, %swap3A_911], %mul3A_909 {strides = array<i32>} : memref<128x128xf32, #tpu.memory_space<vmem>>, vector<16xf32>,
        %get3A_913 = arith.index_cast %add3A_856 : i32 to index
        %get3A_914 = arith.constant 112 : index
        %get3A_915 = tpu.vector_load %arg18[%get3A_913, %get3A_914] {strides = array<i32>} : memref<128x128xf32, #tpu.memory_space<vmem>>, vector<16xf32>,
        %mul3A_916 = vector.broadcast %squeeze3A_852 : f32 to vector<16xf32>
        %mul3A_917 = arith.mulf %get3A_915, %mul3A_916 : vector<16xf32>
        %swap3A_918 = arith.index_cast %add3A_856 : i32 to index
        %swap3A_919 = arith.constant 112 : index
        %swap3A_920 = tpu.vector_load %arg18[%swap3A_918, %swap3A_919] {strides = array<i32>} : memref<128x128xf32, #tpu.memory_space<vmem>>, vector<16xf32>,
        tpu.vector_store %arg18[%swap3A_918, %swap3A_919], %mul3A_917 {strides = array<i32>} : memref<128x128xf32, #tpu.memory_space<vmem>>, vector<16xf32>,
        %slice3A_921 = vector.extract_strided_slice %get3A_642 {offsets = [4], sizes = [1], strides = [1]} : vector<16xf32> to vector<1xf32>
        %squeeze3A_922 = vector.extract %slice3A_921[0] : f32 from vector<1xf32>
        %mul3A_923 = arith.constant 16 : i32
        %mul3A_924 = arith.muli %scan3A_638, %mul3A_923 : i32
        %add3A_925 = arith.constant 4 : i32
        %add3A_926 = arith.addi %mul3A_924, %add3A_925 : i32
        %get3A_927 = arith.index_cast %add3A_926 : i32 to index
        %get3A_928 = arith.constant 0 : index
        %get3A_929 = tpu.vector_load %arg18[%get3A_927, %get3A_928] {strides = array<i32>} : memref<128x128xf32, #tpu.memory_space<vmem>>, vector<16xf32>,
        %mul3A_930 = vector.broadcast %squeeze3A_922 : f32 to vector<16xf32>
        %mul3A_931 = arith.mulf %get3A_929, %mul3A_930 : vector<16xf32>
        %swap3A_932 = arith.index_cast %add3A_926 : i32 to index
        %swap3A_933 = arith.constant 0 : index
        %swap3A_934 = tpu.vector_load %arg18[%swap3A_932, %swap3A_933] {strides = array<i32>} : memref<128x128xf32, #tpu.memory_space<vmem>>, vector<16xf32>,
        tpu.vector_store %arg18[%swap3A_932, %swap3A_933], %mul3A_931 {strides = array<i32>} : memref<128x128xf32, #tpu.memory_space<vmem>>, vector<16xf32>,
        %get3A_935 = arith.index_cast %add3A_926 : i32 to index
        %get3A_936 = arith.constant 16 : index
        %get3A_937 = tpu.vector_load %arg18[%get3A_935, %get3A_936] {strides = array<i32>} : memref<128x128xf32, #tpu.memory_space<vmem>>, vector<16xf32>,
        %mul3A_938 = vector.broadcast %squeeze3A_922 : f32 to vector<16xf32>
        %mul3A_939 = arith.mulf %get3A_937, %mul3A_938 : vector<16xf32>
        %swap3A_940 = arith.index_cast %add3A_926 : i32 to index
        %swap3A_941 = arith.constant 16 : index
        %swap3A_942 = tpu.vector_load %arg18[%swap3A_940, %swap3A_941] {strides = array<i32>} : memref<128x128xf32, #tpu.memory_space<vmem>>, vector<16xf32>,
        tpu.vector_store %arg18[%swap3A_940, %swap3A_941], %mul3A_939 {strides = array<i32>} : memref<128x128xf32, #tpu.memory_space<vmem>>, vector<16xf32>,
        %get3A_943 = arith.index_cast %add3A_926 : i32 to index
        %get3A_944 = arith.constant 32 : index
        %get3A_945 = tpu.vector_load %arg18[%get3A_943, %get3A_944] {strides = array<i32>} : memref<128x128xf32, #tpu.memory_space<vmem>>, vector<16xf32>,
        %mul3A_946 = vector.broadcast %squeeze3A_922 : f32 to vector<16xf32>
        %mul3A_947 = arith.mulf %get3A_945, %mul3A_946 : vector<16xf32>
        %swap3A_948 = arith.index_cast %add3A_926 : i32 to index
        %swap3A_949 = arith.constant 32 : index
        %swap3A_950 = tpu.vector_load %arg18[%swap3A_948, %swap3A_949] {strides = array<i32>} : memref<128x128xf32, #tpu.memory_space<vmem>>, vector<16xf32>,
        tpu.vector_store %arg18[%swap3A_948, %swap3A_949], %mul3A_947 {strides = array<i32>} : memref<128x128xf32, #tpu.memory_space<vmem>>, vector<16xf32>,
        %get3A_951 = arith.index_cast %add3A_926 : i32 to index
        %get3A_952 = arith.constant 48 : index
        %get3A_953 = tpu.vector_load %arg18[%get3A_951, %get3A_952] {strides = array<i32>} : memref<128x128xf32, #tpu.memory_space<vmem>>, vector<16xf32>,
        %mul3A_954 = vector.broadcast %squeeze3A_922 : f32 to vector<16xf32>
        %mul3A_955 = arith.mulf %get3A_953, %mul3A_954 : vector<16xf32>
        %swap3A_956 = arith.index_cast %add3A_926 : i32 to index
        %swap3A_957 = arith.constant 48 : index
        %swap3A_958 = tpu.vector_load %arg18[%swap3A_956, %swap3A_957] {strides = array<i32>} : memref<128x128xf32, #tpu.memory_space<vmem>>, vector<16xf32>,
        tpu.vector_store %arg18[%swap3A_956, %swap3A_957], %mul3A_955 {strides = array<i32>} : memref<128x128xf32, #tpu.memory_space<vmem>>, vector<16xf32>,
        %get3A_959 = arith.index_cast %add3A_926 : i32 to index
        %get3A_960 = arith.constant 64 : index
        %get3A_961 = tpu.vector_load %arg18[%get3A_959, %get3A_960] {strides = array<i32>} : memref<128x128xf32, #tpu.memory_space<vmem>>, vector<16xf32>,
        %mul3A_962 = vector.broadcast %squeeze3A_922 : f32 to vector<16xf32>
        %mul3A_963 = arith.mulf %get3A_961, %mul3A_962 : vector<16xf32>
        %swap3A_964 = arith.index_cast %add3A_926 : i32 to index
        %swap3A_965 = arith.constant 64 : index
        %swap3A_966 = tpu.vector_load %arg18[%swap3A_964, %swap3A_965] {strides = array<i32>} : memref<128x128xf32, #tpu.memory_space<vmem>>, vector<16xf32>,
        tpu.vector_store %arg18[%swap3A_964, %swap3A_965], %mul3A_963 {strides = array<i32>} : memref<128x128xf32, #tpu.memory_space<vmem>>, vector<16xf32>,
        %get3A_967 = arith.index_cast %add3A_926 : i32 to index
        %get3A_968 = arith.constant 80 : index
        %get3A_969 = tpu.vector_load %arg18[%get3A_967, %get3A_968] {strides = array<i32>} : memref<128x128xf32, #tpu.memory_space<vmem>>, vector<16xf32>,
        %mul3A_970 = vector.broadcast %squeeze3A_922 : f32 to vector<16xf32>
        %mul3A_971 = arith.mulf %get3A_969, %mul3A_970 : vector<16xf32>
        %swap3A_972 = arith.index_cast %add3A_926 : i32 to index
        %swap3A_973 = arith.constant 80 : index
        %swap3A_974 = tpu.vector_load %arg18[%swap3A_972, %swap3A_973] {strides = array<i32>} : memref<128x128xf32, #tpu.memory_space<vmem>>, vector<16xf32>,
        tpu.vector_store %arg18[%swap3A_972, %swap3A_973], %mul3A_971 {strides = array<i32>} : memref<128x128xf32, #tpu.memory_space<vmem>>, vector<16xf32>,
        %get3A_975 = arith.index_cast %add3A_926 : i32 to index
        %get3A_976 = arith.constant 96 : index
        %get3A_977 = tpu.vector_load %arg18[%get3A_975, %get3A_976] {strides = array<i32>} : memref<128x128xf32, #tpu.memory_space<vmem>>, vector<16xf32>,
        %mul3A_978 = vector.broadcast %squeeze3A_922 : f32 to vector<16xf32>
        %mul3A_979 = arith.mulf %get3A_977, %mul3A_978 : vector<16xf32>
        %swap3A_980 = arith.index_cast %add3A_926 : i32 to index
        %swap3A_981 = arith.constant 96 : index
        %swap3A_982 = tpu.vector_load %arg18[%swap3A_980, %swap3A_981] {strides = array<i32>} : memref<128x128xf32, #tpu.memory_space<vmem>>, vector<16xf32>,
        tpu.vector_store %arg18[%swap3A_980, %swap3A_981], %mul3A_979 {strides = array<i32>} : memref<128x128xf32, #tpu.memory_space<vmem>>, vector<16xf32>,
        %get3A_983 = arith.index_cast %add3A_926 : i32 to index
        %get3A_984 = arith.constant 112 : index
        %get3A_985 = tpu.vector_load %arg18[%get3A_983, %get3A_984] {strides = array<i32>} : memref<128x128xf32, #tpu.memory_space<vmem>>, vector<16xf32>,
        %mul3A_986 = vector.broadcast %squeeze3A_922 : f32 to vector<16xf32>
        %mul3A_987 = arith.mulf %get3A_985, %mul3A_986 : vector<16xf32>
        %swap3A_988 = arith.index_cast %add3A_926 : i32 to index
        %swap3A_989 = arith.constant 112 : index
        %swap3A_990 = tpu.vector_load %arg18[%swap3A_988, %swap3A_989] {strides = array<i32>} : memref<128x128xf32, #tpu.memory_space<vmem>>, vector<16xf32>,
        tpu.vector_store %arg18[%swap3A_988, %swap3A_989], %mul3A_987 {strides = array<i32>} : memref<128x128xf32, #tpu.memory_space<vmem>>, vector<16xf32>,
        %slice3A_991 = vector.extract_strided_slice %get3A_642 {offsets = [5], sizes = [1], strides = [1]} : vector<16xf32> to vector<1xf32>
        %squeeze3A_992 = vector.extract %slice3A_991[0] : f32 from vector<1xf32>
        %mul3A_993 = arith.constant 16 : i32
        %mul3A_994 = arith.muli %scan3A_638, %mul3A_993 : i32
        %add3A_995 = arith.constant 5 : i32
        %add3A_996 = arith.addi %mul3A_994, %add3A_995 : i32
        %get3A_997 = arith.index_cast %add3A_996 : i32 to index
        %get3A_998 = arith.constant 0 : index
        %get3A_999 = tpu.vector_load %arg18[%get3A_997, %get3A_998] {strides = array<i32>} : memref<128x128xf32, #tpu.memory_space<vmem>>, vector<16xf32>,
        %mul3A_1000 = vector.broadcast %squeeze3A_992 : f32 to vector<16xf32>
        %mul3A_1001 = arith.mulf %get3A_999, %mul3A_1000 : vector<16xf32>
        %swap3A_1002 = arith.index_cast %add3A_996 : i32 to index
        %swap3A_1003 = arith.constant 0 : index
        %swap3A_1004 = tpu.vector_load %arg18[%swap3A_1002, %swap3A_1003] {strides = array<i32>} : memref<128x128xf32, #tpu.memory_space<vmem>>, vector<16xf32>,
        tpu.vector_store %arg18[%swap3A_1002, %swap3A_1003], %mul3A_1001 {strides = array<i32>} : memref<128x128xf32, #tpu.memory_space<vmem>>, vector<16xf32>,
        %get3A_1005 = arith.index_cast %add3A_996 : i32 to index
        %get3A_1006 = arith.constant 16 : index
        %get3A_1007 = tpu.vector_load %arg18[%get3A_1005, %get3A_1006] {strides = array<i32>} : memref<128x128xf32, #tpu.memory_space<vmem>>, vector<16xf32>,
        %mul3A_1008 = vector.broadcast %squeeze3A_992 : f32 to vector<16xf32>
        %mul3A_1009 = arith.mulf %get3A_1007, %mul3A_1008 : vector<16xf32>
        %swap3A_1010 = arith.index_cast %add3A_996 : i32 to index
        %swap3A_1011 = arith.constant 16 : index
        %swap3A_1012 = tpu.vector_load %arg18[%swap3A_1010, %swap3A_1011] {strides = array<i32>} : memref<128x128xf32, #tpu.memory_space<vmem>>, vector<16xf32>,
        tpu.vector_store %arg18[%swap3A_1010, %swap3A_1011], %mul3A_1009 {strides = array<i32>} : memref<128x128xf32, #tpu.memory_space<vmem>>, vector<16xf32>,
        %get3A_1013 = arith.index_cast %add3A_996 : i32 to index
        %get3A_1014 = arith.constant 32 : index
        %get3A_1015 = tpu.vector_load %arg18[%get3A_1013, %get3A_1014] {strides = array<i32>} : memref<128x128xf32, #tpu.memory_space<vmem>>, vector<16xf32>,
        %mul3A_1016 = vector.broadcast %squeeze3A_992 : f32 to vector<16xf32>
        %mul3A_1017 = arith.mulf %get3A_1015, %mul3A_1016 : vector<16xf32>
        %swap3A_1018 = arith.index_cast %add3A_996 : i32 to index
        %swap3A_1019 = arith.constant 32 : index
        %swap3A_1020 = tpu.vector_load %arg18[%swap3A_1018, %swap3A_1019] {strides = array<i32>} : memref<128x128xf32, #tpu.memory_space<vmem>>, vector<16xf32>,
        tpu.vector_store %arg18[%swap3A_1018, %swap3A_1019], %mul3A_1017 {strides = array<i32>} : memref<128x128xf32, #tpu.memory_space<vmem>>, vector<16xf32>,
        %get3A_1021 = arith.index_cast %add3A_996 : i32 to index
        %get3A_1022 = arith.constant 48 : index
        %get3A_1023 = tpu.vector_load %arg18[%get3A_1021, %get3A_1022] {strides = array<i32>} : memref<128x128xf32, #tpu.memory_space<vmem>>, vector<16xf32>,
        %mul3A_1024 = vector.broadcast %squeeze3A_992 : f32 to vector<16xf32>
        %mul3A_1025 = arith.mulf %get3A_1023, %mul3A_1024 : vector<16xf32>
        %swap3A_1026 = arith.index_cast %add3A_996 : i32 to index
        %swap3A_1027 = arith.constant 48 : index
        %swap3A_1028 = tpu.vector_load %arg18[%swap3A_1026, %swap3A_1027] {strides = array<i32>} : memref<128x128xf32, #tpu.memory_space<vmem>>, vector<16xf32>,
        tpu.vector_store %arg18[%swap3A_1026, %swap3A_1027], %mul3A_1025 {strides = array<i32>} : memref<128x128xf32, #tpu.memory_space<vmem>>, vector<16xf32>,
        %get3A_1029 = arith.index_cast %add3A_996 : i32 to index
        %get3A_1030 = arith.constant 64 : index
        %get3A_1031 = tpu.vector_load %arg18[%get3A_1029, %get3A_1030] {strides = array<i32>} : memref<128x128xf32, #tpu.memory_space<vmem>>, vector<16xf32>,
        %mul3A_1032 = vector.broadcast %squeeze3A_992 : f32 to vector<16xf32>
        %mul3A_1033 = arith.mulf %get3A_1031, %mul3A_1032 : vector<16xf32>
        %swap3A_1034 = arith.index_cast %add3A_996 : i32 to index
        %swap3A_1035 = arith.constant 64 : index
        %swap3A_1036 = tpu.vector_load %arg18[%swap3A_1034, %swap3A_1035] {strides = array<i32>} : memref<128x128xf32, #tpu.memory_space<vmem>>, vector<16xf32>,
        tpu.vector_store %arg18[%swap3A_1034, %swap3A_1035], %mul3A_1033 {strides = array<i32>} : memref<128x128xf32, #tpu.memory_space<vmem>>, vector<16xf32>,
        %get3A_1037 = arith.index_cast %add3A_996 : i32 to index
        %get3A_1038 = arith.constant 80 : index
        %get3A_1039 = tpu.vector_load %arg18[%get3A_1037, %get3A_1038] {strides = array<i32>} : memref<128x128xf32, #tpu.memory_space<vmem>>, vector<16xf32>,
        %mul3A_1040 = vector.broadcast %squeeze3A_992 : f32 to vector<16xf32>
        %mul3A_1041 = arith.mulf %get3A_1039, %mul3A_1040 : vector<16xf32>
        %swap3A_1042 = arith.index_cast %add3A_996 : i32 to index
        %swap3A_1043 = arith.constant 80 : index
        %swap3A_1044 = tpu.vector_load %arg18[%swap3A_1042, %swap3A_1043] {strides = array<i32>} : memref<128x128xf32, #tpu.memory_space<vmem>>, vector<16xf32>,
        tpu.vector_store %arg18[%swap3A_1042, %swap3A_1043], %mul3A_1041 {strides = array<i32>} : memref<128x128xf32, #tpu.memory_space<vmem>>, vector<16xf32>,
        %get3A_1045 = arith.index_cast %add3A_996 : i32 to index
        %get3A_1046 = arith.constant 96 : index
        %get3A_1047 = tpu.vector_load %arg18[%get3A_1045, %get3A_1046] {strides = array<i32>} : memref<128x128xf32, #tpu.memory_space<vmem>>, vector<16xf32>,
        %mul3A_1048 = vector.broadcast %squeeze3A_992 : f32 to vector<16xf32>
        %mul3A_1049 = arith.mulf %get3A_1047, %mul3A_1048 : vector<16xf32>
        %swap3A_1050 = arith.index_cast %add3A_996 : i32 to index
        %swap3A_1051 = arith.constant 96 : index
        %swap3A_1052 = tpu.vector_load %arg18[%swap3A_1050, %swap3A_1051] {strides = array<i32>} : memref<128x128xf32, #tpu.memory_space<vmem>>, vector<16xf32>,
        tpu.vector_store %arg18[%swap3A_1050, %swap3A_1051], %mul3A_1049 {strides = array<i32>} : memref<128x128xf32, #tpu.memory_space<vmem>>, vector<16xf32>,
        %get3A_1053 = arith.index_cast %add3A_996 : i32 to index
        %get3A_1054 = arith.constant 112 : index
        %get3A_1055 = tpu.vector_load %arg18[%get3A_1053, %get3A_1054] {strides = array<i32>} : memref<128x128xf32, #tpu.memory_space<vmem>>, vector<16xf32>,
        %mul3A_1056 = vector.broadcast %squeeze3A_992 : f32 to vector<16xf32>
        %mul3A_1057 = arith.mulf %get3A_1055, %mul3A_1056 : vector<16xf32>
        %swap3A_1058 = arith.index_cast %add3A_996 : i32 to index
        %swap3A_1059 = arith.constant 112 : index
        %swap3A_1060 = tpu.vector_load %arg18[%swap3A_1058, %swap3A_1059] {strides = array<i32>} : memref<128x128xf32, #tpu.memory_space<vmem>>, vector<16xf32>,
        tpu.vector_store %arg18[%swap3A_1058, %swap3A_1059], %mul3A_1057 {strides = array<i32>} : memref<128x128xf32, #tpu.memory_space<vmem>>, vector<16xf32>,
        %slice3A_1061 = vector.extract_strided_slice %get3A_642 {offsets = [6], sizes = [1], strides = [1]} : vector<16xf32> to vector<1xf32>
        %squeeze3A_1062 = vector.extract %slice3A_1061[0] : f32 from vector<1xf32>
        %mul3A_1063 = arith.constant 16 : i32
        %mul3A_1064 = arith.muli %scan3A_638, %mul3A_1063 : i32
        %add3A_1065 = arith.constant 6 : i32
        %add3A_1066 = arith.addi %mul3A_1064, %add3A_1065 : i32
        %get3A_1067 = arith.index_cast %add3A_1066 : i32 to index
        %get3A_1068 = arith.constant 0 : index
        %get3A_1069 = tpu.vector_load %arg18[%get3A_1067, %get3A_1068] {strides = array<i32>} : memref<128x128xf32, #tpu.memory_space<vmem>>, vector<16xf32>,
        %mul3A_1070 = vector.broadcast %squeeze3A_1062 : f32 to vector<16xf32>
        %mul3A_1071 = arith.mulf %get3A_1069, %mul3A_1070 : vector<16xf32>
        %swap3A_1072 = arith.index_cast %add3A_1066 : i32 to index
        %swap3A_1073 = arith.constant 0 : index
        %swap3A_1074 = tpu.vector_load %arg18[%swap3A_1072, %swap3A_1073] {strides = array<i32>} : memref<128x128xf32, #tpu.memory_space<vmem>>, vector<16xf32>,
        tpu.vector_store %arg18[%swap3A_1072, %swap3A_1073], %mul3A_1071 {strides = array<i32>} : memref<128x128xf32, #tpu.memory_space<vmem>>, vector<16xf32>,
        %get3A_1075 = arith.index_cast %add3A_1066 : i32 to index
        %get3A_1076 = arith.constant 16 : index
        %get3A_1077 = tpu.vector_load %arg18[%get3A_1075, %get3A_1076] {strides = array<i32>} : memref<128x128xf32, #tpu.memory_space<vmem>>, vector<16xf32>,
        %mul3A_1078 = vector.broadcast %squeeze3A_1062 : f32 to vector<16xf32>
        %mul3A_1079 = arith.mulf %get3A_1077, %mul3A_1078 : vector<16xf32>
        %swap3A_1080 = arith.index_cast %add3A_1066 : i32 to index
        %swap3A_1081 = arith.constant 16 : index
        %swap3A_1082 = tpu.vector_load %arg18[%swap3A_1080, %swap3A_1081] {strides = array<i32>} : memref<128x128xf32, #tpu.memory_space<vmem>>, vector<16xf32>,
        tpu.vector_store %arg18[%swap3A_1080, %swap3A_1081], %mul3A_1079 {strides = array<i32>} : memref<128x128xf32, #tpu.memory_space<vmem>>, vector<16xf32>,
        %get3A_1083 = arith.index_cast %add3A_1066 : i32 to index
        %get3A_1084 = arith.constant 32 : index
        %get3A_1085 = tpu.vector_load %arg18[%get3A_1083, %get3A_1084] {strides = array<i32>} : memref<128x128xf32, #tpu.memory_space<vmem>>, vector<16xf32>,
        %mul3A_1086 = vector.broadcast %squeeze3A_1062 : f32 to vector<16xf32>
        %mul3A_1087 = arith.mulf %get3A_1085, %mul3A_1086 : vector<16xf32>
        %swap3A_1088 = arith.index_cast %add3A_1066 : i32 to index
        %swap3A_1089 = arith.constant 32 : index
        %swap3A_1090 = tpu.vector_load %arg18[%swap3A_1088, %swap3A_1089] {strides = array<i32>} : memref<128x128xf32, #tpu.memory_space<vmem>>, vector<16xf32>,
        tpu.vector_store %arg18[%swap3A_1088, %swap3A_1089], %mul3A_1087 {strides = array<i32>} : memref<128x128xf32, #tpu.memory_space<vmem>>, vector<16xf32>,
        %get3A_1091 = arith.index_cast %add3A_1066 : i32 to index
        %get3A_1092 = arith.constant 48 : index
        %get3A_1093 = tpu.vector_load %arg18[%get3A_1091, %get3A_1092] {strides = array<i32>} : memref<128x128xf32, #tpu.memory_space<vmem>>, vector<16xf32>,
        %mul3A_1094 = vector.broadcast %squeeze3A_1062 : f32 to vector<16xf32>
        %mul3A_1095 = arith.mulf %get3A_1093, %mul3A_1094 : vector<16xf32>
        %swap3A_1096 = arith.index_cast %add3A_1066 : i32 to index
        %swap3A_1097 = arith.constant 48 : index
        %swap3A_1098 = tpu.vector_load %arg18[%swap3A_1096, %swap3A_1097] {strides = array<i32>} : memref<128x128xf32, #tpu.memory_space<vmem>>, vector<16xf32>,
        tpu.vector_store %arg18[%swap3A_1096, %swap3A_1097], %mul3A_1095 {strides = array<i32>} : memref<128x128xf32, #tpu.memory_space<vmem>>, vector<16xf32>,
        %get3A_1099 = arith.index_cast %add3A_1066 : i32 to index
        %get3A_1100 = arith.constant 64 : index
        %get3A_1101 = tpu.vector_load %arg18[%get3A_1099, %get3A_1100] {strides = array<i32>} : memref<128x128xf32, #tpu.memory_space<vmem>>, vector<16xf32>,
        %mul3A_1102 = vector.broadcast %squeeze3A_1062 : f32 to vector<16xf32>
        %mul3A_1103 = arith.mulf %get3A_1101, %mul3A_1102 : vector<16xf32>
        %swap3A_1104 = arith.index_cast %add3A_1066 : i32 to index
        %swap3A_1105 = arith.constant 64 : index
        %swap3A_1106 = tpu.vector_load %arg18[%swap3A_1104, %swap3A_1105] {strides = array<i32>} : memref<128x128xf32, #tpu.memory_space<vmem>>, vector<16xf32>,
        tpu.vector_store %arg18[%swap3A_1104, %swap3A_1105], %mul3A_1103 {strides = array<i32>} : memref<128x128xf32, #tpu.memory_space<vmem>>, vector<16xf32>,
        %get3A_1107 = arith.index_cast %add3A_1066 : i32 to index
        %get3A_1108 = arith.constant 80 : index
        %get3A_1109 = tpu.vector_load %arg18[%get3A_1107, %get3A_1108] {strides = array<i32>} : memref<128x128xf32, #tpu.memory_space<vmem>>, vector<16xf32>,
        %mul3A_1110 = vector.broadcast %squeeze3A_1062 : f32 to vector<16xf32>
        %mul3A_1111 = arith.mulf %get3A_1109, %mul3A_1110 : vector<16xf32>
        %swap3A_1112 = arith.index_cast %add3A_1066 : i32 to index
        %swap3A_1113 = arith.constant 80 : index
        %swap3A_1114 = tpu.vector_load %arg18[%swap3A_1112, %swap3A_1113] {strides = array<i32>} : memref<128x128xf32, #tpu.memory_space<vmem>>, vector<16xf32>,
        tpu.vector_store %arg18[%swap3A_1112, %swap3A_1113], %mul3A_1111 {strides = array<i32>} : memref<128x128xf32, #tpu.memory_space<vmem>>, vector<16xf32>,
        %get3A_1115 = arith.index_cast %add3A_1066 : i32 to index
        %get3A_1116 = arith.constant 96 : index
        %get3A_1117 = tpu.vector_load %arg18[%get3A_1115, %get3A_1116] {strides = array<i32>} : memref<128x128xf32, #tpu.memory_space<vmem>>, vector<16xf32>,
        %mul3A_1118 = vector.broadcast %squeeze3A_1062 : f32 to vector<16xf32>
        %mul3A_1119 = arith.mulf %get3A_1117, %mul3A_1118 : vector<16xf32>
        %swap3A_1120 = arith.index_cast %add3A_1066 : i32 to index
        %swap3A_1121 = arith.constant 96 : index
        %swap3A_1122 = tpu.vector_load %arg18[%swap3A_1120, %swap3A_1121] {strides = array<i32>} : memref<128x128xf32, #tpu.memory_space<vmem>>, vector<16xf32>,
        tpu.vector_store %arg18[%swap3A_1120, %swap3A_1121], %mul3A_1119 {strides = array<i32>} : memref<128x128xf32, #tpu.memory_space<vmem>>, vector<16xf32>,
        %get3A_1123 = arith.index_cast %add3A_1066 : i32 to index
        %get3A_1124 = arith.constant 112 : index
        %get3A_1125 = tpu.vector_load %arg18[%get3A_1123, %get3A_1124] {strides = array<i32>} : memref<128x128xf32, #tpu.memory_space<vmem>>, vector<16xf32>,
        %mul3A_1126 = vector.broadcast %squeeze3A_1062 : f32 to vector<16xf32>
        %mul3A_1127 = arith.mulf %get3A_1125, %mul3A_1126 : vector<16xf32>
        %swap3A_1128 = arith.index_cast %add3A_1066 : i32 to index
        %swap3A_1129 = arith.constant 112 : index
        %swap3A_1130 = tpu.vector_load %arg18[%swap3A_1128, %swap3A_1129] {strides = array<i32>} : memref<128x128xf32, #tpu.memory_space<vmem>>, vector<16xf32>,
        tpu.vector_store %arg18[%swap3A_1128, %swap3A_1129], %mul3A_1127 {strides = array<i32>} : memref<128x128xf32, #tpu.memory_space<vmem>>, vector<16xf32>,
        %slice3A_1131 = vector.extract_strided_slice %get3A_642 {offsets = [7], sizes = [1], strides = [1]} : vector<16xf32> to vector<1xf32>
        %squeeze3A_1132 = vector.extract %slice3A_1131[0] : f32 from vector<1xf32>
        %mul3A_1133 = arith.constant 16 : i32
        %mul3A_1134 = arith.muli %scan3A_638, %mul3A_1133 : i32
        %add3A_1135 = arith.constant 7 : i32
        %add3A_1136 = arith.addi %mul3A_1134, %add3A_1135 : i32
        %get3A_1137 = arith.index_cast %add3A_1136 : i32 to index
        %get3A_1138 = arith.constant 0 : index
        %get3A_1139 = tpu.vector_load %arg18[%get3A_1137, %get3A_1138] {strides = array<i32>} : memref<128x128xf32, #tpu.memory_space<vmem>>, vector<16xf32>,
        %mul3A_1140 = vector.broadcast %squeeze3A_1132 : f32 to vector<16xf32>
        %mul3A_1141 = arith.mulf %get3A_1139, %mul3A_1140 : vector<16xf32>
        %swap3A_1142 = arith.index_cast %add3A_1136 : i32 to index
        %swap3A_1143 = arith.constant 0 : index
        %swap3A_1144 = tpu.vector_load %arg18[%swap3A_1142, %swap3A_1143] {strides = array<i32>} : memref<128x128xf32, #tpu.memory_space<vmem>>, vector<16xf32>,
        tpu.vector_store %arg18[%swap3A_1142, %swap3A_1143], %mul3A_1141 {strides = array<i32>} : memref<128x128xf32, #tpu.memory_space<vmem>>, vector<16xf32>,
        %get3A_1145 = arith.index_cast %add3A_1136 : i32 to index
        %get3A_1146 = arith.constant 16 : index
        %get3A_1147 = tpu.vector_load %arg18[%get3A_1145, %get3A_1146] {strides = array<i32>} : memref<128x128xf32, #tpu.memory_space<vmem>>, vector<16xf32>,
        %mul3A_1148 = vector.broadcast %squeeze3A_1132 : f32 to vector<16xf32>
        %mul3A_1149 = arith.mulf %get3A_1147, %mul3A_1148 : vector<16xf32>
        %swap3A_1150 = arith.index_cast %add3A_1136 : i32 to index
        %swap3A_1151 = arith.constant 16 : index
        %swap3A_1152 = tpu.vector_load %arg18[%swap3A_1150, %swap3A_1151] {strides = array<i32>} : memref<128x128xf32, #tpu.memory_space<vmem>>, vector<16xf32>,
        tpu.vector_store %arg18[%swap3A_1150, %swap3A_1151], %mul3A_1149 {strides = array<i32>} : memref<128x128xf32, #tpu.memory_space<vmem>>, vector<16xf32>,
        %get3A_1153 = arith.index_cast %add3A_1136 : i32 to index
        %get3A_1154 = arith.constant 32 : index
        %get3A_1155 = tpu.vector_load %arg18[%get3A_1153, %get3A_1154] {strides = array<i32>} : memref<128x128xf32, #tpu.memory_space<vmem>>, vector<16xf32>,
        %mul3A_1156 = vector.broadcast %squeeze3A_1132 : f32 to vector<16xf32>
        %mul3A_1157 = arith.mulf %get3A_1155, %mul3A_1156 : vector<16xf32>
        %swap3A_1158 = arith.index_cast %add3A_1136 : i32 to index
        %swap3A_1159 = arith.constant 32 : index
        %swap3A_1160 = tpu.vector_load %arg18[%swap3A_1158, %swap3A_1159] {strides = array<i32>} : memref<128x128xf32, #tpu.memory_space<vmem>>, vector<16xf32>,
        tpu.vector_store %arg18[%swap3A_1158, %swap3A_1159], %mul3A_1157 {strides = array<i32>} : memref<128x128xf32, #tpu.memory_space<vmem>>, vector<16xf32>,
        %get3A_1161 = arith.index_cast %add3A_1136 : i32 to index
        %get3A_1162 = arith.constant 48 : index
        %get3A_1163 = tpu.vector_load %arg18[%get3A_1161, %get3A_1162] {strides = array<i32>} : memref<128x128xf32, #tpu.memory_space<vmem>>, vector<16xf32>,
        %mul3A_1164 = vector.broadcast %squeeze3A_1132 : f32 to vector<16xf32>
        %mul3A_1165 = arith.mulf %get3A_1163, %mul3A_1164 : vector<16xf32>
        %swap3A_1166 = arith.index_cast %add3A_1136 : i32 to index
        %swap3A_1167 = arith.constant 48 : index
        %swap3A_1168 = tpu.vector_load %arg18[%swap3A_1166, %swap3A_1167] {strides = array<i32>} : memref<128x128xf32, #tpu.memory_space<vmem>>, vector<16xf32>,
        tpu.vector_store %arg18[%swap3A_1166, %swap3A_1167], %mul3A_1165 {strides = array<i32>} : memref<128x128xf32, #tpu.memory_space<vmem>>, vector<16xf32>,
        %get3A_1169 = arith.index_cast %add3A_1136 : i32 to index
        %get3A_1170 = arith.constant 64 : index
        %get3A_1171 = tpu.vector_load %arg18[%get3A_1169, %get3A_1170] {strides = array<i32>} : memref<128x128xf32, #tpu.memory_space<vmem>>, vector<16xf32>,
        %mul3A_1172 = vector.broadcast %squeeze3A_1132 : f32 to vector<16xf32>
        %mul3A_1173 = arith.mulf %get3A_1171, %mul3A_1172 : vector<16xf32>
        %swap3A_1174 = arith.index_cast %add3A_1136 : i32 to index
        %swap3A_1175 = arith.constant 64 : index
        %swap3A_1176 = tpu.vector_load %arg18[%swap3A_1174, %swap3A_1175] {strides = array<i32>} : memref<128x128xf32, #tpu.memory_space<vmem>>, vector<16xf32>,
        tpu.vector_store %arg18[%swap3A_1174, %swap3A_1175], %mul3A_1173 {strides = array<i32>} : memref<128x128xf32, #tpu.memory_space<vmem>>, vector<16xf32>,
        %get3A_1177 = arith.index_cast %add3A_1136 : i32 to index
        %get3A_1178 = arith.constant 80 : index
        %get3A_1179 = tpu.vector_load %arg18[%get3A_1177, %get3A_1178] {strides = array<i32>} : memref<128x128xf32, #tpu.memory_space<vmem>>, vector<16xf32>,
        %mul3A_1180 = vector.broadcast %squeeze3A_1132 : f32 to vector<16xf32>
        %mul3A_1181 = arith.mulf %get3A_1179, %mul3A_1180 : vector<16xf32>
        %swap3A_1182 = arith.index_cast %add3A_1136 : i32 to index
        %swap3A_1183 = arith.constant 80 : index
        %swap3A_1184 = tpu.vector_load %arg18[%swap3A_1182, %swap3A_1183] {strides = array<i32>} : memref<128x128xf32, #tpu.memory_space<vmem>>, vector<16xf32>,
        tpu.vector_store %arg18[%swap3A_1182, %swap3A_1183], %mul3A_1181 {strides = array<i32>} : memref<128x128xf32, #tpu.memory_space<vmem>>, vector<16xf32>,
        %get3A_1185 = arith.index_cast %add3A_1136 : i32 to index
        %get3A_1186 = arith.constant 96 : index
        %get3A_1187 = tpu.vector_load %arg18[%get3A_1185, %get3A_1186] {strides = array<i32>} : memref<128x128xf32, #tpu.memory_space<vmem>>, vector<16xf32>,
        %mul3A_1188 = vector.broadcast %squeeze3A_1132 : f32 to vector<16xf32>
        %mul3A_1189 = arith.mulf %get3A_1187, %mul3A_1188 : vector<16xf32>
        %swap3A_1190 = arith.index_cast %add3A_1136 : i32 to index
        %swap3A_1191 = arith.constant 96 : index
        %swap3A_1192 = tpu.vector_load %arg18[%swap3A_1190, %swap3A_1191] {strides = array<i32>} : memref<128x128xf32, #tpu.memory_space<vmem>>, vector<16xf32>,
        tpu.vector_store %arg18[%swap3A_1190, %swap3A_1191], %mul3A_1189 {strides = array<i32>} : memref<128x128xf32, #tpu.memory_space<vmem>>, vector<16xf32>,
        %get3A_1193 = arith.index_cast %add3A_1136 : i32 to index
        %get3A_1194 = arith.constant 112 : index
        %get3A_1195 = tpu.vector_load %arg18[%get3A_1193, %get3A_1194] {strides = array<i32>} : memref<128x128xf32, #tpu.memory_space<vmem>>, vector<16xf32>,
        %mul3A_1196 = vector.broadcast %squeeze3A_1132 : f32 to vector<16xf32>
        %mul3A_1197 = arith.mulf %get3A_1195, %mul3A_1196 : vector<16xf32>
        %swap3A_1198 = arith.index_cast %add3A_1136 : i32 to index
        %swap3A_1199 = arith.constant 112 : index
        %swap3A_1200 = tpu.vector_load %arg18[%swap3A_1198, %swap3A_1199] {strides = array<i32>} : memref<128x128xf32, #tpu.memory_space<vmem>>, vector<16xf32>,
        tpu.vector_store %arg18[%swap3A_1198, %swap3A_1199], %mul3A_1197 {strides = array<i32>} : memref<128x128xf32, #tpu.memory_space<vmem>>, vector<16xf32>,
        %slice3A_1201 = vector.extract_strided_slice %get3A_642 {offsets = [8], sizes = [1], strides = [1]} : vector<16xf32> to vector<1xf32>
        %squeeze3A_1202 = vector.extract %slice3A_1201[0] : f32 from vector<1xf32>
        %mul3A_1203 = arith.constant 16 : i32
        %mul3A_1204 = arith.muli %scan3A_638, %mul3A_1203 : i32
        %add3A_1205 = arith.constant 8 : i32
        %add3A_1206 = arith.addi %mul3A_1204, %add3A_1205 : i32
        %get3A_1207 = arith.index_cast %add3A_1206 : i32 to index
        %get3A_1208 = arith.constant 0 : index
        %get3A_1209 = tpu.vector_load %arg18[%get3A_1207, %get3A_1208] {strides = array<i32>} : memref<128x128xf32, #tpu.memory_space<vmem>>, vector<16xf32>,
        %mul3A_1210 = vector.broadcast %squeeze3A_1202 : f32 to vector<16xf32>
        %mul3A_1211 = arith.mulf %get3A_1209, %mul3A_1210 : vector<16xf32>
        %swap3A_1212 = arith.index_cast %add3A_1206 : i32 to index
        %swap3A_1213 = arith.constant 0 : index
        %swap3A_1214 = tpu.vector_load %arg18[%swap3A_1212, %swap3A_1213] {strides = array<i32>} : memref<128x128xf32, #tpu.memory_space<vmem>>, vector<16xf32>,
        tpu.vector_store %arg18[%swap3A_1212, %swap3A_1213], %mul3A_1211 {strides = array<i32>} : memref<128x128xf32, #tpu.memory_space<vmem>>, vector<16xf32>,
        %get3A_1215 = arith.index_cast %add3A_1206 : i32 to index
        %get3A_1216 = arith.constant 16 : index
        %get3A_1217 = tpu.vector_load %arg18[%get3A_1215, %get3A_1216] {strides = array<i32>} : memref<128x128xf32, #tpu.memory_space<vmem>>, vector<16xf32>,
        %mul3A_1218 = vector.broadcast %squeeze3A_1202 : f32 to vector<16xf32>
        %mul3A_1219 = arith.mulf %get3A_1217, %mul3A_1218 : vector<16xf32>
        %swap3A_1220 = arith.index_cast %add3A_1206 : i32 to index
        %swap3A_1221 = arith.constant 16 : index
        %swap3A_1222 = tpu.vector_load %arg18[%swap3A_1220, %swap3A_1221] {strides = array<i32>} : memref<128x128xf32, #tpu.memory_space<vmem>>, vector<16xf32>,
        tpu.vector_store %arg18[%swap3A_1220, %swap3A_1221], %mul3A_1219 {strides = array<i32>} : memref<128x128xf32, #tpu.memory_space<vmem>>, vector<16xf32>,
        %get3A_1223 = arith.index_cast %add3A_1206 : i32 to index
        %get3A_1224 = arith.constant 32 : index
        %get3A_1225 = tpu.vector_load %arg18[%get3A_1223, %get3A_1224] {strides = array<i32>} : memref<128x128xf32, #tpu.memory_space<vmem>>, vector<16xf32>,
        %mul3A_1226 = vector.broadcast %squeeze3A_1202 : f32 to vector<16xf32>
        %mul3A_1227 = arith.mulf %get3A_1225, %mul3A_1226 : vector<16xf32>
        %swap3A_1228 = arith.index_cast %add3A_1206 : i32 to index
        %swap3A_1229 = arith.constant 32 : index
        %swap3A_1230 = tpu.vector_load %arg18[%swap3A_1228, %swap3A_1229] {strides = array<i32>} : memref<128x128xf32, #tpu.memory_space<vmem>>, vector<16xf32>,
        tpu.vector_store %arg18[%swap3A_1228, %swap3A_1229], %mul3A_1227 {strides = array<i32>} : memref<128x128xf32, #tpu.memory_space<vmem>>, vector<16xf32>,
        %get3A_1231 = arith.index_cast %add3A_1206 : i32 to index
        %get3A_1232 = arith.constant 48 : index
        %get3A_1233 = tpu.vector_load %arg18[%get3A_1231, %get3A_1232] {strides = array<i32>} : memref<128x128xf32, #tpu.memory_space<vmem>>, vector<16xf32>,
        %mul3A_1234 = vector.broadcast %squeeze3A_1202 : f32 to vector<16xf32>
        %mul3A_1235 = arith.mulf %get3A_1233, %mul3A_1234 : vector<16xf32>
        %swap3A_1236 = arith.index_cast %add3A_1206 : i32 to index
        %swap3A_1237 = arith.constant 48 : index
        %swap3A_1238 = tpu.vector_load %arg18[%swap3A_1236, %swap3A_1237] {strides = array<i32>} : memref<128x128xf32, #tpu.memory_space<vmem>>, vector<16xf32>,
        tpu.vector_store %arg18[%swap3A_1236, %swap3A_1237], %mul3A_1235 {strides = array<i32>} : memref<128x128xf32, #tpu.memory_space<vmem>>, vector<16xf32>,
        %get3A_1239 = arith.index_cast %add3A_1206 : i32 to index
        %get3A_1240 = arith.constant 64 : index
        %get3A_1241 = tpu.vector_load %arg18[%get3A_1239, %get3A_1240] {strides = array<i32>} : memref<128x128xf32, #tpu.memory_space<vmem>>, vector<16xf32>,
        %mul3A_1242 = vector.broadcast %squeeze3A_1202 : f32 to vector<16xf32>
        %mul3A_1243 = arith.mulf %get3A_1241, %mul3A_1242 : vector<16xf32>
        %swap3A_1244 = arith.index_cast %add3A_1206 : i32 to index
        %swap3A_1245 = arith.constant 64 : index
        %swap3A_1246 = tpu.vector_load %arg18[%swap3A_1244, %swap3A_1245] {strides = array<i32>} : memref<128x128xf32, #tpu.memory_space<vmem>>, vector<16xf32>,
        tpu.vector_store %arg18[%swap3A_1244, %swap3A_1245], %mul3A_1243 {strides = array<i32>} : memref<128x128xf32, #tpu.memory_space<vmem>>, vector<16xf32>,
        %get3A_1247 = arith.index_cast %add3A_1206 : i32 to index
        %get3A_1248 = arith.constant 80 : index
        %get3A_1249 = tpu.vector_load %arg18[%get3A_1247, %get3A_1248] {strides = array<i32>} : memref<128x128xf32, #tpu.memory_space<vmem>>, vector<16xf32>,
        %mul3A_1250 = vector.broadcast %squeeze3A_1202 : f32 to vector<16xf32>
        %mul3A_1251 = arith.mulf %get3A_1249, %mul3A_1250 : vector<16xf32>
        %swap3A_1252 = arith.index_cast %add3A_1206 : i32 to index
        %swap3A_1253 = arith.constant 80 : index
        %swap3A_1254 = tpu.vector_load %arg18[%swap3A_1252, %swap3A_1253] {strides = array<i32>} : memref<128x128xf32, #tpu.memory_space<vmem>>, vector<16xf32>,
        tpu.vector_store %arg18[%swap3A_1252, %swap3A_1253], %mul3A_1251 {strides = array<i32>} : memref<128x128xf32, #tpu.memory_space<vmem>>, vector<16xf32>,
        %get3A_1255 = arith.index_cast %add3A_1206 : i32 to index
        %get3A_1256 = arith.constant 96 : index
        %get3A_1257 = tpu.vector_load %arg18[%get3A_1255, %get3A_1256] {strides = array<i32>} : memref<128x128xf32, #tpu.memory_space<vmem>>, vector<16xf32>,
        %mul3A_1258 = vector.broadcast %squeeze3A_1202 : f32 to vector<16xf32>
        %mul3A_1259 = arith.mulf %get3A_1257, %mul3A_1258 : vector<16xf32>
        %swap3A_1260 = arith.index_cast %add3A_1206 : i32 to index
        %swap3A_1261 = arith.constant 96 : index
        %swap3A_1262 = tpu.vector_load %arg18[%swap3A_1260, %swap3A_1261] {strides = array<i32>} : memref<128x128xf32, #tpu.memory_space<vmem>>, vector<16xf32>,
        tpu.vector_store %arg18[%swap3A_1260, %swap3A_1261], %mul3A_1259 {strides = array<i32>} : memref<128x128xf32, #tpu.memory_space<vmem>>, vector<16xf32>,
        %get3A_1263 = arith.index_cast %add3A_1206 : i32 to index
        %get3A_1264 = arith.constant 112 : index
        %get3A_1265 = tpu.vector_load %arg18[%get3A_1263, %get3A_1264] {strides = array<i32>} : memref<128x128xf32, #tpu.memory_space<vmem>>, vector<16xf32>,
        %mul3A_1266 = vector.broadcast %squeeze3A_1202 : f32 to vector<16xf32>
        %mul3A_1267 = arith.mulf %get3A_1265, %mul3A_1266 : vector<16xf32>
        %swap3A_1268 = arith.index_cast %add3A_1206 : i32 to index
        %swap3A_1269 = arith.constant 112 : index
        %swap3A_1270 = tpu.vector_load %arg18[%swap3A_1268, %swap3A_1269] {strides = array<i32>} : memref<128x128xf32, #tpu.memory_space<vmem>>, vector<16xf32>,
        tpu.vector_store %arg18[%swap3A_1268, %swap3A_1269], %mul3A_1267 {strides = array<i32>} : memref<128x128xf32, #tpu.memory_space<vmem>>, vector<16xf32>,
        %slice3A_1271 = vector.extract_strided_slice %get3A_642 {offsets = [9], sizes = [1], strides = [1]} : vector<16xf32> to vector<1xf32>
        %squeeze3A_1272 = vector.extract %slice3A_1271[0] : f32 from vector<1xf32>
        %mul3A_1273 = arith.constant 16 : i32
        %mul3A_1274 = arith.muli %scan3A_638, %mul3A_1273 : i32
        %add3A_1275 = arith.constant 9 : i32
        %add3A_1276 = arith.addi %mul3A_1274, %add3A_1275 : i32
        %get3A_1277 = arith.index_cast %add3A_1276 : i32 to index
        %get3A_1278 = arith.constant 0 : index
        %get3A_1279 = tpu.vector_load %arg18[%get3A_1277, %get3A_1278] {strides = array<i32>} : memref<128x128xf32, #tpu.memory_space<vmem>>, vector<16xf32>,
        %mul3A_1280 = vector.broadcast %squeeze3A_1272 : f32 to vector<16xf32>
        %mul3A_1281 = arith.mulf %get3A_1279, %mul3A_1280 : vector<16xf32>
        %swap3A_1282 = arith.index_cast %add3A_1276 : i32 to index
        %swap3A_1283 = arith.constant 0 : index
        %swap3A_1284 = tpu.vector_load %arg18[%swap3A_1282, %swap3A_1283] {strides = array<i32>} : memref<128x128xf32, #tpu.memory_space<vmem>>, vector<16xf32>,
        tpu.vector_store %arg18[%swap3A_1282, %swap3A_1283], %mul3A_1281 {strides = array<i32>} : memref<128x128xf32, #tpu.memory_space<vmem>>, vector<16xf32>,
        %get3A_1285 = arith.index_cast %add3A_1276 : i32 to index
        %get3A_1286 = arith.constant 16 : index
        %get3A_1287 = tpu.vector_load %arg18[%get3A_1285, %get3A_1286] {strides = array<i32>} : memref<128x128xf32, #tpu.memory_space<vmem>>, vector<16xf32>,
        %mul3A_1288 = vector.broadcast %squeeze3A_1272 : f32 to vector<16xf32>
        %mul3A_1289 = arith.mulf %get3A_1287, %mul3A_1288 : vector<16xf32>
        %swap3A_1290 = arith.index_cast %add3A_1276 : i32 to index
        %swap3A_1291 = arith.constant 16 : index
        %swap3A_1292 = tpu.vector_load %arg18[%swap3A_1290, %swap3A_1291] {strides = array<i32>} : memref<128x128xf32, #tpu.memory_space<vmem>>, vector<16xf32>,
        tpu.vector_store %arg18[%swap3A_1290, %swap3A_1291], %mul3A_1289 {strides = array<i32>} : memref<128x128xf32, #tpu.memory_space<vmem>>, vector<16xf32>,
        %get3A_1293 = arith.index_cast %add3A_1276 : i32 to index
        %get3A_1294 = arith.constant 32 : index
        %get3A_1295 = tpu.vector_load %arg18[%get3A_1293, %get3A_1294] {strides = array<i32>} : memref<128x128xf32, #tpu.memory_space<vmem>>, vector<16xf32>,
        %mul3A_1296 = vector.broadcast %squeeze3A_1272 : f32 to vector<16xf32>
        %mul3A_1297 = arith.mulf %get3A_1295, %mul3A_1296 : vector<16xf32>
        %swap3A_1298 = arith.index_cast %add3A_1276 : i32 to index
        %swap3A_1299 = arith.constant 32 : index
        %swap3A_1300 = tpu.vector_load %arg18[%swap3A_1298, %swap3A_1299] {strides = array<i32>} : memref<128x128xf32, #tpu.memory_space<vmem>>, vector<16xf32>,
        tpu.vector_store %arg18[%swap3A_1298, %swap3A_1299], %mul3A_1297 {strides = array<i32>} : memref<128x128xf32, #tpu.memory_space<vmem>>, vector<16xf32>,
        %get3A_1301 = arith.index_cast %add3A_1276 : i32 to index
        %get3A_1302 = arith.constant 48 : index
        %get3A_1303 = tpu.vector_load %arg18[%get3A_1301, %get3A_1302] {strides = array<i32>} : memref<128x128xf32, #tpu.memory_space<vmem>>, vector<16xf32>,
        %mul3A_1304 = vector.broadcast %squeeze3A_1272 : f32 to vector<16xf32>
        %mul3A_1305 = arith.mulf %get3A_1303, %mul3A_1304 : vector<16xf32>
        %swap3A_1306 = arith.index_cast %add3A_1276 : i32 to index
        %swap3A_1307 = arith.constant 48 : index
        %swap3A_1308 = tpu.vector_load %arg18[%swap3A_1306, %swap3A_1307] {strides = array<i32>} : memref<128x128xf32, #tpu.memory_space<vmem>>, vector<16xf32>,
        tpu.vector_store %arg18[%swap3A_1306, %swap3A_1307], %mul3A_1305 {strides = array<i32>} : memref<128x128xf32, #tpu.memory_space<vmem>>, vector<16xf32>,
        %get3A_1309 = arith.index_cast %add3A_1276 : i32 to index
        %get3A_1310 = arith.constant 64 : index
        %get3A_1311 = tpu.vector_load %arg18[%get3A_1309, %get3A_1310] {strides = array<i32>} : memref<128x128xf32, #tpu.memory_space<vmem>>, vector<16xf32>,
        %mul3A_1312 = vector.broadcast %squeeze3A_1272 : f32 to vector<16xf32>
        %mul3A_1313 = arith.mulf %get3A_1311, %mul3A_1312 : vector<16xf32>
        %swap3A_1314 = arith.index_cast %add3A_1276 : i32 to index
        %swap3A_1315 = arith.constant 64 : index
        %swap3A_1316 = tpu.vector_load %arg18[%swap3A_1314, %swap3A_1315] {strides = array<i32>} : memref<128x128xf32, #tpu.memory_space<vmem>>, vector<16xf32>,
        tpu.vector_store %arg18[%swap3A_1314, %swap3A_1315], %mul3A_1313 {strides = array<i32>} : memref<128x128xf32, #tpu.memory_space<vmem>>, vector<16xf32>,
        %get3A_1317 = arith.index_cast %add3A_1276 : i32 to index
        %get3A_1318 = arith.constant 80 : index
        %get3A_1319 = tpu.vector_load %arg18[%get3A_1317, %get3A_1318] {strides = array<i32>} : memref<128x128xf32, #tpu.memory_space<vmem>>, vector<16xf32>,
        %mul3A_1320 = vector.broadcast %squeeze3A_1272 : f32 to vector<16xf32>
        %mul3A_1321 = arith.mulf %get3A_1319, %mul3A_1320 : vector<16xf32>
        %swap3A_1322 = arith.index_cast %add3A_1276 : i32 to index
        %swap3A_1323 = arith.constant 80 : index
        %swap3A_1324 = tpu.vector_load %arg18[%swap3A_1322, %swap3A_1323] {strides = array<i32>} : memref<128x128xf32, #tpu.memory_space<vmem>>, vector<16xf32>,
        tpu.vector_store %arg18[%swap3A_1322, %swap3A_1323], %mul3A_1321 {strides = array<i32>} : memref<128x128xf32, #tpu.memory_space<vmem>>, vector<16xf32>,
        %get3A_1325 = arith.index_cast %add3A_1276 : i32 to index
        %get3A_1326 = arith.constant 96 : index
        %get3A_1327 = tpu.vector_load %arg18[%get3A_1325, %get3A_1326] {strides = array<i32>} : memref<128x128xf32, #tpu.memory_space<vmem>>, vector<16xf32>,
        %mul3A_1328 = vector.broadcast %squeeze3A_1272 : f32 to vector<16xf32>
        %mul3A_1329 = arith.mulf %get3A_1327, %mul3A_1328 : vector<16xf32>
        %swap3A_1330 = arith.index_cast %add3A_1276 : i32 to index
        %swap3A_1331 = arith.constant 96 : index
        %swap3A_1332 = tpu.vector_load %arg18[%swap3A_1330, %swap3A_1331] {strides = array<i32>} : memref<128x128xf32, #tpu.memory_space<vmem>>, vector<16xf32>,
        tpu.vector_store %arg18[%swap3A_1330, %swap3A_1331], %mul3A_1329 {strides = array<i32>} : memref<128x128xf32, #tpu.memory_space<vmem>>, vector<16xf32>,
        %get3A_1333 = arith.index_cast %add3A_1276 : i32 to index
        %get3A_1334 = arith.constant 112 : index
        %get3A_1335 = tpu.vector_load %arg18[%get3A_1333, %get3A_1334] {strides = array<i32>} : memref<128x128xf32, #tpu.memory_space<vmem>>, vector<16xf32>,
        %mul3A_1336 = vector.broadcast %squeeze3A_1272 : f32 to vector<16xf32>
        %mul3A_1337 = arith.mulf %get3A_1335, %mul3A_1336 : vector<16xf32>
        %swap3A_1338 = arith.index_cast %add3A_1276 : i32 to index
        %swap3A_1339 = arith.constant 112 : index
        %swap3A_1340 = tpu.vector_load %arg18[%swap3A_1338, %swap3A_1339] {strides = array<i32>} : memref<128x128xf32, #tpu.memory_space<vmem>>, vector<16xf32>,
        tpu.vector_store %arg18[%swap3A_1338, %swap3A_1339], %mul3A_1337 {strides = array<i32>} : memref<128x128xf32, #tpu.memory_space<vmem>>, vector<16xf32>,
        %slice3A_1341 = vector.extract_strided_slice %get3A_642 {offsets = [10], sizes = [1], strides = [1]} : vector<16xf32> to vector<1xf32>
        %squeeze3A_1342 = vector.extract %slice3A_1341[0] : f32 from vector<1xf32>
        %mul3A_1343 = arith.constant 16 : i32
        %mul3A_1344 = arith.muli %scan3A_638, %mul3A_1343 : i32
        %add3A_1345 = arith.constant 10 : i32
        %add3A_1346 = arith.addi %mul3A_1344, %add3A_1345 : i32
        %get3A_1347 = arith.index_cast %add3A_1346 : i32 to index
        %get3A_1348 = arith.constant 0 : index
        %get3A_1349 = tpu.vector_load %arg18[%get3A_1347, %get3A_1348] {strides = array<i32>} : memref<128x128xf32, #tpu.memory_space<vmem>>, vector<16xf32>,
        %mul3A_1350 = vector.broadcast %squeeze3A_1342 : f32 to vector<16xf32>
        %mul3A_1351 = arith.mulf %get3A_1349, %mul3A_1350 : vector<16xf32>
        %swap3A_1352 = arith.index_cast %add3A_1346 : i32 to index
        %swap3A_1353 = arith.constant 0 : index
        %swap3A_1354 = tpu.vector_load %arg18[%swap3A_1352, %swap3A_1353] {strides = array<i32>} : memref<128x128xf32, #tpu.memory_space<vmem>>, vector<16xf32>,
        tpu.vector_store %arg18[%swap3A_1352, %swap3A_1353], %mul3A_1351 {strides = array<i32>} : memref<128x128xf32, #tpu.memory_space<vmem>>, vector<16xf32>,
        %get3A_1355 = arith.index_cast %add3A_1346 : i32 to index
        %get3A_1356 = arith.constant 16 : index
        %get3A_1357 = tpu.vector_load %arg18[%get3A_1355, %get3A_1356] {strides = array<i32>} : memref<128x128xf32, #tpu.memory_space<vmem>>, vector<16xf32>,
        %mul3A_1358 = vector.broadcast %squeeze3A_1342 : f32 to vector<16xf32>
        %mul3A_1359 = arith.mulf %get3A_1357, %mul3A_1358 : vector<16xf32>
        %swap3A_1360 = arith.index_cast %add3A_1346 : i32 to index
        %swap3A_1361 = arith.constant 16 : index
        %swap3A_1362 = tpu.vector_load %arg18[%swap3A_1360, %swap3A_1361] {strides = array<i32>} : memref<128x128xf32, #tpu.memory_space<vmem>>, vector<16xf32>,
        tpu.vector_store %arg18[%swap3A_1360, %swap3A_1361], %mul3A_1359 {strides = array<i32>} : memref<128x128xf32, #tpu.memory_space<vmem>>, vector<16xf32>,
        %get3A_1363 = arith.index_cast %add3A_1346 : i32 to index
        %get3A_1364 = arith.constant 32 : index
        %get3A_1365 = tpu.vector_load %arg18[%get3A_1363, %get3A_1364] {strides = array<i32>} : memref<128x128xf32, #tpu.memory_space<vmem>>, vector<16xf32>,
        %mul3A_1366 = vector.broadcast %squeeze3A_1342 : f32 to vector<16xf32>
        %mul3A_1367 = arith.mulf %get3A_1365, %mul3A_1366 : vector<16xf32>
        %swap3A_1368 = arith.index_cast %add3A_1346 : i32 to index
        %swap3A_1369 = arith.constant 32 : index
        %swap3A_1370 = tpu.vector_load %arg18[%swap3A_1368, %swap3A_1369] {strides = array<i32>} : memref<128x128xf32, #tpu.memory_space<vmem>>, vector<16xf32>,
        tpu.vector_store %arg18[%swap3A_1368, %swap3A_1369], %mul3A_1367 {strides = array<i32>} : memref<128x128xf32, #tpu.memory_space<vmem>>, vector<16xf32>,
        %get3A_1371 = arith.index_cast %add3A_1346 : i32 to index
        %get3A_1372 = arith.constant 48 : index
        %get3A_1373 = tpu.vector_load %arg18[%get3A_1371, %get3A_1372] {strides = array<i32>} : memref<128x128xf32, #tpu.memory_space<vmem>>, vector<16xf32>,
        %mul3A_1374 = vector.broadcast %squeeze3A_1342 : f32 to vector<16xf32>
        %mul3A_1375 = arith.mulf %get3A_1373, %mul3A_1374 : vector<16xf32>
        %swap3A_1376 = arith.index_cast %add3A_1346 : i32 to index
        %swap3A_1377 = arith.constant 48 : index
        %swap3A_1378 = tpu.vector_load %arg18[%swap3A_1376, %swap3A_1377] {strides = array<i32>} : memref<128x128xf32, #tpu.memory_space<vmem>>, vector<16xf32>,
        tpu.vector_store %arg18[%swap3A_1376, %swap3A_1377], %mul3A_1375 {strides = array<i32>} : memref<128x128xf32, #tpu.memory_space<vmem>>, vector<16xf32>,
        %get3A_1379 = arith.index_cast %add3A_1346 : i32 to index
        %get3A_1380 = arith.constant 64 : index
        %get3A_1381 = tpu.vector_load %arg18[%get3A_1379, %get3A_1380] {strides = array<i32>} : memref<128x128xf32, #tpu.memory_space<vmem>>, vector<16xf32>,
        %mul3A_1382 = vector.broadcast %squeeze3A_1342 : f32 to vector<16xf32>
        %mul3A_1383 = arith.mulf %get3A_1381, %mul3A_1382 : vector<16xf32>
        %swap3A_1384 = arith.index_cast %add3A_1346 : i32 to index
        %swap3A_1385 = arith.constant 64 : index
        %swap3A_1386 = tpu.vector_load %arg18[%swap3A_1384, %swap3A_1385] {strides = array<i32>} : memref<128x128xf32, #tpu.memory_space<vmem>>, vector<16xf32>,
        tpu.vector_store %arg18[%swap3A_1384, %swap3A_1385], %mul3A_1383 {strides = array<i32>} : memref<128x128xf32, #tpu.memory_space<vmem>>, vector<16xf32>,
        %get3A_1387 = arith.index_cast %add3A_1346 : i32 to index
        %get3A_1388 = arith.constant 80 : index
        %get3A_1389 = tpu.vector_load %arg18[%get3A_1387, %get3A_1388] {strides = array<i32>} : memref<128x128xf32, #tpu.memory_space<vmem>>, vector<16xf32>,
        %mul3A_1390 = vector.broadcast %squeeze3A_1342 : f32 to vector<16xf32>
        %mul3A_1391 = arith.mulf %get3A_1389, %mul3A_1390 : vector<16xf32>
        %swap3A_1392 = arith.index_cast %add3A_1346 : i32 to index
        %swap3A_1393 = arith.constant 80 : index
        %swap3A_1394 = tpu.vector_load %arg18[%swap3A_1392, %swap3A_1393] {strides = array<i32>} : memref<128x128xf32, #tpu.memory_space<vmem>>, vector<16xf32>,
        tpu.vector_store %arg18[%swap3A_1392, %swap3A_1393], %mul3A_1391 {strides = array<i32>} : memref<128x128xf32, #tpu.memory_space<vmem>>, vector<16xf32>,
        %get3A_1395 = arith.index_cast %add3A_1346 : i32 to index
        %get3A_1396 = arith.constant 96 : index
        %get3A_1397 = tpu.vector_load %arg18[%get3A_1395, %get3A_1396] {strides = array<i32>} : memref<128x128xf32, #tpu.memory_space<vmem>>, vector<16xf32>,
        %mul3A_1398 = vector.broadcast %squeeze3A_1342 : f32 to vector<16xf32>
        %mul3A_1399 = arith.mulf %get3A_1397, %mul3A_1398 : vector<16xf32>
        %swap3A_1400 = arith.index_cast %add3A_1346 : i32 to index
        %swap3A_1401 = arith.constant 96 : index
        %swap3A_1402 = tpu.vector_load %arg18[%swap3A_1400, %swap3A_1401] {strides = array<i32>} : memref<128x128xf32, #tpu.memory_space<vmem>>, vector<16xf32>,
        tpu.vector_store %arg18[%swap3A_1400, %swap3A_1401], %mul3A_1399 {strides = array<i32>} : memref<128x128xf32, #tpu.memory_space<vmem>>, vector<16xf32>,
        %get3A_1403 = arith.index_cast %add3A_1346 : i32 to index
        %get3A_1404 = arith.constant 112 : index
        %get3A_1405 = tpu.vector_load %arg18[%get3A_1403, %get3A_1404] {strides = array<i32>} : memref<128x128xf32, #tpu.memory_space<vmem>>, vector<16xf32>,
        %mul3A_1406 = vector.broadcast %squeeze3A_1342 : f32 to vector<16xf32>
        %mul3A_1407 = arith.mulf %get3A_1405, %mul3A_1406 : vector<16xf32>
        %swap3A_1408 = arith.index_cast %add3A_1346 : i32 to index
        %swap3A_1409 = arith.constant 112 : index
        %swap3A_1410 = tpu.vector_load %arg18[%swap3A_1408, %swap3A_1409] {strides = array<i32>} : memref<128x128xf32, #tpu.memory_space<vmem>>, vector<16xf32>,
        tpu.vector_store %arg18[%swap3A_1408, %swap3A_1409], %mul3A_1407 {strides = array<i32>} : memref<128x128xf32, #tpu.memory_space<vmem>>, vector<16xf32>,
        %slice3A_1411 = vector.extract_strided_slice %get3A_642 {offsets = [11], sizes = [1], strides = [1]} : vector<16xf32> to vector<1xf32>
        %squeeze3A_1412 = vector.extract %slice3A_1411[0] : f32 from vector<1xf32>
        %mul3A_1413 = arith.constant 16 : i32
        %mul3A_1414 = arith.muli %scan3A_638, %mul3A_1413 : i32
        %add3A_1415 = arith.constant 11 : i32
        %add3A_1416 = arith.addi %mul3A_1414, %add3A_1415 : i32
        %get3A_1417 = arith.index_cast %add3A_1416 : i32 to index
        %get3A_1418 = arith.constant 0 : index
        %get3A_1419 = tpu.vector_load %arg18[%get3A_1417, %get3A_1418] {strides = array<i32>} : memref<128x128xf32, #tpu.memory_space<vmem>>, vector<16xf32>,
        %mul3A_1420 = vector.broadcast %squeeze3A_1412 : f32 to vector<16xf32>
        %mul3A_1421 = arith.mulf %get3A_1419, %mul3A_1420 : vector<16xf32>
        %swap3A_1422 = arith.index_cast %add3A_1416 : i32 to index
        %swap3A_1423 = arith.constant 0 : index
        %swap3A_1424 = tpu.vector_load %arg18[%swap3A_1422, %swap3A_1423] {strides = array<i32>} : memref<128x128xf32, #tpu.memory_space<vmem>>, vector<16xf32>,
        tpu.vector_store %arg18[%swap3A_1422, %swap3A_1423], %mul3A_1421 {strides = array<i32>} : memref<128x128xf32, #tpu.memory_space<vmem>>, vector<16xf32>,
        %get3A_1425 = arith.index_cast %add3A_1416 : i32 to index
        %get3A_1426 = arith.constant 16 : index
        %get3A_1427 = tpu.vector_load %arg18[%get3A_1425, %get3A_1426] {strides = array<i32>} : memref<128x128xf32, #tpu.memory_space<vmem>>, vector<16xf32>,
        %mul3A_1428 = vector.broadcast %squeeze3A_1412 : f32 to vector<16xf32>
        %mul3A_1429 = arith.mulf %get3A_1427, %mul3A_1428 : vector<16xf32>
        %swap3A_1430 = arith.index_cast %add3A_1416 : i32 to index
        %swap3A_1431 = arith.constant 16 : index
        %swap3A_1432 = tpu.vector_load %arg18[%swap3A_1430, %swap3A_1431] {strides = array<i32>} : memref<128x128xf32, #tpu.memory_space<vmem>>, vector<16xf32>,
        tpu.vector_store %arg18[%swap3A_1430, %swap3A_1431], %mul3A_1429 {strides = array<i32>} : memref<128x128xf32, #tpu.memory_space<vmem>>, vector<16xf32>,
        %get3A_1433 = arith.index_cast %add3A_1416 : i32 to index
        %get3A_1434 = arith.constant 32 : index
        %get3A_1435 = tpu.vector_load %arg18[%get3A_1433, %get3A_1434] {strides = array<i32>} : memref<128x128xf32, #tpu.memory_space<vmem>>, vector<16xf32>,
        %mul3A_1436 = vector.broadcast %squeeze3A_1412 : f32 to vector<16xf32>
        %mul3A_1437 = arith.mulf %get3A_1435, %mul3A_1436 : vector<16xf32>
        %swap3A_1438 = arith.index_cast %add3A_1416 : i32 to index
        %swap3A_1439 = arith.constant 32 : index
        %swap3A_1440 = tpu.vector_load %arg18[%swap3A_1438, %swap3A_1439] {strides = array<i32>} : memref<128x128xf32, #tpu.memory_space<vmem>>, vector<16xf32>,
        tpu.vector_store %arg18[%swap3A_1438, %swap3A_1439], %mul3A_1437 {strides = array<i32>} : memref<128x128xf32, #tpu.memory_space<vmem>>, vector<16xf32>,
        %get3A_1441 = arith.index_cast %add3A_1416 : i32 to index
        %get3A_1442 = arith.constant 48 : index
        %get3A_1443 = tpu.vector_load %arg18[%get3A_1441, %get3A_1442] {strides = array<i32>} : memref<128x128xf32, #tpu.memory_space<vmem>>, vector<16xf32>,
        %mul3A_1444 = vector.broadcast %squeeze3A_1412 : f32 to vector<16xf32>
        %mul3A_1445 = arith.mulf %get3A_1443, %mul3A_1444 : vector<16xf32>
        %swap3A_1446 = arith.index_cast %add3A_1416 : i32 to index
        %swap3A_1447 = arith.constant 48 : index
        %swap3A_1448 = tpu.vector_load %arg18[%swap3A_1446, %swap3A_1447] {strides = array<i32>} : memref<128x128xf32, #tpu.memory_space<vmem>>, vector<16xf32>,
        tpu.vector_store %arg18[%swap3A_1446, %swap3A_1447], %mul3A_1445 {strides = array<i32>} : memref<128x128xf32, #tpu.memory_space<vmem>>, vector<16xf32>,
        %get3A_1449 = arith.index_cast %add3A_1416 : i32 to index
        %get3A_1450 = arith.constant 64 : index
        %get3A_1451 = tpu.vector_load %arg18[%get3A_1449, %get3A_1450] {strides = array<i32>} : memref<128x128xf32, #tpu.memory_space<vmem>>, vector<16xf32>,
        %mul3A_1452 = vector.broadcast %squeeze3A_1412 : f32 to vector<16xf32>
        %mul3A_1453 = arith.mulf %get3A_1451, %mul3A_1452 : vector<16xf32>
        %swap3A_1454 = arith.index_cast %add3A_1416 : i32 to index
        %swap3A_1455 = arith.constant 64 : index
        %swap3A_1456 = tpu.vector_load %arg18[%swap3A_1454, %swap3A_1455] {strides = array<i32>} : memref<128x128xf32, #tpu.memory_space<vmem>>, vector<16xf32>,
        tpu.vector_store %arg18[%swap3A_1454, %swap3A_1455], %mul3A_1453 {strides = array<i32>} : memref<128x128xf32, #tpu.memory_space<vmem>>, vector<16xf32>,
        %get3A_1457 = arith.index_cast %add3A_1416 : i32 to index
        %get3A_1458 = arith.constant 80 : index
        %get3A_1459 = tpu.vector_load %arg18[%get3A_1457, %get3A_1458] {strides = array<i32>} : memref<128x128xf32, #tpu.memory_space<vmem>>, vector<16xf32>,
        %mul3A_1460 = vector.broadcast %squeeze3A_1412 : f32 to vector<16xf32>
        %mul3A_1461 = arith.mulf %get3A_1459, %mul3A_1460 : vector<16xf32>
        %swap3A_1462 = arith.index_cast %add3A_1416 : i32 to index
        %swap3A_1463 = arith.constant 80 : index
        %swap3A_1464 = tpu.vector_load %arg18[%swap3A_1462, %swap3A_1463] {strides = array<i32>} : memref<128x128xf32, #tpu.memory_space<vmem>>, vector<16xf32>,
        tpu.vector_store %arg18[%swap3A_1462, %swap3A_1463], %mul3A_1461 {strides = array<i32>} : memref<128x128xf32, #tpu.memory_space<vmem>>, vector<16xf32>,
        %get3A_1465 = arith.index_cast %add3A_1416 : i32 to index
        %get3A_1466 = arith.constant 96 : index
        %get3A_1467 = tpu.vector_load %arg18[%get3A_1465, %get3A_1466] {strides = array<i32>} : memref<128x128xf32, #tpu.memory_space<vmem>>, vector<16xf32>,
        %mul3A_1468 = vector.broadcast %squeeze3A_1412 : f32 to vector<16xf32>
        %mul3A_1469 = arith.mulf %get3A_1467, %mul3A_1468 : vector<16xf32>
        %swap3A_1470 = arith.index_cast %add3A_1416 : i32 to index
        %swap3A_1471 = arith.constant 96 : index
        %swap3A_1472 = tpu.vector_load %arg18[%swap3A_1470, %swap3A_1471] {strides = array<i32>} : memref<128x128xf32, #tpu.memory_space<vmem>>, vector<16xf32>,
        tpu.vector_store %arg18[%swap3A_1470, %swap3A_1471], %mul3A_1469 {strides = array<i32>} : memref<128x128xf32, #tpu.memory_space<vmem>>, vector<16xf32>,
        %get3A_1473 = arith.index_cast %add3A_1416 : i32 to index
        %get3A_1474 = arith.constant 112 : index
        %get3A_1475 = tpu.vector_load %arg18[%get3A_1473, %get3A_1474] {strides = array<i32>} : memref<128x128xf32, #tpu.memory_space<vmem>>, vector<16xf32>,
        %mul3A_1476 = vector.broadcast %squeeze3A_1412 : f32 to vector<16xf32>
        %mul3A_1477 = arith.mulf %get3A_1475, %mul3A_1476 : vector<16xf32>
        %swap3A_1478 = arith.index_cast %add3A_1416 : i32 to index
        %swap3A_1479 = arith.constant 112 : index
        %swap3A_1480 = tpu.vector_load %arg18[%swap3A_1478, %swap3A_1479] {strides = array<i32>} : memref<128x128xf32, #tpu.memory_space<vmem>>, vector<16xf32>,
        tpu.vector_store %arg18[%swap3A_1478, %swap3A_1479], %mul3A_1477 {strides = array<i32>} : memref<128x128xf32, #tpu.memory_space<vmem>>, vector<16xf32>,
        %slice3A_1481 = vector.extract_strided_slice %get3A_642 {offsets = [12], sizes = [1], strides = [1]} : vector<16xf32> to vector<1xf32>
        %squeeze3A_1482 = vector.extract %slice3A_1481[0] : f32 from vector<1xf32>
        %mul3A_1483 = arith.constant 16 : i32
        %mul3A_1484 = arith.muli %scan3A_638, %mul3A_1483 : i32
        %add3A_1485 = arith.constant 12 : i32
        %add3A_1486 = arith.addi %mul3A_1484, %add3A_1485 : i32
        %get3A_1487 = arith.index_cast %add3A_1486 : i32 to index
        %get3A_1488 = arith.constant 0 : index
        %get3A_1489 = tpu.vector_load %arg18[%get3A_1487, %get3A_1488] {strides = array<i32>} : memref<128x128xf32, #tpu.memory_space<vmem>>, vector<16xf32>,
        %mul3A_1490 = vector.broadcast %squeeze3A_1482 : f32 to vector<16xf32>
        %mul3A_1491 = arith.mulf %get3A_1489, %mul3A_1490 : vector<16xf32>
        %swap3A_1492 = arith.index_cast %add3A_1486 : i32 to index
        %swap3A_1493 = arith.constant 0 : index
        %swap3A_1494 = tpu.vector_load %arg18[%swap3A_1492, %swap3A_1493] {strides = array<i32>} : memref<128x128xf32, #tpu.memory_space<vmem>>, vector<16xf32>,
        tpu.vector_store %arg18[%swap3A_1492, %swap3A_1493], %mul3A_1491 {strides = array<i32>} : memref<128x128xf32, #tpu.memory_space<vmem>>, vector<16xf32>,
        %get3A_1495 = arith.index_cast %add3A_1486 : i32 to index
        %get3A_1496 = arith.constant 16 : index
        %get3A_1497 = tpu.vector_load %arg18[%get3A_1495, %get3A_1496] {strides = array<i32>} : memref<128x128xf32, #tpu.memory_space<vmem>>, vector<16xf32>,
        %mul3A_1498 = vector.broadcast %squeeze3A_1482 : f32 to vector<16xf32>
        %mul3A_1499 = arith.mulf %get3A_1497, %mul3A_1498 : vector<16xf32>
        %swap3A_1500 = arith.index_cast %add3A_1486 : i32 to index
        %swap3A_1501 = arith.constant 16 : index
        %swap3A_1502 = tpu.vector_load %arg18[%swap3A_1500, %swap3A_1501] {strides = array<i32>} : memref<128x128xf32, #tpu.memory_space<vmem>>, vector<16xf32>,
        tpu.vector_store %arg18[%swap3A_1500, %swap3A_1501], %mul3A_1499 {strides = array<i32>} : memref<128x128xf32, #tpu.memory_space<vmem>>, vector<16xf32>,
        %get3A_1503 = arith.index_cast %add3A_1486 : i32 to index
        %get3A_1504 = arith.constant 32 : index
        %get3A_1505 = tpu.vector_load %arg18[%get3A_1503, %get3A_1504] {strides = array<i32>} : memref<128x128xf32, #tpu.memory_space<vmem>>, vector<16xf32>,
        %mul3A_1506 = vector.broadcast %squeeze3A_1482 : f32 to vector<16xf32>
        %mul3A_1507 = arith.mulf %get3A_1505, %mul3A_1506 : vector<16xf32>
        %swap3A_1508 = arith.index_cast %add3A_1486 : i32 to index
        %swap3A_1509 = arith.constant 32 : index
        %swap3A_1510 = tpu.vector_load %arg18[%swap3A_1508, %swap3A_1509] {strides = array<i32>} : memref<128x128xf32, #tpu.memory_space<vmem>>, vector<16xf32>,
        tpu.vector_store %arg18[%swap3A_1508, %swap3A_1509], %mul3A_1507 {strides = array<i32>} : memref<128x128xf32, #tpu.memory_space<vmem>>, vector<16xf32>,
        %get3A_1511 = arith.index_cast %add3A_1486 : i32 to index
        %get3A_1512 = arith.constant 48 : index
        %get3A_1513 = tpu.vector_load %arg18[%get3A_1511, %get3A_1512] {strides = array<i32>} : memref<128x128xf32, #tpu.memory_space<vmem>>, vector<16xf32>,
        %mul3A_1514 = vector.broadcast %squeeze3A_1482 : f32 to vector<16xf32>
        %mul3A_1515 = arith.mulf %get3A_1513, %mul3A_1514 : vector<16xf32>
        %swap3A_1516 = arith.index_cast %add3A_1486 : i32 to index
        %swap3A_1517 = arith.constant 48 : index
        %swap3A_1518 = tpu.vector_load %arg18[%swap3A_1516, %swap3A_1517] {strides = array<i32>} : memref<128x128xf32, #tpu.memory_space<vmem>>, vector<16xf32>,
        tpu.vector_store %arg18[%swap3A_1516, %swap3A_1517], %mul3A_1515 {strides = array<i32>} : memref<128x128xf32, #tpu.memory_space<vmem>>, vector<16xf32>,
        %get3A_1519 = arith.index_cast %add3A_1486 : i32 to index
        %get3A_1520 = arith.constant 64 : index
        %get3A_1521 = tpu.vector_load %arg18[%get3A_1519, %get3A_1520] {strides = array<i32>} : memref<128x128xf32, #tpu.memory_space<vmem>>, vector<16xf32>,
        %mul3A_1522 = vector.broadcast %squeeze3A_1482 : f32 to vector<16xf32>
        %mul3A_1523 = arith.mulf %get3A_1521, %mul3A_1522 : vector<16xf32>
        %swap3A_1524 = arith.index_cast %add3A_1486 : i32 to index
        %swap3A_1525 = arith.constant 64 : index
        %swap3A_1526 = tpu.vector_load %arg18[%swap3A_1524, %swap3A_1525] {strides = array<i32>} : memref<128x128xf32, #tpu.memory_space<vmem>>, vector<16xf32>,
        tpu.vector_store %arg18[%swap3A_1524, %swap3A_1525], %mul3A_1523 {strides = array<i32>} : memref<128x128xf32, #tpu.memory_space<vmem>>, vector<16xf32>,
        %get3A_1527 = arith.index_cast %add3A_1486 : i32 to index
        %get3A_1528 = arith.constant 80 : index
        %get3A_1529 = tpu.vector_load %arg18[%get3A_1527, %get3A_1528] {strides = array<i32>} : memref<128x128xf32, #tpu.memory_space<vmem>>, vector<16xf32>,
        %mul3A_1530 = vector.broadcast %squeeze3A_1482 : f32 to vector<16xf32>
        %mul3A_1531 = arith.mulf %get3A_1529, %mul3A_1530 : vector<16xf32>
        %swap3A_1532 = arith.index_cast %add3A_1486 : i32 to index
        %swap3A_1533 = arith.constant 80 : index
        %swap3A_1534 = tpu.vector_load %arg18[%swap3A_1532, %swap3A_1533] {strides = array<i32>} : memref<128x128xf32, #tpu.memory_space<vmem>>, vector<16xf32>,
        tpu.vector_store %arg18[%swap3A_1532, %swap3A_1533], %mul3A_1531 {strides = array<i32>} : memref<128x128xf32, #tpu.memory_space<vmem>>, vector<16xf32>,
        %get3A_1535 = arith.index_cast %add3A_1486 : i32 to index
        %get3A_1536 = arith.constant 96 : index
        %get3A_1537 = tpu.vector_load %arg18[%get3A_1535, %get3A_1536] {strides = array<i32>} : memref<128x128xf32, #tpu.memory_space<vmem>>, vector<16xf32>,
        %mul3A_1538 = vector.broadcast %squeeze3A_1482 : f32 to vector<16xf32>
        %mul3A_1539 = arith.mulf %get3A_1537, %mul3A_1538 : vector<16xf32>
        %swap3A_1540 = arith.index_cast %add3A_1486 : i32 to index
        %swap3A_1541 = arith.constant 96 : index
        %swap3A_1542 = tpu.vector_load %arg18[%swap3A_1540, %swap3A_1541] {strides = array<i32>} : memref<128x128xf32, #tpu.memory_space<vmem>>, vector<16xf32>,
        tpu.vector_store %arg18[%swap3A_1540, %swap3A_1541], %mul3A_1539 {strides = array<i32>} : memref<128x128xf32, #tpu.memory_space<vmem>>, vector<16xf32>,
        %get3A_1543 = arith.index_cast %add3A_1486 : i32 to index
        %get3A_1544 = arith.constant 112 : index
        %get3A_1545 = tpu.vector_load %arg18[%get3A_1543, %get3A_1544] {strides = array<i32>} : memref<128x128xf32, #tpu.memory_space<vmem>>, vector<16xf32>,
        %mul3A_1546 = vector.broadcast %squeeze3A_1482 : f32 to vector<16xf32>
        %mul3A_1547 = arith.mulf %get3A_1545, %mul3A_1546 : vector<16xf32>
        %swap3A_1548 = arith.index_cast %add3A_1486 : i32 to index
        %swap3A_1549 = arith.constant 112 : index
        %swap3A_1550 = tpu.vector_load %arg18[%swap3A_1548, %swap3A_1549] {strides = array<i32>} : memref<128x128xf32, #tpu.memory_space<vmem>>, vector<16xf32>,
        tpu.vector_store %arg18[%swap3A_1548, %swap3A_1549], %mul3A_1547 {strides = array<i32>} : memref<128x128xf32, #tpu.memory_space<vmem>>, vector<16xf32>,
        %slice3A_1551 = vector.extract_strided_slice %get3A_642 {offsets = [13], sizes = [1], strides = [1]} : vector<16xf32> to vector<1xf32>
        %squeeze3A_1552 = vector.extract %slice3A_1551[0] : f32 from vector<1xf32>
        %mul3A_1553 = arith.constant 16 : i32
        %mul3A_1554 = arith.muli %scan3A_638, %mul3A_1553 : i32
        %add3A_1555 = arith.constant 13 : i32
        %add3A_1556 = arith.addi %mul3A_1554, %add3A_1555 : i32
        %get3A_1557 = arith.index_cast %add3A_1556 : i32 to index
        %get3A_1558 = arith.constant 0 : index
        %get3A_1559 = tpu.vector_load %arg18[%get3A_1557, %get3A_1558] {strides = array<i32>} : memref<128x128xf32, #tpu.memory_space<vmem>>, vector<16xf32>,
        %mul3A_1560 = vector.broadcast %squeeze3A_1552 : f32 to vector<16xf32>
        %mul3A_1561 = arith.mulf %get3A_1559, %mul3A_1560 : vector<16xf32>
        %swap3A_1562 = arith.index_cast %add3A_1556 : i32 to index
        %swap3A_1563 = arith.constant 0 : index
        %swap3A_1564 = tpu.vector_load %arg18[%swap3A_1562, %swap3A_1563] {strides = array<i32>} : memref<128x128xf32, #tpu.memory_space<vmem>>, vector<16xf32>,
        tpu.vector_store %arg18[%swap3A_1562, %swap3A_1563], %mul3A_1561 {strides = array<i32>} : memref<128x128xf32, #tpu.memory_space<vmem>>, vector<16xf32>,
        %get3A_1565 = arith.index_cast %add3A_1556 : i32 to index
        %get3A_1566 = arith.constant 16 : index
        %get3A_1567 = tpu.vector_load %arg18[%get3A_1565, %get3A_1566] {strides = array<i32>} : memref<128x128xf32, #tpu.memory_space<vmem>>, vector<16xf32>,
        %mul3A_1568 = vector.broadcast %squeeze3A_1552 : f32 to vector<16xf32>
        %mul3A_1569 = arith.mulf %get3A_1567, %mul3A_1568 : vector<16xf32>
        %swap3A_1570 = arith.index_cast %add3A_1556 : i32 to index
        %swap3A_1571 = arith.constant 16 : index
        %swap3A_1572 = tpu.vector_load %arg18[%swap3A_1570, %swap3A_1571] {strides = array<i32>} : memref<128x128xf32, #tpu.memory_space<vmem>>, vector<16xf32>,
        tpu.vector_store %arg18[%swap3A_1570, %swap3A_1571], %mul3A_1569 {strides = array<i32>} : memref<128x128xf32, #tpu.memory_space<vmem>>, vector<16xf32>,
        %get3A_1573 = arith.index_cast %add3A_1556 : i32 to index
        %get3A_1574 = arith.constant 32 : index
        %get3A_1575 = tpu.vector_load %arg18[%get3A_1573, %get3A_1574] {strides = array<i32>} : memref<128x128xf32, #tpu.memory_space<vmem>>, vector<16xf32>,
        %mul3A_1576 = vector.broadcast %squeeze3A_1552 : f32 to vector<16xf32>
        %mul3A_1577 = arith.mulf %get3A_1575, %mul3A_1576 : vector<16xf32>
        %swap3A_1578 = arith.index_cast %add3A_1556 : i32 to index
        %swap3A_1579 = arith.constant 32 : index
        %swap3A_1580 = tpu.vector_load %arg18[%swap3A_1578, %swap3A_1579] {strides = array<i32>} : memref<128x128xf32, #tpu.memory_space<vmem>>, vector<16xf32>,
        tpu.vector_store %arg18[%swap3A_1578, %swap3A_1579], %mul3A_1577 {strides = array<i32>} : memref<128x128xf32, #tpu.memory_space<vmem>>, vector<16xf32>,
        %get3A_1581 = arith.index_cast %add3A_1556 : i32 to index
        %get3A_1582 = arith.constant 48 : index
        %get3A_1583 = tpu.vector_load %arg18[%get3A_1581, %get3A_1582] {strides = array<i32>} : memref<128x128xf32, #tpu.memory_space<vmem>>, vector<16xf32>,
        %mul3A_1584 = vector.broadcast %squeeze3A_1552 : f32 to vector<16xf32>
        %mul3A_1585 = arith.mulf %get3A_1583, %mul3A_1584 : vector<16xf32>
        %swap3A_1586 = arith.index_cast %add3A_1556 : i32 to index
        %swap3A_1587 = arith.constant 48 : index
        %swap3A_1588 = tpu.vector_load %arg18[%swap3A_1586, %swap3A_1587] {strides = array<i32>} : memref<128x128xf32, #tpu.memory_space<vmem>>, vector<16xf32>,
        tpu.vector_store %arg18[%swap3A_1586, %swap3A_1587], %mul3A_1585 {strides = array<i32>} : memref<128x128xf32, #tpu.memory_space<vmem>>, vector<16xf32>,
        %get3A_1589 = arith.index_cast %add3A_1556 : i32 to index
        %get3A_1590 = arith.constant 64 : index
        %get3A_1591 = tpu.vector_load %arg18[%get3A_1589, %get3A_1590] {strides = array<i32>} : memref<128x128xf32, #tpu.memory_space<vmem>>, vector<16xf32>,
        %mul3A_1592 = vector.broadcast %squeeze3A_1552 : f32 to vector<16xf32>
        %mul3A_1593 = arith.mulf %get3A_1591, %mul3A_1592 : vector<16xf32>
        %swap3A_1594 = arith.index_cast %add3A_1556 : i32 to index
        %swap3A_1595 = arith.constant 64 : index
        %swap3A_1596 = tpu.vector_load %arg18[%swap3A_1594, %swap3A_1595] {strides = array<i32>} : memref<128x128xf32, #tpu.memory_space<vmem>>, vector<16xf32>,
        tpu.vector_store %arg18[%swap3A_1594, %swap3A_1595], %mul3A_1593 {strides = array<i32>} : memref<128x128xf32, #tpu.memory_space<vmem>>, vector<16xf32>,
        %get3A_1597 = arith.index_cast %add3A_1556 : i32 to index
        %get3A_1598 = arith.constant 80 : index
        %get3A_1599 = tpu.vector_load %arg18[%get3A_1597, %get3A_1598] {strides = array<i32>} : memref<128x128xf32, #tpu.memory_space<vmem>>, vector<16xf32>,
        %mul3A_1600 = vector.broadcast %squeeze3A_1552 : f32 to vector<16xf32>
        %mul3A_1601 = arith.mulf %get3A_1599, %mul3A_1600 : vector<16xf32>
        %swap3A_1602 = arith.index_cast %add3A_1556 : i32 to index
        %swap3A_1603 = arith.constant 80 : index
        %swap3A_1604 = tpu.vector_load %arg18[%swap3A_1602, %swap3A_1603] {strides = array<i32>} : memref<128x128xf32, #tpu.memory_space<vmem>>, vector<16xf32>,
        tpu.vector_store %arg18[%swap3A_1602, %swap3A_1603], %mul3A_1601 {strides = array<i32>} : memref<128x128xf32, #tpu.memory_space<vmem>>, vector<16xf32>,
        %get3A_1605 = arith.index_cast %add3A_1556 : i32 to index
        %get3A_1606 = arith.constant 96 : index
        %get3A_1607 = tpu.vector_load %arg18[%get3A_1605, %get3A_1606] {strides = array<i32>} : memref<128x128xf32, #tpu.memory_space<vmem>>, vector<16xf32>,
        %mul3A_1608 = vector.broadcast %squeeze3A_1552 : f32 to vector<16xf32>
        %mul3A_1609 = arith.mulf %get3A_1607, %mul3A_1608 : vector<16xf32>
        %swap3A_1610 = arith.index_cast %add3A_1556 : i32 to index
        %swap3A_1611 = arith.constant 96 : index
        %swap3A_1612 = tpu.vector_load %arg18[%swap3A_1610, %swap3A_1611] {strides = array<i32>} : memref<128x128xf32, #tpu.memory_space<vmem>>, vector<16xf32>,
        tpu.vector_store %arg18[%swap3A_1610, %swap3A_1611], %mul3A_1609 {strides = array<i32>} : memref<128x128xf32, #tpu.memory_space<vmem>>, vector<16xf32>,
        %get3A_1613 = arith.index_cast %add3A_1556 : i32 to index
        %get3A_1614 = arith.constant 112 : index
        %get3A_1615 = tpu.vector_load %arg18[%get3A_1613, %get3A_1614] {strides = array<i32>} : memref<128x128xf32, #tpu.memory_space<vmem>>, vector<16xf32>,
        %mul3A_1616 = vector.broadcast %squeeze3A_1552 : f32 to vector<16xf32>
        %mul3A_1617 = arith.mulf %get3A_1615, %mul3A_1616 : vector<16xf32>
        %swap3A_1618 = arith.index_cast %add3A_1556 : i32 to index
        %swap3A_1619 = arith.constant 112 : index
        %swap3A_1620 = tpu.vector_load %arg18[%swap3A_1618, %swap3A_1619] {strides = array<i32>} : memref<128x128xf32, #tpu.memory_space<vmem>>, vector<16xf32>,
        tpu.vector_store %arg18[%swap3A_1618, %swap3A_1619], %mul3A_1617 {strides = array<i32>} : memref<128x128xf32, #tpu.memory_space<vmem>>, vector<16xf32>,
        %slice3A_1621 = vector.extract_strided_slice %get3A_642 {offsets = [14], sizes = [1], strides = [1]} : vector<16xf32> to vector<1xf32>
        %squeeze3A_1622 = vector.extract %slice3A_1621[0] : f32 from vector<1xf32>
        %mul3A_1623 = arith.constant 16 : i32
        %mul3A_1624 = arith.muli %scan3A_638, %mul3A_1623 : i32
        %add3A_1625 = arith.constant 14 : i32
        %add3A_1626 = arith.addi %mul3A_1624, %add3A_1625 : i32
        %get3A_1627 = arith.index_cast %add3A_1626 : i32 to index
        %get3A_1628 = arith.constant 0 : index
        %get3A_1629 = tpu.vector_load %arg18[%get3A_1627, %get3A_1628] {strides = array<i32>} : memref<128x128xf32, #tpu.memory_space<vmem>>, vector<16xf32>,
        %mul3A_1630 = vector.broadcast %squeeze3A_1622 : f32 to vector<16xf32>
        %mul3A_1631 = arith.mulf %get3A_1629, %mul3A_1630 : vector<16xf32>
        %swap3A_1632 = arith.index_cast %add3A_1626 : i32 to index
        %swap3A_1633 = arith.constant 0 : index
        %swap3A_1634 = tpu.vector_load %arg18[%swap3A_1632, %swap3A_1633] {strides = array<i32>} : memref<128x128xf32, #tpu.memory_space<vmem>>, vector<16xf32>,
        tpu.vector_store %arg18[%swap3A_1632, %swap3A_1633], %mul3A_1631 {strides = array<i32>} : memref<128x128xf32, #tpu.memory_space<vmem>>, vector<16xf32>,
        %get3A_1635 = arith.index_cast %add3A_1626 : i32 to index
        %get3A_1636 = arith.constant 16 : index
        %get3A_1637 = tpu.vector_load %arg18[%get3A_1635, %get3A_1636] {strides = array<i32>} : memref<128x128xf32, #tpu.memory_space<vmem>>, vector<16xf32>,
        %mul3A_1638 = vector.broadcast %squeeze3A_1622 : f32 to vector<16xf32>
        %mul3A_1639 = arith.mulf %get3A_1637, %mul3A_1638 : vector<16xf32>
        %swap3A_1640 = arith.index_cast %add3A_1626 : i32 to index
        %swap3A_1641 = arith.constant 16 : index
        %swap3A_1642 = tpu.vector_load %arg18[%swap3A_1640, %swap3A_1641] {strides = array<i32>} : memref<128x128xf32, #tpu.memory_space<vmem>>, vector<16xf32>,
        tpu.vector_store %arg18[%swap3A_1640, %swap3A_1641], %mul3A_1639 {strides = array<i32>} : memref<128x128xf32, #tpu.memory_space<vmem>>, vector<16xf32>,
        %get3A_1643 = arith.index_cast %add3A_1626 : i32 to index
        %get3A_1644 = arith.constant 32 : index
        %get3A_1645 = tpu.vector_load %arg18[%get3A_1643, %get3A_1644] {strides = array<i32>} : memref<128x128xf32, #tpu.memory_space<vmem>>, vector<16xf32>,
        %mul3A_1646 = vector.broadcast %squeeze3A_1622 : f32 to vector<16xf32>
        %mul3A_1647 = arith.mulf %get3A_1645, %mul3A_1646 : vector<16xf32>
        %swap3A_1648 = arith.index_cast %add3A_1626 : i32 to index
        %swap3A_1649 = arith.constant 32 : index
        %swap3A_1650 = tpu.vector_load %arg18[%swap3A_1648, %swap3A_1649] {strides = array<i32>} : memref<128x128xf32, #tpu.memory_space<vmem>>, vector<16xf32>,
        tpu.vector_store %arg18[%swap3A_1648, %swap3A_1649], %mul3A_1647 {strides = array<i32>} : memref<128x128xf32, #tpu.memory_space<vmem>>, vector<16xf32>,
        %get3A_1651 = arith.index_cast %add3A_1626 : i32 to index
        %get3A_1652 = arith.constant 48 : index
        %get3A_1653 = tpu.vector_load %arg18[%get3A_1651, %get3A_1652] {strides = array<i32>} : memref<128x128xf32, #tpu.memory_space<vmem>>, vector<16xf32>,
        %mul3A_1654 = vector.broadcast %squeeze3A_1622 : f32 to vector<16xf32>
        %mul3A_1655 = arith.mulf %get3A_1653, %mul3A_1654 : vector<16xf32>
        %swap3A_1656 = arith.index_cast %add3A_1626 : i32 to index
        %swap3A_1657 = arith.constant 48 : index
        %swap3A_1658 = tpu.vector_load %arg18[%swap3A_1656, %swap3A_1657] {strides = array<i32>} : memref<128x128xf32, #tpu.memory_space<vmem>>, vector<16xf32>,
        tpu.vector_store %arg18[%swap3A_1656, %swap3A_1657], %mul3A_1655 {strides = array<i32>} : memref<128x128xf32, #tpu.memory_space<vmem>>, vector<16xf32>,
        %get3A_1659 = arith.index_cast %add3A_1626 : i32 to index
        %get3A_1660 = arith.constant 64 : index
        %get3A_1661 = tpu.vector_load %arg18[%get3A_1659, %get3A_1660] {strides = array<i32>} : memref<128x128xf32, #tpu.memory_space<vmem>>, vector<16xf32>,
        %mul3A_1662 = vector.broadcast %squeeze3A_1622 : f32 to vector<16xf32>
        %mul3A_1663 = arith.mulf %get3A_1661, %mul3A_1662 : vector<16xf32>
        %swap3A_1664 = arith.index_cast %add3A_1626 : i32 to index
        %swap3A_1665 = arith.constant 64 : index
        %swap3A_1666 = tpu.vector_load %arg18[%swap3A_1664, %swap3A_1665] {strides = array<i32>} : memref<128x128xf32, #tpu.memory_space<vmem>>, vector<16xf32>,
        tpu.vector_store %arg18[%swap3A_1664, %swap3A_1665], %mul3A_1663 {strides = array<i32>} : memref<128x128xf32, #tpu.memory_space<vmem>>, vector<16xf32>,
        %get3A_1667 = arith.index_cast %add3A_1626 : i32 to index
        %get3A_1668 = arith.constant 80 : index
        %get3A_1669 = tpu.vector_load %arg18[%get3A_1667, %get3A_1668] {strides = array<i32>} : memref<128x128xf32, #tpu.memory_space<vmem>>, vector<16xf32>,
        %mul3A_1670 = vector.broadcast %squeeze3A_1622 : f32 to vector<16xf32>
        %mul3A_1671 = arith.mulf %get3A_1669, %mul3A_1670 : vector<16xf32>
        %swap3A_1672 = arith.index_cast %add3A_1626 : i32 to index
        %swap3A_1673 = arith.constant 80 : index
        %swap3A_1674 = tpu.vector_load %arg18[%swap3A_1672, %swap3A_1673] {strides = array<i32>} : memref<128x128xf32, #tpu.memory_space<vmem>>, vector<16xf32>,
        tpu.vector_store %arg18[%swap3A_1672, %swap3A_1673], %mul3A_1671 {strides = array<i32>} : memref<128x128xf32, #tpu.memory_space<vmem>>, vector<16xf32>,
        %get3A_1675 = arith.index_cast %add3A_1626 : i32 to index
        %get3A_1676 = arith.constant 96 : index
        %get3A_1677 = tpu.vector_load %arg18[%get3A_1675, %get3A_1676] {strides = array<i32>} : memref<128x128xf32, #tpu.memory_space<vmem>>, vector<16xf32>,
        %mul3A_1678 = vector.broadcast %squeeze3A_1622 : f32 to vector<16xf32>
        %mul3A_1679 = arith.mulf %get3A_1677, %mul3A_1678 : vector<16xf32>
        %swap3A_1680 = arith.index_cast %add3A_1626 : i32 to index
        %swap3A_1681 = arith.constant 96 : index
        %swap3A_1682 = tpu.vector_load %arg18[%swap3A_1680, %swap3A_1681] {strides = array<i32>} : memref<128x128xf32, #tpu.memory_space<vmem>>, vector<16xf32>,
        tpu.vector_store %arg18[%swap3A_1680, %swap3A_1681], %mul3A_1679 {strides = array<i32>} : memref<128x128xf32, #tpu.memory_space<vmem>>, vector<16xf32>,
        %get3A_1683 = arith.index_cast %add3A_1626 : i32 to index
        %get3A_1684 = arith.constant 112 : index
        %get3A_1685 = tpu.vector_load %arg18[%get3A_1683, %get3A_1684] {strides = array<i32>} : memref<128x128xf32, #tpu.memory_space<vmem>>, vector<16xf32>,
        %mul3A_1686 = vector.broadcast %squeeze3A_1622 : f32 to vector<16xf32>
        %mul3A_1687 = arith.mulf %get3A_1685, %mul3A_1686 : vector<16xf32>
        %swap3A_1688 = arith.index_cast %add3A_1626 : i32 to index
        %swap3A_1689 = arith.constant 112 : index
        %swap3A_1690 = tpu.vector_load %arg18[%swap3A_1688, %swap3A_1689] {strides = array<i32>} : memref<128x128xf32, #tpu.memory_space<vmem>>, vector<16xf32>,
        tpu.vector_store %arg18[%swap3A_1688, %swap3A_1689], %mul3A_1687 {strides = array<i32>} : memref<128x128xf32, #tpu.memory_space<vmem>>, vector<16xf32>,
        %slice3A_1691 = vector.extract_strided_slice %get3A_642 {offsets = [15], sizes = [1], strides = [1]} : vector<16xf32> to vector<1xf32>
        %squeeze3A_1692 = vector.extract %slice3A_1691[0] : f32 from vector<1xf32>
        %mul3A_1693 = arith.constant 16 : i32
        %mul3A_1694 = arith.muli %scan3A_638, %mul3A_1693 : i32
        %add3A_1695 = arith.constant 15 : i32
        %add3A_1696 = arith.addi %mul3A_1694, %add3A_1695 : i32
        %get3A_1697 = arith.index_cast %add3A_1696 : i32 to index
        %get3A_1698 = arith.constant 0 : index
        %get3A_1699 = tpu.vector_load %arg18[%get3A_1697, %get3A_1698] {strides = array<i32>} : memref<128x128xf32, #tpu.memory_space<vmem>>, vector<16xf32>,
        %mul3A_1700 = vector.broadcast %squeeze3A_1692 : f32 to vector<16xf32>
        %mul3A_1701 = arith.mulf %get3A_1699, %mul3A_1700 : vector<16xf32>
        %swap3A_1702 = arith.index_cast %add3A_1696 : i32 to index
        %swap3A_1703 = arith.constant 0 : index
        %swap3A_1704 = tpu.vector_load %arg18[%swap3A_1702, %swap3A_1703] {strides = array<i32>} : memref<128x128xf32, #tpu.memory_space<vmem>>, vector<16xf32>,
        tpu.vector_store %arg18[%swap3A_1702, %swap3A_1703], %mul3A_1701 {strides = array<i32>} : memref<128x128xf32, #tpu.memory_space<vmem>>, vector<16xf32>,
        %get3A_1705 = arith.index_cast %add3A_1696 : i32 to index
        %get3A_1706 = arith.constant 16 : index
        %get3A_1707 = tpu.vector_load %arg18[%get3A_1705, %get3A_1706] {strides = array<i32>} : memref<128x128xf32, #tpu.memory_space<vmem>>, vector<16xf32>,
        %mul3A_1708 = vector.broadcast %squeeze3A_1692 : f32 to vector<16xf32>
        %mul3A_1709 = arith.mulf %get3A_1707, %mul3A_1708 : vector<16xf32>
        %swap3A_1710 = arith.index_cast %add3A_1696 : i32 to index
        %swap3A_1711 = arith.constant 16 : index
        %swap3A_1712 = tpu.vector_load %arg18[%swap3A_1710, %swap3A_1711] {strides = array<i32>} : memref<128x128xf32, #tpu.memory_space<vmem>>, vector<16xf32>,
        tpu.vector_store %arg18[%swap3A_1710, %swap3A_1711], %mul3A_1709 {strides = array<i32>} : memref<128x128xf32, #tpu.memory_space<vmem>>, vector<16xf32>,
        %get3A_1713 = arith.index_cast %add3A_1696 : i32 to index
        %get3A_1714 = arith.constant 32 : index
        %get3A_1715 = tpu.vector_load %arg18[%get3A_1713, %get3A_1714] {strides = array<i32>} : memref<128x128xf32, #tpu.memory_space<vmem>>, vector<16xf32>,
        %mul3A_1716 = vector.broadcast %squeeze3A_1692 : f32 to vector<16xf32>
        %mul3A_1717 = arith.mulf %get3A_1715, %mul3A_1716 : vector<16xf32>
        %swap3A_1718 = arith.index_cast %add3A_1696 : i32 to index
        %swap3A_1719 = arith.constant 32 : index
        %swap3A_1720 = tpu.vector_load %arg18[%swap3A_1718, %swap3A_1719] {strides = array<i32>} : memref<128x128xf32, #tpu.memory_space<vmem>>, vector<16xf32>,
        tpu.vector_store %arg18[%swap3A_1718, %swap3A_1719], %mul3A_1717 {strides = array<i32>} : memref<128x128xf32, #tpu.memory_space<vmem>>, vector<16xf32>,
        %get3A_1721 = arith.index_cast %add3A_1696 : i32 to index
        %get3A_1722 = arith.constant 48 : index
        %get3A_1723 = tpu.vector_load %arg18[%get3A_1721, %get3A_1722] {strides = array<i32>} : memref<128x128xf32, #tpu.memory_space<vmem>>, vector<16xf32>,
        %mul3A_1724 = vector.broadcast %squeeze3A_1692 : f32 to vector<16xf32>
        %mul3A_1725 = arith.mulf %get3A_1723, %mul3A_1724 : vector<16xf32>
        %swap3A_1726 = arith.index_cast %add3A_1696 : i32 to index
        %swap3A_1727 = arith.constant 48 : index
        %swap3A_1728 = tpu.vector_load %arg18[%swap3A_1726, %swap3A_1727] {strides = array<i32>} : memref<128x128xf32, #tpu.memory_space<vmem>>, vector<16xf32>,
        tpu.vector_store %arg18[%swap3A_1726, %swap3A_1727], %mul3A_1725 {strides = array<i32>} : memref<128x128xf32, #tpu.memory_space<vmem>>, vector<16xf32>,
        %get3A_1729 = arith.index_cast %add3A_1696 : i32 to index
        %get3A_1730 = arith.constant 64 : index
        %get3A_1731 = tpu.vector_load %arg18[%get3A_1729, %get3A_1730] {strides = array<i32>} : memref<128x128xf32, #tpu.memory_space<vmem>>, vector<16xf32>,
        %mul3A_1732 = vector.broadcast %squeeze3A_1692 : f32 to vector<16xf32>
        %mul3A_1733 = arith.mulf %get3A_1731, %mul3A_1732 : vector<16xf32>
        %swap3A_1734 = arith.index_cast %add3A_1696 : i32 to index
        %swap3A_1735 = arith.constant 64 : index
        %swap3A_1736 = tpu.vector_load %arg18[%swap3A_1734, %swap3A_1735] {strides = array<i32>} : memref<128x128xf32, #tpu.memory_space<vmem>>, vector<16xf32>,
        tpu.vector_store %arg18[%swap3A_1734, %swap3A_1735], %mul3A_1733 {strides = array<i32>} : memref<128x128xf32, #tpu.memory_space<vmem>>, vector<16xf32>,
        %get3A_1737 = arith.index_cast %add3A_1696 : i32 to index
        %get3A_1738 = arith.constant 80 : index
        %get3A_1739 = tpu.vector_load %arg18[%get3A_1737, %get3A_1738] {strides = array<i32>} : memref<128x128xf32, #tpu.memory_space<vmem>>, vector<16xf32>,
        %mul3A_1740 = vector.broadcast %squeeze3A_1692 : f32 to vector<16xf32>
        %mul3A_1741 = arith.mulf %get3A_1739, %mul3A_1740 : vector<16xf32>
        %swap3A_1742 = arith.index_cast %add3A_1696 : i32 to index
        %swap3A_1743 = arith.constant 80 : index
        %swap3A_1744 = tpu.vector_load %arg18[%swap3A_1742, %swap3A_1743] {strides = array<i32>} : memref<128x128xf32, #tpu.memory_space<vmem>>, vector<16xf32>,
        tpu.vector_store %arg18[%swap3A_1742, %swap3A_1743], %mul3A_1741 {strides = array<i32>} : memref<128x128xf32, #tpu.memory_space<vmem>>, vector<16xf32>,
        %get3A_1745 = arith.index_cast %add3A_1696 : i32 to index
        %get3A_1746 = arith.constant 96 : index
        %get3A_1747 = tpu.vector_load %arg18[%get3A_1745, %get3A_1746] {strides = array<i32>} : memref<128x128xf32, #tpu.memory_space<vmem>>, vector<16xf32>,
        %mul3A_1748 = vector.broadcast %squeeze3A_1692 : f32 to vector<16xf32>
        %mul3A_1749 = arith.mulf %get3A_1747, %mul3A_1748 : vector<16xf32>
        %swap3A_1750 = arith.index_cast %add3A_1696 : i32 to index
        %swap3A_1751 = arith.constant 96 : index
        %swap3A_1752 = tpu.vector_load %arg18[%swap3A_1750, %swap3A_1751] {strides = array<i32>} : memref<128x128xf32, #tpu.memory_space<vmem>>, vector<16xf32>,
        tpu.vector_store %arg18[%swap3A_1750, %swap3A_1751], %mul3A_1749 {strides = array<i32>} : memref<128x128xf32, #tpu.memory_space<vmem>>, vector<16xf32>,
        %get3A_1753 = arith.index_cast %add3A_1696 : i32 to index
        %get3A_1754 = arith.constant 112 : index
        %get3A_1755 = tpu.vector_load %arg18[%get3A_1753, %get3A_1754] {strides = array<i32>} : memref<128x128xf32, #tpu.memory_space<vmem>>, vector<16xf32>,
        %mul3A_1756 = vector.broadcast %squeeze3A_1692 : f32 to vector<16xf32>
        %mul3A_1757 = arith.mulf %get3A_1755, %mul3A_1756 : vector<16xf32>
        %swap3A_1758 = arith.index_cast %add3A_1696 : i32 to index
        %swap3A_1759 = arith.constant 112 : index
        %swap3A_1760 = tpu.vector_load %arg18[%swap3A_1758, %swap3A_1759] {strides = array<i32>} : memref<128x128xf32, #tpu.memory_space<vmem>>, vector<16xf32>,
        tpu.vector_store %arg18[%swap3A_1758, %swap3A_1759], %mul3A_1757 {strides = array<i32>} : memref<128x128xf32, #tpu.memory_space<vmem>>, vector<16xf32>,
      }
      %scan3A_359 = arith.constant 8 : i32
      %dma_start3A_360 = arith.constant 0 : i32
      %dma_start3A_361 = arith.constant 0 : i32
      %dma_start3A_362 = tpu.memref_slice %arg10[%dma_start3A_360, %dma_start3A_361] : memref<3x128xi32, #tpu.memory_space<vmem>> -> memref<1x128xi32, #tpu.memory_space<vmem>>
      %dma_start3A_363 = tpu.memref_squeeze %dma_start3A_362 : memref<1x128xi32, #tpu.memory_space<vmem>> -> memref<128xi32, #tpu.memory_space<vmem>>
      %dma_start3A_364 = arith.constant 0 : i32
      %dma_start3A_365 = arith.constant 0 : i32
      %dma_start3A_366 = tpu.memref_slice %arg26[%dma_start3A_364, %dma_start3A_365] : memref<10240x128xf32, #tpu.memory_space<vmem_shared>> -> memref<10240x128xf32, #tpu.memory_space<vmem_shared>>
      tpu.enqueue_indirect_dma source(%arg18 : memref<128x128xf32, #tpu.memory_space<vmem>>) target(%dma_start3A_366 : memref<10240x128xf32, #tpu.memory_space<vmem_shared>>) offsets(%dma_start3A_363 : memref<128xi32, #tpu.memory_space<vmem>>) semaphore(%arg22 : memref<!tpu.dma_semaphore, #tpu.memory_space<semaphore_mem>>) {add = true}
      %dma_start3A_367 = arith.constant 0 : i32
      %dma_start3A_368 = arith.constant 0 : i32
      %dma_start3A_369 = tpu.memref_slice %arg10[%dma_start3A_367, %dma_start3A_368] : memref<3x128xi32, #tpu.memory_space<vmem>> -> memref<1x128xi32, #tpu.memory_space<vmem>>
      %dma_start3A_370 = tpu.memref_squeeze %dma_start3A_369 : memref<1x128xi32, #tpu.memory_space<vmem>> -> memref<128xi32, #tpu.memory_space<vmem>>
      %dma_start3A_371 = arith.constant 0 : i32
      %dma_start3A_372 = tpu.memref_slice %arg27[%dma_start3A_371] : memref<10240xf32, #tpu.memory_space<vmem_shared>> -> memref<10240xf32, #tpu.memory_space<vmem_shared>>
      tpu.enqueue_indirect_dma source(%arg12 : memref<128xf32, #tpu.memory_space<vmem>>) target(%dma_start3A_372 : memref<10240xf32, #tpu.memory_space<vmem_shared>>) offsets(%dma_start3A_370 : memref<128xi32, #tpu.memory_space<vmem>>) semaphore(%arg22 : memref<!tpu.dma_semaphore, #tpu.memory_space<semaphore_mem>>) {add = true}
      %dma_wait3A_373 = arith.constant 0 : i32
      %dma_wait3A_374 = arith.constant 0 : i32
      %dma_wait3A_375 = tpu.memref_slice %arg11[%dma_wait3A_373, %dma_wait3A_374] : memref<3x128xi32, #tpu.memory_space<vmem>> -> memref<1x128xi32, #tpu.memory_space<vmem>>
      %dma_wait3A_376 = tpu.memref_squeeze %dma_wait3A_375 : memref<1x128xi32, #tpu.memory_space<vmem>> -> memref<128xi32, #tpu.memory_space<vmem>>
      %dma_wait3A_377 = arith.constant 0 : i32
      %dma_wait3A_378 = tpu.memref_slice %arg28[%dma_wait3A_377] : memref<10240xf32, #tpu.memory_space<vmem_shared>> -> memref<10240xf32, #tpu.memory_space<vmem_shared>>
      tpu.wait_indirect_dma semaphore(%arg25 : memref<!tpu.dma_semaphore, #tpu.memory_space<semaphore_mem>>) src(%dma_wait3A_378 : memref<10240xf32, #tpu.memory_space<vmem_shared>>) dst(%arg15 : memref<128xf32, #tpu.memory_space<vmem>>)
      %dma_wait3A_379 = arith.constant 1 : i32
      %dma_wait3A_380 = arith.constant 0 : i32
      %dma_wait3A_381 = tpu.memref_slice %arg11[%dma_wait3A_379, %dma_wait3A_380] : memref<3x128xi32, #tpu.memory_space<vmem>> -> memref<1x128xi32, #tpu.memory_space<vmem>>
      %dma_wait3A_382 = tpu.memref_squeeze %dma_wait3A_381 : memref<1x128xi32, #tpu.memory_space<vmem>> -> memref<128xi32, #tpu.memory_space<vmem>>
      %dma_wait3A_383 = arith.constant 0 : i32
      %dma_wait3A_384 = tpu.memref_slice %arg29[%dma_wait3A_383] : memref<10240xf32, #tpu.memory_space<vmem_shared>> -> memref<10240xf32, #tpu.memory_space<vmem_shared>>
      tpu.wait_indirect_dma semaphore(%arg25 : memref<!tpu.dma_semaphore, #tpu.memory_space<semaphore_mem>>) src(%dma_wait3A_384 : memref<10240xf32, #tpu.memory_space<vmem_shared>>) dst(%arg17 : memref<128xf32, #tpu.memory_space<vmem>>)
      %get3A_385 = arith.constant 0 : index
      %get3A_386 = tpu.vector_load %arg9[%get3A_385] {strides = array<i32>} : memref<16xf32, #tpu.memory_space<vmem>>, vector<16xf32>,
      %get3A_387 = arith.constant 2 : i32
      %get3A_388 = arith.index_cast %get3A_387 : i32 to index
      %get3A_389 = arith.constant 0 : index
      %get3A_390 = tpu.vector_load %arg11[%get3A_388, %get3A_389] {strides = array<i32>} : memref<3x128xi32, #tpu.memory_space<vmem>>, vector<16xi32>,
      %bitcast3A_391 = vector.bitcast %get3A_390 : vector<16xi32> to vector<16xf32>
      %get3A_392 = arith.constant 0 : index
      %get3A_393 = tpu.vector_load %arg15[%get3A_392] {strides = array<i32>} : memref<128xf32, #tpu.memory_space<vmem>>, vector<16xf32>,
      %get3A_394 = arith.constant 0 : index
      %get3A_395 = tpu.vector_load %arg17[%get3A_394] {strides = array<i32>} : memref<128xf32, #tpu.memory_space<vmem>>, vector<16xf32>,
      %mul3A_396 = arith.mulf %bitcast3A_391, %get3A_393 : vector<16xf32>
      %mul3A_397 = arith.mulf %bitcast3A_391, %get3A_395 : vector<16xf32>
      %add3A_398 = arith.addf %mul3A_396, %mul3A_397 : vector<16xf32>
      %max3A_399 = arith.constant 0.000000e+00 : f32
      %max3A_400 = vector.broadcast %max3A_399 : f32 to vector<16xf32>
      %max3A_401 = arith.maximumf %add3A_398, %max3A_400 : vector<16xf32>
      %min3A_402 = arith.constant 0.000000e+00 : f32
      %min3A_403 = vector.broadcast %min3A_402 : f32 to vector<16xf32>
      %min3A_404 = arith.minimumf %add3A_398, %min3A_403 : vector<16xf32>
      %mul3A_405 = arith.constant 2.000000e-01 : f32
      %mul3A_406 = vector.broadcast %mul3A_405 : f32 to vector<16xf32>
      %mul3A_407 = arith.mulf %mul3A_406, %min3A_404 : vector<16xf32>
      %add3A_408 = arith.addf %max3A_401, %mul3A_407 : vector<16xf32>
      %sub3A_409 = arith.subf %add3A_408, %get3A_386 : vector<16xf32>
      %exp3A_410 = math.exp %sub3A_409 : vector<16xf32>
      %swap3A_411 = arith.constant 0 : index
      %swap3A_412 = tpu.vector_load %arg13[%swap3A_411] {strides = array<i32>} : memref<128xf32, #tpu.memory_space<vmem>>, vector<16xf32>,
      tpu.vector_store %arg13[%swap3A_411], %exp3A_410 {strides = array<i32>} : memref<128xf32, #tpu.memory_space<vmem>>, vector<16xf32>,
      %get3A_413 = arith.constant 2 : i32
      %get3A_414 = arith.index_cast %get3A_413 : i32 to index
      %get3A_415 = arith.constant 16 : index
      %get3A_416 = tpu.vector_load %arg11[%get3A_414, %get3A_415] {strides = array<i32>} : memref<3x128xi32, #tpu.memory_space<vmem>>, vector<16xi32>,
      %bitcast3A_417 = vector.bitcast %get3A_416 : vector<16xi32> to vector<16xf32>
      %get3A_418 = arith.constant 16 : index
      %get3A_419 = tpu.vector_load %arg15[%get3A_418] {strides = array<i32>} : memref<128xf32, #tpu.memory_space<vmem>>, vector<16xf32>,
      %get3A_420 = arith.constant 16 : index
      %get3A_421 = tpu.vector_load %arg17[%get3A_420] {strides = array<i32>} : memref<128xf32, #tpu.memory_space<vmem>>, vector<16xf32>,
      %mul3A_422 = arith.mulf %bitcast3A_417, %get3A_419 : vector<16xf32>
      %mul3A_423 = arith.mulf %bitcast3A_417, %get3A_421 : vector<16xf32>
      %add3A_424 = arith.addf %mul3A_422, %mul3A_423 : vector<16xf32>
      %max3A_425 = arith.constant 0.000000e+00 : f32
      %max3A_426 = vector.broadcast %max3A_425 : f32 to vector<16xf32>
      %max3A_427 = arith.maximumf %add3A_424, %max3A_426 : vector<16xf32>
      %min3A_428 = arith.constant 0.000000e+00 : f32
      %min3A_429 = vector.broadcast %min3A_428 : f32 to vector<16xf32>
      %min3A_430 = arith.minimumf %add3A_424, %min3A_429 : vector<16xf32>
      %mul3A_431 = arith.constant 2.000000e-01 : f32
      %mul3A_432 = vector.broadcast %mul3A_431 : f32 to vector<16xf32>
      %mul3A_433 = arith.mulf %mul3A_432, %min3A_430 : vector<16xf32>
      %add3A_434 = arith.addf %max3A_427, %mul3A_433 : vector<16xf32>
      %sub3A_435 = arith.subf %add3A_434, %get3A_386 : vector<16xf32>
      %exp3A_436 = math.exp %sub3A_435 : vector<16xf32>
      %swap3A_437 = arith.constant 16 : index
      %swap3A_438 = tpu.vector_load %arg13[%swap3A_437] {strides = array<i32>} : memref<128xf32, #tpu.memory_space<vmem>>, vector<16xf32>,
      tpu.vector_store %arg13[%swap3A_437], %exp3A_436 {strides = array<i32>} : memref<128xf32, #tpu.memory_space<vmem>>, vector<16xf32>,
      %get3A_439 = arith.constant 2 : i32
      %get3A_440 = arith.index_cast %get3A_439 : i32 to index
      %get3A_441 = arith.constant 32 : index
      %get3A_442 = tpu.vector_load %arg11[%get3A_440, %get3A_441] {strides = array<i32>} : memref<3x128xi32, #tpu.memory_space<vmem>>, vector<16xi32>,
      %bitcast3A_443 = vector.bitcast %get3A_442 : vector<16xi32> to vector<16xf32>
      %get3A_444 = arith.constant 32 : index
      %get3A_445 = tpu.vector_load %arg15[%get3A_444] {strides = array<i32>} : memref<128xf32, #tpu.memory_space<vmem>>, vector<16xf32>,
      %get3A_446 = arith.constant 32 : index
      %get3A_447 = tpu.vector_load %arg17[%get3A_446] {strides = array<i32>} : memref<128xf32, #tpu.memory_space<vmem>>, vector<16xf32>,
      %mul3A_448 = arith.mulf %bitcast3A_443, %get3A_445 : vector<16xf32>
      %mul3A_449 = arith.mulf %bitcast3A_443, %get3A_447 : vector<16xf32>
      %add3A_450 = arith.addf %mul3A_448, %mul3A_449 : vector<16xf32>
      %max3A_451 = arith.constant 0.000000e+00 : f32
      %max3A_452 = vector.broadcast %max3A_451 : f32 to vector<16xf32>
      %max3A_453 = arith.maximumf %add3A_450, %max3A_452 : vector<16xf32>
      %min3A_454 = arith.constant 0.000000e+00 : f32
      %min3A_455 = vector.broadcast %min3A_454 : f32 to vector<16xf32>
      %min3A_456 = arith.minimumf %add3A_450, %min3A_455 : vector<16xf32>
      %mul3A_457 = arith.constant 2.000000e-01 : f32
      %mul3A_458 = vector.broadcast %mul3A_457 : f32 to vector<16xf32>
      %mul3A_459 = arith.mulf %mul3A_458, %min3A_456 : vector<16xf32>
      %add3A_460 = arith.addf %max3A_453, %mul3A_459 : vector<16xf32>
      %sub3A_461 = arith.subf %add3A_460, %get3A_386 : vector<16xf32>
      %exp3A_462 = math.exp %sub3A_461 : vector<16xf32>
      %swap3A_463 = arith.constant 32 : index
      %swap3A_464 = tpu.vector_load %arg13[%swap3A_463] {strides = array<i32>} : memref<128xf32, #tpu.memory_space<vmem>>, vector<16xf32>,
      tpu.vector_store %arg13[%swap3A_463], %exp3A_462 {strides = array<i32>} : memref<128xf32, #tpu.memory_space<vmem>>, vector<16xf32>,
      %get3A_465 = arith.constant 2 : i32
      %get3A_466 = arith.index_cast %get3A_465 : i32 to index
      %get3A_467 = arith.constant 48 : index
      %get3A_468 = tpu.vector_load %arg11[%get3A_466, %get3A_467] {strides = array<i32>} : memref<3x128xi32, #tpu.memory_space<vmem>>, vector<16xi32>,
      %bitcast3A_469 = vector.bitcast %get3A_468 : vector<16xi32> to vector<16xf32>
      %get3A_470 = arith.constant 48 : index
      %get3A_471 = tpu.vector_load %arg15[%get3A_470] {strides = array<i32>} : memref<128xf32, #tpu.memory_space<vmem>>, vector<16xf32>,
      %get3A_472 = arith.constant 48 : index
      %get3A_473 = tpu.vector_load %arg17[%get3A_472] {strides = array<i32>} : memref<128xf32, #tpu.memory_space<vmem>>, vector<16xf32>,
      %mul3A_474 = arith.mulf %bitcast3A_469, %get3A_471 : vector<16xf32>
      %mul3A_475 = arith.mulf %bitcast3A_469, %get3A_473 : vector<16xf32>
      %add3A_476 = arith.addf %mul3A_474, %mul3A_475 : vector<16xf32>
      %max3A_477 = arith.constant 0.000000e+00 : f32
      %max3A_478 = vector.broadcast %max3A_477 : f32 to vector<16xf32>
      %max3A_479 = arith.maximumf %add3A_476, %max3A_478 : vector<16xf32>
      %min3A_480 = arith.constant 0.000000e+00 : f32
      %min3A_481 = vector.broadcast %min3A_480 : f32 to vector<16xf32>
      %min3A_482 = arith.minimumf %add3A_476, %min3A_481 : vector<16xf32>
      %mul3A_483 = arith.constant 2.000000e-01 : f32
      %mul3A_484 = vector.broadcast %mul3A_483 : f32 to vector<16xf32>
      %mul3A_485 = arith.mulf %mul3A_484, %min3A_482 : vector<16xf32>
      %add3A_486 = arith.addf %max3A_479, %mul3A_485 : vector<16xf32>
      %sub3A_487 = arith.subf %add3A_486, %get3A_386 : vector<16xf32>
      %exp3A_488 = math.exp %sub3A_487 : vector<16xf32>
      %swap3A_489 = arith.constant 48 : index
      %swap3A_490 = tpu.vector_load %arg13[%swap3A_489] {strides = array<i32>} : memref<128xf32, #tpu.memory_space<vmem>>, vector<16xf32>,
      tpu.vector_store %arg13[%swap3A_489], %exp3A_488 {strides = array<i32>} : memref<128xf32, #tpu.memory_space<vmem>>, vector<16xf32>,
      %get3A_491 = arith.constant 2 : i32
      %get3A_492 = arith.index_cast %get3A_491 : i32 to index
      %get3A_493 = arith.constant 64 : index
      %get3A_494 = tpu.vector_load %arg11[%get3A_492, %get3A_493] {strides = array<i32>} : memref<3x128xi32, #tpu.memory_space<vmem>>, vector<16xi32>,
      %bitcast3A_495 = vector.bitcast %get3A_494 : vector<16xi32> to vector<16xf32>
      %get3A_496 = arith.constant 64 : index
      %get3A_497 = tpu.vector_load %arg15[%get3A_496] {strides = array<i32>} : memref<128xf32, #tpu.memory_space<vmem>>, vector<16xf32>,
      %get3A_498 = arith.constant 64 : index
      %get3A_499 = tpu.vector_load %arg17[%get3A_498] {strides = array<i32>} : memref<128xf32, #tpu.memory_space<vmem>>, vector<16xf32>,
      %mul3A_500 = arith.mulf %bitcast3A_495, %get3A_497 : vector<16xf32>
      %mul3A_501 = arith.mulf %bitcast3A_495, %get3A_499 : vector<16xf32>
      %add3A_502 = arith.addf %mul3A_500, %mul3A_501 : vector<16xf32>
      %max3A_503 = arith.constant 0.000000e+00 : f32
      %max3A_504 = vector.broadcast %max3A_503 : f32 to vector<16xf32>
      %max3A_505 = arith.maximumf %add3A_502, %max3A_504 : vector<16xf32>
      %min3A_506 = arith.constant 0.000000e+00 : f32
      %min3A_507 = vector.broadcast %min3A_506 : f32 to vector<16xf32>
      %min3A_508 = arith.minimumf %add3A_502, %min3A_507 : vector<16xf32>
      %mul3A_509 = arith.constant 2.000000e-01 : f32
      %mul3A_510 = vector.broadcast %mul3A_509 : f32 to vector<16xf32>
      %mul3A_511 = arith.mulf %mul3A_510, %min3A_508 : vector<16xf32>
      %add3A_512 = arith.addf %max3A_505, %mul3A_511 : vector<16xf32>
      %sub3A_513 = arith.subf %add3A_512, %get3A_386 : vector<16xf32>
      %exp3A_514 = math.exp %sub3A_513 : vector<16xf32>
      %swap3A_515 = arith.constant 64 : index
      %swap3A_516 = tpu.vector_load %arg13[%swap3A_515] {strides = array<i32>} : memref<128xf32, #tpu.memory_space<vmem>>, vector<16xf32>,
      tpu.vector_store %arg13[%swap3A_515], %exp3A_514 {strides = array<i32>} : memref<128xf32, #tpu.memory_space<vmem>>, vector<16xf32>,
      %get3A_517 = arith.constant 2 : i32
      %get3A_518 = arith.index_cast %get3A_517 : i32 to index
      %get3A_519 = arith.constant 80 : index
      %get3A_520 = tpu.vector_load %arg11[%get3A_518, %get3A_519] {strides = array<i32>} : memref<3x128xi32, #tpu.memory_space<vmem>>, vector<16xi32>,
      %bitcast3A_521 = vector.bitcast %get3A_520 : vector<16xi32> to vector<16xf32>
      %get3A_522 = arith.constant 80 : index
      %get3A_523 = tpu.vector_load %arg15[%get3A_522] {strides = array<i32>} : memref<128xf32, #tpu.memory_space<vmem>>, vector<16xf32>,
      %get3A_524 = arith.constant 80 : index
      %get3A_525 = tpu.vector_load %arg17[%get3A_524] {strides = array<i32>} : memref<128xf32, #tpu.memory_space<vmem>>, vector<16xf32>,
      %mul3A_526 = arith.mulf %bitcast3A_521, %get3A_523 : vector<16xf32>
      %mul3A_527 = arith.mulf %bitcast3A_521, %get3A_525 : vector<16xf32>
      %add3A_528 = arith.addf %mul3A_526, %mul3A_527 : vector<16xf32>
      %max3A_529 = arith.constant 0.000000e+00 : f32
      %max3A_530 = vector.broadcast %max3A_529 : f32 to vector<16xf32>
      %max3A_531 = arith.maximumf %add3A_528, %max3A_530 : vector<16xf32>
      %min3A_532 = arith.constant 0.000000e+00 : f32
      %min3A_533 = vector.broadcast %min3A_532 : f32 to vector<16xf32>
      %min3A_534 = arith.minimumf %add3A_528, %min3A_533 : vector<16xf32>
      %mul3A_535 = arith.constant 2.000000e-01 : f32
      %mul3A_536 = vector.broadcast %mul3A_535 : f32 to vector<16xf32>
      %mul3A_537 = arith.mulf %mul3A_536, %min3A_534 : vector<16xf32>
      %add3A_538 = arith.addf %max3A_531, %mul3A_537 : vector<16xf32>
      %sub3A_539 = arith.subf %add3A_538, %get3A_386 : vector<16xf32>
      %exp3A_540 = math.exp %sub3A_539 : vector<16xf32>
      %swap3A_541 = arith.constant 80 : index
      %swap3A_542 = tpu.vector_load %arg13[%swap3A_541] {strides = array<i32>} : memref<128xf32, #tpu.memory_space<vmem>>, vector<16xf32>,
      tpu.vector_store %arg13[%swap3A_541], %exp3A_540 {strides = array<i32>} : memref<128xf32, #tpu.memory_space<vmem>>, vector<16xf32>,
      %get3A_543 = arith.constant 2 : i32
      %get3A_544 = arith.index_cast %get3A_543 : i32 to index
      %get3A_545 = arith.constant 96 : index
      %get3A_546 = tpu.vector_load %arg11[%get3A_544, %get3A_545] {strides = array<i32>} : memref<3x128xi32, #tpu.memory_space<vmem>>, vector<16xi32>,
      %bitcast3A_547 = vector.bitcast %get3A_546 : vector<16xi32> to vector<16xf32>
      %get3A_548 = arith.constant 96 : index
      %get3A_549 = tpu.vector_load %arg15[%get3A_548] {strides = array<i32>} : memref<128xf32, #tpu.memory_space<vmem>>, vector<16xf32>,
      %get3A_550 = arith.constant 96 : index
      %get3A_551 = tpu.vector_load %arg17[%get3A_550] {strides = array<i32>} : memref<128xf32, #tpu.memory_space<vmem>>, vector<16xf32>,
      %mul3A_552 = arith.mulf %bitcast3A_547, %get3A_549 : vector<16xf32>
      %mul3A_553 = arith.mulf %bitcast3A_547, %get3A_551 : vector<16xf32>
      %add3A_554 = arith.addf %mul3A_552, %mul3A_553 : vector<16xf32>
      %max3A_555 = arith.constant 0.000000e+00 : f32
      %max3A_556 = vector.broadcast %max3A_555 : f32 to vector<16xf32>
      %max3A_557 = arith.maximumf %add3A_554, %max3A_556 : vector<16xf32>
      %min3A_558 = arith.constant 0.000000e+00 : f32
      %min3A_559 = vector.broadcast %min3A_558 : f32 to vector<16xf32>
      %min3A_560 = arith.minimumf %add3A_554, %min3A_559 : vector<16xf32>
      %mul3A_561 = arith.constant 2.000000e-01 : f32
      %mul3A_562 = vector.broadcast %mul3A_561 : f32 to vector<16xf32>
      %mul3A_563 = arith.mulf %mul3A_562, %min3A_560 : vector<16xf32>
      %add3A_564 = arith.addf %max3A_557, %mul3A_563 : vector<16xf32>
      %sub3A_565 = arith.subf %add3A_564, %get3A_386 : vector<16xf32>
      %exp3A_566 = math.exp %sub3A_565 : vector<16xf32>
      %swap3A_567 = arith.constant 96 : index
      %swap3A_568 = tpu.vector_load %arg13[%swap3A_567] {strides = array<i32>} : memref<128xf32, #tpu.memory_space<vmem>>, vector<16xf32>,
      tpu.vector_store %arg13[%swap3A_567], %exp3A_566 {strides = array<i32>} : memref<128xf32, #tpu.memory_space<vmem>>, vector<16xf32>,
      %get3A_569 = arith.constant 2 : i32
      %get3A_570 = arith.index_cast %get3A_569 : i32 to index
      %get3A_571 = arith.constant 112 : index
      %get3A_572 = tpu.vector_load %arg11[%get3A_570, %get3A_571] {strides = array<i32>} : memref<3x128xi32, #tpu.memory_space<vmem>>, vector<16xi32>,
      %bitcast3A_573 = vector.bitcast %get3A_572 : vector<16xi32> to vector<16xf32>
      %get3A_574 = arith.constant 112 : index
      %get3A_575 = tpu.vector_load %arg15[%get3A_574] {strides = array<i32>} : memref<128xf32, #tpu.memory_space<vmem>>, vector<16xf32>,
      %get3A_576 = arith.constant 112 : index
      %get3A_577 = tpu.vector_load %arg17[%get3A_576] {strides = array<i32>} : memref<128xf32, #tpu.memory_space<vmem>>, vector<16xf32>,
      %mul3A_578 = arith.mulf %bitcast3A_573, %get3A_575 : vector<16xf32>
      %mul3A_579 = arith.mulf %bitcast3A_573, %get3A_577 : vector<16xf32>
      %add3A_580 = arith.addf %mul3A_578, %mul3A_579 : vector<16xf32>
      %max3A_581 = arith.constant 0.000000e+00 : f32
      %max3A_582 = vector.broadcast %max3A_581 : f32 to vector<16xf32>
      %max3A_583 = arith.maximumf %add3A_580, %max3A_582 : vector<16xf32>
      %min3A_584 = arith.constant 0.000000e+00 : f32
      %min3A_585 = vector.broadcast %min3A_584 : f32 to vector<16xf32>
      %min3A_586 = arith.minimumf %add3A_580, %min3A_585 : vector<16xf32>
      %mul3A_587 = arith.constant 2.000000e-01 : f32
      %mul3A_588 = vector.broadcast %mul3A_587 : f32 to vector<16xf32>
      %mul3A_589 = arith.mulf %mul3A_588, %min3A_586 : vector<16xf32>
      %add3A_590 = arith.addf %max3A_583, %mul3A_589 : vector<16xf32>
      %sub3A_591 = arith.subf %add3A_590, %get3A_386 : vector<16xf32>
      %exp3A_592 = math.exp %sub3A_591 : vector<16xf32>
      %swap3A_593 = arith.constant 112 : index
      %swap3A_594 = tpu.vector_load %arg13[%swap3A_593] {strides = array<i32>} : memref<128xf32, #tpu.memory_space<vmem>>, vector<16xf32>,
      tpu.vector_store %arg13[%swap3A_593], %exp3A_592 {strides = array<i32>} : memref<128xf32, #tpu.memory_space<vmem>>, vector<16xf32>,
      %dma_wait3A_595 = arith.constant 1 : i32
      %dma_wait3A_596 = arith.constant 0 : i32
      %dma_wait3A_597 = tpu.memref_slice %arg11[%dma_wait3A_595, %dma_wait3A_596] : memref<3x128xi32, #tpu.memory_space<vmem>> -> memref<1x128xi32, #tpu.memory_space<vmem>>
      %dma_wait3A_598 = tpu.memref_squeeze %dma_wait3A_597 : memref<1x128xi32, #tpu.memory_space<vmem>> -> memref<128xi32, #tpu.memory_space<vmem>>
      %dma_wait3A_599 = arith.constant 0 : i32
      %dma_wait3A_600 = arith.constant 0 : i32
      %dma_wait3A_601 = tpu.memref_slice %arg5[%dma_wait3A_599, %dma_wait3A_600] : memref<10000x128xf32, #tpu.memory_space<hbm>> -> memref<10000x128xf32, #tpu.memory_space<hbm>>
      tpu.wait_indirect_dma semaphore(%arg21 : memref<!tpu.dma_semaphore, #tpu.memory_space<semaphore_mem>>) src(%dma_wait3A_601 : memref<10000x128xf32, #tpu.memory_space<hbm>>) dst(%arg19 : memref<128x128xf32, #tpu.memory_space<vmem>>)
      %dma_wait3A_602 = arith.constant 0 : i32
      %dma_wait3A_603 = arith.constant 0 : i32
      %dma_wait3A_604 = tpu.memref_slice %arg10[%dma_wait3A_602, %dma_wait3A_603] : memref<3x128xi32, #tpu.memory_space<vmem>> -> memref<1x128xi32, #tpu.memory_space<vmem>>
      %dma_wait3A_605 = tpu.memref_squeeze %dma_wait3A_604 : memref<1x128xi32, #tpu.memory_space<vmem>> -> memref<128xi32, #tpu.memory_space<vmem>>
      %dma_wait3A_606 = arith.constant 0 : i32
      %dma_wait3A_607 = arith.constant 0 : i32
      %dma_wait3A_608 = tpu.memref_slice %arg26[%dma_wait3A_606, %dma_wait3A_607] : memref<10240x128xf32, #tpu.memory_space<vmem_shared>> -> memref<10240x128xf32, #tpu.memory_space<vmem_shared>>
      tpu.wait_indirect_dma semaphore(%arg22 : memref<!tpu.dma_semaphore, #tpu.memory_space<semaphore_mem>>) src(%arg18 : memref<128x128xf32, #tpu.memory_space<vmem>>) dst(%dma_wait3A_608 : memref<10240x128xf32, #tpu.memory_space<vmem_shared>>)
      %dma_wait3A_609 = arith.constant 0 : i32
      %dma_wait3A_610 = arith.constant 0 : i32
      %dma_wait3A_611 = tpu.memref_slice %arg10[%dma_wait3A_609, %dma_wait3A_610] : memref<3x128xi32, #tpu.memory_space<vmem>> -> memref<1x128xi32, #tpu.memory_space<vmem>>
      %dma_wait3A_612 = tpu.memref_squeeze %dma_wait3A_611 : memref<1x128xi32, #tpu.memory_space<vmem>> -> memref<128xi32, #tpu.memory_space<vmem>>
      %dma_wait3A_613 = arith.constant 0 : i32
      %dma_wait3A_614 = tpu.memref_slice %arg27[%dma_wait3A_613] : memref<10240xf32, #tpu.memory_space<vmem_shared>> -> memref<10240xf32, #tpu.memory_space<vmem_shared>>
      tpu.wait_indirect_dma semaphore(%arg22 : memref<!tpu.dma_semaphore, #tpu.memory_space<semaphore_mem>>) src(%arg12 : memref<128xf32, #tpu.memory_space<vmem>>) dst(%dma_wait3A_614 : memref<10240xf32, #tpu.memory_space<vmem_shared>>)
      %lt3A = arith.constant 39 : i32
      %lt3A_615 = arith.cmpi slt, %scan3A_103, %lt3A : i32
      %convert_element_type3A_616 = arith.extui %lt3A_615 : i1 to i32
      %cond3A_617 = arith.constant 0 : i32
      %cond3A_618 = arith.cmpi ne, %convert_element_type3A_616, %cond3A_617 : i32
      scf.if %cond3A_618 {
        %add3A_638 = arith.constant 2 : i32
        %add3A_639 = arith.addi %mul3A_105, %add3A_638 : i32
        "tpu.region"() ({
          %run_scoped3A_659 = tpu.sem_alloc : memref<!tpu.dma_semaphore, #tpu.memory_space<semaphore_mem>>
          %dma_start3A_660 = arith.constant 0 : i32
          %dma_start3A_661 = arith.constant 0 : i32
          %dma_start3A_662 = tpu.memref_slice %arg2[%add3A, %add3A_639, %dma_start3A_660, %dma_start3A_661] : memref<32x80x3x128xi32, #tpu.memory_space<hbm>> -> memref<1x1x3x128xi32, #tpu.memory_space<hbm>>
          %dma_start3A_663 = tpu.memref_squeeze %dma_start3A_662 : memref<1x1x3x128xi32, #tpu.memory_space<hbm>> -> memref<3x128xi32, #tpu.memory_space<hbm>>
          %dma_start3A_664 = arith.constant 0 : i32
          %dma_start3A_665 = arith.constant 0 : i32
          %dma_start3A_666 = tpu.memref_slice %arg2[%add3A, %add3A_639, %dma_start3A_664, %dma_start3A_665] : memref<32x80x3x128xi32, #tpu.memory_space<hbm>> -> memref<1x1x3x128xi32, #tpu.memory_space<hbm>>
          %dma_start3A_667 = tpu.memref_squeeze %dma_start3A_666 : memref<1x1x3x128xi32, #tpu.memory_space<hbm>> -> memref<3x128xi32, #tpu.memory_space<hbm>>
          tpu.enqueue_dma source(%dma_start3A_667 : memref<3x128xi32, #tpu.memory_space<hbm>>) target(%arg10 : memref<3x128xi32, #tpu.memory_space<vmem>>) target_semaphore(%run_scoped3A_659 : memref<!tpu.dma_semaphore, #tpu.memory_space<semaphore_mem>>)
          %dma_wait3A_668 = arith.constant 0 : i32
          %dma_wait3A_669 = arith.constant 0 : i32
          %dma_wait3A_670 = tpu.memref_slice %arg2[%add3A, %add3A_639, %dma_wait3A_668, %dma_wait3A_669] : memref<32x80x3x128xi32, #tpu.memory_space<hbm>> -> memref<1x1x3x128xi32, #tpu.memory_space<hbm>>
          %dma_wait3A_671 = tpu.memref_squeeze %dma_wait3A_670 : memref<1x1x3x128xi32, #tpu.memory_space<hbm>> -> memref<3x128xi32, #tpu.memory_space<hbm>>
          %dma_wait3A_672 = arith.constant 0 : i32
          %dma_wait3A_673 = arith.constant 0 : i32
          %dma_wait3A_674 = tpu.memref_slice %arg2[%add3A, %add3A_639, %dma_wait3A_672, %dma_wait3A_673] : memref<32x80x3x128xi32, #tpu.memory_space<hbm>> -> memref<1x1x3x128xi32, #tpu.memory_space<hbm>>
          %dma_wait3A_675 = tpu.memref_squeeze %dma_wait3A_674 : memref<1x1x3x128xi32, #tpu.memory_space<hbm>> -> memref<3x128xi32, #tpu.memory_space<hbm>>
          tpu.wait_dma2 semaphore(%run_scoped3A_659 : memref<!tpu.dma_semaphore, #tpu.memory_space<semaphore_mem>>) src(%dma_wait3A_675 : memref<3x128xi32, #tpu.memory_space<hbm>>) dst(%arg10 : memref<3x128xi32, #tpu.memory_space<vmem>>)
          tpu.yield
        }) : () -> ()
        %dma_start3A_640 = arith.constant 0 : i32
        %dma_start3A_641 = arith.constant 0 : i32
        %dma_start3A_642 = tpu.memref_slice %arg10[%dma_start3A_640, %dma_start3A_641] : memref<3x128xi32, #tpu.memory_space<vmem>> -> memref<1x128xi32, #tpu.memory_space<vmem>>
        %dma_start3A_643 = tpu.memref_squeeze %dma_start3A_642 : memref<1x128xi32, #tpu.memory_space<vmem>> -> memref<128xi32, #tpu.memory_space<vmem>>
        %dma_start3A_644 = arith.constant 0 : i32
        %dma_start3A_645 = tpu.memref_slice %arg28[%dma_start3A_644] : memref<10240xf32, #tpu.memory_space<vmem_shared>> -> memref<10240xf32, #tpu.memory_space<vmem_shared>>
        tpu.enqueue_indirect_dma source(%dma_start3A_645 : memref<10240xf32, #tpu.memory_space<vmem_shared>>) target(%arg14 : memref<128xf32, #tpu.memory_space<vmem>>) offsets(%dma_start3A_643 : memref<128xi32, #tpu.memory_space<vmem>>) semaphore(%arg24 : memref<!tpu.dma_semaphore, #tpu.memory_space<semaphore_mem>>)
        %dma_start3A_646 = arith.constant 1 : i32
        %dma_start3A_647 = arith.constant 0 : i32
        %dma_start3A_648 = tpu.memref_slice %arg10[%dma_start3A_646, %dma_start3A_647] : memref<3x128xi32, #tpu.memory_space<vmem>> -> memref<1x128xi32, #tpu.memory_space<vmem>>
        %dma_start3A_649 = tpu.memref_squeeze %dma_start3A_648 : memref<1x128xi32, #tpu.memory_space<vmem>> -> memref<128xi32, #tpu.memory_space<vmem>>
        %dma_start3A_650 = arith.constant 0 : i32
        %dma_start3A_651 = tpu.memref_slice %arg29[%dma_start3A_650] : memref<10240xf32, #tpu.memory_space<vmem_shared>> -> memref<10240xf32, #tpu.memory_space<vmem_shared>>
        tpu.enqueue_indirect_dma source(%dma_start3A_651 : memref<10240xf32, #tpu.memory_space<vmem_shared>>) target(%arg16 : memref<128xf32, #tpu.memory_space<vmem>>) offsets(%dma_start3A_649 : memref<128xi32, #tpu.memory_space<vmem>>) semaphore(%arg24 : memref<!tpu.dma_semaphore, #tpu.memory_space<semaphore_mem>>)
        %dma_start3A_652 = arith.constant 1 : i32
        %dma_start3A_653 = arith.constant 0 : i32
        %dma_start3A_654 = tpu.memref_slice %arg10[%dma_start3A_652, %dma_start3A_653] : memref<3x128xi32, #tpu.memory_space<vmem>> -> memref<1x128xi32, #tpu.memory_space<vmem>>
        %dma_start3A_655 = tpu.memref_squeeze %dma_start3A_654 : memref<1x128xi32, #tpu.memory_space<vmem>> -> memref<128xi32, #tpu.memory_space<vmem>>
        %dma_start3A_656 = arith.constant 0 : i32
        %dma_start3A_657 = arith.constant 0 : i32
        %dma_start3A_658 = tpu.memref_slice %arg5[%dma_start3A_656, %dma_start3A_657] : memref<10000x128xf32, #tpu.memory_space<hbm>> -> memref<10000x128xf32, #tpu.memory_space<hbm>>
        tpu.enqueue_indirect_dma source(%dma_start3A_658 : memref<10000x128xf32, #tpu.memory_space<hbm>>) target(%arg18 : memref<128x128xf32, #tpu.memory_space<vmem>>) offsets(%dma_start3A_655 : memref<128xi32, #tpu.memory_space<vmem>>) semaphore(%arg20 : memref<!tpu.dma_semaphore, #tpu.memory_space<semaphore_mem>>)
      } else {
      }
      %scan3A_619 = arith.constant 0 : i32
      %scan3A_620 = arith.constant 0 : i32
      %scan3A_621 = arith.constant 8 : i32
      %scan3A_622 = arith.addi %scan3A_620, %scan3A_621 : i32
      %scan3A_623 = arith.constant 1 : i32
      scf.for %scan3A_638 = %scan3A_620 to %scan3A_622 step %scan3A_623  : i32 {
        %mul3A_639 = arith.constant 16 : i32
        %mul3A_640 = arith.muli %scan3A_638, %mul3A_639 : i32
        %get3A_641 = arith.index_cast %mul3A_640 : i32 to index
        %get3A_642 = tpu.vector_load %arg13[%get3A_641] {strides = array<i32>} : memref<128xf32, #tpu.memory_space<vmem>>, vector<16xf32>,
        %slice3A = vector.extract_strided_slice %get3A_642 {offsets = [0], sizes = [1], strides = [1]} : vector<16xf32> to vector<1xf32>
        %squeeze3A = vector.extract %slice3A[0] : f32 from vector<1xf32>
        %mul3A_643 = arith.constant 16 : i32
        %mul3A_644 = arith.muli %scan3A_638, %mul3A_643 : i32
        %add3A_645 = arith.constant 0 : i32
        %add3A_646 = arith.addi %mul3A_644, %add3A_645 : i32
        %get3A_647 = arith.index_cast %add3A_646 : i32 to index
        %get3A_648 = arith.constant 0 : index
        %get3A_649 = tpu.vector_load %arg19[%get3A_647, %get3A_648] {strides = array<i32>} : memref<128x128xf32, #tpu.memory_space<vmem>>, vector<16xf32>,
        %mul3A_650 = vector.broadcast %squeeze3A : f32 to vector<16xf32>
        %mul3A_651 = arith.mulf %get3A_649, %mul3A_650 : vector<16xf32>
        %swap3A_652 = arith.index_cast %add3A_646 : i32 to index
        %swap3A_653 = arith.constant 0 : index
        %swap3A_654 = tpu.vector_load %arg19[%swap3A_652, %swap3A_653] {strides = array<i32>} : memref<128x128xf32, #tpu.memory_space<vmem>>, vector<16xf32>,
        tpu.vector_store %arg19[%swap3A_652, %swap3A_653], %mul3A_651 {strides = array<i32>} : memref<128x128xf32, #tpu.memory_space<vmem>>, vector<16xf32>,
        %get3A_655 = arith.index_cast %add3A_646 : i32 to index
        %get3A_656 = arith.constant 16 : index
        %get3A_657 = tpu.vector_load %arg19[%get3A_655, %get3A_656] {strides = array<i32>} : memref<128x128xf32, #tpu.memory_space<vmem>>, vector<16xf32>,
        %mul3A_658 = vector.broadcast %squeeze3A : f32 to vector<16xf32>
        %mul3A_659 = arith.mulf %get3A_657, %mul3A_658 : vector<16xf32>
        %swap3A_660 = arith.index_cast %add3A_646 : i32 to index
        %swap3A_661 = arith.constant 16 : index
        %swap3A_662 = tpu.vector_load %arg19[%swap3A_660, %swap3A_661] {strides = array<i32>} : memref<128x128xf32, #tpu.memory_space<vmem>>, vector<16xf32>,
        tpu.vector_store %arg19[%swap3A_660, %swap3A_661], %mul3A_659 {strides = array<i32>} : memref<128x128xf32, #tpu.memory_space<vmem>>, vector<16xf32>,
        %get3A_663 = arith.index_cast %add3A_646 : i32 to index
        %get3A_664 = arith.constant 32 : index
        %get3A_665 = tpu.vector_load %arg19[%get3A_663, %get3A_664] {strides = array<i32>} : memref<128x128xf32, #tpu.memory_space<vmem>>, vector<16xf32>,
        %mul3A_666 = vector.broadcast %squeeze3A : f32 to vector<16xf32>
        %mul3A_667 = arith.mulf %get3A_665, %mul3A_666 : vector<16xf32>
        %swap3A_668 = arith.index_cast %add3A_646 : i32 to index
        %swap3A_669 = arith.constant 32 : index
        %swap3A_670 = tpu.vector_load %arg19[%swap3A_668, %swap3A_669] {strides = array<i32>} : memref<128x128xf32, #tpu.memory_space<vmem>>, vector<16xf32>,
        tpu.vector_store %arg19[%swap3A_668, %swap3A_669], %mul3A_667 {strides = array<i32>} : memref<128x128xf32, #tpu.memory_space<vmem>>, vector<16xf32>,
        %get3A_671 = arith.index_cast %add3A_646 : i32 to index
        %get3A_672 = arith.constant 48 : index
        %get3A_673 = tpu.vector_load %arg19[%get3A_671, %get3A_672] {strides = array<i32>} : memref<128x128xf32, #tpu.memory_space<vmem>>, vector<16xf32>,
        %mul3A_674 = vector.broadcast %squeeze3A : f32 to vector<16xf32>
        %mul3A_675 = arith.mulf %get3A_673, %mul3A_674 : vector<16xf32>
        %swap3A_676 = arith.index_cast %add3A_646 : i32 to index
        %swap3A_677 = arith.constant 48 : index
        %swap3A_678 = tpu.vector_load %arg19[%swap3A_676, %swap3A_677] {strides = array<i32>} : memref<128x128xf32, #tpu.memory_space<vmem>>, vector<16xf32>,
        tpu.vector_store %arg19[%swap3A_676, %swap3A_677], %mul3A_675 {strides = array<i32>} : memref<128x128xf32, #tpu.memory_space<vmem>>, vector<16xf32>,
        %get3A_679 = arith.index_cast %add3A_646 : i32 to index
        %get3A_680 = arith.constant 64 : index
        %get3A_681 = tpu.vector_load %arg19[%get3A_679, %get3A_680] {strides = array<i32>} : memref<128x128xf32, #tpu.memory_space<vmem>>, vector<16xf32>,
        %mul3A_682 = vector.broadcast %squeeze3A : f32 to vector<16xf32>
        %mul3A_683 = arith.mulf %get3A_681, %mul3A_682 : vector<16xf32>
        %swap3A_684 = arith.index_cast %add3A_646 : i32 to index
        %swap3A_685 = arith.constant 64 : index
        %swap3A_686 = tpu.vector_load %arg19[%swap3A_684, %swap3A_685] {strides = array<i32>} : memref<128x128xf32, #tpu.memory_space<vmem>>, vector<16xf32>,
        tpu.vector_store %arg19[%swap3A_684, %swap3A_685], %mul3A_683 {strides = array<i32>} : memref<128x128xf32, #tpu.memory_space<vmem>>, vector<16xf32>,
        %get3A_687 = arith.index_cast %add3A_646 : i32 to index
        %get3A_688 = arith.constant 80 : index
        %get3A_689 = tpu.vector_load %arg19[%get3A_687, %get3A_688] {strides = array<i32>} : memref<128x128xf32, #tpu.memory_space<vmem>>, vector<16xf32>,
        %mul3A_690 = vector.broadcast %squeeze3A : f32 to vector<16xf32>
        %mul3A_691 = arith.mulf %get3A_689, %mul3A_690 : vector<16xf32>
        %swap3A_692 = arith.index_cast %add3A_646 : i32 to index
        %swap3A_693 = arith.constant 80 : index
        %swap3A_694 = tpu.vector_load %arg19[%swap3A_692, %swap3A_693] {strides = array<i32>} : memref<128x128xf32, #tpu.memory_space<vmem>>, vector<16xf32>,
        tpu.vector_store %arg19[%swap3A_692, %swap3A_693], %mul3A_691 {strides = array<i32>} : memref<128x128xf32, #tpu.memory_space<vmem>>, vector<16xf32>,
        %get3A_695 = arith.index_cast %add3A_646 : i32 to index
        %get3A_696 = arith.constant 96 : index
        %get3A_697 = tpu.vector_load %arg19[%get3A_695, %get3A_696] {strides = array<i32>} : memref<128x128xf32, #tpu.memory_space<vmem>>, vector<16xf32>,
        %mul3A_698 = vector.broadcast %squeeze3A : f32 to vector<16xf32>
        %mul3A_699 = arith.mulf %get3A_697, %mul3A_698 : vector<16xf32>
        %swap3A_700 = arith.index_cast %add3A_646 : i32 to index
        %swap3A_701 = arith.constant 96 : index
        %swap3A_702 = tpu.vector_load %arg19[%swap3A_700, %swap3A_701] {strides = array<i32>} : memref<128x128xf32, #tpu.memory_space<vmem>>, vector<16xf32>,
        tpu.vector_store %arg19[%swap3A_700, %swap3A_701], %mul3A_699 {strides = array<i32>} : memref<128x128xf32, #tpu.memory_space<vmem>>, vector<16xf32>,
        %get3A_703 = arith.index_cast %add3A_646 : i32 to index
        %get3A_704 = arith.constant 112 : index
        %get3A_705 = tpu.vector_load %arg19[%get3A_703, %get3A_704] {strides = array<i32>} : memref<128x128xf32, #tpu.memory_space<vmem>>, vector<16xf32>,
        %mul3A_706 = vector.broadcast %squeeze3A : f32 to vector<16xf32>
        %mul3A_707 = arith.mulf %get3A_705, %mul3A_706 : vector<16xf32>
        %swap3A_708 = arith.index_cast %add3A_646 : i32 to index
        %swap3A_709 = arith.constant 112 : index
        %swap3A_710 = tpu.vector_load %arg19[%swap3A_708, %swap3A_709] {strides = array<i32>} : memref<128x128xf32, #tpu.memory_space<vmem>>, vector<16xf32>,
        tpu.vector_store %arg19[%swap3A_708, %swap3A_709], %mul3A_707 {strides = array<i32>} : memref<128x128xf32, #tpu.memory_space<vmem>>, vector<16xf32>,
        %slice3A_711 = vector.extract_strided_slice %get3A_642 {offsets = [1], sizes = [1], strides = [1]} : vector<16xf32> to vector<1xf32>
        %squeeze3A_712 = vector.extract %slice3A_711[0] : f32 from vector<1xf32>
        %mul3A_713 = arith.constant 16 : i32
        %mul3A_714 = arith.muli %scan3A_638, %mul3A_713 : i32
        %add3A_715 = arith.constant 1 : i32
        %add3A_716 = arith.addi %mul3A_714, %add3A_715 : i32
        %get3A_717 = arith.index_cast %add3A_716 : i32 to index
        %get3A_718 = arith.constant 0 : index
        %get3A_719 = tpu.vector_load %arg19[%get3A_717, %get3A_718] {strides = array<i32>} : memref<128x128xf32, #tpu.memory_space<vmem>>, vector<16xf32>,
        %mul3A_720 = vector.broadcast %squeeze3A_712 : f32 to vector<16xf32>
        %mul3A_721 = arith.mulf %get3A_719, %mul3A_720 : vector<16xf32>
        %swap3A_722 = arith.index_cast %add3A_716 : i32 to index
        %swap3A_723 = arith.constant 0 : index
        %swap3A_724 = tpu.vector_load %arg19[%swap3A_722, %swap3A_723] {strides = array<i32>} : memref<128x128xf32, #tpu.memory_space<vmem>>, vector<16xf32>,
        tpu.vector_store %arg19[%swap3A_722, %swap3A_723], %mul3A_721 {strides = array<i32>} : memref<128x128xf32, #tpu.memory_space<vmem>>, vector<16xf32>,
        %get3A_725 = arith.index_cast %add3A_716 : i32 to index
        %get3A_726 = arith.constant 16 : index
        %get3A_727 = tpu.vector_load %arg19[%get3A_725, %get3A_726] {strides = array<i32>} : memref<128x128xf32, #tpu.memory_space<vmem>>, vector<16xf32>,
        %mul3A_728 = vector.broadcast %squeeze3A_712 : f32 to vector<16xf32>
        %mul3A_729 = arith.mulf %get3A_727, %mul3A_728 : vector<16xf32>
        %swap3A_730 = arith.index_cast %add3A_716 : i32 to index
        %swap3A_731 = arith.constant 16 : index
        %swap3A_732 = tpu.vector_load %arg19[%swap3A_730, %swap3A_731] {strides = array<i32>} : memref<128x128xf32, #tpu.memory_space<vmem>>, vector<16xf32>,
        tpu.vector_store %arg19[%swap3A_730, %swap3A_731], %mul3A_729 {strides = array<i32>} : memref<128x128xf32, #tpu.memory_space<vmem>>, vector<16xf32>,
        %get3A_733 = arith.index_cast %add3A_716 : i32 to index
        %get3A_734 = arith.constant 32 : index
        %get3A_735 = tpu.vector_load %arg19[%get3A_733, %get3A_734] {strides = array<i32>} : memref<128x128xf32, #tpu.memory_space<vmem>>, vector<16xf32>,
        %mul3A_736 = vector.broadcast %squeeze3A_712 : f32 to vector<16xf32>
        %mul3A_737 = arith.mulf %get3A_735, %mul3A_736 : vector<16xf32>
        %swap3A_738 = arith.index_cast %add3A_716 : i32 to index
        %swap3A_739 = arith.constant 32 : index
        %swap3A_740 = tpu.vector_load %arg19[%swap3A_738, %swap3A_739] {strides = array<i32>} : memref<128x128xf32, #tpu.memory_space<vmem>>, vector<16xf32>,
        tpu.vector_store %arg19[%swap3A_738, %swap3A_739], %mul3A_737 {strides = array<i32>} : memref<128x128xf32, #tpu.memory_space<vmem>>, vector<16xf32>,
        %get3A_741 = arith.index_cast %add3A_716 : i32 to index
        %get3A_742 = arith.constant 48 : index
        %get3A_743 = tpu.vector_load %arg19[%get3A_741, %get3A_742] {strides = array<i32>} : memref<128x128xf32, #tpu.memory_space<vmem>>, vector<16xf32>,
        %mul3A_744 = vector.broadcast %squeeze3A_712 : f32 to vector<16xf32>
        %mul3A_745 = arith.mulf %get3A_743, %mul3A_744 : vector<16xf32>
        %swap3A_746 = arith.index_cast %add3A_716 : i32 to index
        %swap3A_747 = arith.constant 48 : index
        %swap3A_748 = tpu.vector_load %arg19[%swap3A_746, %swap3A_747] {strides = array<i32>} : memref<128x128xf32, #tpu.memory_space<vmem>>, vector<16xf32>,
        tpu.vector_store %arg19[%swap3A_746, %swap3A_747], %mul3A_745 {strides = array<i32>} : memref<128x128xf32, #tpu.memory_space<vmem>>, vector<16xf32>,
        %get3A_749 = arith.index_cast %add3A_716 : i32 to index
        %get3A_750 = arith.constant 64 : index
        %get3A_751 = tpu.vector_load %arg19[%get3A_749, %get3A_750] {strides = array<i32>} : memref<128x128xf32, #tpu.memory_space<vmem>>, vector<16xf32>,
        %mul3A_752 = vector.broadcast %squeeze3A_712 : f32 to vector<16xf32>
        %mul3A_753 = arith.mulf %get3A_751, %mul3A_752 : vector<16xf32>
        %swap3A_754 = arith.index_cast %add3A_716 : i32 to index
        %swap3A_755 = arith.constant 64 : index
        %swap3A_756 = tpu.vector_load %arg19[%swap3A_754, %swap3A_755] {strides = array<i32>} : memref<128x128xf32, #tpu.memory_space<vmem>>, vector<16xf32>,
        tpu.vector_store %arg19[%swap3A_754, %swap3A_755], %mul3A_753 {strides = array<i32>} : memref<128x128xf32, #tpu.memory_space<vmem>>, vector<16xf32>,
        %get3A_757 = arith.index_cast %add3A_716 : i32 to index
        %get3A_758 = arith.constant 80 : index
        %get3A_759 = tpu.vector_load %arg19[%get3A_757, %get3A_758] {strides = array<i32>} : memref<128x128xf32, #tpu.memory_space<vmem>>, vector<16xf32>,
        %mul3A_760 = vector.broadcast %squeeze3A_712 : f32 to vector<16xf32>
        %mul3A_761 = arith.mulf %get3A_759, %mul3A_760 : vector<16xf32>
        %swap3A_762 = arith.index_cast %add3A_716 : i32 to index
        %swap3A_763 = arith.constant 80 : index
        %swap3A_764 = tpu.vector_load %arg19[%swap3A_762, %swap3A_763] {strides = array<i32>} : memref<128x128xf32, #tpu.memory_space<vmem>>, vector<16xf32>,
        tpu.vector_store %arg19[%swap3A_762, %swap3A_763], %mul3A_761 {strides = array<i32>} : memref<128x128xf32, #tpu.memory_space<vmem>>, vector<16xf32>,
        %get3A_765 = arith.index_cast %add3A_716 : i32 to index
        %get3A_766 = arith.constant 96 : index
        %get3A_767 = tpu.vector_load %arg19[%get3A_765, %get3A_766] {strides = array<i32>} : memref<128x128xf32, #tpu.memory_space<vmem>>, vector<16xf32>,
        %mul3A_768 = vector.broadcast %squeeze3A_712 : f32 to vector<16xf32>
        %mul3A_769 = arith.mulf %get3A_767, %mul3A_768 : vector<16xf32>
        %swap3A_770 = arith.index_cast %add3A_716 : i32 to index
        %swap3A_771 = arith.constant 96 : index
        %swap3A_772 = tpu.vector_load %arg19[%swap3A_770, %swap3A_771] {strides = array<i32>} : memref<128x128xf32, #tpu.memory_space<vmem>>, vector<16xf32>,
        tpu.vector_store %arg19[%swap3A_770, %swap3A_771], %mul3A_769 {strides = array<i32>} : memref<128x128xf32, #tpu.memory_space<vmem>>, vector<16xf32>,
        %get3A_773 = arith.index_cast %add3A_716 : i32 to index
        %get3A_774 = arith.constant 112 : index
        %get3A_775 = tpu.vector_load %arg19[%get3A_773, %get3A_774] {strides = array<i32>} : memref<128x128xf32, #tpu.memory_space<vmem>>, vector<16xf32>,
        %mul3A_776 = vector.broadcast %squeeze3A_712 : f32 to vector<16xf32>
        %mul3A_777 = arith.mulf %get3A_775, %mul3A_776 : vector<16xf32>
        %swap3A_778 = arith.index_cast %add3A_716 : i32 to index
        %swap3A_779 = arith.constant 112 : index
        %swap3A_780 = tpu.vector_load %arg19[%swap3A_778, %swap3A_779] {strides = array<i32>} : memref<128x128xf32, #tpu.memory_space<vmem>>, vector<16xf32>,
        tpu.vector_store %arg19[%swap3A_778, %swap3A_779], %mul3A_777 {strides = array<i32>} : memref<128x128xf32, #tpu.memory_space<vmem>>, vector<16xf32>,
        %slice3A_781 = vector.extract_strided_slice %get3A_642 {offsets = [2], sizes = [1], strides = [1]} : vector<16xf32> to vector<1xf32>
        %squeeze3A_782 = vector.extract %slice3A_781[0] : f32 from vector<1xf32>
        %mul3A_783 = arith.constant 16 : i32
        %mul3A_784 = arith.muli %scan3A_638, %mul3A_783 : i32
        %add3A_785 = arith.constant 2 : i32
        %add3A_786 = arith.addi %mul3A_784, %add3A_785 : i32
        %get3A_787 = arith.index_cast %add3A_786 : i32 to index
        %get3A_788 = arith.constant 0 : index
        %get3A_789 = tpu.vector_load %arg19[%get3A_787, %get3A_788] {strides = array<i32>} : memref<128x128xf32, #tpu.memory_space<vmem>>, vector<16xf32>,
        %mul3A_790 = vector.broadcast %squeeze3A_782 : f32 to vector<16xf32>
        %mul3A_791 = arith.mulf %get3A_789, %mul3A_790 : vector<16xf32>
        %swap3A_792 = arith.index_cast %add3A_786 : i32 to index
        %swap3A_793 = arith.constant 0 : index
        %swap3A_794 = tpu.vector_load %arg19[%swap3A_792, %swap3A_793] {strides = array<i32>} : memref<128x128xf32, #tpu.memory_space<vmem>>, vector<16xf32>,
        tpu.vector_store %arg19[%swap3A_792, %swap3A_793], %mul3A_791 {strides = array<i32>} : memref<128x128xf32, #tpu.memory_space<vmem>>, vector<16xf32>,
        %get3A_795 = arith.index_cast %add3A_786 : i32 to index
        %get3A_796 = arith.constant 16 : index
        %get3A_797 = tpu.vector_load %arg19[%get3A_795, %get3A_796] {strides = array<i32>} : memref<128x128xf32, #tpu.memory_space<vmem>>, vector<16xf32>,
        %mul3A_798 = vector.broadcast %squeeze3A_782 : f32 to vector<16xf32>
        %mul3A_799 = arith.mulf %get3A_797, %mul3A_798 : vector<16xf32>
        %swap3A_800 = arith.index_cast %add3A_786 : i32 to index
        %swap3A_801 = arith.constant 16 : index
        %swap3A_802 = tpu.vector_load %arg19[%swap3A_800, %swap3A_801] {strides = array<i32>} : memref<128x128xf32, #tpu.memory_space<vmem>>, vector<16xf32>,
        tpu.vector_store %arg19[%swap3A_800, %swap3A_801], %mul3A_799 {strides = array<i32>} : memref<128x128xf32, #tpu.memory_space<vmem>>, vector<16xf32>,
        %get3A_803 = arith.index_cast %add3A_786 : i32 to index
        %get3A_804 = arith.constant 32 : index
        %get3A_805 = tpu.vector_load %arg19[%get3A_803, %get3A_804] {strides = array<i32>} : memref<128x128xf32, #tpu.memory_space<vmem>>, vector<16xf32>,
        %mul3A_806 = vector.broadcast %squeeze3A_782 : f32 to vector<16xf32>
        %mul3A_807 = arith.mulf %get3A_805, %mul3A_806 : vector<16xf32>
        %swap3A_808 = arith.index_cast %add3A_786 : i32 to index
        %swap3A_809 = arith.constant 32 : index
        %swap3A_810 = tpu.vector_load %arg19[%swap3A_808, %swap3A_809] {strides = array<i32>} : memref<128x128xf32, #tpu.memory_space<vmem>>, vector<16xf32>,
        tpu.vector_store %arg19[%swap3A_808, %swap3A_809], %mul3A_807 {strides = array<i32>} : memref<128x128xf32, #tpu.memory_space<vmem>>, vector<16xf32>,
        %get3A_811 = arith.index_cast %add3A_786 : i32 to index
        %get3A_812 = arith.constant 48 : index
        %get3A_813 = tpu.vector_load %arg19[%get3A_811, %get3A_812] {strides = array<i32>} : memref<128x128xf32, #tpu.memory_space<vmem>>, vector<16xf32>,
        %mul3A_814 = vector.broadcast %squeeze3A_782 : f32 to vector<16xf32>
        %mul3A_815 = arith.mulf %get3A_813, %mul3A_814 : vector<16xf32>
        %swap3A_816 = arith.index_cast %add3A_786 : i32 to index
        %swap3A_817 = arith.constant 48 : index
        %swap3A_818 = tpu.vector_load %arg19[%swap3A_816, %swap3A_817] {strides = array<i32>} : memref<128x128xf32, #tpu.memory_space<vmem>>, vector<16xf32>,
        tpu.vector_store %arg19[%swap3A_816, %swap3A_817], %mul3A_815 {strides = array<i32>} : memref<128x128xf32, #tpu.memory_space<vmem>>, vector<16xf32>,
        %get3A_819 = arith.index_cast %add3A_786 : i32 to index
        %get3A_820 = arith.constant 64 : index
        %get3A_821 = tpu.vector_load %arg19[%get3A_819, %get3A_820] {strides = array<i32>} : memref<128x128xf32, #tpu.memory_space<vmem>>, vector<16xf32>,
        %mul3A_822 = vector.broadcast %squeeze3A_782 : f32 to vector<16xf32>
        %mul3A_823 = arith.mulf %get3A_821, %mul3A_822 : vector<16xf32>
        %swap3A_824 = arith.index_cast %add3A_786 : i32 to index
        %swap3A_825 = arith.constant 64 : index
        %swap3A_826 = tpu.vector_load %arg19[%swap3A_824, %swap3A_825] {strides = array<i32>} : memref<128x128xf32, #tpu.memory_space<vmem>>, vector<16xf32>,
        tpu.vector_store %arg19[%swap3A_824, %swap3A_825], %mul3A_823 {strides = array<i32>} : memref<128x128xf32, #tpu.memory_space<vmem>>, vector<16xf32>,
        %get3A_827 = arith.index_cast %add3A_786 : i32 to index
        %get3A_828 = arith.constant 80 : index
        %get3A_829 = tpu.vector_load %arg19[%get3A_827, %get3A_828] {strides = array<i32>} : memref<128x128xf32, #tpu.memory_space<vmem>>, vector<16xf32>,
        %mul3A_830 = vector.broadcast %squeeze3A_782 : f32 to vector<16xf32>
        %mul3A_831 = arith.mulf %get3A_829, %mul3A_830 : vector<16xf32>
        %swap3A_832 = arith.index_cast %add3A_786 : i32 to index
        %swap3A_833 = arith.constant 80 : index
        %swap3A_834 = tpu.vector_load %arg19[%swap3A_832, %swap3A_833] {strides = array<i32>} : memref<128x128xf32, #tpu.memory_space<vmem>>, vector<16xf32>,
        tpu.vector_store %arg19[%swap3A_832, %swap3A_833], %mul3A_831 {strides = array<i32>} : memref<128x128xf32, #tpu.memory_space<vmem>>, vector<16xf32>,
        %get3A_835 = arith.index_cast %add3A_786 : i32 to index
        %get3A_836 = arith.constant 96 : index
        %get3A_837 = tpu.vector_load %arg19[%get3A_835, %get3A_836] {strides = array<i32>} : memref<128x128xf32, #tpu.memory_space<vmem>>, vector<16xf32>,
        %mul3A_838 = vector.broadcast %squeeze3A_782 : f32 to vector<16xf32>
        %mul3A_839 = arith.mulf %get3A_837, %mul3A_838 : vector<16xf32>
        %swap3A_840 = arith.index_cast %add3A_786 : i32 to index
        %swap3A_841 = arith.constant 96 : index
        %swap3A_842 = tpu.vector_load %arg19[%swap3A_840, %swap3A_841] {strides = array<i32>} : memref<128x128xf32, #tpu.memory_space<vmem>>, vector<16xf32>,
        tpu.vector_store %arg19[%swap3A_840, %swap3A_841], %mul3A_839 {strides = array<i32>} : memref<128x128xf32, #tpu.memory_space<vmem>>, vector<16xf32>,
        %get3A_843 = arith.index_cast %add3A_786 : i32 to index
        %get3A_844 = arith.constant 112 : index
        %get3A_845 = tpu.vector_load %arg19[%get3A_843, %get3A_844] {strides = array<i32>} : memref<128x128xf32, #tpu.memory_space<vmem>>, vector<16xf32>,
        %mul3A_846 = vector.broadcast %squeeze3A_782 : f32 to vector<16xf32>
        %mul3A_847 = arith.mulf %get3A_845, %mul3A_846 : vector<16xf32>
        %swap3A_848 = arith.index_cast %add3A_786 : i32 to index
        %swap3A_849 = arith.constant 112 : index
        %swap3A_850 = tpu.vector_load %arg19[%swap3A_848, %swap3A_849] {strides = array<i32>} : memref<128x128xf32, #tpu.memory_space<vmem>>, vector<16xf32>,
        tpu.vector_store %arg19[%swap3A_848, %swap3A_849], %mul3A_847 {strides = array<i32>} : memref<128x128xf32, #tpu.memory_space<vmem>>, vector<16xf32>,
        %slice3A_851 = vector.extract_strided_slice %get3A_642 {offsets = [3], sizes = [1], strides = [1]} : vector<16xf32> to vector<1xf32>
        %squeeze3A_852 = vector.extract %slice3A_851[0] : f32 from vector<1xf32>
        %mul3A_853 = arith.constant 16 : i32
        %mul3A_854 = arith.muli %scan3A_638, %mul3A_853 : i32
        %add3A_855 = arith.constant 3 : i32
        %add3A_856 = arith.addi %mul3A_854, %add3A_855 : i32
        %get3A_857 = arith.index_cast %add3A_856 : i32 to index
        %get3A_858 = arith.constant 0 : index
        %get3A_859 = tpu.vector_load %arg19[%get3A_857, %get3A_858] {strides = array<i32>} : memref<128x128xf32, #tpu.memory_space<vmem>>, vector<16xf32>,
        %mul3A_860 = vector.broadcast %squeeze3A_852 : f32 to vector<16xf32>
        %mul3A_861 = arith.mulf %get3A_859, %mul3A_860 : vector<16xf32>
        %swap3A_862 = arith.index_cast %add3A_856 : i32 to index
        %swap3A_863 = arith.constant 0 : index
        %swap3A_864 = tpu.vector_load %arg19[%swap3A_862, %swap3A_863] {strides = array<i32>} : memref<128x128xf32, #tpu.memory_space<vmem>>, vector<16xf32>,
        tpu.vector_store %arg19[%swap3A_862, %swap3A_863], %mul3A_861 {strides = array<i32>} : memref<128x128xf32, #tpu.memory_space<vmem>>, vector<16xf32>,
        %get3A_865 = arith.index_cast %add3A_856 : i32 to index
        %get3A_866 = arith.constant 16 : index
        %get3A_867 = tpu.vector_load %arg19[%get3A_865, %get3A_866] {strides = array<i32>} : memref<128x128xf32, #tpu.memory_space<vmem>>, vector<16xf32>,
        %mul3A_868 = vector.broadcast %squeeze3A_852 : f32 to vector<16xf32>
        %mul3A_869 = arith.mulf %get3A_867, %mul3A_868 : vector<16xf32>
        %swap3A_870 = arith.index_cast %add3A_856 : i32 to index
        %swap3A_871 = arith.constant 16 : index
        %swap3A_872 = tpu.vector_load %arg19[%swap3A_870, %swap3A_871] {strides = array<i32>} : memref<128x128xf32, #tpu.memory_space<vmem>>, vector<16xf32>,
        tpu.vector_store %arg19[%swap3A_870, %swap3A_871], %mul3A_869 {strides = array<i32>} : memref<128x128xf32, #tpu.memory_space<vmem>>, vector<16xf32>,
        %get3A_873 = arith.index_cast %add3A_856 : i32 to index
        %get3A_874 = arith.constant 32 : index
        %get3A_875 = tpu.vector_load %arg19[%get3A_873, %get3A_874] {strides = array<i32>} : memref<128x128xf32, #tpu.memory_space<vmem>>, vector<16xf32>,
        %mul3A_876 = vector.broadcast %squeeze3A_852 : f32 to vector<16xf32>
        %mul3A_877 = arith.mulf %get3A_875, %mul3A_876 : vector<16xf32>
        %swap3A_878 = arith.index_cast %add3A_856 : i32 to index
        %swap3A_879 = arith.constant 32 : index
        %swap3A_880 = tpu.vector_load %arg19[%swap3A_878, %swap3A_879] {strides = array<i32>} : memref<128x128xf32, #tpu.memory_space<vmem>>, vector<16xf32>,
        tpu.vector_store %arg19[%swap3A_878, %swap3A_879], %mul3A_877 {strides = array<i32>} : memref<128x128xf32, #tpu.memory_space<vmem>>, vector<16xf32>,
        %get3A_881 = arith.index_cast %add3A_856 : i32 to index
        %get3A_882 = arith.constant 48 : index
        %get3A_883 = tpu.vector_load %arg19[%get3A_881, %get3A_882] {strides = array<i32>} : memref<128x128xf32, #tpu.memory_space<vmem>>, vector<16xf32>,
        %mul3A_884 = vector.broadcast %squeeze3A_852 : f32 to vector<16xf32>
        %mul3A_885 = arith.mulf %get3A_883, %mul3A_884 : vector<16xf32>
        %swap3A_886 = arith.index_cast %add3A_856 : i32 to index
        %swap3A_887 = arith.constant 48 : index
        %swap3A_888 = tpu.vector_load %arg19[%swap3A_886, %swap3A_887] {strides = array<i32>} : memref<128x128xf32, #tpu.memory_space<vmem>>, vector<16xf32>,
        tpu.vector_store %arg19[%swap3A_886, %swap3A_887], %mul3A_885 {strides = array<i32>} : memref<128x128xf32, #tpu.memory_space<vmem>>, vector<16xf32>,
        %get3A_889 = arith.index_cast %add3A_856 : i32 to index
        %get3A_890 = arith.constant 64 : index
        %get3A_891 = tpu.vector_load %arg19[%get3A_889, %get3A_890] {strides = array<i32>} : memref<128x128xf32, #tpu.memory_space<vmem>>, vector<16xf32>,
        %mul3A_892 = vector.broadcast %squeeze3A_852 : f32 to vector<16xf32>
        %mul3A_893 = arith.mulf %get3A_891, %mul3A_892 : vector<16xf32>
        %swap3A_894 = arith.index_cast %add3A_856 : i32 to index
        %swap3A_895 = arith.constant 64 : index
        %swap3A_896 = tpu.vector_load %arg19[%swap3A_894, %swap3A_895] {strides = array<i32>} : memref<128x128xf32, #tpu.memory_space<vmem>>, vector<16xf32>,
        tpu.vector_store %arg19[%swap3A_894, %swap3A_895], %mul3A_893 {strides = array<i32>} : memref<128x128xf32, #tpu.memory_space<vmem>>, vector<16xf32>,
        %get3A_897 = arith.index_cast %add3A_856 : i32 to index
        %get3A_898 = arith.constant 80 : index
        %get3A_899 = tpu.vector_load %arg19[%get3A_897, %get3A_898] {strides = array<i32>} : memref<128x128xf32, #tpu.memory_space<vmem>>, vector<16xf32>,
        %mul3A_900 = vector.broadcast %squeeze3A_852 : f32 to vector<16xf32>
        %mul3A_901 = arith.mulf %get3A_899, %mul3A_900 : vector<16xf32>
        %swap3A_902 = arith.index_cast %add3A_856 : i32 to index
        %swap3A_903 = arith.constant 80 : index
        %swap3A_904 = tpu.vector_load %arg19[%swap3A_902, %swap3A_903] {strides = array<i32>} : memref<128x128xf32, #tpu.memory_space<vmem>>, vector<16xf32>,
        tpu.vector_store %arg19[%swap3A_902, %swap3A_903], %mul3A_901 {strides = array<i32>} : memref<128x128xf32, #tpu.memory_space<vmem>>, vector<16xf32>,
        %get3A_905 = arith.index_cast %add3A_856 : i32 to index
        %get3A_906 = arith.constant 96 : index
        %get3A_907 = tpu.vector_load %arg19[%get3A_905, %get3A_906] {strides = array<i32>} : memref<128x128xf32, #tpu.memory_space<vmem>>, vector<16xf32>,
        %mul3A_908 = vector.broadcast %squeeze3A_852 : f32 to vector<16xf32>
        %mul3A_909 = arith.mulf %get3A_907, %mul3A_908 : vector<16xf32>
        %swap3A_910 = arith.index_cast %add3A_856 : i32 to index
        %swap3A_911 = arith.constant 96 : index
        %swap3A_912 = tpu.vector_load %arg19[%swap3A_910, %swap3A_911] {strides = array<i32>} : memref<128x128xf32, #tpu.memory_space<vmem>>, vector<16xf32>,
        tpu.vector_store %arg19[%swap3A_910, %swap3A_911], %mul3A_909 {strides = array<i32>} : memref<128x128xf32, #tpu.memory_space<vmem>>, vector<16xf32>,
        %get3A_913 = arith.index_cast %add3A_856 : i32 to index
        %get3A_914 = arith.constant 112 : index
        %get3A_915 = tpu.vector_load %arg19[%get3A_913, %get3A_914] {strides = array<i32>} : memref<128x128xf32, #tpu.memory_space<vmem>>, vector<16xf32>,
        %mul3A_916 = vector.broadcast %squeeze3A_852 : f32 to vector<16xf32>
        %mul3A_917 = arith.mulf %get3A_915, %mul3A_916 : vector<16xf32>
        %swap3A_918 = arith.index_cast %add3A_856 : i32 to index
        %swap3A_919 = arith.constant 112 : index
        %swap3A_920 = tpu.vector_load %arg19[%swap3A_918, %swap3A_919] {strides = array<i32>} : memref<128x128xf32, #tpu.memory_space<vmem>>, vector<16xf32>,
        tpu.vector_store %arg19[%swap3A_918, %swap3A_919], %mul3A_917 {strides = array<i32>} : memref<128x128xf32, #tpu.memory_space<vmem>>, vector<16xf32>,
        %slice3A_921 = vector.extract_strided_slice %get3A_642 {offsets = [4], sizes = [1], strides = [1]} : vector<16xf32> to vector<1xf32>
        %squeeze3A_922 = vector.extract %slice3A_921[0] : f32 from vector<1xf32>
        %mul3A_923 = arith.constant 16 : i32
        %mul3A_924 = arith.muli %scan3A_638, %mul3A_923 : i32
        %add3A_925 = arith.constant 4 : i32
        %add3A_926 = arith.addi %mul3A_924, %add3A_925 : i32
        %get3A_927 = arith.index_cast %add3A_926 : i32 to index
        %get3A_928 = arith.constant 0 : index
        %get3A_929 = tpu.vector_load %arg19[%get3A_927, %get3A_928] {strides = array<i32>} : memref<128x128xf32, #tpu.memory_space<vmem>>, vector<16xf32>,
        %mul3A_930 = vector.broadcast %squeeze3A_922 : f32 to vector<16xf32>
        %mul3A_931 = arith.mulf %get3A_929, %mul3A_930 : vector<16xf32>
        %swap3A_932 = arith.index_cast %add3A_926 : i32 to index
        %swap3A_933 = arith.constant 0 : index
        %swap3A_934 = tpu.vector_load %arg19[%swap3A_932, %swap3A_933] {strides = array<i32>} : memref<128x128xf32, #tpu.memory_space<vmem>>, vector<16xf32>,
        tpu.vector_store %arg19[%swap3A_932, %swap3A_933], %mul3A_931 {strides = array<i32>} : memref<128x128xf32, #tpu.memory_space<vmem>>, vector<16xf32>,
        %get3A_935 = arith.index_cast %add3A_926 : i32 to index
        %get3A_936 = arith.constant 16 : index
        %get3A_937 = tpu.vector_load %arg19[%get3A_935, %get3A_936] {strides = array<i32>} : memref<128x128xf32, #tpu.memory_space<vmem>>, vector<16xf32>,
        %mul3A_938 = vector.broadcast %squeeze3A_922 : f32 to vector<16xf32>
        %mul3A_939 = arith.mulf %get3A_937, %mul3A_938 : vector<16xf32>
        %swap3A_940 = arith.index_cast %add3A_926 : i32 to index
        %swap3A_941 = arith.constant 16 : index
        %swap3A_942 = tpu.vector_load %arg19[%swap3A_940, %swap3A_941] {strides = array<i32>} : memref<128x128xf32, #tpu.memory_space<vmem>>, vector<16xf32>,
        tpu.vector_store %arg19[%swap3A_940, %swap3A_941], %mul3A_939 {strides = array<i32>} : memref<128x128xf32, #tpu.memory_space<vmem>>, vector<16xf32>,
        %get3A_943 = arith.index_cast %add3A_926 : i32 to index
        %get3A_944 = arith.constant 32 : index
        %get3A_945 = tpu.vector_load %arg19[%get3A_943, %get3A_944] {strides = array<i32>} : memref<128x128xf32, #tpu.memory_space<vmem>>, vector<16xf32>,
        %mul3A_946 = vector.broadcast %squeeze3A_922 : f32 to vector<16xf32>
        %mul3A_947 = arith.mulf %get3A_945, %mul3A_946 : vector<16xf32>
        %swap3A_948 = arith.index_cast %add3A_926 : i32 to index
        %swap3A_949 = arith.constant 32 : index
        %swap3A_950 = tpu.vector_load %arg19[%swap3A_948, %swap3A_949] {strides = array<i32>} : memref<128x128xf32, #tpu.memory_space<vmem>>, vector<16xf32>,
        tpu.vector_store %arg19[%swap3A_948, %swap3A_949], %mul3A_947 {strides = array<i32>} : memref<128x128xf32, #tpu.memory_space<vmem>>, vector<16xf32>,
        %get3A_951 = arith.index_cast %add3A_926 : i32 to index
        %get3A_952 = arith.constant 48 : index
        %get3A_953 = tpu.vector_load %arg19[%get3A_951, %get3A_952] {strides = array<i32>} : memref<128x128xf32, #tpu.memory_space<vmem>>, vector<16xf32>,
        %mul3A_954 = vector.broadcast %squeeze3A_922 : f32 to vector<16xf32>
        %mul3A_955 = arith.mulf %get3A_953, %mul3A_954 : vector<16xf32>
        %swap3A_956 = arith.index_cast %add3A_926 : i32 to index
        %swap3A_957 = arith.constant 48 : index
        %swap3A_958 = tpu.vector_load %arg19[%swap3A_956, %swap3A_957] {strides = array<i32>} : memref<128x128xf32, #tpu.memory_space<vmem>>, vector<16xf32>,
        tpu.vector_store %arg19[%swap3A_956, %swap3A_957], %mul3A_955 {strides = array<i32>} : memref<128x128xf32, #tpu.memory_space<vmem>>, vector<16xf32>,
        %get3A_959 = arith.index_cast %add3A_926 : i32 to index
        %get3A_960 = arith.constant 64 : index
        %get3A_961 = tpu.vector_load %arg19[%get3A_959, %get3A_960] {strides = array<i32>} : memref<128x128xf32, #tpu.memory_space<vmem>>, vector<16xf32>,
        %mul3A_962 = vector.broadcast %squeeze3A_922 : f32 to vector<16xf32>
        %mul3A_963 = arith.mulf %get3A_961, %mul3A_962 : vector<16xf32>
        %swap3A_964 = arith.index_cast %add3A_926 : i32 to index
        %swap3A_965 = arith.constant 64 : index
        %swap3A_966 = tpu.vector_load %arg19[%swap3A_964, %swap3A_965] {strides = array<i32>} : memref<128x128xf32, #tpu.memory_space<vmem>>, vector<16xf32>,
        tpu.vector_store %arg19[%swap3A_964, %swap3A_965], %mul3A_963 {strides = array<i32>} : memref<128x128xf32, #tpu.memory_space<vmem>>, vector<16xf32>,
        %get3A_967 = arith.index_cast %add3A_926 : i32 to index
        %get3A_968 = arith.constant 80 : index
        %get3A_969 = tpu.vector_load %arg19[%get3A_967, %get3A_968] {strides = array<i32>} : memref<128x128xf32, #tpu.memory_space<vmem>>, vector<16xf32>,
        %mul3A_970 = vector.broadcast %squeeze3A_922 : f32 to vector<16xf32>
        %mul3A_971 = arith.mulf %get3A_969, %mul3A_970 : vector<16xf32>
        %swap3A_972 = arith.index_cast %add3A_926 : i32 to index
        %swap3A_973 = arith.constant 80 : index
        %swap3A_974 = tpu.vector_load %arg19[%swap3A_972, %swap3A_973] {strides = array<i32>} : memref<128x128xf32, #tpu.memory_space<vmem>>, vector<16xf32>,
        tpu.vector_store %arg19[%swap3A_972, %swap3A_973], %mul3A_971 {strides = array<i32>} : memref<128x128xf32, #tpu.memory_space<vmem>>, vector<16xf32>,
        %get3A_975 = arith.index_cast %add3A_926 : i32 to index
        %get3A_976 = arith.constant 96 : index
        %get3A_977 = tpu.vector_load %arg19[%get3A_975, %get3A_976] {strides = array<i32>} : memref<128x128xf32, #tpu.memory_space<vmem>>, vector<16xf32>,
        %mul3A_978 = vector.broadcast %squeeze3A_922 : f32 to vector<16xf32>
        %mul3A_979 = arith.mulf %get3A_977, %mul3A_978 : vector<16xf32>
        %swap3A_980 = arith.index_cast %add3A_926 : i32 to index
        %swap3A_981 = arith.constant 96 : index
        %swap3A_982 = tpu.vector_load %arg19[%swap3A_980, %swap3A_981] {strides = array<i32>} : memref<128x128xf32, #tpu.memory_space<vmem>>, vector<16xf32>,
        tpu.vector_store %arg19[%swap3A_980, %swap3A_981], %mul3A_979 {strides = array<i32>} : memref<128x128xf32, #tpu.memory_space<vmem>>, vector<16xf32>,
        %get3A_983 = arith.index_cast %add3A_926 : i32 to index
        %get3A_984 = arith.constant 112 : index
        %get3A_985 = tpu.vector_load %arg19[%get3A_983, %get3A_984] {strides = array<i32>} : memref<128x128xf32, #tpu.memory_space<vmem>>, vector<16xf32>,
        %mul3A_986 = vector.broadcast %squeeze3A_922 : f32 to vector<16xf32>
        %mul3A_987 = arith.mulf %get3A_985, %mul3A_986 : vector<16xf32>
        %swap3A_988 = arith.index_cast %add3A_926 : i32 to index
        %swap3A_989 = arith.constant 112 : index
        %swap3A_990 = tpu.vector_load %arg19[%swap3A_988, %swap3A_989] {strides = array<i32>} : memref<128x128xf32, #tpu.memory_space<vmem>>, vector<16xf32>,
        tpu.vector_store %arg19[%swap3A_988, %swap3A_989], %mul3A_987 {strides = array<i32>} : memref<128x128xf32, #tpu.memory_space<vmem>>, vector<16xf32>,
        %slice3A_991 = vector.extract_strided_slice %get3A_642 {offsets = [5], sizes = [1], strides = [1]} : vector<16xf32> to vector<1xf32>
        %squeeze3A_992 = vector.extract %slice3A_991[0] : f32 from vector<1xf32>
        %mul3A_993 = arith.constant 16 : i32
        %mul3A_994 = arith.muli %scan3A_638, %mul3A_993 : i32
        %add3A_995 = arith.constant 5 : i32
        %add3A_996 = arith.addi %mul3A_994, %add3A_995 : i32
        %get3A_997 = arith.index_cast %add3A_996 : i32 to index
        %get3A_998 = arith.constant 0 : index
        %get3A_999 = tpu.vector_load %arg19[%get3A_997, %get3A_998] {strides = array<i32>} : memref<128x128xf32, #tpu.memory_space<vmem>>, vector<16xf32>,
        %mul3A_1000 = vector.broadcast %squeeze3A_992 : f32 to vector<16xf32>
        %mul3A_1001 = arith.mulf %get3A_999, %mul3A_1000 : vector<16xf32>
        %swap3A_1002 = arith.index_cast %add3A_996 : i32 to index
        %swap3A_1003 = arith.constant 0 : index
        %swap3A_1004 = tpu.vector_load %arg19[%swap3A_1002, %swap3A_1003] {strides = array<i32>} : memref<128x128xf32, #tpu.memory_space<vmem>>, vector<16xf32>,
        tpu.vector_store %arg19[%swap3A_1002, %swap3A_1003], %mul3A_1001 {strides = array<i32>} : memref<128x128xf32, #tpu.memory_space<vmem>>, vector<16xf32>,
        %get3A_1005 = arith.index_cast %add3A_996 : i32 to index
        %get3A_1006 = arith.constant 16 : index
        %get3A_1007 = tpu.vector_load %arg19[%get3A_1005, %get3A_1006] {strides = array<i32>} : memref<128x128xf32, #tpu.memory_space<vmem>>, vector<16xf32>,
        %mul3A_1008 = vector.broadcast %squeeze3A_992 : f32 to vector<16xf32>
        %mul3A_1009 = arith.mulf %get3A_1007, %mul3A_1008 : vector<16xf32>
        %swap3A_1010 = arith.index_cast %add3A_996 : i32 to index
        %swap3A_1011 = arith.constant 16 : index
        %swap3A_1012 = tpu.vector_load %arg19[%swap3A_1010, %swap3A_1011] {strides = array<i32>} : memref<128x128xf32, #tpu.memory_space<vmem>>, vector<16xf32>,
        tpu.vector_store %arg19[%swap3A_1010, %swap3A_1011], %mul3A_1009 {strides = array<i32>} : memref<128x128xf32, #tpu.memory_space<vmem>>, vector<16xf32>,
        %get3A_1013 = arith.index_cast %add3A_996 : i32 to index
        %get3A_1014 = arith.constant 32 : index
        %get3A_1015 = tpu.vector_load %arg19[%get3A_1013, %get3A_1014] {strides = array<i32>} : memref<128x128xf32, #tpu.memory_space<vmem>>, vector<16xf32>,
        %mul3A_1016 = vector.broadcast %squeeze3A_992 : f32 to vector<16xf32>
        %mul3A_1017 = arith.mulf %get3A_1015, %mul3A_1016 : vector<16xf32>
        %swap3A_1018 = arith.index_cast %add3A_996 : i32 to index
        %swap3A_1019 = arith.constant 32 : index
        %swap3A_1020 = tpu.vector_load %arg19[%swap3A_1018, %swap3A_1019] {strides = array<i32>} : memref<128x128xf32, #tpu.memory_space<vmem>>, vector<16xf32>,
        tpu.vector_store %arg19[%swap3A_1018, %swap3A_1019], %mul3A_1017 {strides = array<i32>} : memref<128x128xf32, #tpu.memory_space<vmem>>, vector<16xf32>,
        %get3A_1021 = arith.index_cast %add3A_996 : i32 to index
        %get3A_1022 = arith.constant 48 : index
        %get3A_1023 = tpu.vector_load %arg19[%get3A_1021, %get3A_1022] {strides = array<i32>} : memref<128x128xf32, #tpu.memory_space<vmem>>, vector<16xf32>,
        %mul3A_1024 = vector.broadcast %squeeze3A_992 : f32 to vector<16xf32>
        %mul3A_1025 = arith.mulf %get3A_1023, %mul3A_1024 : vector<16xf32>
        %swap3A_1026 = arith.index_cast %add3A_996 : i32 to index
        %swap3A_1027 = arith.constant 48 : index
        %swap3A_1028 = tpu.vector_load %arg19[%swap3A_1026, %swap3A_1027] {strides = array<i32>} : memref<128x128xf32, #tpu.memory_space<vmem>>, vector<16xf32>,
        tpu.vector_store %arg19[%swap3A_1026, %swap3A_1027], %mul3A_1025 {strides = array<i32>} : memref<128x128xf32, #tpu.memory_space<vmem>>, vector<16xf32>,
        %get3A_1029 = arith.index_cast %add3A_996 : i32 to index
        %get3A_1030 = arith.constant 64 : index
        %get3A_1031 = tpu.vector_load %arg19[%get3A_1029, %get3A_1030] {strides = array<i32>} : memref<128x128xf32, #tpu.memory_space<vmem>>, vector<16xf32>,
        %mul3A_1032 = vector.broadcast %squeeze3A_992 : f32 to vector<16xf32>
        %mul3A_1033 = arith.mulf %get3A_1031, %mul3A_1032 : vector<16xf32>
        %swap3A_1034 = arith.index_cast %add3A_996 : i32 to index
        %swap3A_1035 = arith.constant 64 : index
        %swap3A_1036 = tpu.vector_load %arg19[%swap3A_1034, %swap3A_1035] {strides = array<i32>} : memref<128x128xf32, #tpu.memory_space<vmem>>, vector<16xf32>,
        tpu.vector_store %arg19[%swap3A_1034, %swap3A_1035], %mul3A_1033 {strides = array<i32>} : memref<128x128xf32, #tpu.memory_space<vmem>>, vector<16xf32>,
        %get3A_1037 = arith.index_cast %add3A_996 : i32 to index
        %get3A_1038 = arith.constant 80 : index
        %get3A_1039 = tpu.vector_load %arg19[%get3A_1037, %get3A_1038] {strides = array<i32>} : memref<128x128xf32, #tpu.memory_space<vmem>>, vector<16xf32>,
        %mul3A_1040 = vector.broadcast %squeeze3A_992 : f32 to vector<16xf32>
        %mul3A_1041 = arith.mulf %get3A_1039, %mul3A_1040 : vector<16xf32>
        %swap3A_1042 = arith.index_cast %add3A_996 : i32 to index
        %swap3A_1043 = arith.constant 80 : index
        %swap3A_1044 = tpu.vector_load %arg19[%swap3A_1042, %swap3A_1043] {strides = array<i32>} : memref<128x128xf32, #tpu.memory_space<vmem>>, vector<16xf32>,
        tpu.vector_store %arg19[%swap3A_1042, %swap3A_1043], %mul3A_1041 {strides = array<i32>} : memref<128x128xf32, #tpu.memory_space<vmem>>, vector<16xf32>,
        %get3A_1045 = arith.index_cast %add3A_996 : i32 to index
        %get3A_1046 = arith.constant 96 : index
        %get3A_1047 = tpu.vector_load %arg19[%get3A_1045, %get3A_1046] {strides = array<i32>} : memref<128x128xf32, #tpu.memory_space<vmem>>, vector<16xf32>,
        %mul3A_1048 = vector.broadcast %squeeze3A_992 : f32 to vector<16xf32>
        %mul3A_1049 = arith.mulf %get3A_1047, %mul3A_1048 : vector<16xf32>
        %swap3A_1050 = arith.index_cast %add3A_996 : i32 to index
        %swap3A_1051 = arith.constant 96 : index
        %swap3A_1052 = tpu.vector_load %arg19[%swap3A_1050, %swap3A_1051] {strides = array<i32>} : memref<128x128xf32, #tpu.memory_space<vmem>>, vector<16xf32>,
        tpu.vector_store %arg19[%swap3A_1050, %swap3A_1051], %mul3A_1049 {strides = array<i32>} : memref<128x128xf32, #tpu.memory_space<vmem>>, vector<16xf32>,
        %get3A_1053 = arith.index_cast %add3A_996 : i32 to index
        %get3A_1054 = arith.constant 112 : index
        %get3A_1055 = tpu.vector_load %arg19[%get3A_1053, %get3A_1054] {strides = array<i32>} : memref<128x128xf32, #tpu.memory_space<vmem>>, vector<16xf32>,
        %mul3A_1056 = vector.broadcast %squeeze3A_992 : f32 to vector<16xf32>
        %mul3A_1057 = arith.mulf %get3A_1055, %mul3A_1056 : vector<16xf32>
        %swap3A_1058 = arith.index_cast %add3A_996 : i32 to index
        %swap3A_1059 = arith.constant 112 : index
        %swap3A_1060 = tpu.vector_load %arg19[%swap3A_1058, %swap3A_1059] {strides = array<i32>} : memref<128x128xf32, #tpu.memory_space<vmem>>, vector<16xf32>,
        tpu.vector_store %arg19[%swap3A_1058, %swap3A_1059], %mul3A_1057 {strides = array<i32>} : memref<128x128xf32, #tpu.memory_space<vmem>>, vector<16xf32>,
        %slice3A_1061 = vector.extract_strided_slice %get3A_642 {offsets = [6], sizes = [1], strides = [1]} : vector<16xf32> to vector<1xf32>
        %squeeze3A_1062 = vector.extract %slice3A_1061[0] : f32 from vector<1xf32>
        %mul3A_1063 = arith.constant 16 : i32
        %mul3A_1064 = arith.muli %scan3A_638, %mul3A_1063 : i32
        %add3A_1065 = arith.constant 6 : i32
        %add3A_1066 = arith.addi %mul3A_1064, %add3A_1065 : i32
        %get3A_1067 = arith.index_cast %add3A_1066 : i32 to index
        %get3A_1068 = arith.constant 0 : index
        %get3A_1069 = tpu.vector_load %arg19[%get3A_1067, %get3A_1068] {strides = array<i32>} : memref<128x128xf32, #tpu.memory_space<vmem>>, vector<16xf32>,
        %mul3A_1070 = vector.broadcast %squeeze3A_1062 : f32 to vector<16xf32>
        %mul3A_1071 = arith.mulf %get3A_1069, %mul3A_1070 : vector<16xf32>
        %swap3A_1072 = arith.index_cast %add3A_1066 : i32 to index
        %swap3A_1073 = arith.constant 0 : index
        %swap3A_1074 = tpu.vector_load %arg19[%swap3A_1072, %swap3A_1073] {strides = array<i32>} : memref<128x128xf32, #tpu.memory_space<vmem>>, vector<16xf32>,
        tpu.vector_store %arg19[%swap3A_1072, %swap3A_1073], %mul3A_1071 {strides = array<i32>} : memref<128x128xf32, #tpu.memory_space<vmem>>, vector<16xf32>,
        %get3A_1075 = arith.index_cast %add3A_1066 : i32 to index
        %get3A_1076 = arith.constant 16 : index
        %get3A_1077 = tpu.vector_load %arg19[%get3A_1075, %get3A_1076] {strides = array<i32>} : memref<128x128xf32, #tpu.memory_space<vmem>>, vector<16xf32>,
        %mul3A_1078 = vector.broadcast %squeeze3A_1062 : f32 to vector<16xf32>
        %mul3A_1079 = arith.mulf %get3A_1077, %mul3A_1078 : vector<16xf32>
        %swap3A_1080 = arith.index_cast %add3A_1066 : i32 to index
        %swap3A_1081 = arith.constant 16 : index
        %swap3A_1082 = tpu.vector_load %arg19[%swap3A_1080, %swap3A_1081] {strides = array<i32>} : memref<128x128xf32, #tpu.memory_space<vmem>>, vector<16xf32>,
        tpu.vector_store %arg19[%swap3A_1080, %swap3A_1081], %mul3A_1079 {strides = array<i32>} : memref<128x128xf32, #tpu.memory_space<vmem>>, vector<16xf32>,
        %get3A_1083 = arith.index_cast %add3A_1066 : i32 to index
        %get3A_1084 = arith.constant 32 : index
        %get3A_1085 = tpu.vector_load %arg19[%get3A_1083, %get3A_1084] {strides = array<i32>} : memref<128x128xf32, #tpu.memory_space<vmem>>, vector<16xf32>,
        %mul3A_1086 = vector.broadcast %squeeze3A_1062 : f32 to vector<16xf32>
        %mul3A_1087 = arith.mulf %get3A_1085, %mul3A_1086 : vector<16xf32>
        %swap3A_1088 = arith.index_cast %add3A_1066 : i32 to index
        %swap3A_1089 = arith.constant 32 : index
        %swap3A_1090 = tpu.vector_load %arg19[%swap3A_1088, %swap3A_1089] {strides = array<i32>} : memref<128x128xf32, #tpu.memory_space<vmem>>, vector<16xf32>,
        tpu.vector_store %arg19[%swap3A_1088, %swap3A_1089], %mul3A_1087 {strides = array<i32>} : memref<128x128xf32, #tpu.memory_space<vmem>>, vector<16xf32>,
        %get3A_1091 = arith.index_cast %add3A_1066 : i32 to index
        %get3A_1092 = arith.constant 48 : index
        %get3A_1093 = tpu.vector_load %arg19[%get3A_1091, %get3A_1092] {strides = array<i32>} : memref<128x128xf32, #tpu.memory_space<vmem>>, vector<16xf32>,
        %mul3A_1094 = vector.broadcast %squeeze3A_1062 : f32 to vector<16xf32>
        %mul3A_1095 = arith.mulf %get3A_1093, %mul3A_1094 : vector<16xf32>
        %swap3A_1096 = arith.index_cast %add3A_1066 : i32 to index
        %swap3A_1097 = arith.constant 48 : index
        %swap3A_1098 = tpu.vector_load %arg19[%swap3A_1096, %swap3A_1097] {strides = array<i32>} : memref<128x128xf32, #tpu.memory_space<vmem>>, vector<16xf32>,
        tpu.vector_store %arg19[%swap3A_1096, %swap3A_1097], %mul3A_1095 {strides = array<i32>} : memref<128x128xf32, #tpu.memory_space<vmem>>, vector<16xf32>,
        %get3A_1099 = arith.index_cast %add3A_1066 : i32 to index
        %get3A_1100 = arith.constant 64 : index
        %get3A_1101 = tpu.vector_load %arg19[%get3A_1099, %get3A_1100] {strides = array<i32>} : memref<128x128xf32, #tpu.memory_space<vmem>>, vector<16xf32>,
        %mul3A_1102 = vector.broadcast %squeeze3A_1062 : f32 to vector<16xf32>
        %mul3A_1103 = arith.mulf %get3A_1101, %mul3A_1102 : vector<16xf32>
        %swap3A_1104 = arith.index_cast %add3A_1066 : i32 to index
        %swap3A_1105 = arith.constant 64 : index
        %swap3A_1106 = tpu.vector_load %arg19[%swap3A_1104, %swap3A_1105] {strides = array<i32>} : memref<128x128xf32, #tpu.memory_space<vmem>>, vector<16xf32>,
        tpu.vector_store %arg19[%swap3A_1104, %swap3A_1105], %mul3A_1103 {strides = array<i32>} : memref<128x128xf32, #tpu.memory_space<vmem>>, vector<16xf32>,
        %get3A_1107 = arith.index_cast %add3A_1066 : i32 to index
        %get3A_1108 = arith.constant 80 : index
        %get3A_1109 = tpu.vector_load %arg19[%get3A_1107, %get3A_1108] {strides = array<i32>} : memref<128x128xf32, #tpu.memory_space<vmem>>, vector<16xf32>,
        %mul3A_1110 = vector.broadcast %squeeze3A_1062 : f32 to vector<16xf32>
        %mul3A_1111 = arith.mulf %get3A_1109, %mul3A_1110 : vector<16xf32>
        %swap3A_1112 = arith.index_cast %add3A_1066 : i32 to index
        %swap3A_1113 = arith.constant 80 : index
        %swap3A_1114 = tpu.vector_load %arg19[%swap3A_1112, %swap3A_1113] {strides = array<i32>} : memref<128x128xf32, #tpu.memory_space<vmem>>, vector<16xf32>,
        tpu.vector_store %arg19[%swap3A_1112, %swap3A_1113], %mul3A_1111 {strides = array<i32>} : memref<128x128xf32, #tpu.memory_space<vmem>>, vector<16xf32>,
        %get3A_1115 = arith.index_cast %add3A_1066 : i32 to index
        %get3A_1116 = arith.constant 96 : index
        %get3A_1117 = tpu.vector_load %arg19[%get3A_1115, %get3A_1116] {strides = array<i32>} : memref<128x128xf32, #tpu.memory_space<vmem>>, vector<16xf32>,
        %mul3A_1118 = vector.broadcast %squeeze3A_1062 : f32 to vector<16xf32>
        %mul3A_1119 = arith.mulf %get3A_1117, %mul3A_1118 : vector<16xf32>
        %swap3A_1120 = arith.index_cast %add3A_1066 : i32 to index
        %swap3A_1121 = arith.constant 96 : index
        %swap3A_1122 = tpu.vector_load %arg19[%swap3A_1120, %swap3A_1121] {strides = array<i32>} : memref<128x128xf32, #tpu.memory_space<vmem>>, vector<16xf32>,
        tpu.vector_store %arg19[%swap3A_1120, %swap3A_1121], %mul3A_1119 {strides = array<i32>} : memref<128x128xf32, #tpu.memory_space<vmem>>, vector<16xf32>,
        %get3A_1123 = arith.index_cast %add3A_1066 : i32 to index
        %get3A_1124 = arith.constant 112 : index
        %get3A_1125 = tpu.vector_load %arg19[%get3A_1123, %get3A_1124] {strides = array<i32>} : memref<128x128xf32, #tpu.memory_space<vmem>>, vector<16xf32>,
        %mul3A_1126 = vector.broadcast %squeeze3A_1062 : f32 to vector<16xf32>
        %mul3A_1127 = arith.mulf %get3A_1125, %mul3A_1126 : vector<16xf32>
        %swap3A_1128 = arith.index_cast %add3A_1066 : i32 to index
        %swap3A_1129 = arith.constant 112 : index
        %swap3A_1130 = tpu.vector_load %arg19[%swap3A_1128, %swap3A_1129] {strides = array<i32>} : memref<128x128xf32, #tpu.memory_space<vmem>>, vector<16xf32>,
        tpu.vector_store %arg19[%swap3A_1128, %swap3A_1129], %mul3A_1127 {strides = array<i32>} : memref<128x128xf32, #tpu.memory_space<vmem>>, vector<16xf32>,
        %slice3A_1131 = vector.extract_strided_slice %get3A_642 {offsets = [7], sizes = [1], strides = [1]} : vector<16xf32> to vector<1xf32>
        %squeeze3A_1132 = vector.extract %slice3A_1131[0] : f32 from vector<1xf32>
        %mul3A_1133 = arith.constant 16 : i32
        %mul3A_1134 = arith.muli %scan3A_638, %mul3A_1133 : i32
        %add3A_1135 = arith.constant 7 : i32
        %add3A_1136 = arith.addi %mul3A_1134, %add3A_1135 : i32
        %get3A_1137 = arith.index_cast %add3A_1136 : i32 to index
        %get3A_1138 = arith.constant 0 : index
        %get3A_1139 = tpu.vector_load %arg19[%get3A_1137, %get3A_1138] {strides = array<i32>} : memref<128x128xf32, #tpu.memory_space<vmem>>, vector<16xf32>,
        %mul3A_1140 = vector.broadcast %squeeze3A_1132 : f32 to vector<16xf32>
        %mul3A_1141 = arith.mulf %get3A_1139, %mul3A_1140 : vector<16xf32>
        %swap3A_1142 = arith.index_cast %add3A_1136 : i32 to index
        %swap3A_1143 = arith.constant 0 : index
        %swap3A_1144 = tpu.vector_load %arg19[%swap3A_1142, %swap3A_1143] {strides = array<i32>} : memref<128x128xf32, #tpu.memory_space<vmem>>, vector<16xf32>,
        tpu.vector_store %arg19[%swap3A_1142, %swap3A_1143], %mul3A_1141 {strides = array<i32>} : memref<128x128xf32, #tpu.memory_space<vmem>>, vector<16xf32>,
        %get3A_1145 = arith.index_cast %add3A_1136 : i32 to index
        %get3A_1146 = arith.constant 16 : index
        %get3A_1147 = tpu.vector_load %arg19[%get3A_1145, %get3A_1146] {strides = array<i32>} : memref<128x128xf32, #tpu.memory_space<vmem>>, vector<16xf32>,
        %mul3A_1148 = vector.broadcast %squeeze3A_1132 : f32 to vector<16xf32>
        %mul3A_1149 = arith.mulf %get3A_1147, %mul3A_1148 : vector<16xf32>
        %swap3A_1150 = arith.index_cast %add3A_1136 : i32 to index
        %swap3A_1151 = arith.constant 16 : index
        %swap3A_1152 = tpu.vector_load %arg19[%swap3A_1150, %swap3A_1151] {strides = array<i32>} : memref<128x128xf32, #tpu.memory_space<vmem>>, vector<16xf32>,
        tpu.vector_store %arg19[%swap3A_1150, %swap3A_1151], %mul3A_1149 {strides = array<i32>} : memref<128x128xf32, #tpu.memory_space<vmem>>, vector<16xf32>,
        %get3A_1153 = arith.index_cast %add3A_1136 : i32 to index
        %get3A_1154 = arith.constant 32 : index
        %get3A_1155 = tpu.vector_load %arg19[%get3A_1153, %get3A_1154] {strides = array<i32>} : memref<128x128xf32, #tpu.memory_space<vmem>>, vector<16xf32>,
        %mul3A_1156 = vector.broadcast %squeeze3A_1132 : f32 to vector<16xf32>
        %mul3A_1157 = arith.mulf %get3A_1155, %mul3A_1156 : vector<16xf32>
        %swap3A_1158 = arith.index_cast %add3A_1136 : i32 to index
        %swap3A_1159 = arith.constant 32 : index
        %swap3A_1160 = tpu.vector_load %arg19[%swap3A_1158, %swap3A_1159] {strides = array<i32>} : memref<128x128xf32, #tpu.memory_space<vmem>>, vector<16xf32>,
        tpu.vector_store %arg19[%swap3A_1158, %swap3A_1159], %mul3A_1157 {strides = array<i32>} : memref<128x128xf32, #tpu.memory_space<vmem>>, vector<16xf32>,
        %get3A_1161 = arith.index_cast %add3A_1136 : i32 to index
        %get3A_1162 = arith.constant 48 : index
        %get3A_1163 = tpu.vector_load %arg19[%get3A_1161, %get3A_1162] {strides = array<i32>} : memref<128x128xf32, #tpu.memory_space<vmem>>, vector<16xf32>,
        %mul3A_1164 = vector.broadcast %squeeze3A_1132 : f32 to vector<16xf32>
        %mul3A_1165 = arith.mulf %get3A_1163, %mul3A_1164 : vector<16xf32>
        %swap3A_1166 = arith.index_cast %add3A_1136 : i32 to index
        %swap3A_1167 = arith.constant 48 : index
        %swap3A_1168 = tpu.vector_load %arg19[%swap3A_1166, %swap3A_1167] {strides = array<i32>} : memref<128x128xf32, #tpu.memory_space<vmem>>, vector<16xf32>,
        tpu.vector_store %arg19[%swap3A_1166, %swap3A_1167], %mul3A_1165 {strides = array<i32>} : memref<128x128xf32, #tpu.memory_space<vmem>>, vector<16xf32>,
        %get3A_1169 = arith.index_cast %add3A_1136 : i32 to index
        %get3A_1170 = arith.constant 64 : index
        %get3A_1171 = tpu.vector_load %arg19[%get3A_1169, %get3A_1170] {strides = array<i32>} : memref<128x128xf32, #tpu.memory_space<vmem>>, vector<16xf32>,
        %mul3A_1172 = vector.broadcast %squeeze3A_1132 : f32 to vector<16xf32>
        %mul3A_1173 = arith.mulf %get3A_1171, %mul3A_1172 : vector<16xf32>
        %swap3A_1174 = arith.index_cast %add3A_1136 : i32 to index
        %swap3A_1175 = arith.constant 64 : index
        %swap3A_1176 = tpu.vector_load %arg19[%swap3A_1174, %swap3A_1175] {strides = array<i32>} : memref<128x128xf32, #tpu.memory_space<vmem>>, vector<16xf32>,
        tpu.vector_store %arg19[%swap3A_1174, %swap3A_1175], %mul3A_1173 {strides = array<i32>} : memref<128x128xf32, #tpu.memory_space<vmem>>, vector<16xf32>,
        %get3A_1177 = arith.index_cast %add3A_1136 : i32 to index
        %get3A_1178 = arith.constant 80 : index
        %get3A_1179 = tpu.vector_load %arg19[%get3A_1177, %get3A_1178] {strides = array<i32>} : memref<128x128xf32, #tpu.memory_space<vmem>>, vector<16xf32>,
        %mul3A_1180 = vector.broadcast %squeeze3A_1132 : f32 to vector<16xf32>
        %mul3A_1181 = arith.mulf %get3A_1179, %mul3A_1180 : vector<16xf32>
        %swap3A_1182 = arith.index_cast %add3A_1136 : i32 to index
        %swap3A_1183 = arith.constant 80 : index
        %swap3A_1184 = tpu.vector_load %arg19[%swap3A_1182, %swap3A_1183] {strides = array<i32>} : memref<128x128xf32, #tpu.memory_space<vmem>>, vector<16xf32>,
        tpu.vector_store %arg19[%swap3A_1182, %swap3A_1183], %mul3A_1181 {strides = array<i32>} : memref<128x128xf32, #tpu.memory_space<vmem>>, vector<16xf32>,
        %get3A_1185 = arith.index_cast %add3A_1136 : i32 to index
        %get3A_1186 = arith.constant 96 : index
        %get3A_1187 = tpu.vector_load %arg19[%get3A_1185, %get3A_1186] {strides = array<i32>} : memref<128x128xf32, #tpu.memory_space<vmem>>, vector<16xf32>,
        %mul3A_1188 = vector.broadcast %squeeze3A_1132 : f32 to vector<16xf32>
        %mul3A_1189 = arith.mulf %get3A_1187, %mul3A_1188 : vector<16xf32>
        %swap3A_1190 = arith.index_cast %add3A_1136 : i32 to index
        %swap3A_1191 = arith.constant 96 : index
        %swap3A_1192 = tpu.vector_load %arg19[%swap3A_1190, %swap3A_1191] {strides = array<i32>} : memref<128x128xf32, #tpu.memory_space<vmem>>, vector<16xf32>,
        tpu.vector_store %arg19[%swap3A_1190, %swap3A_1191], %mul3A_1189 {strides = array<i32>} : memref<128x128xf32, #tpu.memory_space<vmem>>, vector<16xf32>,
        %get3A_1193 = arith.index_cast %add3A_1136 : i32 to index
        %get3A_1194 = arith.constant 112 : index
        %get3A_1195 = tpu.vector_load %arg19[%get3A_1193, %get3A_1194] {strides = array<i32>} : memref<128x128xf32, #tpu.memory_space<vmem>>, vector<16xf32>,
        %mul3A_1196 = vector.broadcast %squeeze3A_1132 : f32 to vector<16xf32>
        %mul3A_1197 = arith.mulf %get3A_1195, %mul3A_1196 : vector<16xf32>
        %swap3A_1198 = arith.index_cast %add3A_1136 : i32 to index
        %swap3A_1199 = arith.constant 112 : index
        %swap3A_1200 = tpu.vector_load %arg19[%swap3A_1198, %swap3A_1199] {strides = array<i32>} : memref<128x128xf32, #tpu.memory_space<vmem>>, vector<16xf32>,
        tpu.vector_store %arg19[%swap3A_1198, %swap3A_1199], %mul3A_1197 {strides = array<i32>} : memref<128x128xf32, #tpu.memory_space<vmem>>, vector<16xf32>,
        %slice3A_1201 = vector.extract_strided_slice %get3A_642 {offsets = [8], sizes = [1], strides = [1]} : vector<16xf32> to vector<1xf32>
        %squeeze3A_1202 = vector.extract %slice3A_1201[0] : f32 from vector<1xf32>
        %mul3A_1203 = arith.constant 16 : i32
        %mul3A_1204 = arith.muli %scan3A_638, %mul3A_1203 : i32
        %add3A_1205 = arith.constant 8 : i32
        %add3A_1206 = arith.addi %mul3A_1204, %add3A_1205 : i32
        %get3A_1207 = arith.index_cast %add3A_1206 : i32 to index
        %get3A_1208 = arith.constant 0 : index
        %get3A_1209 = tpu.vector_load %arg19[%get3A_1207, %get3A_1208] {strides = array<i32>} : memref<128x128xf32, #tpu.memory_space<vmem>>, vector<16xf32>,
        %mul3A_1210 = vector.broadcast %squeeze3A_1202 : f32 to vector<16xf32>
        %mul3A_1211 = arith.mulf %get3A_1209, %mul3A_1210 : vector<16xf32>
        %swap3A_1212 = arith.index_cast %add3A_1206 : i32 to index
        %swap3A_1213 = arith.constant 0 : index
        %swap3A_1214 = tpu.vector_load %arg19[%swap3A_1212, %swap3A_1213] {strides = array<i32>} : memref<128x128xf32, #tpu.memory_space<vmem>>, vector<16xf32>,
        tpu.vector_store %arg19[%swap3A_1212, %swap3A_1213], %mul3A_1211 {strides = array<i32>} : memref<128x128xf32, #tpu.memory_space<vmem>>, vector<16xf32>,
        %get3A_1215 = arith.index_cast %add3A_1206 : i32 to index
        %get3A_1216 = arith.constant 16 : index
        %get3A_1217 = tpu.vector_load %arg19[%get3A_1215, %get3A_1216] {strides = array<i32>} : memref<128x128xf32, #tpu.memory_space<vmem>>, vector<16xf32>,
        %mul3A_1218 = vector.broadcast %squeeze3A_1202 : f32 to vector<16xf32>
        %mul3A_1219 = arith.mulf %get3A_1217, %mul3A_1218 : vector<16xf32>
        %swap3A_1220 = arith.index_cast %add3A_1206 : i32 to index
        %swap3A_1221 = arith.constant 16 : index
        %swap3A_1222 = tpu.vector_load %arg19[%swap3A_1220, %swap3A_1221] {strides = array<i32>} : memref<128x128xf32, #tpu.memory_space<vmem>>, vector<16xf32>,
        tpu.vector_store %arg19[%swap3A_1220, %swap3A_1221], %mul3A_1219 {strides = array<i32>} : memref<128x128xf32, #tpu.memory_space<vmem>>, vector<16xf32>,
        %get3A_1223 = arith.index_cast %add3A_1206 : i32 to index
        %get3A_1224 = arith.constant 32 : index
        %get3A_1225 = tpu.vector_load %arg19[%get3A_1223, %get3A_1224] {strides = array<i32>} : memref<128x128xf32, #tpu.memory_space<vmem>>, vector<16xf32>,
        %mul3A_1226 = vector.broadcast %squeeze3A_1202 : f32 to vector<16xf32>
        %mul3A_1227 = arith.mulf %get3A_1225, %mul3A_1226 : vector<16xf32>
        %swap3A_1228 = arith.index_cast %add3A_1206 : i32 to index
        %swap3A_1229 = arith.constant 32 : index
        %swap3A_1230 = tpu.vector_load %arg19[%swap3A_1228, %swap3A_1229] {strides = array<i32>} : memref<128x128xf32, #tpu.memory_space<vmem>>, vector<16xf32>,
        tpu.vector_store %arg19[%swap3A_1228, %swap3A_1229], %mul3A_1227 {strides = array<i32>} : memref<128x128xf32, #tpu.memory_space<vmem>>, vector<16xf32>,
        %get3A_1231 = arith.index_cast %add3A_1206 : i32 to index
        %get3A_1232 = arith.constant 48 : index
        %get3A_1233 = tpu.vector_load %arg19[%get3A_1231, %get3A_1232] {strides = array<i32>} : memref<128x128xf32, #tpu.memory_space<vmem>>, vector<16xf32>,
        %mul3A_1234 = vector.broadcast %squeeze3A_1202 : f32 to vector<16xf32>
        %mul3A_1235 = arith.mulf %get3A_1233, %mul3A_1234 : vector<16xf32>
        %swap3A_1236 = arith.index_cast %add3A_1206 : i32 to index
        %swap3A_1237 = arith.constant 48 : index
        %swap3A_1238 = tpu.vector_load %arg19[%swap3A_1236, %swap3A_1237] {strides = array<i32>} : memref<128x128xf32, #tpu.memory_space<vmem>>, vector<16xf32>,
        tpu.vector_store %arg19[%swap3A_1236, %swap3A_1237], %mul3A_1235 {strides = array<i32>} : memref<128x128xf32, #tpu.memory_space<vmem>>, vector<16xf32>,
        %get3A_1239 = arith.index_cast %add3A_1206 : i32 to index
        %get3A_1240 = arith.constant 64 : index
        %get3A_1241 = tpu.vector_load %arg19[%get3A_1239, %get3A_1240] {strides = array<i32>} : memref<128x128xf32, #tpu.memory_space<vmem>>, vector<16xf32>,
        %mul3A_1242 = vector.broadcast %squeeze3A_1202 : f32 to vector<16xf32>
        %mul3A_1243 = arith.mulf %get3A_1241, %mul3A_1242 : vector<16xf32>
        %swap3A_1244 = arith.index_cast %add3A_1206 : i32 to index
        %swap3A_1245 = arith.constant 64 : index
        %swap3A_1246 = tpu.vector_load %arg19[%swap3A_1244, %swap3A_1245] {strides = array<i32>} : memref<128x128xf32, #tpu.memory_space<vmem>>, vector<16xf32>,
        tpu.vector_store %arg19[%swap3A_1244, %swap3A_1245], %mul3A_1243 {strides = array<i32>} : memref<128x128xf32, #tpu.memory_space<vmem>>, vector<16xf32>,
        %get3A_1247 = arith.index_cast %add3A_1206 : i32 to index
        %get3A_1248 = arith.constant 80 : index
        %get3A_1249 = tpu.vector_load %arg19[%get3A_1247, %get3A_1248] {strides = array<i32>} : memref<128x128xf32, #tpu.memory_space<vmem>>, vector<16xf32>,
        %mul3A_1250 = vector.broadcast %squeeze3A_1202 : f32 to vector<16xf32>
        %mul3A_1251 = arith.mulf %get3A_1249, %mul3A_1250 : vector<16xf32>
        %swap3A_1252 = arith.index_cast %add3A_1206 : i32 to index
        %swap3A_1253 = arith.constant 80 : index
        %swap3A_1254 = tpu.vector_load %arg19[%swap3A_1252, %swap3A_1253] {strides = array<i32>} : memref<128x128xf32, #tpu.memory_space<vmem>>, vector<16xf32>,
        tpu.vector_store %arg19[%swap3A_1252, %swap3A_1253], %mul3A_1251 {strides = array<i32>} : memref<128x128xf32, #tpu.memory_space<vmem>>, vector<16xf32>,
        %get3A_1255 = arith.index_cast %add3A_1206 : i32 to index
        %get3A_1256 = arith.constant 96 : index
        %get3A_1257 = tpu.vector_load %arg19[%get3A_1255, %get3A_1256] {strides = array<i32>} : memref<128x128xf32, #tpu.memory_space<vmem>>, vector<16xf32>,
        %mul3A_1258 = vector.broadcast %squeeze3A_1202 : f32 to vector<16xf32>
        %mul3A_1259 = arith.mulf %get3A_1257, %mul3A_1258 : vector<16xf32>
        %swap3A_1260 = arith.index_cast %add3A_1206 : i32 to index
        %swap3A_1261 = arith.constant 96 : index
        %swap3A_1262 = tpu.vector_load %arg19[%swap3A_1260, %swap3A_1261] {strides = array<i32>} : memref<128x128xf32, #tpu.memory_space<vmem>>, vector<16xf32>,
        tpu.vector_store %arg19[%swap3A_1260, %swap3A_1261], %mul3A_1259 {strides = array<i32>} : memref<128x128xf32, #tpu.memory_space<vmem>>, vector<16xf32>,
        %get3A_1263 = arith.index_cast %add3A_1206 : i32 to index
        %get3A_1264 = arith.constant 112 : index
        %get3A_1265 = tpu.vector_load %arg19[%get3A_1263, %get3A_1264] {strides = array<i32>} : memref<128x128xf32, #tpu.memory_space<vmem>>, vector<16xf32>,
        %mul3A_1266 = vector.broadcast %squeeze3A_1202 : f32 to vector<16xf32>
        %mul3A_1267 = arith.mulf %get3A_1265, %mul3A_1266 : vector<16xf32>
        %swap3A_1268 = arith.index_cast %add3A_1206 : i32 to index
        %swap3A_1269 = arith.constant 112 : index
        %swap3A_1270 = tpu.vector_load %arg19[%swap3A_1268, %swap3A_1269] {strides = array<i32>} : memref<128x128xf32, #tpu.memory_space<vmem>>, vector<16xf32>,
        tpu.vector_store %arg19[%swap3A_1268, %swap3A_1269], %mul3A_1267 {strides = array<i32>} : memref<128x128xf32, #tpu.memory_space<vmem>>, vector<16xf32>,
        %slice3A_1271 = vector.extract_strided_slice %get3A_642 {offsets = [9], sizes = [1], strides = [1]} : vector<16xf32> to vector<1xf32>
        %squeeze3A_1272 = vector.extract %slice3A_1271[0] : f32 from vector<1xf32>
        %mul3A_1273 = arith.constant 16 : i32
        %mul3A_1274 = arith.muli %scan3A_638, %mul3A_1273 : i32
        %add3A_1275 = arith.constant 9 : i32
        %add3A_1276 = arith.addi %mul3A_1274, %add3A_1275 : i32
        %get3A_1277 = arith.index_cast %add3A_1276 : i32 to index
        %get3A_1278 = arith.constant 0 : index
        %get3A_1279 = tpu.vector_load %arg19[%get3A_1277, %get3A_1278] {strides = array<i32>} : memref<128x128xf32, #tpu.memory_space<vmem>>, vector<16xf32>,
        %mul3A_1280 = vector.broadcast %squeeze3A_1272 : f32 to vector<16xf32>
        %mul3A_1281 = arith.mulf %get3A_1279, %mul3A_1280 : vector<16xf32>
        %swap3A_1282 = arith.index_cast %add3A_1276 : i32 to index
        %swap3A_1283 = arith.constant 0 : index
        %swap3A_1284 = tpu.vector_load %arg19[%swap3A_1282, %swap3A_1283] {strides = array<i32>} : memref<128x128xf32, #tpu.memory_space<vmem>>, vector<16xf32>,
        tpu.vector_store %arg19[%swap3A_1282, %swap3A_1283], %mul3A_1281 {strides = array<i32>} : memref<128x128xf32, #tpu.memory_space<vmem>>, vector<16xf32>,
        %get3A_1285 = arith.index_cast %add3A_1276 : i32 to index
        %get3A_1286 = arith.constant 16 : index
        %get3A_1287 = tpu.vector_load %arg19[%get3A_1285, %get3A_1286] {strides = array<i32>} : memref<128x128xf32, #tpu.memory_space<vmem>>, vector<16xf32>,
        %mul3A_1288 = vector.broadcast %squeeze3A_1272 : f32 to vector<16xf32>
        %mul3A_1289 = arith.mulf %get3A_1287, %mul3A_1288 : vector<16xf32>
        %swap3A_1290 = arith.index_cast %add3A_1276 : i32 to index
        %swap3A_1291 = arith.constant 16 : index
        %swap3A_1292 = tpu.vector_load %arg19[%swap3A_1290, %swap3A_1291] {strides = array<i32>} : memref<128x128xf32, #tpu.memory_space<vmem>>, vector<16xf32>,
        tpu.vector_store %arg19[%swap3A_1290, %swap3A_1291], %mul3A_1289 {strides = array<i32>} : memref<128x128xf32, #tpu.memory_space<vmem>>, vector<16xf32>,
        %get3A_1293 = arith.index_cast %add3A_1276 : i32 to index
        %get3A_1294 = arith.constant 32 : index
        %get3A_1295 = tpu.vector_load %arg19[%get3A_1293, %get3A_1294] {strides = array<i32>} : memref<128x128xf32, #tpu.memory_space<vmem>>, vector<16xf32>,
        %mul3A_1296 = vector.broadcast %squeeze3A_1272 : f32 to vector<16xf32>
        %mul3A_1297 = arith.mulf %get3A_1295, %mul3A_1296 : vector<16xf32>
        %swap3A_1298 = arith.index_cast %add3A_1276 : i32 to index
        %swap3A_1299 = arith.constant 32 : index
        %swap3A_1300 = tpu.vector_load %arg19[%swap3A_1298, %swap3A_1299] {strides = array<i32>} : memref<128x128xf32, #tpu.memory_space<vmem>>, vector<16xf32>,
        tpu.vector_store %arg19[%swap3A_1298, %swap3A_1299], %mul3A_1297 {strides = array<i32>} : memref<128x128xf32, #tpu.memory_space<vmem>>, vector<16xf32>,
        %get3A_1301 = arith.index_cast %add3A_1276 : i32 to index
        %get3A_1302 = arith.constant 48 : index
        %get3A_1303 = tpu.vector_load %arg19[%get3A_1301, %get3A_1302] {strides = array<i32>} : memref<128x128xf32, #tpu.memory_space<vmem>>, vector<16xf32>,
        %mul3A_1304 = vector.broadcast %squeeze3A_1272 : f32 to vector<16xf32>
        %mul3A_1305 = arith.mulf %get3A_1303, %mul3A_1304 : vector<16xf32>
        %swap3A_1306 = arith.index_cast %add3A_1276 : i32 to index
        %swap3A_1307 = arith.constant 48 : index
        %swap3A_1308 = tpu.vector_load %arg19[%swap3A_1306, %swap3A_1307] {strides = array<i32>} : memref<128x128xf32, #tpu.memory_space<vmem>>, vector<16xf32>,
        tpu.vector_store %arg19[%swap3A_1306, %swap3A_1307], %mul3A_1305 {strides = array<i32>} : memref<128x128xf32, #tpu.memory_space<vmem>>, vector<16xf32>,
        %get3A_1309 = arith.index_cast %add3A_1276 : i32 to index
        %get3A_1310 = arith.constant 64 : index
        %get3A_1311 = tpu.vector_load %arg19[%get3A_1309, %get3A_1310] {strides = array<i32>} : memref<128x128xf32, #tpu.memory_space<vmem>>, vector<16xf32>,
        %mul3A_1312 = vector.broadcast %squeeze3A_1272 : f32 to vector<16xf32>
        %mul3A_1313 = arith.mulf %get3A_1311, %mul3A_1312 : vector<16xf32>
        %swap3A_1314 = arith.index_cast %add3A_1276 : i32 to index
        %swap3A_1315 = arith.constant 64 : index
        %swap3A_1316 = tpu.vector_load %arg19[%swap3A_1314, %swap3A_1315] {strides = array<i32>} : memref<128x128xf32, #tpu.memory_space<vmem>>, vector<16xf32>,
        tpu.vector_store %arg19[%swap3A_1314, %swap3A_1315], %mul3A_1313 {strides = array<i32>} : memref<128x128xf32, #tpu.memory_space<vmem>>, vector<16xf32>,
        %get3A_1317 = arith.index_cast %add3A_1276 : i32 to index
        %get3A_1318 = arith.constant 80 : index
        %get3A_1319 = tpu.vector_load %arg19[%get3A_1317, %get3A_1318] {strides = array<i32>} : memref<128x128xf32, #tpu.memory_space<vmem>>, vector<16xf32>,
        %mul3A_1320 = vector.broadcast %squeeze3A_1272 : f32 to vector<16xf32>
        %mul3A_1321 = arith.mulf %get3A_1319, %mul3A_1320 : vector<16xf32>
        %swap3A_1322 = arith.index_cast %add3A_1276 : i32 to index
        %swap3A_1323 = arith.constant 80 : index
        %swap3A_1324 = tpu.vector_load %arg19[%swap3A_1322, %swap3A_1323] {strides = array<i32>} : memref<128x128xf32, #tpu.memory_space<vmem>>, vector<16xf32>,
        tpu.vector_store %arg19[%swap3A_1322, %swap3A_1323], %mul3A_1321 {strides = array<i32>} : memref<128x128xf32, #tpu.memory_space<vmem>>, vector<16xf32>,
        %get3A_1325 = arith.index_cast %add3A_1276 : i32 to index
        %get3A_1326 = arith.constant 96 : index
        %get3A_1327 = tpu.vector_load %arg19[%get3A_1325, %get3A_1326] {strides = array<i32>} : memref<128x128xf32, #tpu.memory_space<vmem>>, vector<16xf32>,
        %mul3A_1328 = vector.broadcast %squeeze3A_1272 : f32 to vector<16xf32>
        %mul3A_1329 = arith.mulf %get3A_1327, %mul3A_1328 : vector<16xf32>
        %swap3A_1330 = arith.index_cast %add3A_1276 : i32 to index
        %swap3A_1331 = arith.constant 96 : index
        %swap3A_1332 = tpu.vector_load %arg19[%swap3A_1330, %swap3A_1331] {strides = array<i32>} : memref<128x128xf32, #tpu.memory_space<vmem>>, vector<16xf32>,
        tpu.vector_store %arg19[%swap3A_1330, %swap3A_1331], %mul3A_1329 {strides = array<i32>} : memref<128x128xf32, #tpu.memory_space<vmem>>, vector<16xf32>,
        %get3A_1333 = arith.index_cast %add3A_1276 : i32 to index
        %get3A_1334 = arith.constant 112 : index
        %get3A_1335 = tpu.vector_load %arg19[%get3A_1333, %get3A_1334] {strides = array<i32>} : memref<128x128xf32, #tpu.memory_space<vmem>>, vector<16xf32>,
        %mul3A_1336 = vector.broadcast %squeeze3A_1272 : f32 to vector<16xf32>
        %mul3A_1337 = arith.mulf %get3A_1335, %mul3A_1336 : vector<16xf32>
        %swap3A_1338 = arith.index_cast %add3A_1276 : i32 to index
        %swap3A_1339 = arith.constant 112 : index
        %swap3A_1340 = tpu.vector_load %arg19[%swap3A_1338, %swap3A_1339] {strides = array<i32>} : memref<128x128xf32, #tpu.memory_space<vmem>>, vector<16xf32>,
        tpu.vector_store %arg19[%swap3A_1338, %swap3A_1339], %mul3A_1337 {strides = array<i32>} : memref<128x128xf32, #tpu.memory_space<vmem>>, vector<16xf32>,
        %slice3A_1341 = vector.extract_strided_slice %get3A_642 {offsets = [10], sizes = [1], strides = [1]} : vector<16xf32> to vector<1xf32>
        %squeeze3A_1342 = vector.extract %slice3A_1341[0] : f32 from vector<1xf32>
        %mul3A_1343 = arith.constant 16 : i32
        %mul3A_1344 = arith.muli %scan3A_638, %mul3A_1343 : i32
        %add3A_1345 = arith.constant 10 : i32
        %add3A_1346 = arith.addi %mul3A_1344, %add3A_1345 : i32
        %get3A_1347 = arith.index_cast %add3A_1346 : i32 to index
        %get3A_1348 = arith.constant 0 : index
        %get3A_1349 = tpu.vector_load %arg19[%get3A_1347, %get3A_1348] {strides = array<i32>} : memref<128x128xf32, #tpu.memory_space<vmem>>, vector<16xf32>,
        %mul3A_1350 = vector.broadcast %squeeze3A_1342 : f32 to vector<16xf32>
        %mul3A_1351 = arith.mulf %get3A_1349, %mul3A_1350 : vector<16xf32>
        %swap3A_1352 = arith.index_cast %add3A_1346 : i32 to index
        %swap3A_1353 = arith.constant 0 : index
        %swap3A_1354 = tpu.vector_load %arg19[%swap3A_1352, %swap3A_1353] {strides = array<i32>} : memref<128x128xf32, #tpu.memory_space<vmem>>, vector<16xf32>,
        tpu.vector_store %arg19[%swap3A_1352, %swap3A_1353], %mul3A_1351 {strides = array<i32>} : memref<128x128xf32, #tpu.memory_space<vmem>>, vector<16xf32>,
        %get3A_1355 = arith.index_cast %add3A_1346 : i32 to index
        %get3A_1356 = arith.constant 16 : index
        %get3A_1357 = tpu.vector_load %arg19[%get3A_1355, %get3A_1356] {strides = array<i32>} : memref<128x128xf32, #tpu.memory_space<vmem>>, vector<16xf32>,
        %mul3A_1358 = vector.broadcast %squeeze3A_1342 : f32 to vector<16xf32>
        %mul3A_1359 = arith.mulf %get3A_1357, %mul3A_1358 : vector<16xf32>
        %swap3A_1360 = arith.index_cast %add3A_1346 : i32 to index
        %swap3A_1361 = arith.constant 16 : index
        %swap3A_1362 = tpu.vector_load %arg19[%swap3A_1360, %swap3A_1361] {strides = array<i32>} : memref<128x128xf32, #tpu.memory_space<vmem>>, vector<16xf32>,
        tpu.vector_store %arg19[%swap3A_1360, %swap3A_1361], %mul3A_1359 {strides = array<i32>} : memref<128x128xf32, #tpu.memory_space<vmem>>, vector<16xf32>,
        %get3A_1363 = arith.index_cast %add3A_1346 : i32 to index
        %get3A_1364 = arith.constant 32 : index
        %get3A_1365 = tpu.vector_load %arg19[%get3A_1363, %get3A_1364] {strides = array<i32>} : memref<128x128xf32, #tpu.memory_space<vmem>>, vector<16xf32>,
        %mul3A_1366 = vector.broadcast %squeeze3A_1342 : f32 to vector<16xf32>
        %mul3A_1367 = arith.mulf %get3A_1365, %mul3A_1366 : vector<16xf32>
        %swap3A_1368 = arith.index_cast %add3A_1346 : i32 to index
        %swap3A_1369 = arith.constant 32 : index
        %swap3A_1370 = tpu.vector_load %arg19[%swap3A_1368, %swap3A_1369] {strides = array<i32>} : memref<128x128xf32, #tpu.memory_space<vmem>>, vector<16xf32>,
        tpu.vector_store %arg19[%swap3A_1368, %swap3A_1369], %mul3A_1367 {strides = array<i32>} : memref<128x128xf32, #tpu.memory_space<vmem>>, vector<16xf32>,
        %get3A_1371 = arith.index_cast %add3A_1346 : i32 to index
        %get3A_1372 = arith.constant 48 : index
        %get3A_1373 = tpu.vector_load %arg19[%get3A_1371, %get3A_1372] {strides = array<i32>} : memref<128x128xf32, #tpu.memory_space<vmem>>, vector<16xf32>,
        %mul3A_1374 = vector.broadcast %squeeze3A_1342 : f32 to vector<16xf32>
        %mul3A_1375 = arith.mulf %get3A_1373, %mul3A_1374 : vector<16xf32>
        %swap3A_1376 = arith.index_cast %add3A_1346 : i32 to index
        %swap3A_1377 = arith.constant 48 : index
        %swap3A_1378 = tpu.vector_load %arg19[%swap3A_1376, %swap3A_1377] {strides = array<i32>} : memref<128x128xf32, #tpu.memory_space<vmem>>, vector<16xf32>,
        tpu.vector_store %arg19[%swap3A_1376, %swap3A_1377], %mul3A_1375 {strides = array<i32>} : memref<128x128xf32, #tpu.memory_space<vmem>>, vector<16xf32>,
        %get3A_1379 = arith.index_cast %add3A_1346 : i32 to index
        %get3A_1380 = arith.constant 64 : index
        %get3A_1381 = tpu.vector_load %arg19[%get3A_1379, %get3A_1380] {strides = array<i32>} : memref<128x128xf32, #tpu.memory_space<vmem>>, vector<16xf32>,
        %mul3A_1382 = vector.broadcast %squeeze3A_1342 : f32 to vector<16xf32>
        %mul3A_1383 = arith.mulf %get3A_1381, %mul3A_1382 : vector<16xf32>
        %swap3A_1384 = arith.index_cast %add3A_1346 : i32 to index
        %swap3A_1385 = arith.constant 64 : index
        %swap3A_1386 = tpu.vector_load %arg19[%swap3A_1384, %swap3A_1385] {strides = array<i32>} : memref<128x128xf32, #tpu.memory_space<vmem>>, vector<16xf32>,
        tpu.vector_store %arg19[%swap3A_1384, %swap3A_1385], %mul3A_1383 {strides = array<i32>} : memref<128x128xf32, #tpu.memory_space<vmem>>, vector<16xf32>,
        %get3A_1387 = arith.index_cast %add3A_1346 : i32 to index
        %get3A_1388 = arith.constant 80 : index
        %get3A_1389 = tpu.vector_load %arg19[%get3A_1387, %get3A_1388] {strides = array<i32>} : memref<128x128xf32, #tpu.memory_space<vmem>>, vector<16xf32>,
        %mul3A_1390 = vector.broadcast %squeeze3A_1342 : f32 to vector<16xf32>
        %mul3A_1391 = arith.mulf %get3A_1389, %mul3A_1390 : vector<16xf32>
        %swap3A_1392 = arith.index_cast %add3A_1346 : i32 to index
        %swap3A_1393 = arith.constant 80 : index
        %swap3A_1394 = tpu.vector_load %arg19[%swap3A_1392, %swap3A_1393] {strides = array<i32>} : memref<128x128xf32, #tpu.memory_space<vmem>>, vector<16xf32>,
        tpu.vector_store %arg19[%swap3A_1392, %swap3A_1393], %mul3A_1391 {strides = array<i32>} : memref<128x128xf32, #tpu.memory_space<vmem>>, vector<16xf32>,
        %get3A_1395 = arith.index_cast %add3A_1346 : i32 to index
        %get3A_1396 = arith.constant 96 : index
        %get3A_1397 = tpu.vector_load %arg19[%get3A_1395, %get3A_1396] {strides = array<i32>} : memref<128x128xf32, #tpu.memory_space<vmem>>, vector<16xf32>,
        %mul3A_1398 = vector.broadcast %squeeze3A_1342 : f32 to vector<16xf32>
        %mul3A_1399 = arith.mulf %get3A_1397, %mul3A_1398 : vector<16xf32>
        %swap3A_1400 = arith.index_cast %add3A_1346 : i32 to index
        %swap3A_1401 = arith.constant 96 : index
        %swap3A_1402 = tpu.vector_load %arg19[%swap3A_1400, %swap3A_1401] {strides = array<i32>} : memref<128x128xf32, #tpu.memory_space<vmem>>, vector<16xf32>,
        tpu.vector_store %arg19[%swap3A_1400, %swap3A_1401], %mul3A_1399 {strides = array<i32>} : memref<128x128xf32, #tpu.memory_space<vmem>>, vector<16xf32>,
        %get3A_1403 = arith.index_cast %add3A_1346 : i32 to index
        %get3A_1404 = arith.constant 112 : index
        %get3A_1405 = tpu.vector_load %arg19[%get3A_1403, %get3A_1404] {strides = array<i32>} : memref<128x128xf32, #tpu.memory_space<vmem>>, vector<16xf32>,
        %mul3A_1406 = vector.broadcast %squeeze3A_1342 : f32 to vector<16xf32>
        %mul3A_1407 = arith.mulf %get3A_1405, %mul3A_1406 : vector<16xf32>
        %swap3A_1408 = arith.index_cast %add3A_1346 : i32 to index
        %swap3A_1409 = arith.constant 112 : index
        %swap3A_1410 = tpu.vector_load %arg19[%swap3A_1408, %swap3A_1409] {strides = array<i32>} : memref<128x128xf32, #tpu.memory_space<vmem>>, vector<16xf32>,
        tpu.vector_store %arg19[%swap3A_1408, %swap3A_1409], %mul3A_1407 {strides = array<i32>} : memref<128x128xf32, #tpu.memory_space<vmem>>, vector<16xf32>,
        %slice3A_1411 = vector.extract_strided_slice %get3A_642 {offsets = [11], sizes = [1], strides = [1]} : vector<16xf32> to vector<1xf32>
        %squeeze3A_1412 = vector.extract %slice3A_1411[0] : f32 from vector<1xf32>
        %mul3A_1413 = arith.constant 16 : i32
        %mul3A_1414 = arith.muli %scan3A_638, %mul3A_1413 : i32
        %add3A_1415 = arith.constant 11 : i32
        %add3A_1416 = arith.addi %mul3A_1414, %add3A_1415 : i32
        %get3A_1417 = arith.index_cast %add3A_1416 : i32 to index
        %get3A_1418 = arith.constant 0 : index
        %get3A_1419 = tpu.vector_load %arg19[%get3A_1417, %get3A_1418] {strides = array<i32>} : memref<128x128xf32, #tpu.memory_space<vmem>>, vector<16xf32>,
        %mul3A_1420 = vector.broadcast %squeeze3A_1412 : f32 to vector<16xf32>
        %mul3A_1421 = arith.mulf %get3A_1419, %mul3A_1420 : vector<16xf32>
        %swap3A_1422 = arith.index_cast %add3A_1416 : i32 to index
        %swap3A_1423 = arith.constant 0 : index
        %swap3A_1424 = tpu.vector_load %arg19[%swap3A_1422, %swap3A_1423] {strides = array<i32>} : memref<128x128xf32, #tpu.memory_space<vmem>>, vector<16xf32>,
        tpu.vector_store %arg19[%swap3A_1422, %swap3A_1423], %mul3A_1421 {strides = array<i32>} : memref<128x128xf32, #tpu.memory_space<vmem>>, vector<16xf32>,
        %get3A_1425 = arith.index_cast %add3A_1416 : i32 to index
        %get3A_1426 = arith.constant 16 : index
        %get3A_1427 = tpu.vector_load %arg19[%get3A_1425, %get3A_1426] {strides = array<i32>} : memref<128x128xf32, #tpu.memory_space<vmem>>, vector<16xf32>,
        %mul3A_1428 = vector.broadcast %squeeze3A_1412 : f32 to vector<16xf32>
        %mul3A_1429 = arith.mulf %get3A_1427, %mul3A_1428 : vector<16xf32>
        %swap3A_1430 = arith.index_cast %add3A_1416 : i32 to index
        %swap3A_1431 = arith.constant 16 : index
        %swap3A_1432 = tpu.vector_load %arg19[%swap3A_1430, %swap3A_1431] {strides = array<i32>} : memref<128x128xf32, #tpu.memory_space<vmem>>, vector<16xf32>,
        tpu.vector_store %arg19[%swap3A_1430, %swap3A_1431], %mul3A_1429 {strides = array<i32>} : memref<128x128xf32, #tpu.memory_space<vmem>>, vector<16xf32>,
        %get3A_1433 = arith.index_cast %add3A_1416 : i32 to index
        %get3A_1434 = arith.constant 32 : index
        %get3A_1435 = tpu.vector_load %arg19[%get3A_1433, %get3A_1434] {strides = array<i32>} : memref<128x128xf32, #tpu.memory_space<vmem>>, vector<16xf32>,
        %mul3A_1436 = vector.broadcast %squeeze3A_1412 : f32 to vector<16xf32>
        %mul3A_1437 = arith.mulf %get3A_1435, %mul3A_1436 : vector<16xf32>
        %swap3A_1438 = arith.index_cast %add3A_1416 : i32 to index
        %swap3A_1439 = arith.constant 32 : index
        %swap3A_1440 = tpu.vector_load %arg19[%swap3A_1438, %swap3A_1439] {strides = array<i32>} : memref<128x128xf32, #tpu.memory_space<vmem>>, vector<16xf32>,
        tpu.vector_store %arg19[%swap3A_1438, %swap3A_1439], %mul3A_1437 {strides = array<i32>} : memref<128x128xf32, #tpu.memory_space<vmem>>, vector<16xf32>,
        %get3A_1441 = arith.index_cast %add3A_1416 : i32 to index
        %get3A_1442 = arith.constant 48 : index
        %get3A_1443 = tpu.vector_load %arg19[%get3A_1441, %get3A_1442] {strides = array<i32>} : memref<128x128xf32, #tpu.memory_space<vmem>>, vector<16xf32>,
        %mul3A_1444 = vector.broadcast %squeeze3A_1412 : f32 to vector<16xf32>
        %mul3A_1445 = arith.mulf %get3A_1443, %mul3A_1444 : vector<16xf32>
        %swap3A_1446 = arith.index_cast %add3A_1416 : i32 to index
        %swap3A_1447 = arith.constant 48 : index
        %swap3A_1448 = tpu.vector_load %arg19[%swap3A_1446, %swap3A_1447] {strides = array<i32>} : memref<128x128xf32, #tpu.memory_space<vmem>>, vector<16xf32>,
        tpu.vector_store %arg19[%swap3A_1446, %swap3A_1447], %mul3A_1445 {strides = array<i32>} : memref<128x128xf32, #tpu.memory_space<vmem>>, vector<16xf32>,
        %get3A_1449 = arith.index_cast %add3A_1416 : i32 to index
        %get3A_1450 = arith.constant 64 : index
        %get3A_1451 = tpu.vector_load %arg19[%get3A_1449, %get3A_1450] {strides = array<i32>} : memref<128x128xf32, #tpu.memory_space<vmem>>, vector<16xf32>,
        %mul3A_1452 = vector.broadcast %squeeze3A_1412 : f32 to vector<16xf32>
        %mul3A_1453 = arith.mulf %get3A_1451, %mul3A_1452 : vector<16xf32>
        %swap3A_1454 = arith.index_cast %add3A_1416 : i32 to index
        %swap3A_1455 = arith.constant 64 : index
        %swap3A_1456 = tpu.vector_load %arg19[%swap3A_1454, %swap3A_1455] {strides = array<i32>} : memref<128x128xf32, #tpu.memory_space<vmem>>, vector<16xf32>,
        tpu.vector_store %arg19[%swap3A_1454, %swap3A_1455], %mul3A_1453 {strides = array<i32>} : memref<128x128xf32, #tpu.memory_space<vmem>>, vector<16xf32>,
        %get3A_1457 = arith.index_cast %add3A_1416 : i32 to index
        %get3A_1458 = arith.constant 80 : index
        %get3A_1459 = tpu.vector_load %arg19[%get3A_1457, %get3A_1458] {strides = array<i32>} : memref<128x128xf32, #tpu.memory_space<vmem>>, vector<16xf32>,
        %mul3A_1460 = vector.broadcast %squeeze3A_1412 : f32 to vector<16xf32>
        %mul3A_1461 = arith.mulf %get3A_1459, %mul3A_1460 : vector<16xf32>
        %swap3A_1462 = arith.index_cast %add3A_1416 : i32 to index
        %swap3A_1463 = arith.constant 80 : index
        %swap3A_1464 = tpu.vector_load %arg19[%swap3A_1462, %swap3A_1463] {strides = array<i32>} : memref<128x128xf32, #tpu.memory_space<vmem>>, vector<16xf32>,
        tpu.vector_store %arg19[%swap3A_1462, %swap3A_1463], %mul3A_1461 {strides = array<i32>} : memref<128x128xf32, #tpu.memory_space<vmem>>, vector<16xf32>,
        %get3A_1465 = arith.index_cast %add3A_1416 : i32 to index
        %get3A_1466 = arith.constant 96 : index
        %get3A_1467 = tpu.vector_load %arg19[%get3A_1465, %get3A_1466] {strides = array<i32>} : memref<128x128xf32, #tpu.memory_space<vmem>>, vector<16xf32>,
        %mul3A_1468 = vector.broadcast %squeeze3A_1412 : f32 to vector<16xf32>
        %mul3A_1469 = arith.mulf %get3A_1467, %mul3A_1468 : vector<16xf32>
        %swap3A_1470 = arith.index_cast %add3A_1416 : i32 to index
        %swap3A_1471 = arith.constant 96 : index
        %swap3A_1472 = tpu.vector_load %arg19[%swap3A_1470, %swap3A_1471] {strides = array<i32>} : memref<128x128xf32, #tpu.memory_space<vmem>>, vector<16xf32>,
        tpu.vector_store %arg19[%swap3A_1470, %swap3A_1471], %mul3A_1469 {strides = array<i32>} : memref<128x128xf32, #tpu.memory_space<vmem>>, vector<16xf32>,
        %get3A_1473 = arith.index_cast %add3A_1416 : i32 to index
        %get3A_1474 = arith.constant 112 : index
        %get3A_1475 = tpu.vector_load %arg19[%get3A_1473, %get3A_1474] {strides = array<i32>} : memref<128x128xf32, #tpu.memory_space<vmem>>, vector<16xf32>,
        %mul3A_1476 = vector.broadcast %squeeze3A_1412 : f32 to vector<16xf32>
        %mul3A_1477 = arith.mulf %get3A_1475, %mul3A_1476 : vector<16xf32>
        %swap3A_1478 = arith.index_cast %add3A_1416 : i32 to index
        %swap3A_1479 = arith.constant 112 : index
        %swap3A_1480 = tpu.vector_load %arg19[%swap3A_1478, %swap3A_1479] {strides = array<i32>} : memref<128x128xf32, #tpu.memory_space<vmem>>, vector<16xf32>,
        tpu.vector_store %arg19[%swap3A_1478, %swap3A_1479], %mul3A_1477 {strides = array<i32>} : memref<128x128xf32, #tpu.memory_space<vmem>>, vector<16xf32>,
        %slice3A_1481 = vector.extract_strided_slice %get3A_642 {offsets = [12], sizes = [1], strides = [1]} : vector<16xf32> to vector<1xf32>
        %squeeze3A_1482 = vector.extract %slice3A_1481[0] : f32 from vector<1xf32>
        %mul3A_1483 = arith.constant 16 : i32
        %mul3A_1484 = arith.muli %scan3A_638, %mul3A_1483 : i32
        %add3A_1485 = arith.constant 12 : i32
        %add3A_1486 = arith.addi %mul3A_1484, %add3A_1485 : i32
        %get3A_1487 = arith.index_cast %add3A_1486 : i32 to index
        %get3A_1488 = arith.constant 0 : index
        %get3A_1489 = tpu.vector_load %arg19[%get3A_1487, %get3A_1488] {strides = array<i32>} : memref<128x128xf32, #tpu.memory_space<vmem>>, vector<16xf32>,
        %mul3A_1490 = vector.broadcast %squeeze3A_1482 : f32 to vector<16xf32>
        %mul3A_1491 = arith.mulf %get3A_1489, %mul3A_1490 : vector<16xf32>
        %swap3A_1492 = arith.index_cast %add3A_1486 : i32 to index
        %swap3A_1493 = arith.constant 0 : index
        %swap3A_1494 = tpu.vector_load %arg19[%swap3A_1492, %swap3A_1493] {strides = array<i32>} : memref<128x128xf32, #tpu.memory_space<vmem>>, vector<16xf32>,
        tpu.vector_store %arg19[%swap3A_1492, %swap3A_1493], %mul3A_1491 {strides = array<i32>} : memref<128x128xf32, #tpu.memory_space<vmem>>, vector<16xf32>,
        %get3A_1495 = arith.index_cast %add3A_1486 : i32 to index
        %get3A_1496 = arith.constant 16 : index
        %get3A_1497 = tpu.vector_load %arg19[%get3A_1495, %get3A_1496] {strides = array<i32>} : memref<128x128xf32, #tpu.memory_space<vmem>>, vector<16xf32>,
        %mul3A_1498 = vector.broadcast %squeeze3A_1482 : f32 to vector<16xf32>
        %mul3A_1499 = arith.mulf %get3A_1497, %mul3A_1498 : vector<16xf32>
        %swap3A_1500 = arith.index_cast %add3A_1486 : i32 to index
        %swap3A_1501 = arith.constant 16 : index
        %swap3A_1502 = tpu.vector_load %arg19[%swap3A_1500, %swap3A_1501] {strides = array<i32>} : memref<128x128xf32, #tpu.memory_space<vmem>>, vector<16xf32>,
        tpu.vector_store %arg19[%swap3A_1500, %swap3A_1501], %mul3A_1499 {strides = array<i32>} : memref<128x128xf32, #tpu.memory_space<vmem>>, vector<16xf32>,
        %get3A_1503 = arith.index_cast %add3A_1486 : i32 to index
        %get3A_1504 = arith.constant 32 : index
        %get3A_1505 = tpu.vector_load %arg19[%get3A_1503, %get3A_1504] {strides = array<i32>} : memref<128x128xf32, #tpu.memory_space<vmem>>, vector<16xf32>,
        %mul3A_1506 = vector.broadcast %squeeze3A_1482 : f32 to vector<16xf32>
        %mul3A_1507 = arith.mulf %get3A_1505, %mul3A_1506 : vector<16xf32>
        %swap3A_1508 = arith.index_cast %add3A_1486 : i32 to index
        %swap3A_1509 = arith.constant 32 : index
        %swap3A_1510 = tpu.vector_load %arg19[%swap3A_1508, %swap3A_1509] {strides = array<i32>} : memref<128x128xf32, #tpu.memory_space<vmem>>, vector<16xf32>,
        tpu.vector_store %arg19[%swap3A_1508, %swap3A_1509], %mul3A_1507 {strides = array<i32>} : memref<128x128xf32, #tpu.memory_space<vmem>>, vector<16xf32>,
        %get3A_1511 = arith.index_cast %add3A_1486 : i32 to index
        %get3A_1512 = arith.constant 48 : index
        %get3A_1513 = tpu.vector_load %arg19[%get3A_1511, %get3A_1512] {strides = array<i32>} : memref<128x128xf32, #tpu.memory_space<vmem>>, vector<16xf32>,
        %mul3A_1514 = vector.broadcast %squeeze3A_1482 : f32 to vector<16xf32>
        %mul3A_1515 = arith.mulf %get3A_1513, %mul3A_1514 : vector<16xf32>
        %swap3A_1516 = arith.index_cast %add3A_1486 : i32 to index
        %swap3A_1517 = arith.constant 48 : index
        %swap3A_1518 = tpu.vector_load %arg19[%swap3A_1516, %swap3A_1517] {strides = array<i32>} : memref<128x128xf32, #tpu.memory_space<vmem>>, vector<16xf32>,
        tpu.vector_store %arg19[%swap3A_1516, %swap3A_1517], %mul3A_1515 {strides = array<i32>} : memref<128x128xf32, #tpu.memory_space<vmem>>, vector<16xf32>,
        %get3A_1519 = arith.index_cast %add3A_1486 : i32 to index
        %get3A_1520 = arith.constant 64 : index
        %get3A_1521 = tpu.vector_load %arg19[%get3A_1519, %get3A_1520] {strides = array<i32>} : memref<128x128xf32, #tpu.memory_space<vmem>>, vector<16xf32>,
        %mul3A_1522 = vector.broadcast %squeeze3A_1482 : f32 to vector<16xf32>
        %mul3A_1523 = arith.mulf %get3A_1521, %mul3A_1522 : vector<16xf32>
        %swap3A_1524 = arith.index_cast %add3A_1486 : i32 to index
        %swap3A_1525 = arith.constant 64 : index
        %swap3A_1526 = tpu.vector_load %arg19[%swap3A_1524, %swap3A_1525] {strides = array<i32>} : memref<128x128xf32, #tpu.memory_space<vmem>>, vector<16xf32>,
        tpu.vector_store %arg19[%swap3A_1524, %swap3A_1525], %mul3A_1523 {strides = array<i32>} : memref<128x128xf32, #tpu.memory_space<vmem>>, vector<16xf32>,
        %get3A_1527 = arith.index_cast %add3A_1486 : i32 to index
        %get3A_1528 = arith.constant 80 : index
        %get3A_1529 = tpu.vector_load %arg19[%get3A_1527, %get3A_1528] {strides = array<i32>} : memref<128x128xf32, #tpu.memory_space<vmem>>, vector<16xf32>,
        %mul3A_1530 = vector.broadcast %squeeze3A_1482 : f32 to vector<16xf32>
        %mul3A_1531 = arith.mulf %get3A_1529, %mul3A_1530 : vector<16xf32>
        %swap3A_1532 = arith.index_cast %add3A_1486 : i32 to index
        %swap3A_1533 = arith.constant 80 : index
        %swap3A_1534 = tpu.vector_load %arg19[%swap3A_1532, %swap3A_1533] {strides = array<i32>} : memref<128x128xf32, #tpu.memory_space<vmem>>, vector<16xf32>,
        tpu.vector_store %arg19[%swap3A_1532, %swap3A_1533], %mul3A_1531 {strides = array<i32>} : memref<128x128xf32, #tpu.memory_space<vmem>>, vector<16xf32>,
        %get3A_1535 = arith.index_cast %add3A_1486 : i32 to index
        %get3A_1536 = arith.constant 96 : index
        %get3A_1537 = tpu.vector_load %arg19[%get3A_1535, %get3A_1536] {strides = array<i32>} : memref<128x128xf32, #tpu.memory_space<vmem>>, vector<16xf32>,
        %mul3A_1538 = vector.broadcast %squeeze3A_1482 : f32 to vector<16xf32>
        %mul3A_1539 = arith.mulf %get3A_1537, %mul3A_1538 : vector<16xf32>
        %swap3A_1540 = arith.index_cast %add3A_1486 : i32 to index
        %swap3A_1541 = arith.constant 96 : index
        %swap3A_1542 = tpu.vector_load %arg19[%swap3A_1540, %swap3A_1541] {strides = array<i32>} : memref<128x128xf32, #tpu.memory_space<vmem>>, vector<16xf32>,
        tpu.vector_store %arg19[%swap3A_1540, %swap3A_1541], %mul3A_1539 {strides = array<i32>} : memref<128x128xf32, #tpu.memory_space<vmem>>, vector<16xf32>,
        %get3A_1543 = arith.index_cast %add3A_1486 : i32 to index
        %get3A_1544 = arith.constant 112 : index
        %get3A_1545 = tpu.vector_load %arg19[%get3A_1543, %get3A_1544] {strides = array<i32>} : memref<128x128xf32, #tpu.memory_space<vmem>>, vector<16xf32>,
        %mul3A_1546 = vector.broadcast %squeeze3A_1482 : f32 to vector<16xf32>
        %mul3A_1547 = arith.mulf %get3A_1545, %mul3A_1546 : vector<16xf32>
        %swap3A_1548 = arith.index_cast %add3A_1486 : i32 to index
        %swap3A_1549 = arith.constant 112 : index
        %swap3A_1550 = tpu.vector_load %arg19[%swap3A_1548, %swap3A_1549] {strides = array<i32>} : memref<128x128xf32, #tpu.memory_space<vmem>>, vector<16xf32>,
        tpu.vector_store %arg19[%swap3A_1548, %swap3A_1549], %mul3A_1547 {strides = array<i32>} : memref<128x128xf32, #tpu.memory_space<vmem>>, vector<16xf32>,
        %slice3A_1551 = vector.extract_strided_slice %get3A_642 {offsets = [13], sizes = [1], strides = [1]} : vector<16xf32> to vector<1xf32>
        %squeeze3A_1552 = vector.extract %slice3A_1551[0] : f32 from vector<1xf32>
        %mul3A_1553 = arith.constant 16 : i32
        %mul3A_1554 = arith.muli %scan3A_638, %mul3A_1553 : i32
        %add3A_1555 = arith.constant 13 : i32
        %add3A_1556 = arith.addi %mul3A_1554, %add3A_1555 : i32
        %get3A_1557 = arith.index_cast %add3A_1556 : i32 to index
        %get3A_1558 = arith.constant 0 : index
        %get3A_1559 = tpu.vector_load %arg19[%get3A_1557, %get3A_1558] {strides = array<i32>} : memref<128x128xf32, #tpu.memory_space<vmem>>, vector<16xf32>,
        %mul3A_1560 = vector.broadcast %squeeze3A_1552 : f32 to vector<16xf32>
        %mul3A_1561 = arith.mulf %get3A_1559, %mul3A_1560 : vector<16xf32>
        %swap3A_1562 = arith.index_cast %add3A_1556 : i32 to index
        %swap3A_1563 = arith.constant 0 : index
        %swap3A_1564 = tpu.vector_load %arg19[%swap3A_1562, %swap3A_1563] {strides = array<i32>} : memref<128x128xf32, #tpu.memory_space<vmem>>, vector<16xf32>,
        tpu.vector_store %arg19[%swap3A_1562, %swap3A_1563], %mul3A_1561 {strides = array<i32>} : memref<128x128xf32, #tpu.memory_space<vmem>>, vector<16xf32>,
        %get3A_1565 = arith.index_cast %add3A_1556 : i32 to index
        %get3A_1566 = arith.constant 16 : index
        %get3A_1567 = tpu.vector_load %arg19[%get3A_1565, %get3A_1566] {strides = array<i32>} : memref<128x128xf32, #tpu.memory_space<vmem>>, vector<16xf32>,
        %mul3A_1568 = vector.broadcast %squeeze3A_1552 : f32 to vector<16xf32>
        %mul3A_1569 = arith.mulf %get3A_1567, %mul3A_1568 : vector<16xf32>
        %swap3A_1570 = arith.index_cast %add3A_1556 : i32 to index
        %swap3A_1571 = arith.constant 16 : index
        %swap3A_1572 = tpu.vector_load %arg19[%swap3A_1570, %swap3A_1571] {strides = array<i32>} : memref<128x128xf32, #tpu.memory_space<vmem>>, vector<16xf32>,
        tpu.vector_store %arg19[%swap3A_1570, %swap3A_1571], %mul3A_1569 {strides = array<i32>} : memref<128x128xf32, #tpu.memory_space<vmem>>, vector<16xf32>,
        %get3A_1573 = arith.index_cast %add3A_1556 : i32 to index
        %get3A_1574 = arith.constant 32 : index
        %get3A_1575 = tpu.vector_load %arg19[%get3A_1573, %get3A_1574] {strides = array<i32>} : memref<128x128xf32, #tpu.memory_space<vmem>>, vector<16xf32>,
        %mul3A_1576 = vector.broadcast %squeeze3A_1552 : f32 to vector<16xf32>
        %mul3A_1577 = arith.mulf %get3A_1575, %mul3A_1576 : vector<16xf32>
        %swap3A_1578 = arith.index_cast %add3A_1556 : i32 to index
        %swap3A_1579 = arith.constant 32 : index
        %swap3A_1580 = tpu.vector_load %arg19[%swap3A_1578, %swap3A_1579] {strides = array<i32>} : memref<128x128xf32, #tpu.memory_space<vmem>>, vector<16xf32>,
        tpu.vector_store %arg19[%swap3A_1578, %swap3A_1579], %mul3A_1577 {strides = array<i32>} : memref<128x128xf32, #tpu.memory_space<vmem>>, vector<16xf32>,
        %get3A_1581 = arith.index_cast %add3A_1556 : i32 to index
        %get3A_1582 = arith.constant 48 : index
        %get3A_1583 = tpu.vector_load %arg19[%get3A_1581, %get3A_1582] {strides = array<i32>} : memref<128x128xf32, #tpu.memory_space<vmem>>, vector<16xf32>,
        %mul3A_1584 = vector.broadcast %squeeze3A_1552 : f32 to vector<16xf32>
        %mul3A_1585 = arith.mulf %get3A_1583, %mul3A_1584 : vector<16xf32>
        %swap3A_1586 = arith.index_cast %add3A_1556 : i32 to index
        %swap3A_1587 = arith.constant 48 : index
        %swap3A_1588 = tpu.vector_load %arg19[%swap3A_1586, %swap3A_1587] {strides = array<i32>} : memref<128x128xf32, #tpu.memory_space<vmem>>, vector<16xf32>,
        tpu.vector_store %arg19[%swap3A_1586, %swap3A_1587], %mul3A_1585 {strides = array<i32>} : memref<128x128xf32, #tpu.memory_space<vmem>>, vector<16xf32>,
        %get3A_1589 = arith.index_cast %add3A_1556 : i32 to index
        %get3A_1590 = arith.constant 64 : index
        %get3A_1591 = tpu.vector_load %arg19[%get3A_1589, %get3A_1590] {strides = array<i32>} : memref<128x128xf32, #tpu.memory_space<vmem>>, vector<16xf32>,
        %mul3A_1592 = vector.broadcast %squeeze3A_1552 : f32 to vector<16xf32>
        %mul3A_1593 = arith.mulf %get3A_1591, %mul3A_1592 : vector<16xf32>
        %swap3A_1594 = arith.index_cast %add3A_1556 : i32 to index
        %swap3A_1595 = arith.constant 64 : index
        %swap3A_1596 = tpu.vector_load %arg19[%swap3A_1594, %swap3A_1595] {strides = array<i32>} : memref<128x128xf32, #tpu.memory_space<vmem>>, vector<16xf32>,
        tpu.vector_store %arg19[%swap3A_1594, %swap3A_1595], %mul3A_1593 {strides = array<i32>} : memref<128x128xf32, #tpu.memory_space<vmem>>, vector<16xf32>,
        %get3A_1597 = arith.index_cast %add3A_1556 : i32 to index
        %get3A_1598 = arith.constant 80 : index
        %get3A_1599 = tpu.vector_load %arg19[%get3A_1597, %get3A_1598] {strides = array<i32>} : memref<128x128xf32, #tpu.memory_space<vmem>>, vector<16xf32>,
        %mul3A_1600 = vector.broadcast %squeeze3A_1552 : f32 to vector<16xf32>
        %mul3A_1601 = arith.mulf %get3A_1599, %mul3A_1600 : vector<16xf32>
        %swap3A_1602 = arith.index_cast %add3A_1556 : i32 to index
        %swap3A_1603 = arith.constant 80 : index
        %swap3A_1604 = tpu.vector_load %arg19[%swap3A_1602, %swap3A_1603] {strides = array<i32>} : memref<128x128xf32, #tpu.memory_space<vmem>>, vector<16xf32>,
        tpu.vector_store %arg19[%swap3A_1602, %swap3A_1603], %mul3A_1601 {strides = array<i32>} : memref<128x128xf32, #tpu.memory_space<vmem>>, vector<16xf32>,
        %get3A_1605 = arith.index_cast %add3A_1556 : i32 to index
        %get3A_1606 = arith.constant 96 : index
        %get3A_1607 = tpu.vector_load %arg19[%get3A_1605, %get3A_1606] {strides = array<i32>} : memref<128x128xf32, #tpu.memory_space<vmem>>, vector<16xf32>,
        %mul3A_1608 = vector.broadcast %squeeze3A_1552 : f32 to vector<16xf32>
        %mul3A_1609 = arith.mulf %get3A_1607, %mul3A_1608 : vector<16xf32>
        %swap3A_1610 = arith.index_cast %add3A_1556 : i32 to index
        %swap3A_1611 = arith.constant 96 : index
        %swap3A_1612 = tpu.vector_load %arg19[%swap3A_1610, %swap3A_1611] {strides = array<i32>} : memref<128x128xf32, #tpu.memory_space<vmem>>, vector<16xf32>,
        tpu.vector_store %arg19[%swap3A_1610, %swap3A_1611], %mul3A_1609 {strides = array<i32>} : memref<128x128xf32, #tpu.memory_space<vmem>>, vector<16xf32>,
        %get3A_1613 = arith.index_cast %add3A_1556 : i32 to index
        %get3A_1614 = arith.constant 112 : index
        %get3A_1615 = tpu.vector_load %arg19[%get3A_1613, %get3A_1614] {strides = array<i32>} : memref<128x128xf32, #tpu.memory_space<vmem>>, vector<16xf32>,
        %mul3A_1616 = vector.broadcast %squeeze3A_1552 : f32 to vector<16xf32>
        %mul3A_1617 = arith.mulf %get3A_1615, %mul3A_1616 : vector<16xf32>
        %swap3A_1618 = arith.index_cast %add3A_1556 : i32 to index
        %swap3A_1619 = arith.constant 112 : index
        %swap3A_1620 = tpu.vector_load %arg19[%swap3A_1618, %swap3A_1619] {strides = array<i32>} : memref<128x128xf32, #tpu.memory_space<vmem>>, vector<16xf32>,
        tpu.vector_store %arg19[%swap3A_1618, %swap3A_1619], %mul3A_1617 {strides = array<i32>} : memref<128x128xf32, #tpu.memory_space<vmem>>, vector<16xf32>,
        %slice3A_1621 = vector.extract_strided_slice %get3A_642 {offsets = [14], sizes = [1], strides = [1]} : vector<16xf32> to vector<1xf32>
        %squeeze3A_1622 = vector.extract %slice3A_1621[0] : f32 from vector<1xf32>
        %mul3A_1623 = arith.constant 16 : i32
        %mul3A_1624 = arith.muli %scan3A_638, %mul3A_1623 : i32
        %add3A_1625 = arith.constant 14 : i32
        %add3A_1626 = arith.addi %mul3A_1624, %add3A_1625 : i32
        %get3A_1627 = arith.index_cast %add3A_1626 : i32 to index
        %get3A_1628 = arith.constant 0 : index
        %get3A_1629 = tpu.vector_load %arg19[%get3A_1627, %get3A_1628] {strides = array<i32>} : memref<128x128xf32, #tpu.memory_space<vmem>>, vector<16xf32>,
        %mul3A_1630 = vector.broadcast %squeeze3A_1622 : f32 to vector<16xf32>
        %mul3A_1631 = arith.mulf %get3A_1629, %mul3A_1630 : vector<16xf32>
        %swap3A_1632 = arith.index_cast %add3A_1626 : i32 to index
        %swap3A_1633 = arith.constant 0 : index
        %swap3A_1634 = tpu.vector_load %arg19[%swap3A_1632, %swap3A_1633] {strides = array<i32>} : memref<128x128xf32, #tpu.memory_space<vmem>>, vector<16xf32>,
        tpu.vector_store %arg19[%swap3A_1632, %swap3A_1633], %mul3A_1631 {strides = array<i32>} : memref<128x128xf32, #tpu.memory_space<vmem>>, vector<16xf32>,
        %get3A_1635 = arith.index_cast %add3A_1626 : i32 to index
        %get3A_1636 = arith.constant 16 : index
        %get3A_1637 = tpu.vector_load %arg19[%get3A_1635, %get3A_1636] {strides = array<i32>} : memref<128x128xf32, #tpu.memory_space<vmem>>, vector<16xf32>,
        %mul3A_1638 = vector.broadcast %squeeze3A_1622 : f32 to vector<16xf32>
        %mul3A_1639 = arith.mulf %get3A_1637, %mul3A_1638 : vector<16xf32>
        %swap3A_1640 = arith.index_cast %add3A_1626 : i32 to index
        %swap3A_1641 = arith.constant 16 : index
        %swap3A_1642 = tpu.vector_load %arg19[%swap3A_1640, %swap3A_1641] {strides = array<i32>} : memref<128x128xf32, #tpu.memory_space<vmem>>, vector<16xf32>,
        tpu.vector_store %arg19[%swap3A_1640, %swap3A_1641], %mul3A_1639 {strides = array<i32>} : memref<128x128xf32, #tpu.memory_space<vmem>>, vector<16xf32>,
        %get3A_1643 = arith.index_cast %add3A_1626 : i32 to index
        %get3A_1644 = arith.constant 32 : index
        %get3A_1645 = tpu.vector_load %arg19[%get3A_1643, %get3A_1644] {strides = array<i32>} : memref<128x128xf32, #tpu.memory_space<vmem>>, vector<16xf32>,
        %mul3A_1646 = vector.broadcast %squeeze3A_1622 : f32 to vector<16xf32>
        %mul3A_1647 = arith.mulf %get3A_1645, %mul3A_1646 : vector<16xf32>
        %swap3A_1648 = arith.index_cast %add3A_1626 : i32 to index
        %swap3A_1649 = arith.constant 32 : index
        %swap3A_1650 = tpu.vector_load %arg19[%swap3A_1648, %swap3A_1649] {strides = array<i32>} : memref<128x128xf32, #tpu.memory_space<vmem>>, vector<16xf32>,
        tpu.vector_store %arg19[%swap3A_1648, %swap3A_1649], %mul3A_1647 {strides = array<i32>} : memref<128x128xf32, #tpu.memory_space<vmem>>, vector<16xf32>,
        %get3A_1651 = arith.index_cast %add3A_1626 : i32 to index
        %get3A_1652 = arith.constant 48 : index
        %get3A_1653 = tpu.vector_load %arg19[%get3A_1651, %get3A_1652] {strides = array<i32>} : memref<128x128xf32, #tpu.memory_space<vmem>>, vector<16xf32>,
        %mul3A_1654 = vector.broadcast %squeeze3A_1622 : f32 to vector<16xf32>
        %mul3A_1655 = arith.mulf %get3A_1653, %mul3A_1654 : vector<16xf32>
        %swap3A_1656 = arith.index_cast %add3A_1626 : i32 to index
        %swap3A_1657 = arith.constant 48 : index
        %swap3A_1658 = tpu.vector_load %arg19[%swap3A_1656, %swap3A_1657] {strides = array<i32>} : memref<128x128xf32, #tpu.memory_space<vmem>>, vector<16xf32>,
        tpu.vector_store %arg19[%swap3A_1656, %swap3A_1657], %mul3A_1655 {strides = array<i32>} : memref<128x128xf32, #tpu.memory_space<vmem>>, vector<16xf32>,
        %get3A_1659 = arith.index_cast %add3A_1626 : i32 to index
        %get3A_1660 = arith.constant 64 : index
        %get3A_1661 = tpu.vector_load %arg19[%get3A_1659, %get3A_1660] {strides = array<i32>} : memref<128x128xf32, #tpu.memory_space<vmem>>, vector<16xf32>,
        %mul3A_1662 = vector.broadcast %squeeze3A_1622 : f32 to vector<16xf32>
        %mul3A_1663 = arith.mulf %get3A_1661, %mul3A_1662 : vector<16xf32>
        %swap3A_1664 = arith.index_cast %add3A_1626 : i32 to index
        %swap3A_1665 = arith.constant 64 : index
        %swap3A_1666 = tpu.vector_load %arg19[%swap3A_1664, %swap3A_1665] {strides = array<i32>} : memref<128x128xf32, #tpu.memory_space<vmem>>, vector<16xf32>,
        tpu.vector_store %arg19[%swap3A_1664, %swap3A_1665], %mul3A_1663 {strides = array<i32>} : memref<128x128xf32, #tpu.memory_space<vmem>>, vector<16xf32>,
        %get3A_1667 = arith.index_cast %add3A_1626 : i32 to index
        %get3A_1668 = arith.constant 80 : index
        %get3A_1669 = tpu.vector_load %arg19[%get3A_1667, %get3A_1668] {strides = array<i32>} : memref<128x128xf32, #tpu.memory_space<vmem>>, vector<16xf32>,
        %mul3A_1670 = vector.broadcast %squeeze3A_1622 : f32 to vector<16xf32>
        %mul3A_1671 = arith.mulf %get3A_1669, %mul3A_1670 : vector<16xf32>
        %swap3A_1672 = arith.index_cast %add3A_1626 : i32 to index
        %swap3A_1673 = arith.constant 80 : index
        %swap3A_1674 = tpu.vector_load %arg19[%swap3A_1672, %swap3A_1673] {strides = array<i32>} : memref<128x128xf32, #tpu.memory_space<vmem>>, vector<16xf32>,
        tpu.vector_store %arg19[%swap3A_1672, %swap3A_1673], %mul3A_1671 {strides = array<i32>} : memref<128x128xf32, #tpu.memory_space<vmem>>, vector<16xf32>,
        %get3A_1675 = arith.index_cast %add3A_1626 : i32 to index
        %get3A_1676 = arith.constant 96 : index
        %get3A_1677 = tpu.vector_load %arg19[%get3A_1675, %get3A_1676] {strides = array<i32>} : memref<128x128xf32, #tpu.memory_space<vmem>>, vector<16xf32>,
        %mul3A_1678 = vector.broadcast %squeeze3A_1622 : f32 to vector<16xf32>
        %mul3A_1679 = arith.mulf %get3A_1677, %mul3A_1678 : vector<16xf32>
        %swap3A_1680 = arith.index_cast %add3A_1626 : i32 to index
        %swap3A_1681 = arith.constant 96 : index
        %swap3A_1682 = tpu.vector_load %arg19[%swap3A_1680, %swap3A_1681] {strides = array<i32>} : memref<128x128xf32, #tpu.memory_space<vmem>>, vector<16xf32>,
        tpu.vector_store %arg19[%swap3A_1680, %swap3A_1681], %mul3A_1679 {strides = array<i32>} : memref<128x128xf32, #tpu.memory_space<vmem>>, vector<16xf32>,
        %get3A_1683 = arith.index_cast %add3A_1626 : i32 to index
        %get3A_1684 = arith.constant 112 : index
        %get3A_1685 = tpu.vector_load %arg19[%get3A_1683, %get3A_1684] {strides = array<i32>} : memref<128x128xf32, #tpu.memory_space<vmem>>, vector<16xf32>,
        %mul3A_1686 = vector.broadcast %squeeze3A_1622 : f32 to vector<16xf32>
        %mul3A_1687 = arith.mulf %get3A_1685, %mul3A_1686 : vector<16xf32>
        %swap3A_1688 = arith.index_cast %add3A_1626 : i32 to index
        %swap3A_1689 = arith.constant 112 : index
        %swap3A_1690 = tpu.vector_load %arg19[%swap3A_1688, %swap3A_1689] {strides = array<i32>} : memref<128x128xf32, #tpu.memory_space<vmem>>, vector<16xf32>,
        tpu.vector_store %arg19[%swap3A_1688, %swap3A_1689], %mul3A_1687 {strides = array<i32>} : memref<128x128xf32, #tpu.memory_space<vmem>>, vector<16xf32>,
        %slice3A_1691 = vector.extract_strided_slice %get3A_642 {offsets = [15], sizes = [1], strides = [1]} : vector<16xf32> to vector<1xf32>
        %squeeze3A_1692 = vector.extract %slice3A_1691[0] : f32 from vector<1xf32>
        %mul3A_1693 = arith.constant 16 : i32
        %mul3A_1694 = arith.muli %scan3A_638, %mul3A_1693 : i32
        %add3A_1695 = arith.constant 15 : i32
        %add3A_1696 = arith.addi %mul3A_1694, %add3A_1695 : i32
        %get3A_1697 = arith.index_cast %add3A_1696 : i32 to index
        %get3A_1698 = arith.constant 0 : index
        %get3A_1699 = tpu.vector_load %arg19[%get3A_1697, %get3A_1698] {strides = array<i32>} : memref<128x128xf32, #tpu.memory_space<vmem>>, vector<16xf32>,
        %mul3A_1700 = vector.broadcast %squeeze3A_1692 : f32 to vector<16xf32>
        %mul3A_1701 = arith.mulf %get3A_1699, %mul3A_1700 : vector<16xf32>
        %swap3A_1702 = arith.index_cast %add3A_1696 : i32 to index
        %swap3A_1703 = arith.constant 0 : index
        %swap3A_1704 = tpu.vector_load %arg19[%swap3A_1702, %swap3A_1703] {strides = array<i32>} : memref<128x128xf32, #tpu.memory_space<vmem>>, vector<16xf32>,
        tpu.vector_store %arg19[%swap3A_1702, %swap3A_1703], %mul3A_1701 {strides = array<i32>} : memref<128x128xf32, #tpu.memory_space<vmem>>, vector<16xf32>,
        %get3A_1705 = arith.index_cast %add3A_1696 : i32 to index
        %get3A_1706 = arith.constant 16 : index
        %get3A_1707 = tpu.vector_load %arg19[%get3A_1705, %get3A_1706] {strides = array<i32>} : memref<128x128xf32, #tpu.memory_space<vmem>>, vector<16xf32>,
        %mul3A_1708 = vector.broadcast %squeeze3A_1692 : f32 to vector<16xf32>
        %mul3A_1709 = arith.mulf %get3A_1707, %mul3A_1708 : vector<16xf32>
        %swap3A_1710 = arith.index_cast %add3A_1696 : i32 to index
        %swap3A_1711 = arith.constant 16 : index
        %swap3A_1712 = tpu.vector_load %arg19[%swap3A_1710, %swap3A_1711] {strides = array<i32>} : memref<128x128xf32, #tpu.memory_space<vmem>>, vector<16xf32>,
        tpu.vector_store %arg19[%swap3A_1710, %swap3A_1711], %mul3A_1709 {strides = array<i32>} : memref<128x128xf32, #tpu.memory_space<vmem>>, vector<16xf32>,
        %get3A_1713 = arith.index_cast %add3A_1696 : i32 to index
        %get3A_1714 = arith.constant 32 : index
        %get3A_1715 = tpu.vector_load %arg19[%get3A_1713, %get3A_1714] {strides = array<i32>} : memref<128x128xf32, #tpu.memory_space<vmem>>, vector<16xf32>,
        %mul3A_1716 = vector.broadcast %squeeze3A_1692 : f32 to vector<16xf32>
        %mul3A_1717 = arith.mulf %get3A_1715, %mul3A_1716 : vector<16xf32>
        %swap3A_1718 = arith.index_cast %add3A_1696 : i32 to index
        %swap3A_1719 = arith.constant 32 : index
        %swap3A_1720 = tpu.vector_load %arg19[%swap3A_1718, %swap3A_1719] {strides = array<i32>} : memref<128x128xf32, #tpu.memory_space<vmem>>, vector<16xf32>,
        tpu.vector_store %arg19[%swap3A_1718, %swap3A_1719], %mul3A_1717 {strides = array<i32>} : memref<128x128xf32, #tpu.memory_space<vmem>>, vector<16xf32>,
        %get3A_1721 = arith.index_cast %add3A_1696 : i32 to index
        %get3A_1722 = arith.constant 48 : index
        %get3A_1723 = tpu.vector_load %arg19[%get3A_1721, %get3A_1722] {strides = array<i32>} : memref<128x128xf32, #tpu.memory_space<vmem>>, vector<16xf32>,
        %mul3A_1724 = vector.broadcast %squeeze3A_1692 : f32 to vector<16xf32>
        %mul3A_1725 = arith.mulf %get3A_1723, %mul3A_1724 : vector<16xf32>
        %swap3A_1726 = arith.index_cast %add3A_1696 : i32 to index
        %swap3A_1727 = arith.constant 48 : index
        %swap3A_1728 = tpu.vector_load %arg19[%swap3A_1726, %swap3A_1727] {strides = array<i32>} : memref<128x128xf32, #tpu.memory_space<vmem>>, vector<16xf32>,
        tpu.vector_store %arg19[%swap3A_1726, %swap3A_1727], %mul3A_1725 {strides = array<i32>} : memref<128x128xf32, #tpu.memory_space<vmem>>, vector<16xf32>,
        %get3A_1729 = arith.index_cast %add3A_1696 : i32 to index
        %get3A_1730 = arith.constant 64 : index
        %get3A_1731 = tpu.vector_load %arg19[%get3A_1729, %get3A_1730] {strides = array<i32>} : memref<128x128xf32, #tpu.memory_space<vmem>>, vector<16xf32>,
        %mul3A_1732 = vector.broadcast %squeeze3A_1692 : f32 to vector<16xf32>
        %mul3A_1733 = arith.mulf %get3A_1731, %mul3A_1732 : vector<16xf32>
        %swap3A_1734 = arith.index_cast %add3A_1696 : i32 to index
        %swap3A_1735 = arith.constant 64 : index
        %swap3A_1736 = tpu.vector_load %arg19[%swap3A_1734, %swap3A_1735] {strides = array<i32>} : memref<128x128xf32, #tpu.memory_space<vmem>>, vector<16xf32>,
        tpu.vector_store %arg19[%swap3A_1734, %swap3A_1735], %mul3A_1733 {strides = array<i32>} : memref<128x128xf32, #tpu.memory_space<vmem>>, vector<16xf32>,
        %get3A_1737 = arith.index_cast %add3A_1696 : i32 to index
        %get3A_1738 = arith.constant 80 : index
        %get3A_1739 = tpu.vector_load %arg19[%get3A_1737, %get3A_1738] {strides = array<i32>} : memref<128x128xf32, #tpu.memory_space<vmem>>, vector<16xf32>,
        %mul3A_1740 = vector.broadcast %squeeze3A_1692 : f32 to vector<16xf32>
        %mul3A_1741 = arith.mulf %get3A_1739, %mul3A_1740 : vector<16xf32>
        %swap3A_1742 = arith.index_cast %add3A_1696 : i32 to index
        %swap3A_1743 = arith.constant 80 : index
        %swap3A_1744 = tpu.vector_load %arg19[%swap3A_1742, %swap3A_1743] {strides = array<i32>} : memref<128x128xf32, #tpu.memory_space<vmem>>, vector<16xf32>,
        tpu.vector_store %arg19[%swap3A_1742, %swap3A_1743], %mul3A_1741 {strides = array<i32>} : memref<128x128xf32, #tpu.memory_space<vmem>>, vector<16xf32>,
        %get3A_1745 = arith.index_cast %add3A_1696 : i32 to index
        %get3A_1746 = arith.constant 96 : index
        %get3A_1747 = tpu.vector_load %arg19[%get3A_1745, %get3A_1746] {strides = array<i32>} : memref<128x128xf32, #tpu.memory_space<vmem>>, vector<16xf32>,
        %mul3A_1748 = vector.broadcast %squeeze3A_1692 : f32 to vector<16xf32>
        %mul3A_1749 = arith.mulf %get3A_1747, %mul3A_1748 : vector<16xf32>
        %swap3A_1750 = arith.index_cast %add3A_1696 : i32 to index
        %swap3A_1751 = arith.constant 96 : index
        %swap3A_1752 = tpu.vector_load %arg19[%swap3A_1750, %swap3A_1751] {strides = array<i32>} : memref<128x128xf32, #tpu.memory_space<vmem>>, vector<16xf32>,
        tpu.vector_store %arg19[%swap3A_1750, %swap3A_1751], %mul3A_1749 {strides = array<i32>} : memref<128x128xf32, #tpu.memory_space<vmem>>, vector<16xf32>,
        %get3A_1753 = arith.index_cast %add3A_1696 : i32 to index
        %get3A_1754 = arith.constant 112 : index
        %get3A_1755 = tpu.vector_load %arg19[%get3A_1753, %get3A_1754] {strides = array<i32>} : memref<128x128xf32, #tpu.memory_space<vmem>>, vector<16xf32>,
        %mul3A_1756 = vector.broadcast %squeeze3A_1692 : f32 to vector<16xf32>
        %mul3A_1757 = arith.mulf %get3A_1755, %mul3A_1756 : vector<16xf32>
        %swap3A_1758 = arith.index_cast %add3A_1696 : i32 to index
        %swap3A_1759 = arith.constant 112 : index
        %swap3A_1760 = tpu.vector_load %arg19[%swap3A_1758, %swap3A_1759] {strides = array<i32>} : memref<128x128xf32, #tpu.memory_space<vmem>>, vector<16xf32>,
        tpu.vector_store %arg19[%swap3A_1758, %swap3A_1759], %mul3A_1757 {strides = array<i32>} : memref<128x128xf32, #tpu.memory_space<vmem>>, vector<16xf32>,
      }
      %scan3A_624 = arith.constant 8 : i32
      %dma_start3A_625 = arith.constant 0 : i32
      %dma_start3A_626 = arith.constant 0 : i32
      %dma_start3A_627 = tpu.memref_slice %arg11[%dma_start3A_625, %dma_start3A_626] : memref<3x128xi32, #tpu.memory_space<vmem>> -> memref<1x128xi32, #tpu.memory_space<vmem>>
      %dma_start3A_628 = tpu.memref_squeeze %dma_start3A_627 : memref<1x128xi32, #tpu.memory_space<vmem>> -> memref<128xi32, #tpu.memory_space<vmem>>
      %dma_start3A_629 = arith.constant 0 : i32
      %dma_start3A_630 = arith.constant 0 : i32
      %dma_start3A_631 = tpu.memref_slice %arg26[%dma_start3A_629, %dma_start3A_630] : memref<10240x128xf32, #tpu.memory_space<vmem_shared>> -> memref<10240x128xf32, #tpu.memory_space<vmem_shared>>
      tpu.enqueue_indirect_dma source(%arg19 : memref<128x128xf32, #tpu.memory_space<vmem>>) target(%dma_start3A_631 : memref<10240x128xf32, #tpu.memory_space<vmem_shared>>) offsets(%dma_start3A_628 : memref<128xi32, #tpu.memory_space<vmem>>) semaphore(%arg23 : memref<!tpu.dma_semaphore, #tpu.memory_space<semaphore_mem>>) {add = true}
      %dma_start3A_632 = arith.constant 0 : i32
      %dma_start3A_633 = arith.constant 0 : i32
      %dma_start3A_634 = tpu.memref_slice %arg11[%dma_start3A_632, %dma_start3A_633] : memref<3x128xi32, #tpu.memory_space<vmem>> -> memref<1x128xi32, #tpu.memory_space<vmem>>
      %dma_start3A_635 = tpu.memref_squeeze %dma_start3A_634 : memref<1x128xi32, #tpu.memory_space<vmem>> -> memref<128xi32, #tpu.memory_space<vmem>>
      %dma_start3A_636 = arith.constant 0 : i32
      %dma_start3A_637 = tpu.memref_slice %arg27[%dma_start3A_636] : memref<10240xf32, #tpu.memory_space<vmem_shared>> -> memref<10240xf32, #tpu.memory_space<vmem_shared>>
      tpu.enqueue_indirect_dma source(%arg13 : memref<128xf32, #tpu.memory_space<vmem>>) target(%dma_start3A_637 : memref<10240xf32, #tpu.memory_space<vmem_shared>>) offsets(%dma_start3A_635 : memref<128xi32, #tpu.memory_space<vmem>>) semaphore(%arg23 : memref<!tpu.dma_semaphore, #tpu.memory_space<semaphore_mem>>) {add = true}
    }
    %scan3A_87 = arith.constant 40 : i32
    %dma_wait3A = arith.constant 0 : i32
    %dma_wait3A_88 = arith.constant 0 : i32
    %dma_wait3A_89 = tpu.memref_slice %arg11[%dma_wait3A, %dma_wait3A_88] : memref<3x128xi32, #tpu.memory_space<vmem>> -> memref<1x128xi32, #tpu.memory_space<vmem>>
    %dma_wait3A_90 = tpu.memref_squeeze %dma_wait3A_89 : memref<1x128xi32, #tpu.memory_space<vmem>> -> memref<128xi32, #tpu.memory_space<vmem>>
    %dma_wait3A_91 = arith.constant 0 : i32
    %dma_wait3A_92 = arith.constant 0 : i32
    %dma_wait3A_93 = tpu.memref_slice %arg26[%dma_wait3A_91, %dma_wait3A_92] : memref<10240x128xf32, #tpu.memory_space<vmem_shared>> -> memref<10240x128xf32, #tpu.memory_space<vmem_shared>>
    tpu.wait_indirect_dma semaphore(%arg23 : memref<!tpu.dma_semaphore, #tpu.memory_space<semaphore_mem>>) src(%arg19 : memref<128x128xf32, #tpu.memory_space<vmem>>) dst(%dma_wait3A_93 : memref<10240x128xf32, #tpu.memory_space<vmem_shared>>)
    %dma_wait3A_94 = arith.constant 0 : i32
    %dma_wait3A_95 = arith.constant 0 : i32
    %dma_wait3A_96 = tpu.memref_slice %arg11[%dma_wait3A_94, %dma_wait3A_95] : memref<3x128xi32, #tpu.memory_space<vmem>> -> memref<1x128xi32, #tpu.memory_space<vmem>>
    %dma_wait3A_97 = tpu.memref_squeeze %dma_wait3A_96 : memref<1x128xi32, #tpu.memory_space<vmem>> -> memref<128xi32, #tpu.memory_space<vmem>>
    %dma_wait3A_98 = arith.constant 0 : i32
    %dma_wait3A_99 = tpu.memref_slice %arg27[%dma_wait3A_98] : memref<10240xf32, #tpu.memory_space<vmem_shared>> -> memref<10240xf32, #tpu.memory_space<vmem_shared>>
    tpu.wait_indirect_dma semaphore(%arg23 : memref<!tpu.dma_semaphore, #tpu.memory_space<semaphore_mem>>) src(%arg13 : memref<128xf32, #tpu.memory_space<vmem>>) dst(%dma_wait3A_99 : memref<10240xf32, #tpu.memory_space<vmem_shared>>)
    %barrier3A_100 = arith.constant 0 : index
    tpu.barrier barrier_id(%barrier3A_100)
    %mul3A_101 = arith.constant 640 : i32
    %mul3A_102 = arith.muli %arg1, %mul3A_101 : i32
    "tpu.region"() ({
      %run_scoped3A_103 = tpu.sem_alloc : memref<!tpu.dma_semaphore, #tpu.memory_space<semaphore_mem>>
      %dma_start3A_104 = arith.constant 0 : i32
      %dma_start3A_105 = tpu.memref_slice %arg7[%arg0, %mul3A_102, %dma_start3A_104] : memref<2x10240x128xf32, #tpu.memory_space<hbm>> -> memref<1x640x128xf32, #tpu.memory_space<hbm>>
      %dma_start3A_106 = tpu.memref_squeeze %dma_start3A_105 : memref<1x640x128xf32, #tpu.memory_space<hbm>> -> memref<640x128xf32, #tpu.memory_space<hbm>>
      %dma_start3A_107 = arith.constant 0 : i32
      %dma_start3A_108 = tpu.memref_slice %arg26[%mul3A_102, %dma_start3A_107] : memref<10240x128xf32, #tpu.memory_space<vmem_shared>> -> memref<640x128xf32, #tpu.memory_space<vmem_shared>>
      tpu.enqueue_dma source(%dma_start3A_108 : memref<640x128xf32, #tpu.memory_space<vmem_shared>>) target(%dma_start3A_106 : memref<640x128xf32, #tpu.memory_space<hbm>>) target_semaphore(%run_scoped3A_103 : memref<!tpu.dma_semaphore, #tpu.memory_space<semaphore_mem>>)
      %dma_wait3A_109 = arith.constant 0 : i32
      %dma_wait3A_110 = tpu.memref_slice %arg7[%arg0, %mul3A_102, %dma_wait3A_109] : memref<2x10240x128xf32, #tpu.memory_space<hbm>> -> memref<1x640x128xf32, #tpu.memory_space<hbm>>
      %dma_wait3A_111 = tpu.memref_squeeze %dma_wait3A_110 : memref<1x640x128xf32, #tpu.memory_space<hbm>> -> memref<640x128xf32, #tpu.memory_space<hbm>>
      %dma_wait3A_112 = arith.constant 0 : i32
      %dma_wait3A_113 = tpu.memref_slice %arg26[%mul3A_102, %dma_wait3A_112] : memref<10240x128xf32, #tpu.memory_space<vmem_shared>> -> memref<640x128xf32, #tpu.memory_space<vmem_shared>>
      tpu.wait_dma2 semaphore(%run_scoped3A_103 : memref<!tpu.dma_semaphore, #tpu.memory_space<semaphore_mem>>) src(%dma_wait3A_113 : memref<640x128xf32, #tpu.memory_space<vmem_shared>>) dst(%dma_wait3A_111 : memref<640x128xf32, #tpu.memory_space<hbm>>)
      tpu.yield
    }) : () -> ()
    "tpu.region"() ({
      %run_scoped3A_103 = tpu.sem_alloc : memref<!tpu.dma_semaphore, #tpu.memory_space<semaphore_mem>>
      %dma_start3A_104 = tpu.memref_slice %arg8[%arg0, %mul3A_102] : memref<2x10240xf32, #tpu.memory_space<hbm>> -> memref<1x640xf32, #tpu.memory_space<hbm>>
      %dma_start3A_105 = tpu.memref_squeeze %dma_start3A_104 : memref<1x640xf32, #tpu.memory_space<hbm>> -> memref<640xf32, #tpu.memory_space<hbm>>
      %dma_start3A_106 = tpu.memref_slice %arg27[%mul3A_102] : memref<10240xf32, #tpu.memory_space<vmem_shared>> -> memref<640xf32, #tpu.memory_space<vmem_shared>>
      tpu.enqueue_dma source(%dma_start3A_106 : memref<640xf32, #tpu.memory_space<vmem_shared>>) target(%dma_start3A_105 : memref<640xf32, #tpu.memory_space<hbm>>) target_semaphore(%run_scoped3A_103 : memref<!tpu.dma_semaphore, #tpu.memory_space<semaphore_mem>>)
      %dma_wait3A_107 = tpu.memref_slice %arg8[%arg0, %mul3A_102] : memref<2x10240xf32, #tpu.memory_space<hbm>> -> memref<1x640xf32, #tpu.memory_space<hbm>>
      %dma_wait3A_108 = tpu.memref_squeeze %dma_wait3A_107 : memref<1x640xf32, #tpu.memory_space<hbm>> -> memref<640xf32, #tpu.memory_space<hbm>>
      %dma_wait3A_109 = tpu.memref_slice %arg27[%mul3A_102] : memref<10240xf32, #tpu.memory_space<vmem_shared>> -> memref<640xf32, #tpu.memory_space<vmem_shared>>
      tpu.wait_dma2 semaphore(%run_scoped3A_103 : memref<!tpu.dma_semaphore, #tpu.memory_space<semaphore_mem>>) src(%dma_wait3A_109 : memref<640xf32, #tpu.memory_space<vmem_shared>>) dst(%dma_wait3A_108 : memref<640xf32, #tpu.memory_space<hbm>>)
      tpu.yield
    }) : () -> ()
    return
  }
}

module attributes {stable_mosaic.version = 14 : i64} {
  func.func @_prep_body(%arg0: i32, %arg1: memref<1000x128xf32, #tpu.memory_space<vmem>>, %arg2: memref<128x128xf32, #tpu.memory_space<vmem>>, %arg3: memref<128x2xf32, #tpu.memory_space<vmem>>, %arg4: memref<128x128xf32, #tpu.memory_space<vmem>>, %arg5: memref<1x8x4000xf32, #tpu.memory_space<vmem>>, %arg6: memref<1000x128xf32, #tpu.memory_space<vmem>>, %arg7: memref<1000x2xf32, #tpu.memory_space<vmem>>, %arg8: memref<10x8xf32, #tpu.memory_space<vmem>>) attributes {dimension_semantics = [#tpu.dimension_semantics<arbitrary>], iteration_bounds = array<i64: 10>, scalar_prefetch = 0 : i64, scratch_operands = 0 : i64, tpu.core_type = #tpu.core_type<tc>, window_params = [{transform_indices = @transform_0, window_bounds = array<i64: 1000, 128>}, {pipeline_mode = #tpu.pipeline_mode<synchronous>, transform_indices = @transform_1, window_bounds = array<i64: 128, 128>}, {pipeline_mode = #tpu.pipeline_mode<synchronous>, transform_indices = @transform_2, window_bounds = array<i64: 128, 2>}, {pipeline_mode = #tpu.pipeline_mode<synchronous>, transform_indices = @transform_3, window_bounds = array<i64: 128, 128>}, {transform_indices = @transform_4, window_bounds = array<i64: 1, 8, 4000>}, {transform_indices = @transform_5, window_bounds = array<i64: 1000, 128>}, {transform_indices = @transform_6, window_bounds = array<i64: 1000, 2>}, {pipeline_mode = #tpu.pipeline_mode<synchronous>, transform_indices = @transform_7, window_bounds = array<i64: 10, 8>}]} {
    %get3A = arith.constant 0 : index
    %get3A_0 = arith.constant 0 : index
    %get3A_1 = vector.load %arg1[%get3A, %get3A_0] : memref<1000x128xf32, #tpu.memory_space<vmem>>, vector<1000x128xf32>
    %get3A_2 = arith.constant 0 : index
    %get3A_3 = arith.constant 0 : index
    %get3A_4 = vector.load %arg2[%get3A_2, %get3A_3] : memref<128x128xf32, #tpu.memory_space<vmem>>, vector<128x128xf32>
    %get3A_5 = arith.constant 0 : index
    %get3A_6 = arith.constant 0 : index
    %get3A_7 = vector.load %arg3[%get3A_5, %get3A_6] : memref<128x2xf32, #tpu.memory_space<vmem>>, vector<128x2xf32>
    %dot_general3A = arith.constant dense<0.000000e+00> : vector<128x2xf32>
    %dot_general3A_8 = tpu.matmul %get3A_4, %get3A_7, %dot_general3A {dimension_numbers = #tpu.dot_dimension_numbers<[1], [0], [0], [1], [0, 0, 1, 1], [], []>, transpose_lhs_hint = false} : vector<128x128xf32>, vector<128x2xf32>, vector<128x2xf32> -> vector<128x2xf32>
    %dot_general3A_9 = arith.constant dense<0.000000e+00> : vector<1000x2xf32>
    %dot_general3A_10 = tpu.matmul %get3A_1, %dot_general3A_8, %dot_general3A_9 {dimension_numbers = #tpu.dot_dimension_numbers<[1], [0], [0], [1], [0, 0, 1, 1], [], []>, transpose_lhs_hint = false} : vector<1000x128xf32>, vector<128x2xf32>, vector<1000x2xf32> -> vector<1000x2xf32>
    %swap3A = arith.constant 0 : index
    %swap3A_11 = arith.constant 0 : index
    %swap3A_12 = vector.load %arg7[%swap3A, %swap3A_11] : memref<1000x2xf32, #tpu.memory_space<vmem>>, vector<1000x2xf32>
    tpu.vector_store %arg7[%swap3A, %swap3A_11], %dot_general3A_10 {strides = array<i32>} : memref<1000x2xf32, #tpu.memory_space<vmem>>, vector<1000x2xf32>,
    %get3A_13 = arith.constant 0 : index
    %get3A_14 = arith.constant 0 : index
    %get3A_15 = vector.load %arg4[%get3A_13, %get3A_14] : memref<128x128xf32, #tpu.memory_space<vmem>>, vector<128x128xf32>
    %dot_general3A_16 = arith.constant dense<0.000000e+00> : vector<1000x128xf32>
    %dot_general3A_17 = tpu.matmul %get3A_1, %get3A_15, %dot_general3A_16 {dimension_numbers = #tpu.dot_dimension_numbers<[1], [0], [0], [1], [0, 0, 1, 1], [], []>, transpose_lhs_hint = false} : vector<1000x128xf32>, vector<128x128xf32>, vector<1000x128xf32> -> vector<1000x128xf32>
    %swap3A_18 = arith.constant 0 : index
    %swap3A_19 = arith.constant 0 : index
    %swap3A_20 = vector.load %arg6[%swap3A_18, %swap3A_19] : memref<1000x128xf32, #tpu.memory_space<vmem>>, vector<1000x128xf32>
    tpu.vector_store %arg6[%swap3A_18, %swap3A_19], %dot_general3A_17 {strides = array<i32>} : memref<1000x128xf32, #tpu.memory_space<vmem>>, vector<1000x128xf32>,
    %slice3A = vector.extract_strided_slice %dot_general3A_10 {offsets = [0, 0], sizes = [1000, 1], strides = [1, 1]} : vector<1000x2xf32> to vector<1000x1xf32>
    %squeeze3A = vector.shape_cast %slice3A : vector<1000x1xf32> to vector<1000xf32>
    %abs3A = math.absf %squeeze3A : vector<1000xf32>
    %reduce_max3A = vector.shape_cast %abs3A : vector<1000xf32> to vector<1x1000xf32>
    %reduce_max3A_21 = arith.constant dense<0xFF800000> : vector<1xf32>
    %reduce_max3A_22 = vector.multi_reduction <maximumf>, %reduce_max3A, %reduce_max3A_21 [1] : vector<1x1000xf32> to vector<1xf32>
    %reduce_max3A_23 = vector.shape_cast %reduce_max3A_22 : vector<1xf32> to vector<1x1xf32>
    %reduce_max3A_24 = vector.extract %reduce_max3A_23[0, 0] : f32 from vector<1x1xf32>
    %slice3A_25 = vector.extract_strided_slice %dot_general3A_10 {offsets = [0, 1], sizes = [1000, 1], strides = [1, 1]} : vector<1000x2xf32> to vector<1000x1xf32>
    %squeeze3A_26 = vector.shape_cast %slice3A_25 : vector<1000x1xf32> to vector<1000xf32>
    %abs3A_27 = math.absf %squeeze3A_26 : vector<1000xf32>
    %reduce_max3A_28 = vector.shape_cast %abs3A_27 : vector<1000xf32> to vector<1x1000xf32>
    %reduce_max3A_29 = arith.constant dense<0xFF800000> : vector<1xf32>
    %reduce_max3A_30 = vector.multi_reduction <maximumf>, %reduce_max3A_28, %reduce_max3A_29 [1] : vector<1x1000xf32> to vector<1xf32>
    %reduce_max3A_31 = vector.shape_cast %reduce_max3A_30 : vector<1xf32> to vector<1x1xf32>
    %reduce_max3A_32 = vector.extract %reduce_max3A_31[0, 0] : f32 from vector<1x1xf32>
    %get3A_33 = arith.constant 0 : index
    %get3A_34 = arith.constant 0 : index
    %get3A_35 = arith.constant 0 : index
    %get3A_36 = vector.load %arg5[%get3A_33, %get3A_34, %get3A_35] : memref<1x8x4000xf32, #tpu.memory_space<vmem>>, vector<1x8x4000xf32>
    %abs3A_37 = math.absf %get3A_36 : vector<1x8x4000xf32>
    %reduce_max3A_38 = vector.shape_cast %abs3A_37 : vector<1x8x4000xf32> to vector<1x1x8x4000xf32>
    %reduce_max3A_39 = arith.constant dense<0xFF800000> : vector<1xf32>
    %reduce_max3A_40 = vector.multi_reduction <maximumf>, %reduce_max3A_38, %reduce_max3A_39 [1, 2, 3] : vector<1x1x8x4000xf32> to vector<1xf32>
    %reduce_max3A_41 = vector.shape_cast %reduce_max3A_40 : vector<1xf32> to vector<1x1x1x1xf32>
    %reduce_max3A_42 = vector.extract %reduce_max3A_41[0, 0, 0, 0] : f32 from vector<1x1x1x1xf32>
    %stack3A = arith.constant 0.000000e+00 : f32
    %stack3A_43 = arith.constant 0.000000e+00 : f32
    %stack3A_44 = arith.constant 0.000000e+00 : f32
    %stack3A_45 = arith.constant 0.000000e+00 : f32
    %stack3A_46 = arith.constant 0.000000e+00 : f32
    %stack3A_47 = vector.broadcast %reduce_max3A_24 : f32 to vector<1xf32>
    %stack3A_48 = vector.broadcast %reduce_max3A_32 : f32 to vector<1xf32>
    %stack3A_49 = vector.broadcast %reduce_max3A_42 : f32 to vector<1xf32>
    %stack3A_50 = vector.broadcast %stack3A : f32 to vector<1xf32>
    %stack3A_51 = vector.broadcast %stack3A_43 : f32 to vector<1xf32>
    %stack3A_52 = vector.broadcast %stack3A_44 : f32 to vector<1xf32>
    %stack3A_53 = vector.broadcast %stack3A_45 : f32 to vector<1xf32>
    %stack3A_54 = vector.broadcast %stack3A_46 : f32 to vector<1xf32>
    %stack3A_55 = tpu.concatenate %stack3A_47, %stack3A_48, %stack3A_49, %stack3A_50, %stack3A_51, %stack3A_52, %stack3A_53, %stack3A_54 in 0 : vector<1xf32>, vector<1xf32>, vector<1xf32>, vector<1xf32>, vector<1xf32>, vector<1xf32>, vector<1xf32>, vector<1xf32> -> vector<8xf32>
    %broadcast_in_dim3A = vector.shape_cast %stack3A_55 : vector<8xf32> to vector<1x8xf32>
    %swap3A_56 = arith.index_cast %arg0 : i32 to index
    %swap3A_57 = arith.constant 0 : index
    %swap3A_58 = vector.load %arg8[%swap3A_56, %swap3A_57] : memref<10x8xf32, #tpu.memory_space<vmem>>, vector<1x8xf32>
    tpu.vector_store %arg8[%swap3A_56, %swap3A_57], %broadcast_in_dim3A {strides = array<i32>} : memref<10x8xf32, #tpu.memory_space<vmem>>, vector<1x8xf32>,
    return
  }
  func.func @transform_0(%arg0: i32) -> (i32, i32) {
    %c0_i32 = arith.constant 0 : i32
    %c0_i32_0 = arith.constant 0 : i32
    return %arg0, %c0_i32 : i32, i32
  }
  func.func @transform_1(%arg0: i32) -> (i32, i32) {
    %c0_i32 = arith.constant 0 : i32
    %c0_i32_0 = arith.constant 0 : i32
    %c0_i32_1 = arith.constant 0 : i32
    return %c0_i32, %c0_i32_0 : i32, i32
  }
  func.func @transform_2(%arg0: i32) -> (i32, i32) {
    %c0_i32 = arith.constant 0 : i32
    %c0_i32_0 = arith.constant 0 : i32
    %c0_i32_1 = arith.constant 0 : i32
    return %c0_i32, %c0_i32_0 : i32, i32
  }
  func.func @transform_3(%arg0: i32) -> (i32, i32) {
    %c0_i32 = arith.constant 0 : i32
    %c0_i32_0 = arith.constant 0 : i32
    %c0_i32_1 = arith.constant 0 : i32
    return %c0_i32, %c0_i32_0 : i32, i32
  }
  func.func @transform_4(%arg0: i32) -> (i32, i32, i32) {
    %c0_i32 = arith.constant 0 : i32
    %c0_i32_0 = arith.constant 0 : i32
    %c0_i32_1 = arith.constant 0 : i32
    return %arg0, %c0_i32, %c0_i32_0 : i32, i32, i32
  }
  func.func @transform_5(%arg0: i32) -> (i32, i32) {
    %c0_i32 = arith.constant 0 : i32
    %c0_i32_0 = arith.constant 0 : i32
    return %arg0, %c0_i32 : i32, i32
  }
  func.func @transform_6(%arg0: i32) -> (i32, i32) {
    %c0_i32 = arith.constant 0 : i32
    %c0_i32_0 = arith.constant 0 : i32
    return %arg0, %c0_i32 : i32, i32
  }
  func.func @transform_7(%arg0: i32) -> (i32, i32) {
    %c0_i32 = arith.constant 0 : i32
    %c0_i32_0 = arith.constant 0 : i32
    %c0_i32_1 = arith.constant 0 : i32
    return %c0_i32, %c0_i32_0 : i32, i32
  }
}

module attributes {stable_mosaic.version = 14 : i64} {
  func.func @_comb_body(%arg0: i32, %arg1: memref<2x1024x128xf32, #tpu.memory_space<vmem>>, %arg2: memref<2x1024xf32, #tpu.memory_space<vmem>>, %arg3: memref<1x128xf32, #tpu.memory_space<vmem>>, %arg4: memref<1024x128xf32, #tpu.memory_space<vmem>>) attributes {dimension_semantics = [#tpu.dimension_semantics<arbitrary>], iteration_bounds = array<i64: 10>, scalar_prefetch = 0 : i64, scratch_operands = 0 : i64, tpu.core_type = #tpu.core_type<tc>, window_params = [{transform_indices = @transform_0, window_bounds = array<i64: 2, 1024, 128>}, {transform_indices = @transform_1, window_bounds = array<i64: 2, 1024>}, {pipeline_mode = #tpu.pipeline_mode<synchronous>, transform_indices = @transform_2, window_bounds = array<i64: 1, 128>}, {transform_indices = @transform_3, window_bounds = array<i64: 1024, 128>}]} {
    %get3A = arith.constant 0 : index
    %get3A_0 = arith.constant 0 : index
    %get3A_1 = arith.constant 0 : index
    %get3A_2 = vector.load %arg1[%get3A, %get3A_0, %get3A_1] : memref<2x1024x128xf32, #tpu.memory_space<vmem>>, vector<1x1024x128xf32>
    %get3A_3 = vector.shape_cast %get3A_2 : vector<1x1024x128xf32> to vector<1024x128xf32>
    %get3A_4 = arith.constant 1 : index
    %get3A_5 = arith.constant 0 : index
    %get3A_6 = arith.constant 0 : index
    %get3A_7 = vector.load %arg1[%get3A_4, %get3A_5, %get3A_6] : memref<2x1024x128xf32, #tpu.memory_space<vmem>>, vector<1x1024x128xf32>
    %get3A_8 = vector.shape_cast %get3A_7 : vector<1x1024x128xf32> to vector<1024x128xf32>
    %add3A = arith.addf %get3A_3, %get3A_8 : vector<1024x128xf32>
    %get3A_9 = arith.constant 0 : index
    %get3A_10 = arith.constant 0 : index
    %get3A_11 = vector.load %arg2[%get3A_9, %get3A_10] : memref<2x1024xf32, #tpu.memory_space<vmem>>, vector<1x1024xf32>
    %get3A_12 = vector.shape_cast %get3A_11 : vector<1x1024xf32> to vector<1024xf32>
    %get3A_13 = arith.constant 1 : index
    %get3A_14 = arith.constant 0 : index
    %get3A_15 = vector.load %arg2[%get3A_13, %get3A_14] : memref<2x1024xf32, #tpu.memory_space<vmem>>, vector<1x1024xf32>
    %get3A_16 = vector.shape_cast %get3A_15 : vector<1x1024xf32> to vector<1024xf32>
    %add3A_17 = arith.addf %get3A_12, %get3A_16 : vector<1024xf32>
    %max3A = arith.constant 1.000000e-16 : f32
    %max3A_18 = vector.broadcast %max3A : f32 to vector<1024xf32>
    %max3A_19 = arith.maximumf %add3A_17, %max3A_18 : vector<1024xf32>
    %broadcast_in_dim3A = vector.shape_cast %max3A_19 : vector<1024xf32> to vector<1024x1xf32>
    %div3A = vector.broadcast %broadcast_in_dim3A : vector<1024x1xf32> to vector<1024x128xf32>
    %div3A_20 = arith.divf %add3A, %div3A : vector<1024x128xf32>
    %get3A_21 = arith.constant 0 : index
    %get3A_22 = arith.constant 0 : index
    %get3A_23 = vector.load %arg3[%get3A_21, %get3A_22] : memref<1x128xf32, #tpu.memory_space<vmem>>, vector<1x128xf32>
    %add3A_24 = vector.broadcast %get3A_23 : vector<1x128xf32> to vector<1024x128xf32>
    %add3A_25 = arith.addf %div3A_20, %add3A_24 : vector<1024x128xf32>
    %swap3A = arith.constant 0 : index
    %swap3A_26 = arith.constant 0 : index
    %swap3A_27 = vector.load %arg4[%swap3A, %swap3A_26] : memref<1024x128xf32, #tpu.memory_space<vmem>>, vector<1024x128xf32>
    tpu.vector_store %arg4[%swap3A, %swap3A_26], %add3A_25 {strides = array<i32>} : memref<1024x128xf32, #tpu.memory_space<vmem>>, vector<1024x128xf32>,
    return
  }
  func.func @transform_0(%arg0: i32) -> (i32, i32, i32) {
    %c0_i32 = arith.constant 0 : i32
    %c0_i32_0 = arith.constant 0 : i32
    %c0_i32_1 = arith.constant 0 : i32
    return %c0_i32, %arg0, %c0_i32_0 : i32, i32, i32
  }
  func.func @transform_1(%arg0: i32) -> (i32, i32) {
    %c0_i32 = arith.constant 0 : i32
    %c0_i32_0 = arith.constant 0 : i32
    return %c0_i32, %arg0 : i32, i32
  }
  func.func @transform_2(%arg0: i32) -> (i32, i32) {
    %c0_i32 = arith.constant 0 : i32
    %c0_i32_0 = arith.constant 0 : i32
    %c0_i32_1 = arith.constant 0 : i32
    return %c0_i32, %c0_i32_0 : i32, i32
  }
  func.func @transform_3(%arg0: i32) -> (i32, i32) {
    %c0_i32 = arith.constant 0 : i32
    %c0_i32_0 = arith.constant 0 : i32
    return %arg0, %c0_i32 : i32, i32
  }
}

</mosaic_0001>

<sc_bundles>
// kernel: kernel.6.cloned.1.call-start
scs
__scs_entry_jumppad:
0x0: {  	(pc) =	sbr.rel $0x88, $3  }
0x1: {  	(tag) =	ssettag $0x0;
	lr =	simm.s32 $0x1  }
0x2: {  	[smem:$0x3F97] =	sst lr;
	_ =	strace $0xD0000000  }
0x3: {  	_ = 	snop  }
0x4: {  	_ = 	snop  }
0x5: {  	_ = 	snop  }
0x6: {  	_ = 	snop  }
0x7: {  	_ = 	snop  }
__scs_overlays_trampoline_lowered:
0x8: {  	[smem:$0x3FA6] =	sst s0  }
0x9: {  	[smem:$0x3FA7] =	sst s1  }
0xa: {  	[smem:$0x3FA8] =	sst s2  }
0xb: {  	[smem:$0x3FA9] =	sst s3  }
0xc: {  	[smem:$0x3FAA] =	sst s4  }
0xd: {  	[smem:$0x3FAB] =	sst s5  }
0xe: {  	[smem:$0x3FAC] =	sst s6  }
0xf: {  	[smem:$0x3FAD] =	sst s7  }
0x10: {  	[smem:$0x3FAE] =	sst s8  }
0x11: {  	[smem:$0x3FAF] =	sst s9;
	s0 =	simm.s32 @!p0 $0x0  }
0x12: {  	s1 =	sld [smem:$0x3F95];
	s0 =	simm.s32 @p0 $0x1  }
0x13: {  	[smem:$0x3FB0] =	sst s0;
	s0 =	simm.s32 @!p1 $0x0  }
0x14: {  	s2 =	sld [smem:$0x3F94];
	s0 =	simm.s32 @p1 $0x1  }
0x15: {  	[smem:$0x3FB1] =	sst s0;
	s0 =	simm.s32 @!p2 $0x0  }
0x16: {  	s3 =	sld [smem:$0x3FDB];
	s0 =	simm.s32 @p2 $0x1  }
0x17: {  	s4 =	simm.s32 $0x1BF5;
	[smem:$0x3FB3] =	sst s0  }
0x18: {  	s0 =	sld [smem:$0x3F96];
	_ =	swait.ge [sflag:s4], $0x0  }
0x19: {  	s7 =	sld [smem:$0x3F97]  }
0x1a: {  	s8 =	sadd.s32 $0xFFFFE003, lr  }
0x1b: {  	s9 =	sadd.s32 $0xFFFFFEF7, lr;
	s5 =	simm.s32 $0xFFFFFFFF;
	p2 =	slt.u32 s8, $0xFFFFF086  }
0x1c: {  	p1 =	slt.u32 s9, $0xF7A;
	s5 =	simm.s32 @!p2 $0x0  }
0x1d: {  	s5 =	simm.s32 @p1 $0x1;
	p0 =	seq.s32 s7, s2  }
0x1e: {  	s7 =	smul.u32 @!p0 $0xF7A, s2;
	p2 =	seq.s32 @!p0 s5, $0x0  }
0x1f: {  	s9 =	smul.u32 $0xF7A, s1;
	s8 =	simm.s32 @!p0 $0x1BF5;
	p2 =	por !p2, p0  }
0x20: {  	[sflag:s8] =	ssyncset.s32 @!p0 $0xFFFFF086;
	s6 =	sadd.s32 @!p0 s3, s7;
	s7 =	simm.s32 @!p0 $0x108  }
0x21: {  	s3 =	sadd.s32 s3, s9;
	s6 =	sadd.s32 @!p0 $0x88, s6;
	s7 =	simm.s32 @p2 $0x1082  }
0x22: {  	[simem:s7], [sflag:s8] =	dma.local @!p0 [hbm:s6], $0xF7A  }
0x23: {  	s9 =	sor.u32 $0xD0000000, s2;
	s6 =	simm.s32 $0x108;
	_ =	swait.ge @!p0 [sflag:s8], $0x0  }
0x24: {  	s3 =	sadd.s32 $0x88, s3;
	s6 =	simm.s32 @!p1 $0x1082;
	[sflag:s4] =	ssyncset.s32 $0xFFFFF086  }
0x25: {  	[simem:s6], [sflag:s4] =	dma.local [hbm:s3], $0xF7A  }
0x26: {  	[smem:$0x3F97] =	sst s1;
	(tag) =	ssettag s2;
	_ =	strace s9  }
0x27: {  	s1 =	sld [smem:$0x3FA7]  }
0x28: {  	s2 =	sld [smem:$0x3FA8]  }
0x29: {  	s4 =	sld [smem:$0x3FAA]  }
0x2a: {  	p0 =	seq.s32 s5, $0x0;
	s5 =	sld [smem:$0x3FAB]  }
0x2b: {  	s6 =	sld [smem:$0x3FAC]  }
0x2c: {  	s7 =	sld [smem:$0x3FAD]  }
0x2d: {  	s3 =	simm.s32 $0x108;
	s8 =	sld [smem:$0x3FAE]  }
0x2e: {  	s3 =	simm.s32 @!p0 $0x1082;
	s9 =	sld [smem:$0x3FAF]  }
0x2f: {  	lr =	sadd.s32 s0, s3;
	s0 =	sld [smem:$0x3FA6]  }
0x30: {  	s3 =	sld [smem:$0x3FA9]  }
0x31: {  	[smem:$0x3FB2] =	sst s10  }
0x32: {  	s10 =	sld [smem:$0x3FB0];
	_ =	sdelay $0x3  }
0x33: {  	p0 =	seq.s32 s10, $0x1;
	s10 =	sld [smem:$0x3FB2];
	_ =	sdelay $0x3  }
0x34: {  	[smem:$0x3FB2] =	sst s10  }
0x35: {  	s10 =	sld [smem:$0x3FB1];
	_ =	sdelay $0x3  }
0x36: {  	p1 =	seq.s32 s10, $0x1;
	s10 =	sld [smem:$0x3FB2];
	_ =	sdelay $0x3  }
0x37: {  	[smem:$0x3FB2] =	sst s10  }
0x38: {  	s10 =	sld [smem:$0x3FB3]  }
0x39: {  	_ = 	snop;
	(pc) =	sbr.ind lr, $3  }
0x3a: {  	_ = 	snop  }
0x3b: {  	_ = 	snop  }
0x3c: {  	p2 =	seq.s32 s10, $0x1;
	s10 =	sld [smem:$0x3FB2]  }
0x3d: {  	_ =	shalt  }
0x3e: {  	_ =	shalt  }
0x3f: {  	_ =	shalt  }
0x40: {  	_ =	shalt  }
0x41: {  	_ =	shalt  }
0x42: {  	_ =	shalt  }
0x43: {  	_ =	shalt  }
0x44: {  	_ =	shalt  }
0x45: {  	_ =	shalt  }
0x46: {  	_ =	shalt  }
0x47: {  	_ =	shalt  }
0x48: {  	_ =	shalt  }
0x49: {  	_ =	shalt  }
0x4a: {  	_ =	shalt  }
0x4b: {  	_ =	shalt  }
0x4c: {  	_ =	shalt  }
0x4d: {  	_ =	shalt  }
0x4e: {  	_ =	shalt  }
0x4f: {  	_ =	shalt  }
0x50: {  	_ =	shalt  }
0x51: {  	_ =	shalt  }
0x52: {  	_ =	shalt  }
0x53: {  	_ =	shalt  }
0x54: {  	_ =	shalt  }
0x55: {  	_ =	shalt  }
0x56: {  	_ =	shalt  }
0x57: {  	_ =	shalt  }
0x58: {  	_ =	shalt  }
0x59: {  	_ =	shalt  }
0x5a: {  	_ =	shalt  }
0x5b: {  	_ =	shalt  }
0x5c: {  	_ =	shalt  }
0x5d: {  	_ =	shalt  }
0x5e: {  	_ =	shalt  }
0x5f: {  	_ =	shalt  }
0x60: {  	_ =	shalt  }
0x61: {  	_ =	shalt  }
0x62: {  	_ =	shalt  }
0x63: {  	_ =	shalt  }
0x64: {  	_ =	shalt  }
0x65: {  	_ =	shalt  }
0x66: {  	_ =	shalt  }
0x67: {  	_ =	shalt  }
0x68: {  	_ =	shalt  }
0x69: {  	_ =	shalt  }
0x6a: {  	_ =	shalt  }
0x6b: {  	_ =	shalt  }
0x6c: {  	_ =	shalt  }
0x6d: {  	_ =	shalt  }
0x6e: {  	_ =	shalt  }
0x6f: {  	_ =	shalt  }
0x70: {  	_ =	shalt  }
0x71: {  	_ =	shalt  }
0x72: {  	_ =	shalt  }
0x73: {  	_ =	shalt  }
0x74: {  	_ =	shalt  }
0x75: {  	_ =	shalt  }
0x76: {  	_ =	shalt  }
0x77: {  	_ =	shalt  }
0x78: {  	_ =	shalt  }
0x79: {  	_ =	shalt  }
0x7a: {  	_ =	shalt  }
0x7b: {  	_ =	shalt  }
0x7c: {  	_ =	shalt  }
0x7d: {  	_ =	shalt  }
0x7e: {  	_ =	shalt  }
0x7f: {  	_ =	shalt  }
0x80: {  	_ =	shalt  }
0x81: {  	_ =	shalt  }
0x82: {  	_ =	shalt  }
0x83: {  	_ =	shalt  }
0x84: {  	_ =	shalt  }
0x85: {  	_ =	shalt  }
0x86: {  	_ =	shalt  }
0x87: {  	_ =	shalt  }
.Lfunc_end0:
.L_simem_size_0:
called_computation_lowered:
.L_overlay_start_0:
0x88: {  	s2 =	sld [smem:$0x3FD9]  }
0x89: {  	s3 =	sld [smem:$0x3FFE];
	_ =	sdelay $0x1  }
0x8a: {  	s1 =	srdreg.scid  }
0x8b: {  	s0 =	sand.u32 $0x1, s1  }
0x8c: {  	s17 =	sshll.u32 s0, $0xA;
	s2 =	sadd.s32 s3, s2  }
0x8d: {  	s2 =	sadd.s32 s2, s17  }
0x8e: {  	[smem:$0x3FBE] =	sst s2  }
0x8f: {  	_ = 	snop  }
0x90: {  	s2 =	sld [smem:$0x3FD0];
	(tm) =	ssettm $0x1  }
0x91: {  	s18 =	sld [smem:$0x3FFB];
	_ =	sdelay $0x3  }
0x92: {  	_ =	strace s18  }
0x93: {  	s3 =	sld [smem:$0x3FFC];
	_ =	sdelay $0x3  }
0x94: {  	_ =	strace s3  }
0x95: {  	s3 =	sld [smem:$0x3FFD];
	_ =	sdelay $0x3  }
0x96: {  	_ =	strace s3  }
0x97: {  	_ =	strace $0x8FFFFFFF  }
0x98: {  	s19 =	sld [smem:$0x3FDB];
	_ =	sdelay $0x1  }
0x99: {  	s4 =	simm.s32 $_scs_section_size  }
0x9a: {  	s5 =	simm.s32 $_size__tile_overlayer_lowered;
	s6 =	simm.s32 $_tile_overlayer_lowered  }
0x9b: {  	s22 =	simm.s32 $0x1BFF;
	s21 =	sshll.u32 s6, $0x1;
	s3 =	sadd.s32 s4, s19  }
0x9c: {  	s7 =	simm.s32 $0x0;
	s20 =	sshll.u32 s5, $0x1;
	s5 =	sadd.s32 s21, s3  }
0x9d: {  	[timem:s7], [sflag:s22] =	dma.local [hbm:s5], s20  }
0x9e: {  	_ =	swait.ge [sflag:s22], s20  }
0x9f: {  	s4 =	ssub.s32 $0x0, s20;
	[sflag:s22] =	ssyncset.done $0x0  }
0xa0: {  	[sflag:s22] =	ssyncadd.s32 s4;
	_ =	sdelay $0x1  }
0xa1: {  	s23 =	simm.s32 $0x1B8B  }
0xa2: {  	_ =	swait.ge [sflag:s23], $0x1  }
0xa3: {  	[sflag:s23] =	ssyncset.done $0x0  }
0xa4: {  	s25 =	simm.s32 $0x1B8E;
	s24 =	sld [smem:$0x3FFE];
	[sflag:s23] =	ssyncadd.s32 $0xFFFFFFFF  }
0xa5: {  	s26 =	simm.s32 $execute0_lowered;
	[smem:$0x3FD2] =	sst s25  }
0xa6: {  	s5 =	sshll.u32 s26, $0x1;
	_ =	strace $0x80000046;
	[dreg:$0x1] =	wrdreg $0xFFFFFFFF  }
0xa7: {  	s28 =	simm.s32 $_size_execute0_lowered;
	s3 =	sadd.s32 s3, s5;
	[dreg:$0x0] =	wrdreg $0x0  }
0xa8: {  	s5 =	sshll.u32 s28, $0x1;
	[dreg:$0x2] =	wrdreg s3  }
0xa9: {  	[dreg:$0x3] =	wrdreg s5  }
0xaa: {  	[dreg:$0x4] =	wrdreg $0xC0  }
0xab: {  	_ =	task [dreg:s7], $0x5FFFF  }
0xac: {  	[dreg:$0x1] =	wrdreg $0xFFFFFFFF  }
0xad: {  	[dreg:$0x0] =	wrdreg $0x60  }
0xae: {  	[dreg:$0x2] =	wrdreg s24  }
0xaf: {  	[dreg:$0x3] =	wrdreg s2  }
0xb0: {  	[dreg:$0x4] =	wrdreg $0x87800  }
0xb1: {  	[dreg:$0x5] =	wrdreg $0x1C7800  }
0xb2: {  	[dreg:$0x6] =	wrdreg $0x1CA000  }
0xb3: {  	[dreg:$0x7] =	wrdreg $0x1CC800  }
0xb4: {  	[dreg:$0x8] =	wrdreg $0x9  }
0xb5: {  	_ =	task.clear_ibuf [dreg:s7], $0x9FFFF;
	_ =	strace $0x90000046  }
0xb6: {  	s29 =	simm.s32 $0x9;
	_ =	strace $0x80000048  }
0xb7: {  	_ =	swait.ge [sflag:s29], $0x1  }
0xb8: {  	[sflag:s29] =	ssyncadd.s32 $0xFFFFFFFF  }
0xb9: {  	_ =	strace $0x90000048  }
0xba: {  	_ =	sfence  }
0xbb: {  	s30 =	sld [smem:$0x0];
	_ =	sdelay $0x2  }
0xbc: {  	s31 =	sshll.u32 s1, $0xD;
	s1 =	sshrl.u32 s1, $0x2  }
0xbd: {  	s3 =	sand.u32 $0x4000, s31;
	s1 =	sadd.s32 s1, s30  }
0xbe: {  	s0 =	sor.u32 s3, s0;
	s1 =	sshll.u32 s1, $0x11  }
0xbf: {  	s0 =	sor.u32 s1, s0  }
0xc0: {  	s0 =	sadd.s32 $0x8F2B, s0  }
0xc1: {  	[sflag:s0] =	ssyncadd.remote.s32 $0x1  }
0xc2: {  	_ =	sfence.sel $0xFFFF  }
0xc3: {  	[dreg:$0x0] =	wrdreg $0xFFFFFFFF;
	(pc) =	sbr.abs _section_cstart, $3  }
0xc4: {  	[dreg:$0x1] =	wrdreg $0xFFFFFFFF  }
0xc5: {  	_ =	task.clear_ibuf [dreg:s7], $0x2FFFF;
	_ =	strace $0x9FFFFFFF  }
0xc6: {  	(tm) =	ssettm $0x7FFFFFFF  }
0xc7: {  	_ =	shalt  }
tec
execute0_lowered:
.L_overlay_start_1:
0x0: {  	(tag) =	ssettag $0x1  }
0x1: {  	s15 =	rddreg [dreg:$0x0]  }
0x2: {  	s1 =	rddreg [dreg:$0x1]  }
0x3: {  	s2 =	rddreg [dreg:$0x2]  }
0x4: {  	s3 =	rddreg [dreg:$0x3]  }
0x5: {  	s4 =	rddreg [dreg:$0x4];
	s0 =	srdreg.scid  }
0x6: {  	s6 =	rddreg [dreg:$0x5];
	s16 =	stileid.u32;
	s8 =	simm.s32 $0x0  }
0x7: {  	s29 =	simm.s32 $0x780;
	s30 =	simm.s32 $0x7;
	s7 =	smul.u32 $0x14000, s16  }
0x8: {  	s31 =	simm.s32 $0x480;
	s0 =	sand.u32 $0x1, s0;
	s11 =	smul.u32 $0x500, s16  }
0x9: {  	[smem:$0x7FF] =	sst s8;
	s9 =	sadd.s32 $0xC00, s15;
	s10 =	smul.u32 $0x280, s16  }
0xa: {  	p0 =	sne.s32 s16, $0x0;
	s5 =	smul.u32 $0x140000, s0;
	_ =	strace $0x80000047  }
0xb: {  	s12 =	sshll.u32 s0, $0x7;
	s13 =	ssub.s32 $0x2, s0;
	s0 =	sshll.u32 s0, $0x4  }
0xc: {  	s17 =	sadd.s32 $0x80, s10;
	s0 =	sor.u32 s16, s0;
	s26 =	sadd.s32 s10, s3  }
0xd: {  	s19 =	sadd.s32 $0x100, s10;
	s5 =	sadd.s32 s7, s5;
	s7 =	sor.u32 s12, s11  }
0xe: {  	s11 =	sshrl.u32 s13, $0x1;
	s12 =	smul.u32 $0x50000, s16;
	s20 =	sadd.s32 s17, s3  }
0xf: {  	s21 =	sshll.u32 s19, $0x7;
	s0 =	smul.u32 $0xA000, s0;
	s24 =	sadd.s32 s19, s3  }
0x10: {  	s16 =	simm.s32 $0x6;
	[dreg:$0x8] =	wrdreg s26;
	s5 =	sshrl.u32 s5, $0x3  }
0x11: {  	s7 =	sshrl.u32 s7, $0x3;
	s8 =	ssub.s32 s13, s11;
	[dreg:$0xa] =	wrdreg s20  }
0x12: {  	s13 =	sshll.u32 s17, $0x7;
	s22 =	sadd.s32 s21, s2;
	[dreg:$0xc] =	wrdreg s24  }
0x13: {  	s24 =	sadd.s32 $0x600, s15;
	s5 =	sadd.s32 s5, s15;
	s7 =	sadd.s32 s7, s15  }
0x14: {  	s14 =	sshrl.u32 s12, $0x2;
	s18 =	sadd.s32 s13, s2;
	[dreg:$0xb] =	wrdreg s22  }
0x15: {  	s21 =	sor.u32 $0x200, s0;
	s22 =	sor.u32 $0x400, s0;
	[dreg:$0x15] =	wrdreg s24  }
0x16: {  	s25 =	sadd.s32 s14, s2;
	[dreg:$0x9] =	wrdreg s18;
	s14 =	sadd.s32 $0x180, s10  }
0x17: {  	s10 =	sadd.s32 $0x200, s10;
	s19 =	sadd.s32 $0x28E00, s5;
	s20 =	sadd.s32 $0x78E00, s7  }
0x18: {  	s5 =	simm.s32 $0x80;
	s7 =	simm.s32 $0x1;
	[dreg:$0x12] =	wrdreg s19  }
0x19: {  	s23 =	sshll.u32 s14, $0x7;
	s12 =	sadd.s32 s14, s3;
	[dreg:$0x13] =	wrdreg s20  }
0x1a: {  	s13 =	sshll.u32 s10, $0x7;
	s14 =	sshrl.u32 s0, $0x3;
	[dreg:$0x7] =	wrdreg s25  }
0x1b: {  	s10 =	sadd.s32 s10, s3;
	s0 =	simm.s32 $0x5;
	[dreg:$0xe] =	wrdreg s12  }
0x1c: {  	s19 =	simm.s32 $0x500;
	s28 =	sadd.s32 s23, s2;
	[dreg:$0x10] =	wrdreg s10  }
0x1d: {  	s20 =	simm.s32 $0x10;
	s17 =	sadd.s32 s13, s2;
	[dreg:$0xd] =	wrdreg s28  }
0x1e: {  	s18 =	sadd.s32 s9, s14;
	s23 =	smax.u32 s8, $0x1;
	[dreg:$0xf] =	wrdreg s17  }
0x1f: {  	s8 =	simm.s32 $0x280;
	s12 =	simm.s32 $0x600;
	[dreg:$0x11] =	wrdreg s18  }
0x20: {  	s13 =	simm.s32 $0x300;
	s14 =	simm.s32 $0x700;
	[dreg:$0x14] =	wrdreg s23  }
0x21: {  	s28 =	sadd.s32 $0x28C00, s15;
	s15 =	simm.s32 $0x4780;
	s17 =	simm.s32 $0x2  }
0x22: {  	v0 =	vimm.f32 $0.0e+00;
	s18 =	simm.s32 $0x3;
	s23 =	simm.s32 $0x0;
	[dreg:$0x16] =	wrdreg s28  }
.LBB2_1:
0x23: {  	s10 =	simm.s32 $0x0;
	s24 =	simm.s32 $0x200  }
.LBB2_2:
0x24: {  	p1 =	sne.s32 s24, $0xFE00;
	[tilespmem:s10+$0x7F0] =	vst v0  }
0x25: {  	[tilespmem:s10+$0x780] =	vst v0  }
0x26: {  	[tilespmem:s10+$0x790] =	vst v0  }
.Ltmp0:
0x27: {  	[tilespmem:s10+$0x7A0] =	vst v0;
	(pc) =	sbr.rel @p1 .LBB2_2-.Ltmp0, $4  }
0x28: {  	[tilespmem:s10+$0x7B0] =	vst v0  }
0x29: {  	[tilespmem:s10+$0x7C0] =	vst v0  }
0x2a: {  	[tilespmem:s10+$0x7D0] =	vst v0  }
0x2b: {  	[tilespmem:s10+$0x7E0] =	vst v0;
	s10 =	sshra.s32 s24, $0x2;
	s24 =	sadd.s32 $0x200, s24  }
0x2c: {  	[tilespmem:s10+$0x7F0] =	vst v0  }
0x2d: {  	[tilespmem:s10+$0x780] =	vst v0  }
0x2e: {  	[tilespmem:s10+$0x790] =	vst v0  }
0x2f: {  	[tilespmem:s10+$0x7A0] =	vst v0  }
0x30: {  	[tilespmem:s10+$0x7B0] =	vst v0  }
0x31: {  	[tilespmem:s10+$0x7C0] =	vst v0  }
0x32: {  	[tilespmem:s10+$0x7D0] =	vst v0  }
0x33: {  	[tilespmem:s10+$0x7E0] =	vst v0  }
0x34: {  	[tilespmem:$0x480] =	vst v0  }
0x35: {  	[tilespmem:$0x490] =	vst v0  }
0x36: {  	[tilespmem:$0x4A0] =	vst v0  }
0x37: {  	[tilespmem:$0x4B0] =	vst v0  }
0x38: {  	[tilespmem:$0x4C0] =	vst v0  }
0x39: {  	[tilespmem:$0x4D0] =	vst v0  }
0x3a: {  	[tilespmem:$0x4E0] =	vst v0  }
0x3b: {  	[tilespmem:$0x4F0] =	vst v0  }
0x3c: {  	[spmem:s25] =	stream.linear.scatter [tilespmem:s29], [sflag:$0x7], $0x4000, $0x38;
	[tilespmem:$0x1CF00] =	vst v63  }
0x3d: {  	_ =	swait.ge [sflag:s30], $0x4000  }
0x3e: {  	[sflag:s30] =	ssyncset.done $0x0  }
0x3f: {  	[sflag:s30] =	ssyncadd.s32 $0xFFFFC000  }
0x40: {  	[spmem:s26] =	stream.linear.scatter [tilespmem:s31], [sflag:$0x7], $0x80, $0x38;
	[tilespmem:$0x1CF00] =	vst v63  }
0x41: {  	_ =	swait.ge [sflag:s30], $0x80  }
0x42: {  	[sflag:s30] =	ssyncset.done $0x0  }
0x43: {  	s24 =	rddreg [dreg:$0x9];
	[sflag:s30] =	ssyncadd.s32 $0xFFFFFF80  }
0x44: {  	[spmem:s24] =	stream.linear.scatter [tilespmem:s29], [sflag:$0x7], $0x4000, $0x38;
	[tilespmem:$0x1CF00] =	vst v63  }
0x45: {  	_ =	swait.ge [sflag:s30], $0x4000  }
0x46: {  	[sflag:s30] =	ssyncset.done $0x0  }
0x47: {  	s25 =	rddreg [dreg:$0xa];
	[sflag:s30] =	ssyncadd.s32 $0xFFFFC000  }
0x48: {  	[spmem:s25] =	stream.linear.scatter [tilespmem:s31], [sflag:$0x7], $0x80, $0x38;
	[tilespmem:$0x1CF00] =	vst v63  }
0x49: {  	_ =	swait.ge [sflag:s30], $0x80  }
0x4a: {  	[sflag:s30] =	ssyncset.done $0x0  }
0x4b: {  	s26 =	rddreg [dreg:$0xb];
	[sflag:s30] =	ssyncadd.s32 $0xFFFFFF80  }
0x4c: {  	[spmem:s26] =	stream.linear.scatter [tilespmem:s29], [sflag:$0x7], $0x4000, $0x38;
	[tilespmem:$0x1CF00] =	vst v63  }
0x4d: {  	_ =	swait.ge [sflag:s30], $0x4000  }
0x4e: {  	[sflag:s30] =	ssyncset.done $0x0  }
0x4f: {  	s28 =	rddreg [dreg:$0xc];
	[sflag:s30] =	ssyncadd.s32 $0xFFFFC000  }
0x50: {  	[spmem:s28] =	stream.linear.scatter [tilespmem:s31], [sflag:$0x7], $0x80, $0x38;
	[tilespmem:$0x1CF00] =	vst v63  }
0x51: {  	_ =	swait.ge [sflag:s30], $0x80  }
0x52: {  	[sflag:s30] =	ssyncset.done $0x0  }
0x53: {  	s11 =	rddreg [dreg:$0xd];
	[sflag:s30] =	ssyncadd.s32 $0xFFFFFF80  }
0x54: {  	[spmem:s11] =	stream.linear.scatter [tilespmem:s29], [sflag:$0x7], $0x4000, $0x38;
	[tilespmem:$0x1CF00] =	vst v63  }
0x55: {  	_ =	swait.ge [sflag:s30], $0x4000  }
0x56: {  	[sflag:s30] =	ssyncset.done $0x0  }
0x57: {  	s24 =	rddreg [dreg:$0xe];
	[sflag:s30] =	ssyncadd.s32 $0xFFFFC000  }
0x58: {  	[spmem:s24] =	stream.linear.scatter [tilespmem:s31], [sflag:$0x7], $0x80, $0x38;
	[tilespmem:$0x1CF00] =	vst v63  }
0x59: {  	_ =	swait.ge [sflag:s30], $0x80  }
0x5a: {  	[sflag:s30] =	ssyncset.done $0x0  }
0x5b: {  	s25 =	rddreg [dreg:$0xf];
	[sflag:s30] =	ssyncadd.s32 $0xFFFFFF80  }
0x5c: {  	[spmem:s25] =	stream.linear.scatter [tilespmem:s29], [sflag:$0x7], $0x4000, $0x38;
	[tilespmem:$0x1CF00] =	vst v63  }
0x5d: {  	_ =	swait.ge [sflag:s30], $0x4000  }
0x5e: {  	[sflag:s30] =	ssyncset.done $0x0  }
0x5f: {  	s26 =	rddreg [dreg:$0x10];
	[sflag:s30] =	ssyncadd.s32 $0xFFFFC000  }
0x60: {  	[spmem:s26] =	stream.linear.scatter [tilespmem:s31], [sflag:$0x7], $0x80, $0x38;
	[tilespmem:$0x1CF00] =	vst v63  }
0x61: {  	_ =	swait.ge [sflag:s30], $0x80  }
0x62: {  	[sflag:s30] =	ssyncset.done $0x0  }
0x63: {  	s28 =	simm.s32 $0x0;
	s11 =	rddreg [dreg:$0x16];
	[sflag:s30] =	ssyncadd.s32 $0xFFFFFF80  }
0x64: {  	[tilespmem:s28], [sflag:$0x7] =	stream.linear.gather [hbm4b:s11+s28], $0x80, $0x38;
	[tilespmem:$0x1CF00] =	vst v63  }
0x65: {  	_ =	swait.ge [sflag:s30], $0x80  }
0x66: {  	s10 =	sshrl.u32 @!p0 s4, $0x3;
	[sflag:s30] =	ssyncset.done $0x0  }
0x67: {  	s24 =	simm.s32 @!p0 $0x1C07;
	s11 =	rddreg [dreg:$0x15];
	[sflag:s30] =	ssyncadd.s32 $0xFFFFFF80  }
0x68: {  	[spmem:s10], [sflag:s24] =	dma.local @!p0 [hbm:s11], $0x500  }
0x69: {  	s10 =	simm.s32 @!p0 $0x7  }
0x6a: {  	_ =	swait.ge @!p0 [sflag:s10], $0x500  }
0x6b: {  	[sflag:s10] =	ssyncset.done @!p0 $0x0  }
0x6c: {  	[sflag:s10] =	ssyncadd.s32 @!p0 $0xFFFFFB00  }
0x6d: {  	s25 =	sshrl.u32 @!p0 s6, $0x3;
	s11 =	rddreg [dreg:$0x0]  }
0x6e: {  	[spmem:s25], [sflag:s24] =	dma.local @!p0 [hbm:s11], $0x500  }
0x6f: {  	_ =	swait.ge @!p0 [sflag:s10], $0x500  }
0x70: {  	[sflag:s10] =	ssyncset.done @!p0 $0x0  }
0x71: {  	[sflag:s10] =	ssyncadd.s32 @!p0 $0xFFFFFB00  }
0x72: {  	[bflag:$0x0] =	sbarrier.arrive $0xFFFF  }
0x73: {  	s24 =	simm.s32 $0x0;
	s11 =	rddreg [dreg:$0x11]  }
0x74: {  	[tilespmem:s5], [sflag:$0x7] =	stream.linear.gather [hbm4b:s11+s24], $0x180, $0x38;
	[tilespmem:$0x1CF00] =	vst v63  }
0x75: {  	_ =	swait.ge [sflag:s30], $0x180  }
0x76: {  	[sflag:s30] =	ssyncset.done $0x0  }
0x77: {  	s25 =	simm.s32 $0x580;
	[sflag:s30] =	ssyncadd.s32 $0xFFFFFE80  }
0x78: {  	[tilespmem:s25], [sflag:$0x5] =	stream.indirect.gather [spmem:s4], $0x1, s5, s5, $0xb8;
	[tilespmem:$0x1CF00] =	vst v63  }
0x79: {  	s26 =	simm.s32 $0x100;
	s28 =	simm.s32 $0x680  }
0x7a: {  	[tilespmem:s28], [sflag:$0x5] =	stream.indirect.gather [spmem:s6], $0x1, s26, s5, $0xb8;
	[tilespmem:$0x1CF00] =	vst v63  }
0x7b: {  	s25 =	simm.s32 $0x0  }
0x7c: {  	[tilespmem:s29], [sflag:$0x1] =	stream.indirect.gather [hbm4b:s1+s5], $0x80, s26, s5, $0xb8;
	[tilespmem:$0x1CF00] =	vst v63  }
.LBB2_4:
0x7d: {  	_ =	swait.ge [sflag:s0], $0x80  }
0x7e: {  	[sflag:s0] =	ssyncset.done $0x0  }
0x7f: {  	[sflag:s0] =	ssyncadd.s32 $0xFFFFFF80  }
0x80: {  	_ =	swait.ge [sflag:s0], $0x80  }
0x81: {  	[sflag:s0] =	ssyncset.done $0x0  }
0x82: {  	[sflag:s0] =	ssyncadd.s32 $0xFFFFFF80  }
0x83: {  	v1 =	vld [tilespmem:$0x0]  }
0x84: {  	v2 =	vld [tilespmem:$0x180]  }
0x85: {  	v3 =	vld [tilespmem:$0x580]  }
0x86: {  	v4 =	vld [tilespmem:$0x680]  }
0x87: {  	v5 =	vld [tilespmem:$0x190]  }
0x88: {  	v6 =	vld [tilespmem:$0x590]  }
0x89: {  	v7 =	vld [tilespmem:$0x690]  }
0x8a: {  	v8 =	vld [tilespmem:$0x1A0]  }
0x8b: {  	v9 =	vld [tilespmem:$0x5A0]  }
0x8c: {  	v32 =	vld [tilespmem:$0x6A0]  }
0x8d: {  	v10 =	vld [tilespmem:$0x1B0]  }
0x8e: {  	v33 =	vld [tilespmem:$0x6B0];
	v3 =	vmul.f32 v3, v2;
	v2 =	vmul.f32 v4, v2  }
0x8f: {  	v12 =	vld [tilespmem:$0x1C0]  }
0x90: {  	v35 =	vld [tilespmem:$0x5C0];
	v6 =	vmul.f32 v6, v5;
	v5 =	vmul.f32 v7, v5;
	v2 =	vadd.f32 v2, v3  }
0x91: {  	v38 =	vld [tilespmem:$0x1D0]  }
0x92: {  	v15 =	vld [tilespmem:$0x6D0];
	v5 =	vadd.f32 v5, v6;
	v11 =	vmin.f32 v2, $0.0e+00  }
0x93: {  	v3 =	vld [tilespmem:$0x5B0];
	v36 =	vmul.f32 $2.000000030e-01, v11  }
0x94: {  	v42 =	vld [tilespmem:$0x1E0];
	v2 =	vmax.f32 v2, $0.0e+00;
	v13 =	vmin.f32 v5, $0.0e+00  }
0x95: {  	v44 =	vld [tilespmem:$0x6E0];
	v39 =	vmul.f32 $2.000000030e-01, v13;
	v2 =	vadd.f32 v36, v2  }
0x96: {  	v34 =	vmul.f32 v9, v8;
	v4 =	vmul.f32 v32, v8;
	v5 =	vmax.f32 v5, $0.0e+00  }
0x97: {  	v37 =	vld [tilespmem:$0x6C0];
	v7 =	vmul.f32 v33, v10;
	v5 =	vadd.f32 v39, v5;
	v2 =	vsub.f32 v2, v1  }
0x98: {  	v40 =	vld [tilespmem:$0x5D0];
	v8 =	vmul.f32 v35, v12;
	v3 =	vmul.f32 v3, v10  }
0x99: {  	v43 =	vld [tilespmem:$0x5E0];
	v4 =	vadd.f32 v4, v34;
	v5 =	vsub.f32 v5, v1;
	v2 =	vmul.f32 $1.442695020e+00, v2  }
0x9a: {  	v45 =	vld [tilespmem:$0x1F0];
	v9 =	vmul.f32 v44, v42;
	v6 =	vmul.f32 v15, v38;
	v3 =	vadd.f32 v7, v3  }
0x9b: {  	v47 =	vld [tilespmem:$0x6F0];
	v14 =	vmin.f32 v4, $0.0e+00;
	(erf) = vpow2.f32 v2;
	v2 =	vmul.f32 $1.442695020e+00, v5  }
0x9c: {  	v46 =	vld [tilespmem:$0x5F0];
	v41 =	vmul.f32 $2.000000030e-01, v14;
	v11 =	vmul.f32 v37, v12;
	v16 =	vmin.f32 v3, $0.0e+00  }
0x9d: {  	v4 =	vmax.f32 v4, $0.0e+00;
	(erf) = vpow2.f32 v2;
	v2 =	vmul.f32 $2.000000030e-01, v16  }
0x9e: {  	v4 =	vadd.f32 v41, v4;
	v8 =	vadd.f32 v11, v8;
	v3 =	vmax.f32 v3, $0.0e+00  }
0x9f: {  	v10 =	vmul.f32 v43, v42;
	v2 =	vadd.f32 v2, v3;
	v3 =	vmul.f32 v40, v38  }
0xa0: {  	v48 =	vmul.f32 v47, v45;
	v4 =	vsub.f32 v4, v1;
	v11 =	vmin.f32 v8, $0.0e+00  }
0xa1: {  	v9 =	vadd.f32 v9, v10;
	v5 =	vmul.f32 v46, v45;
	v3 =	vadd.f32 v6, v3  }
0xa2: {  	v8 =	vmax.f32 v8, $0.0e+00;
	v49 =	vmul.f32 $2.000000030e-01, v11;
	v4 =	vmul.f32 $1.442695020e+00, v4  }
0xa3: {  	v53 =	vmin.f32 v9, $0.0e+00;
	v5 =	vadd.f32 v48, v5;
	v50 =	vmin.f32 v3, $0.0e+00  }
0xa4: {  	v55 =	vmax.f32 v9, $0.0e+00;
	v51 =	vadd.f32 v49, v8;
	v52 =	vmul.f32 $2.000000030e-01, v50  }
0xa5: {  	v8 =	vmul.f32 $2.000000030e-01, v53;
	v54 =	vmin.f32 v5, $0.0e+00;
	v3 =	vmax.f32 v3, $0.0e+00  }
0xa6: {  	v56 =	vmul.f32 $2.000000030e-01, v54;
	v2 =	vsub.f32 v2, v1;
	v3 =	vadd.f32 v52, v3  }
0xa7: {  	v7 =	vadd.f32 v8, v55;
	v5 =	vmax.f32 v5, $0.0e+00;
	v6 =	vsub.f32 v51, v1  }
0xa8: {  	v5 =	vadd.f32 v56, v5;
	v2 =	vmul.f32 $1.442695020e+00, v2;
	v3 =	vsub.f32 v3, v1  }
0xa9: {  	(erf) = vpow2.f32 v4;
	v58 =	vsub.f32 v7, v1;
	v57 =	vmul.f32 $1.442695020e+00, v6  }
0xaa: {  	(erf) = vpow2.f32 v2;
	v1 =	vsub.f32 v5, v1;
	v2 =	vmul.f32 $1.442695020e+00, v3  }
0xab: {  	(erf) = vpow2.f32 v57;
	v3 =	vmul.f32 $1.442695020e+00, v58  }
0xac: {  	v1 =	vmul.f32 $1.442695020e+00, v1;
	(erf) = vpow2.f32 v2  }
0xad: {  	(erf) = vpow2.f32 v3  }
0xae: {  	(erf) = vpow2.f32 v1;
	_ =	sdelay $0x1  }
0xaf: {  	v1 =	vpop (erf)  }
0xb0: {  	v2 =	vpop (erf);
	[tilespmem:$0x480] =	vst v1  }
0xb1: {  	v1 =	vpop (erf);
	[tilespmem:$0x490] =	vst v2  }
0xb2: {  	v2 =	vpop (erf);
	[tilespmem:$0x4A0] =	vst v1  }
0xb3: {  	v1 =	vpop (erf);
	[tilespmem:$0x4B0] =	vst v2  }
0xb4: {  	[tilespmem:$0x4C0] =	vst v1;
	v2 =	vpop (erf)  }
0xb5: {  	v1 =	vpop (erf);
	[tilespmem:$0x4D0] =	vst v2  }
0xb6: {  	[tilespmem:$0x4E0] =	vst v1;
	v1 =	vpop (erf)  }
0xb7: {  	[tilespmem:$0x4F0] =	vst v1  }
0xb8: {  	_ =	swait.ge [sflag:s7], $0x4000  }
0xb9: {  	p1 =	seq.s32 s25, $0x0;
	[sflag:s7] =	ssyncset.done $0x0  }
0xba: {  	s10 =	simm.s32 @!p1 $0x4;
	[sflag:s7] =	ssyncadd.s32 $0xFFFFC000  }
0xbb: {  	_ =	swait.ge @!p1 [sflag:s10], $0x4000  }
0xbc: {  	[sflag:s10] =	ssyncset.done @!p1 $0x0  }
0xbd: {  	s26 =	sshll.u32 s25, $0xA;
	[sflag:s10] =	ssyncadd.s32 @!p1 $0xFFFFC000  }
0xbe: {  	s28 =	sadd.s32 s26, s21;
	_ =	swait.ge @!p1 [sflag:s10], $0x80  }
0xbf: {  	s28 =	sshrl.u32 s28, $0x3;
	[sflag:s10] =	ssyncset.done @!p1 $0x0  }
0xc0: {  	s11 =	sadd.s32 s9, s28;
	[sflag:s10] =	ssyncadd.s32 @!p1 $0xFFFFFF80  }
0xc1: {  	[tilespmem:s8], [sflag:$0x7] =	stream.linear.gather [hbm4b:s11+s24], $0x180, $0x38;
	[tilespmem:$0x1CF00] =	vst v63  }
0xc2: {  	_ =	swait.ge [sflag:s30], $0x180  }
0xc3: {  	[sflag:s30] =	ssyncset.done $0x0  }
0xc4: {  	[sflag:s30] =	ssyncadd.s32 $0xFFFFFE80  }
0xc5: {  	[tilespmem:s12], [sflag:$0x6] =	stream.indirect.gather [spmem:s4], $0x1, s8, s5, $0xb8;
	[tilespmem:$0x1CF00] =	vst v63  }
0xc6: {  	s11 =	simm.s32 $0x0  }
0xc7: {  	[tilespmem:s14], [sflag:$0x6] =	stream.indirect.gather [spmem:s6], $0x1, s13, s5, $0xb8;
	[tilespmem:$0x1CF00] =	vst v63  }
0xc8: {  	s10 =	sand.u32 $0x3FFFFFF0, s11  }
0xc9: {  	[tilespmem:s15], [sflag:$0x2] =	stream.indirect.gather [hbm4b:s1+s5], $0x80, s13, s5, $0xb8;
	[tilespmem:$0x1CF00] =	vst v63  }
0xca: {  	s28 =	simm.s32 $0x0;
	v1 =	vld [tilespmem:s10+$0x480]  }
0xcb: {  	s28 =	sand.u32 $0x3FFFF800, s28  }
0xcc: {  	v3 =	vld [tilespmem:s28+$0x7A0]  }
0xcd: {  	v62 =	vld [tilespmem:s28+$0x7B0]  }
0xce: {  	v16 =	vld [tilespmem:s28+$0x7E0]  }
0xcf: {  	v17 =	vld [tilespmem:s28+$0x7F0];
	v2 =	vbroadcast v1, $0x0  }
0xd0: {  	v18 =	vld [tilespmem:s28+$0x800]  }
0xd1: {  	v19 =	vld [tilespmem:s28+$0x810];
	v3 =	vmul.f32 v3, v2  }
0xd2: {  	v20 =	vld [tilespmem:s28+$0x820];
	v4 =	vmul.f32 v62, v2  }
0xd3: {  	v61 =	vld [tilespmem:s28+$0x830];
	v22 =	vbroadcast v1, $0x1;
	v21 =	vmul.f32 v16, v2;
	[tilespmem:s28+$0x7A0] =	vst v3  }
0xd4: {  	v59 =	vld [tilespmem:s28+$0x840];
	v11 =	vmul.f32 v17, v2;
	[tilespmem:s28+$0x7B0] =	vst v4  }
0xd5: {  	v60 =	vld [tilespmem:s28+$0x850];
	v12 =	vmul.f32 v18, v22;
	[tilespmem:s28+$0x7E0] =	vst v21  }
0xd6: {  	v24 =	vld [tilespmem:s28+$0x870];
	v13 =	vmul.f32 v19, v22;
	[tilespmem:s28+$0x7F0] =	vst v11  }
0xd7: {  	v25 =	vld [tilespmem:s28+$0x880];
	v14 =	vmul.f32 v20, v22;
	[tilespmem:s28+$0x800] =	vst v12  }
0xd8: {  	v26 =	vld [tilespmem:s28+$0x890];
	v9 =	vmul.f32 v61, v22;
	[tilespmem:s28+$0x810] =	vst v13  }
0xd9: {  	v63 =	vld [tilespmem:s28+$0xCF0];
	v7 =	vmul.f32 v59, v22;
	[tilespmem:s28+$0x820] =	vst v14  }
0xda: {  	v23 =	vld [tilespmem:s28+$0x860];
	v30 =	vbroadcast v1, $0x2;
	v8 =	vmul.f32 v60, v22;
	[tilespmem:s28+$0x830] =	vst v9  }
0xdb: {  	v27 =	vld [tilespmem:s28+$0x8A0];
	v10 =	vmul.f32 v24, v22;
	[tilespmem:s28+$0x840] =	vst v7  }
0xdc: {  	v28 =	vld [tilespmem:s28+$0x8B0];
	v5 =	vbroadcast v1, $0xA;
	v32 =	vmul.f32 v25, v30;
	[tilespmem:s28+$0x850] =	vst v8  }
0xdd: {  	v29 =	vld [tilespmem:s28+$0x8C0];
	v34 =	vmul.f32 v26, v30;
	[tilespmem:s28+$0x870] =	vst v10  }
0xde: {  	v33 =	vld [tilespmem:s28+$0x8E0];
	v3 =	vmul.f32 v63, v5;
	[tilespmem:s28+$0x880] =	vst v32  }
0xdf: {  	v35 =	vld [tilespmem:s28+$0x8F0];
	v11 =	vmul.f32 v23, v22;
	[tilespmem:s28+$0x890] =	vst v34  }
0xe0: {  	v36 =	vld [tilespmem:s28+$0x900];
	v9 =	vmul.f32 v27, v30;
	[tilespmem:s28+$0xCF0] =	vst v3  }
0xe1: {  	v31 =	vld [tilespmem:s28+$0x8D0];
	v7 =	vmul.f32 v28, v30;
	[tilespmem:s28+$0x860] =	vst v11  }
0xe2: {  	v37 =	vld [tilespmem:s28+$0x910];
	v8 =	vmul.f32 v29, v30;
	[tilespmem:s28+$0x8A0] =	vst v9  }
0xe3: {  	v38 =	vld [tilespmem:s28+$0x920];
	v41 =	vbroadcast v1, $0x3;
	v10 =	vmul.f32 v33, v30;
	[tilespmem:s28+$0x8B0] =	vst v7  }
0xe4: {  	v39 =	vld [tilespmem:s28+$0x930];
	v12 =	vmul.f32 v35, v30;
	[tilespmem:s28+$0x8C0] =	vst v8  }
0xe5: {  	v42 =	vld [tilespmem:s28+$0x950];
	v13 =	vmul.f32 v36, v41;
	[tilespmem:s28+$0x8E0] =	vst v10  }
0xe6: {  	v43 =	vld [tilespmem:s28+$0x960];
	v11 =	vmul.f32 v31, v30;
	[tilespmem:s28+$0x8F0] =	vst v12  }
0xe7: {  	v44 =	vld [tilespmem:s28+$0x970];
	v9 =	vmul.f32 v37, v41;
	[tilespmem:s28+$0x900] =	vst v13  }
0xe8: {  	v40 =	vld [tilespmem:s28+$0x940];
	v7 =	vmul.f32 v38, v41;
	[tilespmem:s28+$0x8D0] =	vst v11  }
0xe9: {  	v45 =	vld [tilespmem:s28+$0x980];
	v8 =	vmul.f32 v39, v41;
	[tilespmem:s28+$0x910] =	vst v9  }
0xea: {  	v46 =	vld [tilespmem:s28+$0x990];
	v10 =	vmul.f32 v42, v41;
	[tilespmem:s28+$0x920] =	vst v7  }
0xeb: {  	v47 =	vld [tilespmem:s28+$0x9A0];
	v12 =	vmul.f32 v43, v41;
	[tilespmem:s28+$0x930] =	vst v8  }
0xec: {  	v49 =	vld [tilespmem:s28+$0x9C0];
	v50 =	vbroadcast v1, $0x4;
	v13 =	vmul.f32 v44, v41;
	[tilespmem:s28+$0x950] =	vst v10  }
0xed: {  	v51 =	vld [tilespmem:s28+$0x9D0];
	v11 =	vmul.f32 v40, v41;
	[tilespmem:s28+$0x960] =	vst v12  }
0xee: {  	v52 =	vld [tilespmem:s28+$0x9E0];
	v9 =	vmul.f32 v45, v50;
	[tilespmem:s28+$0x970] =	vst v13  }
0xef: {  	v48 =	vld [tilespmem:s28+$0x9B0];
	v7 =	vmul.f32 v46, v50;
	[tilespmem:s28+$0x940] =	vst v11  }
0xf0: {  	v53 =	vld [tilespmem:s28+$0x9F0];
	v8 =	vmul.f32 v47, v50;
	[tilespmem:s28+$0x980] =	vst v9  }
0xf1: {  	v54 =	vld [tilespmem:s28+$0xA00];
	v10 =	vmul.f32 v49, v50;
	[tilespmem:s28+$0x990] =	vst v7  }
0xf2: {  	v55 =	vld [tilespmem:s28+$0xA10];
	v12 =	vmul.f32 v51, v50;
	[tilespmem:s28+$0x9A0] =	vst v8  }
0xf3: {  	v57 =	vld [tilespmem:s28+$0xA30];
	v13 =	vmul.f32 v52, v50;
	[tilespmem:s28+$0x9C0] =	vst v10  }
0xf4: {  	v58 =	vld [tilespmem:s28+$0xA40];
	v59 =	vbroadcast v1, $0x5;
	v11 =	vmul.f32 v48, v50;
	[tilespmem:s28+$0x9D0] =	vst v12  }
0xf5: {  	v60 =	vld [tilespmem:s28+$0xA50];
	v9 =	vmul.f32 v53, v50;
	[tilespmem:s28+$0x9E0] =	vst v13  }
0xf6: {  	v56 =	vld [tilespmem:s28+$0xA20];
	v7 =	vmul.f32 v54, v59;
	[tilespmem:s28+$0x9B0] =	vst v11  }
0xf7: {  	v61 =	vld [tilespmem:s28+$0xA60];
	v8 =	vmul.f32 v55, v59;
	[tilespmem:s28+$0x9F0] =	vst v9  }
0xf8: {  	v62 =	vld [tilespmem:s28+$0xA70];
	v10 =	vmul.f32 v57, v59;
	[tilespmem:s28+$0xA00] =	vst v7  }
0xf9: {  	v63 =	vld [tilespmem:s28+$0xA80];
	v12 =	vmul.f32 v58, v59;
	[tilespmem:s28+$0xA10] =	vst v8  }
0xfa: {  	v19 =	vld [tilespmem:s28+$0xAA0];
	v13 =	vmul.f32 v60, v59;
	[tilespmem:s28+$0xA30] =	vst v10  }
0xfb: {  	v20 =	vld [tilespmem:s28+$0xAB0];
	v11 =	vmul.f32 v56, v59;
	[tilespmem:s28+$0xA40] =	vst v12  }
0xfc: {  	v21 =	vld [tilespmem:s28+$0xAC0];
	v22 =	vbroadcast v1, $0x6;
	v9 =	vmul.f32 v61, v59;
	[tilespmem:s28+$0xA50] =	vst v13  }
0xfd: {  	v18 =	vld [tilespmem:s28+$0xA90];
	v7 =	vmul.f32 v62, v59;
	[tilespmem:s28+$0xA20] =	vst v11  }
0xfe: {  	v23 =	vld [tilespmem:s28+$0xAD0];
	v8 =	vmul.f32 v63, v22;
	[tilespmem:s28+$0xA60] =	vst v9  }
0xff: {  	v24 =	vld [tilespmem:s28+$0xAE0];
	v10 =	vmul.f32 v19, v22;
	[tilespmem:s28+$0xA70] =	vst v7  }
0x100: {  	v25 =	vld [tilespmem:s28+$0xAF0];
	v12 =	vmul.f32 v20, v22;
	[tilespmem:s28+$0xA80] =	vst v8  }
0x101: {  	v27 =	vld [tilespmem:s28+$0xB10];
	v13 =	vmul.f32 v21, v22;
	[tilespmem:s28+$0xAA0] =	vst v10  }
0x102: {  	v28 =	vld [tilespmem:s28+$0xB20];
	v11 =	vmul.f32 v18, v22;
	[tilespmem:s28+$0xAB0] =	vst v12  }
0x103: {  	v29 =	vld [tilespmem:s28+$0xB30];
	v9 =	vmul.f32 v23, v22;
	[tilespmem:s28+$0xAC0] =	vst v13  }
0x104: {  	v31 =	vbroadcast v1, $0x7;
	v53 =	vld [tilespmem:s28+$0xC80];
	v7 =	vmul.f32 v24, v22;
	[tilespmem:s28+$0xA90] =	vst v11  }
0x105: {  	v57 =	vld [tilespmem:s28+$0xCC0];
	v8 =	vmul.f32 v25, v22;
	[tilespmem:s28+$0xAD0] =	vst v9  }
0x106: {  	v58 =	vld [tilespmem:s28+$0xCD0];
	v10 =	vmul.f32 v27, v31;
	[tilespmem:s28+$0xAE0] =	vst v7  }
0x107: {  	v26 =	vld [tilespmem:s28+$0xB00];
	v12 =	vmul.f32 v28, v31;
	[tilespmem:s28+$0xAF0] =	vst v8  }
0x108: {  	v30 =	vld [tilespmem:s28+$0xB40];
	v13 =	vmul.f32 v29, v31;
	[tilespmem:s28+$0xB10] =	vst v10  }
0x109: {  	v32 =	vld [tilespmem:s28+$0xB50];
	v59 =	vmul.f32 v53, v5;
	[tilespmem:s28+$0xB20] =	vst v12  }
0x10a: {  	v33 =	vld [tilespmem:s28+$0xB60];
	v18 =	vmul.f32 v57, v5;
	[tilespmem:s28+$0xB30] =	vst v13  }
0x10b: {  	v35 =	vld [tilespmem:s28+$0xB80];
	v20 =	vmul.f32 v58, v5;
	[tilespmem:s28+$0xC80] =	vst v59  }
0x10c: {  	v36 =	vld [tilespmem:s28+$0xB90];
	v11 =	vmul.f32 v26, v31;
	[tilespmem:s28+$0xCC0] =	vst v18  }
0x10d: {  	v37 =	vld [tilespmem:s28+$0xBA0];
	v9 =	vmul.f32 v30, v31;
	[tilespmem:s28+$0xCD0] =	vst v20  }
0x10e: {  	v4 =	vld [tilespmem:s28+$0xD00];
	v40 =	vbroadcast v1, $0x8;
	v7 =	vmul.f32 v32, v31;
	[tilespmem:s28+$0xB00] =	vst v11  }
0x10f: {  	v6 =	vld [tilespmem:s28+$0xD10];
	v8 =	vmul.f32 v33, v31;
	[tilespmem:s28+$0xB40] =	vst v9  }
0x110: {  	v3 =	vld [tilespmem:s28+$0xF50];
	v10 =	vmul.f32 v35, v40;
	[tilespmem:s28+$0xB50] =	vst v7  }
0x111: {  	v61 =	vld [tilespmem:s28+$0x780];
	v23 =	vbroadcast v1, $0xB;
	v12 =	vmul.f32 v36, v40;
	[tilespmem:s28+$0xB60] =	vst v8  }
0x112: {  	v34 =	vld [tilespmem:s28+$0xB70];
	v13 =	vmul.f32 v37, v40;
	[tilespmem:s28+$0xB80] =	vst v10  }
0x113: {  	v38 =	vld [tilespmem:s28+$0xBB0];
	v27 =	vbroadcast v1, $0xF;
	v4 =	vmul.f32 v4, v23;
	[tilespmem:s28+$0xB90] =	vst v12  }
0x114: {  	v39 =	vld [tilespmem:s28+$0xBC0];
	v6 =	vmul.f32 v6, v23;
	[tilespmem:s28+$0xBA0] =	vst v13  }
0x115: {  	v41 =	vld [tilespmem:s28+$0xBD0];
	v3 =	vmul.f32 v3, v27;
	[tilespmem:s28+$0xD00] =	vst v4  }
0x116: {  	v43 =	vld [tilespmem:s28+$0xBF0];
	v24 =	vmul.f32 v2, v61;
	[tilespmem:s28+$0xD10] =	vst v6  }
0x117: {  	v44 =	vld [tilespmem:s28+$0xC00];
	v11 =	vmul.f32 v34, v31;
	[tilespmem:s28+$0xF50] =	vst v3  }
0x118: {  	v45 =	vld [tilespmem:s28+$0xC10];
	v9 =	vmul.f32 v38, v40;
	[tilespmem:s28+$0x780] =	vst v24  }
0x119: {  	v63 =	vld [tilespmem:s28+$0x7C0];
	v7 =	vmul.f32 v39, v40;
	[tilespmem:s28+$0xB70] =	vst v11  }
0x11a: {  	v49 =	vbroadcast v1, $0x9;
	v29 =	vld [tilespmem:s28+$0xD70];
	v8 =	vmul.f32 v41, v40;
	[tilespmem:s28+$0xBB0] =	vst v9  }
0x11b: {  	v42 =	vld [tilespmem:s28+$0xBE0];
	v10 =	vmul.f32 v43, v40;
	[tilespmem:s28+$0xBC0] =	vst v7  }
0x11c: {  	v46 =	vld [tilespmem:s28+$0xC20];
	v12 =	vmul.f32 v44, v49;
	[tilespmem:s28+$0xBD0] =	vst v8  }
0x11d: {  	v47 =	vld [tilespmem:s28+$0xC30];
	v13 =	vmul.f32 v45, v49;
	[tilespmem:s28+$0xBF0] =	vst v10  }
0x11e: {  	v48 =	vld [tilespmem:s28+$0xC40];
	v3 =	vmul.f32 v63, v2;
	[tilespmem:s28+$0xC00] =	vst v12  }
0x11f: {  	v51 =	vld [tilespmem:s28+$0xC60];
	v6 =	vmul.f32 v29, v23;
	[tilespmem:s28+$0xC10] =	vst v13  }
0x120: {  	v52 =	vld [tilespmem:s28+$0xC70];
	v11 =	vmul.f32 v42, v40;
	[tilespmem:s28+$0x7C0] =	vst v3  }
0x121: {  	v28 =	vld [tilespmem:s28+$0xD60];
	v9 =	vmul.f32 v46, v49;
	[tilespmem:s28+$0xD70] =	vst v6  }
0x122: {  	v26 =	vld [tilespmem:s28+$0xD50];
	v7 =	vmul.f32 v47, v49;
	[tilespmem:s28+$0xBE0] =	vst v11  }
0x123: {  	v30 =	vld [tilespmem:s28+$0xD80];
	v8 =	vmul.f32 v48, v49;
	[tilespmem:s28+$0xC20] =	vst v9  }
0x124: {  	v50 =	vld [tilespmem:s28+$0xC50];
	v10 =	vmul.f32 v51, v49;
	[tilespmem:s28+$0xC30] =	vst v7  }
0x125: {  	v54 =	vld [tilespmem:s28+$0xC90];
	v12 =	vmul.f32 v52, v49;
	[tilespmem:s28+$0xC40] =	vst v8  }
0x126: {  	v55 =	vld [tilespmem:s28+$0xCA0];
	v35 =	vbroadcast v1, $0xC;
	v40 =	vmul.f32 v28, v23;
	[tilespmem:s28+$0xC60] =	vst v10  }
0x127: {  	v56 =	vld [tilespmem:s28+$0xCB0];
	v32 =	vmul.f32 v26, v23;
	[tilespmem:s28+$0xC70] =	vst v12  }
0x128: {  	v60 =	vld [tilespmem:s28+$0xCE0];
	v15 =	vmul.f32 v30, v35;
	[tilespmem:s28+$0xD60] =	vst v40  }
0x129: {  	v62 =	vld [tilespmem:s28+$0x790];
	v11 =	vmul.f32 v50, v49;
	[tilespmem:s28+$0xD50] =	vst v32  }
0x12a: {  	v19 =	vld [tilespmem:s28+$0x7D0];
	v9 =	vmul.f32 v54, v5;
	[tilespmem:s28+$0xD80] =	vst v15  }
0x12b: {  	v33 =	vld [tilespmem:s28+$0xDB0];
	v7 =	vmul.f32 v55, v5;
	[tilespmem:s28+$0xC50] =	vst v11  }
0x12c: {  	v61 =	vld [tilespmem:s28+$0xF70];
	v8 =	vmul.f32 v56, v5;
	[tilespmem:s28+$0xC90] =	vst v9  }
0x12d: {  	v38 =	vld [tilespmem:s28+$0xDF0];
	v5 =	vmul.f32 v60, v5;
	[tilespmem:s28+$0xCA0] =	vst v7  }
0x12e: {  	v21 =	vld [tilespmem:s28+$0xD20];
	v12 =	vmul.f32 v62, v2;
	[tilespmem:s28+$0xCB0] =	vst v8  }
0x12f: {  	v22 =	vld [tilespmem:s28+$0xD30];
	v2 =	vmul.f32 v19, v2;
	[tilespmem:s28+$0xCE0] =	vst v5  }
0x130: {  	v25 =	vld [tilespmem:s28+$0xD40];
	v62 =	vmul.f32 v33, v35;
	[tilespmem:s28+$0x790] =	vst v12  }
0x131: {  	v31 =	vld [tilespmem:s28+$0xD90];
	v63 =	vmul.f32 v61, v27;
	[tilespmem:s28+$0x7D0] =	vst v2  }
0x132: {  	v34 =	vld [tilespmem:s28+$0xDC0];
	v15 =	vmul.f32 v38, v35;
	[tilespmem:s28+$0xDB0] =	vst v62  }
0x133: {  	v41 =	vld [tilespmem:s28+$0xE20];
	v7 =	vmul.f32 v21, v23;
	[tilespmem:s28+$0xF70] =	vst v63  }
0x134: {  	v46 =	vld [tilespmem:s28+$0xE60];
	v8 =	vmul.f32 v22, v23;
	[tilespmem:s28+$0xDF0] =	vst v15  }
0x135: {  	v36 =	vld [tilespmem:s28+$0xDD0];
	v5 =	vmul.f32 v25, v23;
	[tilespmem:s28+$0xD20] =	vst v7  }
0x136: {  	v44 =	vbroadcast v1, $0xD;
	v9 =	vmul.f32 v31, v35;
	v2 =	vld [tilespmem:s28+$0xE10];
	[tilespmem:s28+$0xD30] =	vst v8  }
0x137: {  	v37 =	vld [tilespmem:s28+$0xDE0];
	v12 =	vmul.f32 v34, v35;
	[tilespmem:s28+$0xD40] =	vst v5  }
0x138: {  	v39 =	vld [tilespmem:s28+$0xE00];
	v11 =	vmul.f32 v41, v44;
	[tilespmem:s28+$0xD90] =	vst v9  }
0x139: {  	v42 =	vld [tilespmem:s28+$0xE30];
	v51 =	vmul.f32 v46, v44;
	[tilespmem:s28+$0xDC0] =	vst v12  }
0x13a: {  	v48 =	vld [tilespmem:s28+$0xE90];
	v8 =	vmul.f32 v36, v35;
	[tilespmem:s28+$0xE20] =	vst v11  }
0x13b: {  	v49 =	vld [tilespmem:s28+$0xEA0];
	[tilespmem:s28+$0xE60] =	vst v51;
	v2 =	vmul.f32 v2, v44  }
0x13c: {  	v50 =	vld [tilespmem:s28+$0xEB0];
	v5 =	vmul.f32 v37, v35;
	[tilespmem:s28+$0xDD0] =	vst v8  }
0x13d: {  	v1 =	vbroadcast v1, $0xE;
	v9 =	vmul.f32 v39, v44;
	[tilespmem:s28+$0xE10] =	vst v2;
	v2 =	vld [tilespmem:s28+$0xE80]  }
0x13e: {  	v60 =	vld [tilespmem:s28+$0xF60];
	v12 =	vmul.f32 v42, v44;
	[tilespmem:s28+$0xDE0] =	vst v5  }
0x13f: {  	v45 =	vld [tilespmem:s28+$0xE50];
	v11 =	vmul.f32 v48, v1;
	[tilespmem:s28+$0xE00] =	vst v9  }
0x140: {  	v47 =	vld [tilespmem:s28+$0xE70];
	v10 =	vmul.f32 v49, v1;
	[tilespmem:s28+$0xE30] =	vst v12  }
0x141: {  	v43 =	vld [tilespmem:s28+$0xE40];
	v6 =	vmul.f32 v50, v1;
	[tilespmem:s28+$0xE90] =	vst v11  }
0x142: {  	v55 =	vld [tilespmem:s28+$0xF00];
	[tilespmem:s28+$0xEA0] =	vst v10;
	v2 =	vmul.f32 v2, v1  }
0x143: {  	v57 =	vld [tilespmem:s28+$0xF20];
	v4 =	vmul.f32 v60, v27;
	[tilespmem:s28+$0xEB0] =	vst v6  }
0x144: {  	v5 =	vmul.f32 v45, v44;
	[tilespmem:s28+$0xE80] =	vst v2;
	v2 =	vld [tilespmem:s28+$0xEF0]  }
0x145: {  	v52 =	vld [tilespmem:s28+$0xEC0];
	v9 =	vmul.f32 v47, v44;
	[tilespmem:s28+$0xF60] =	vst v4  }
0x146: {  	v56 =	vld [tilespmem:s28+$0xF10];
	v8 =	vmul.f32 v43, v44;
	[tilespmem:s28+$0xE50] =	vst v5  }
0x147: {  	v54 =	vld [tilespmem:s28+$0xEE0];
	v11 =	vmul.f32 v55, v27;
	[tilespmem:s28+$0xE70] =	vst v9  }
0x148: {  	v58 =	vld [tilespmem:s28+$0xF30];
	v6 =	vmul.f32 v57, v27;
	[tilespmem:s28+$0xE40] =	vst v8  }
0x149: {  	v53 =	vld [tilespmem:s28+$0xED0];
	[tilespmem:s28+$0xF00] =	vst v11;
	v2 =	vmul.f32 v2, v1  }
0x14a: {  	v59 =	vld [tilespmem:s28+$0xF40];
	v5 =	vmul.f32 v52, v1;
	[tilespmem:s28+$0xF20] =	vst v6  }
0x14b: {  	[tilespmem:s28+$0xEF0] =	vst v2;
	v2 =	vmul.f32 v56, v27  }
0x14c: {  	v3 =	vld [tilespmem:s28+$0xDA0];
	v9 =	vmul.f32 v54, v1;
	[tilespmem:s28+$0xEC0] =	vst v5  }
0x14d: {  	[tilespmem:s28+$0xF10] =	vst v2;
	v2 =	vmul.f32 v58, v27  }
0x14e: {  	[tilespmem:s28+$0xEE0] =	vst v9;
	v1 =	vmul.f32 v53, v1  }
0x14f: {  	[tilespmem:s28+$0xF30] =	vst v2;
	v2 =	vmul.f32 v59, v27  }
0x150: {  	[tilespmem:s28+$0xED0] =	vst v1  }
0x151: {  	s10 =	simm.s32 $0x1;
	[tilespmem:s28+$0xF40] =	vst v2;
	v2 =	vmul.f32 v3, v35  }
.LBB2_5:
0x152: {  	s11 =	sshll.u32 s10, $0x4  }
0x153: {  	p1 =	sne.s32 s10, $0x7;
	[tilespmem:s28+$0xDA0] =	vst v2;
	s28 =	smov.u32 s10;
	s10 =	sadd.s32 $0x1, s10  }
0x154: {  	s11 =	sand.u32 $0x3FFFFFF0, s11  }
0x155: {  	v1 =	vld [tilespmem:s11+$0x480];
	s11 =	sshll.u32 s28, $0xB  }
0x156: {  	s28 =	sand.u32 $0x3FFFF800, s11  }
0x157: {  	v8 =	vld [tilespmem:s28+$0x840]  }
0x158: {  	v9 =	vld [tilespmem:s28+$0x850]  }
0x159: {  	v10 =	vld [tilespmem:s28+$0x830]  }
0x15a: {  	v2 =	vbroadcast v1, $0x0;
	v3 =	vld [tilespmem:s28+$0x7A0];
	v7 =	vbroadcast v1, $0x4  }
0x15b: {  	v5 =	vld [tilespmem:s28+$0x7B0]  }
0x15c: {  	v6 =	vld [tilespmem:s28+$0xCF0]  }
0x15d: {  	v11 =	vld [tilespmem:s28+$0x7E0]  }
0x15e: {  	v12 =	vld [tilespmem:s28+$0x7F0]  }
0x15f: {  	v4 =	vbroadcast v1, $0xA;
	v3 =	vmul.f32 v3, v2;
	v13 =	vld [tilespmem:s28+$0x800]  }
0x160: {  	v5 =	vmul.f32 v5, v2;
	v14 =	vld [tilespmem:s28+$0x810]  }
0x161: {  	[tilespmem:s28+$0x7A0] =	vst v3;
	v15 =	vld [tilespmem:s28+$0x820];
	v3 =	vmul.f32 v6, v4  }
0x162: {  	[tilespmem:s28+$0x7B0] =	vst v5;
	v6 =	vmul.f32 v11, v2;
	v11 =	vbroadcast v1, $0x1;
	v5 =	vld [tilespmem:s28+$0xD00]  }
0x163: {  	v12 =	vmul.f32 v12, v2;
	[tilespmem:s28+$0xCF0] =	vst v3;
	v3 =	vld [tilespmem:s28+$0xF50]  }
0x164: {  	[tilespmem:s28+$0x7E0] =	vst v6;
	v13 =	vmul.f32 v13, v11;
	v6 =	vld [tilespmem:s28+$0xD10]  }
0x165: {  	[tilespmem:s28+$0x7F0] =	vst v12;
	v12 =	vmul.f32 v14, v11;
	v14 =	vld [tilespmem:s28+$0x860]  }
0x166: {  	[tilespmem:s28+$0x800] =	vst v13;
	v13 =	vmul.f32 v15, v11;
	v15 =	vld [tilespmem:s28+$0x870]  }
0x167: {  	v10 =	vmul.f32 v10, v11;
	[tilespmem:s28+$0x810] =	vst v12;
	v12 =	vld [tilespmem:s28+$0x880]  }
0x168: {  	v8 =	vmul.f32 v8, v11;
	[tilespmem:s28+$0x820] =	vst v13;
	v13 =	vld [tilespmem:s28+$0x890]  }
0x169: {  	v9 =	vmul.f32 v9, v11;
	[tilespmem:s28+$0x830] =	vst v10;
	v10 =	vld [tilespmem:s28+$0x8A0]  }
0x16a: {  	[tilespmem:s28+$0x840] =	vst v8;
	v8 =	vmul.f32 v14, v11;
	v14 =	vbroadcast v1, $0x2;
	v16 =	vld [tilespmem:s28+$0x8B0]  }
0x16b: {  	[tilespmem:s28+$0x850] =	vst v9;
	v9 =	vmul.f32 v15, v11;
	v11 =	vld [tilespmem:s28+$0x8C0]  }
0x16c: {  	[tilespmem:s28+$0x860] =	vst v8;
	v8 =	vmul.f32 v12, v14;
	v12 =	vld [tilespmem:s28+$0x8D0]  }
0x16d: {  	[tilespmem:s28+$0x870] =	vst v9;
	v9 =	vmul.f32 v13, v14;
	v13 =	vld [tilespmem:s28+$0x8E0]  }
0x16e: {  	[tilespmem:s28+$0x880] =	vst v8;
	v8 =	vmul.f32 v10, v14;
	v10 =	vld [tilespmem:s28+$0x8F0]  }
0x16f: {  	[tilespmem:s28+$0x890] =	vst v9;
	v9 =	vmul.f32 v16, v14;
	v15 =	vld [tilespmem:s28+$0x900]  }
0x170: {  	[tilespmem:s28+$0x8A0] =	vst v8;
	v8 =	vmul.f32 v11, v14;
	v11 =	vld [tilespmem:s28+$0x910]  }
0x171: {  	[tilespmem:s28+$0x8B0] =	vst v9;
	v9 =	vmul.f32 v12, v14;
	v12 =	vld [tilespmem:s28+$0x920]  }
0x172: {  	[tilespmem:s28+$0x8C0] =	vst v8;
	v8 =	vmul.f32 v13, v14;
	v13 =	vbroadcast v1, $0x3;
	v16 =	vld [tilespmem:s28+$0x930]  }
0x173: {  	[tilespmem:s28+$0x8D0] =	vst v9;
	v9 =	vmul.f32 v10, v14;
	v10 =	vld [tilespmem:s28+$0x940]  }
0x174: {  	[tilespmem:s28+$0x8E0] =	vst v8;
	v8 =	vmul.f32 v15, v13;
	v14 =	vld [tilespmem:s28+$0x950]  }
0x175: {  	[tilespmem:s28+$0x8F0] =	vst v9;
	v9 =	vmul.f32 v11, v13;
	v11 =	vld [tilespmem:s28+$0x960]  }
0x176: {  	[tilespmem:s28+$0x900] =	vst v8;
	v8 =	vmul.f32 v12, v13;
	v12 =	vld [tilespmem:s28+$0x970]  }
0x177: {  	[tilespmem:s28+$0x910] =	vst v9;
	v9 =	vmul.f32 v16, v13;
	v15 =	vld [tilespmem:s28+$0x980]  }
0x178: {  	[tilespmem:s28+$0x920] =	vst v8;
	v8 =	vmul.f32 v10, v13;
	v10 =	vld [tilespmem:s28+$0x990]  }
0x179: {  	[tilespmem:s28+$0x930] =	vst v9;
	v9 =	vmul.f32 v14, v13;
	v14 =	vld [tilespmem:s28+$0x9A0]  }
0x17a: {  	[tilespmem:s28+$0x940] =	vst v8;
	v8 =	vmul.f32 v11, v13;
	v11 =	vld [tilespmem:s28+$0x9B0]  }
0x17b: {  	[tilespmem:s28+$0x950] =	vst v9;
	v9 =	vmul.f32 v12, v13;
	v12 =	vld [tilespmem:s28+$0x9C0]  }
0x17c: {  	[tilespmem:s28+$0x960] =	vst v8;
	v8 =	vmul.f32 v15, v7;
	v13 =	vld [tilespmem:s28+$0x9D0]  }
0x17d: {  	[tilespmem:s28+$0x970] =	vst v9;
	v9 =	vmul.f32 v10, v7;
	v10 =	vld [tilespmem:s28+$0x9E0]  }
0x17e: {  	[tilespmem:s28+$0x980] =	vst v8;
	v8 =	vmul.f32 v14, v7;
	v14 =	vld [tilespmem:s28+$0x9F0]  }
0x17f: {  	[tilespmem:s28+$0x990] =	vst v9;
	v9 =	vmul.f32 v11, v7;
	v11 =	vld [tilespmem:s28+$0xA00]  }
0x180: {  	[tilespmem:s28+$0x9A0] =	vst v8;
	v8 =	vmul.f32 v12, v7;
	v12 =	vld [tilespmem:s28+$0xA10]  }
0x181: {  	[tilespmem:s28+$0x9B0] =	vst v9;
	v9 =	vmul.f32 v13, v7;
	v13 =	vld [tilespmem:s28+$0xA20]  }
0x182: {  	[tilespmem:s28+$0x9C0] =	vst v8;
	v8 =	vmul.f32 v10, v7;
	v10 =	vbroadcast v1, $0x5;
	v15 =	vld [tilespmem:s28+$0xA30]  }
0x183: {  	[tilespmem:s28+$0x9D0] =	vst v9;
	v7 =	vmul.f32 v14, v7;
	v9 =	vld [tilespmem:s28+$0xA40]  }
0x184: {  	[tilespmem:s28+$0x9E0] =	vst v8;
	v8 =	vmul.f32 v11, v10;
	v11 =	vld [tilespmem:s28+$0xA50]  }
0x185: {  	[tilespmem:s28+$0x9F0] =	vst v7;
	v7 =	vmul.f32 v12, v10;
	v12 =	vld [tilespmem:s28+$0xA60]  }
0x186: {  	[tilespmem:s28+$0xA00] =	vst v8;
	v8 =	vmul.f32 v13, v10;
	v13 =	vld [tilespmem:s28+$0xA70]  }
0x187: {  	[tilespmem:s28+$0xA10] =	vst v7;
	v7 =	vmul.f32 v15, v10;
	v14 =	vld [tilespmem:s28+$0xA80]  }
0x188: {  	[tilespmem:s28+$0xA20] =	vst v8;
	v8 =	vmul.f32 v9, v10;
	v9 =	vld [tilespmem:s28+$0xA90]  }
0x189: {  	[tilespmem:s28+$0xA30] =	vst v7;
	v7 =	vmul.f32 v11, v10;
	v11 =	vld [tilespmem:s28+$0xAA0]  }
0x18a: {  	[tilespmem:s28+$0xA40] =	vst v8;
	v8 =	vmul.f32 v12, v10;
	v12 =	vbroadcast v1, $0x6;
	v15 =	vld [tilespmem:s28+$0xAB0]  }
0x18b: {  	[tilespmem:s28+$0xA50] =	vst v7;
	v7 =	vmul.f32 v13, v10;
	v10 =	vld [tilespmem:s28+$0xAC0]  }
0x18c: {  	[tilespmem:s28+$0xA60] =	vst v8;
	v8 =	vmul.f32 v14, v12;
	v13 =	vld [tilespmem:s28+$0xAD0]  }
0x18d: {  	[tilespmem:s28+$0xA70] =	vst v7;
	v7 =	vmul.f32 v9, v12;
	v9 =	vld [tilespmem:s28+$0xAE0]  }
0x18e: {  	[tilespmem:s28+$0xA80] =	vst v8;
	v8 =	vmul.f32 v11, v12;
	v11 =	vld [tilespmem:s28+$0xAF0]  }
0x18f: {  	[tilespmem:s28+$0xA90] =	vst v7;
	v7 =	vmul.f32 v15, v12;
	v14 =	vld [tilespmem:s28+$0xB00]  }
0x190: {  	[tilespmem:s28+$0xAA0] =	vst v8;
	v8 =	vmul.f32 v10, v12;
	v10 =	vld [tilespmem:s28+$0xB10]  }
0x191: {  	[tilespmem:s28+$0xAB0] =	vst v7;
	v7 =	vmul.f32 v13, v12;
	v13 =	vld [tilespmem:s28+$0xB20]  }
0x192: {  	[tilespmem:s28+$0xAC0] =	vst v8;
	v8 =	vmul.f32 v9, v12;
	v9 =	vbroadcast v1, $0x7;
	v15 =	vld [tilespmem:s28+$0xB30]  }
0x193: {  	[tilespmem:s28+$0xAD0] =	vst v7;
	v7 =	vmul.f32 v11, v12;
	v11 =	vld [tilespmem:s28+$0xB40]  }
0x194: {  	[tilespmem:s28+$0xAE0] =	vst v8;
	v8 =	vmul.f32 v14, v9;
	v12 =	vld [tilespmem:s28+$0xB50]  }
0x195: {  	[tilespmem:s28+$0xAF0] =	vst v7;
	v7 =	vmul.f32 v10, v9;
	v10 =	vld [tilespmem:s28+$0xB60]  }
0x196: {  	[tilespmem:s28+$0xB00] =	vst v8;
	v8 =	vmul.f32 v13, v9;
	v13 =	vld [tilespmem:s28+$0xB70]  }
0x197: {  	[tilespmem:s28+$0xB10] =	vst v7;
	v7 =	vmul.f32 v15, v9;
	v14 =	vld [tilespmem:s28+$0xB80]  }
0x198: {  	[tilespmem:s28+$0xB20] =	vst v8;
	v8 =	vmul.f32 v11, v9;
	v11 =	vld [tilespmem:s28+$0xB90]  }
0x199: {  	[tilespmem:s28+$0xB30] =	vst v7;
	v7 =	vmul.f32 v12, v9;
	v12 =	vld [tilespmem:s28+$0xBA0]  }
0x19a: {  	[tilespmem:s28+$0xB40] =	vst v8;
	v8 =	vmul.f32 v10, v9;
	v10 =	vbroadcast v1, $0x8;
	v15 =	vld [tilespmem:s28+$0xBB0]  }
0x19b: {  	[tilespmem:s28+$0xB50] =	vst v7;
	v7 =	vmul.f32 v13, v9;
	v9 =	vld [tilespmem:s28+$0xBC0]  }
0x19c: {  	[tilespmem:s28+$0xB60] =	vst v8;
	v8 =	vmul.f32 v14, v10;
	v13 =	vld [tilespmem:s28+$0xBD0]  }
0x19d: {  	[tilespmem:s28+$0xB70] =	vst v7;
	v7 =	vmul.f32 v11, v10;
	v11 =	vld [tilespmem:s28+$0xBE0]  }
0x19e: {  	[tilespmem:s28+$0xB80] =	vst v8;
	v8 =	vmul.f32 v12, v10;
	v12 =	vld [tilespmem:s28+$0xBF0]  }
0x19f: {  	[tilespmem:s28+$0xB90] =	vst v7;
	v7 =	vmul.f32 v15, v10;
	v14 =	vld [tilespmem:s28+$0xC00]  }
0x1a0: {  	[tilespmem:s28+$0xBA0] =	vst v8;
	v8 =	vmul.f32 v9, v10;
	v9 =	vld [tilespmem:s28+$0xC10]  }
0x1a1: {  	[tilespmem:s28+$0xBB0] =	vst v7;
	v7 =	vmul.f32 v13, v10;
	v13 =	vld [tilespmem:s28+$0xC20]  }
0x1a2: {  	[tilespmem:s28+$0xBC0] =	vst v8;
	v8 =	vmul.f32 v11, v10;
	v11 =	vbroadcast v1, $0x9;
	v15 =	vld [tilespmem:s28+$0xC30]  }
0x1a3: {  	[tilespmem:s28+$0xBD0] =	vst v7;
	v7 =	vmul.f32 v12, v10;
	v10 =	vld [tilespmem:s28+$0xC40]  }
0x1a4: {  	[tilespmem:s28+$0xBE0] =	vst v8;
	v8 =	vmul.f32 v14, v11;
	v12 =	vld [tilespmem:s28+$0xC50]  }
0x1a5: {  	[tilespmem:s28+$0xBF0] =	vst v7;
	v7 =	vmul.f32 v9, v11;
	v9 =	vld [tilespmem:s28+$0xC60]  }
0x1a6: {  	[tilespmem:s28+$0xC00] =	vst v8;
	v8 =	vmul.f32 v13, v11;
	v13 =	vld [tilespmem:s28+$0xC70]  }
0x1a7: {  	[tilespmem:s28+$0xC10] =	vst v7;
	v7 =	vmul.f32 v15, v11;
	v14 =	vld [tilespmem:s28+$0xC80]  }
0x1a8: {  	[tilespmem:s28+$0xC20] =	vst v8;
	v8 =	vmul.f32 v10, v11;
	v10 =	vld [tilespmem:s28+$0xC90]  }
0x1a9: {  	[tilespmem:s28+$0xC30] =	vst v7;
	v7 =	vmul.f32 v12, v11;
	v12 =	vld [tilespmem:s28+$0xCA0]  }
0x1aa: {  	[tilespmem:s28+$0xC40] =	vst v8;
	v8 =	vmul.f32 v9, v11;
	v9 =	vld [tilespmem:s28+$0xCB0]  }
0x1ab: {  	[tilespmem:s28+$0xC50] =	vst v7;
	v7 =	vmul.f32 v13, v11;
	v11 =	vld [tilespmem:s28+$0xCC0]  }
0x1ac: {  	[tilespmem:s28+$0xC60] =	vst v8;
	v8 =	vmul.f32 v14, v4;
	v13 =	vld [tilespmem:s28+$0xCD0]  }
0x1ad: {  	[tilespmem:s28+$0xC70] =	vst v7;
	v7 =	vmul.f32 v10, v4;
	v10 =	vld [tilespmem:s28+$0xCE0]  }
0x1ae: {  	v14 =	vld [tilespmem:s28+$0x780];
	[tilespmem:s28+$0xC80] =	vst v8;
	v8 =	vmul.f32 v12, v4  }
0x1af: {  	v12 =	vld [tilespmem:s28+$0x790];
	[tilespmem:s28+$0xC90] =	vst v7;
	v7 =	vmul.f32 v9, v4  }
0x1b0: {  	v9 =	vld [tilespmem:s28+$0x7C0];
	[tilespmem:s28+$0xCA0] =	vst v8;
	v8 =	vmul.f32 v11, v4  }
0x1b1: {  	v11 =	vld [tilespmem:s28+$0x7D0];
	[tilespmem:s28+$0xCB0] =	vst v7;
	v7 =	vmul.f32 v13, v4  }
0x1b2: {  	[tilespmem:s28+$0xCC0] =	vst v8;
	v8 =	vmul.f32 v10, v4;
	v10 =	vbroadcast v1, $0xB;
	v13 =	vld [tilespmem:s28+$0xD20]  }
0x1b3: {  	v4 =	vbroadcast v1, $0xF;
	v14 =	vmul.f32 v2, v14;
	[tilespmem:s28+$0xCD0] =	vst v7;
	v7 =	vld [tilespmem:s28+$0xD30]  }
0x1b4: {  	v12 =	vmul.f32 v12, v2;
	[tilespmem:s28+$0xCE0] =	vst v8;
	v5 =	vmul.f32 v5, v10;
	v8 =	vld [tilespmem:s28+$0xD40]  }
0x1b5: {  	v6 =	vmul.f32 v6, v10;
	[tilespmem:s28+$0x780] =	vst v14;
	v9 =	vmul.f32 v9, v2;
	v14 =	vld [tilespmem:s28+$0xD50]  }
0x1b6: {  	v3 =	vmul.f32 v3, v4;
	v11 =	vmul.f32 v11, v2;
	[tilespmem:s28+$0xD00] =	vst v5;
	v2 =	vld [tilespmem:s28+$0xD60]  }
0x1b7: {  	[tilespmem:s28+$0xD10] =	vst v6;
	v5 =	vmul.f32 v13, v10;
	v6 =	vld [tilespmem:s28+$0xD70]  }
0x1b8: {  	v7 =	vmul.f32 v7, v10;
	v13 =	vld [tilespmem:s28+$0xD80];
	[tilespmem:s28+$0xF50] =	vst v3  }
0x1b9: {  	[tilespmem:s28+$0x790] =	vst v12;
	v3 =	vmul.f32 v8, v10;
	v8 =	vld [tilespmem:s28+$0xD90]  }
0x1ba: {  	[tilespmem:s28+$0x7C0] =	vst v9;
	v9 =	vmul.f32 v14, v10;
	v12 =	vld [tilespmem:s28+$0xDA0]  }
0x1bb: {  	v14 =	vbroadcast v1, $0xC;
	[tilespmem:s28+$0xD20] =	vst v5;
	v5 =	vmul.f32 v2, v10;
	v15 =	vld [tilespmem:s28+$0xDB0]  }
0x1bc: {  	[tilespmem:s28+$0xD50] =	vst v9;
	v6 =	vmul.f32 v6, v10;
	v9 =	vld [tilespmem:s28+$0xDC0]  }
0x1bd: {  	[tilespmem:s28+$0xD30] =	vst v7;
	v2 =	vmul.f32 v13, v14;
	v7 =	vld [tilespmem:s28+$0xDD0]  }
0x1be: {  	[tilespmem:s28+$0xD40] =	vst v3;
	v3 =	vmul.f32 v8, v14;
	v8 =	vld [tilespmem:s28+$0xDE0]  }
0x1bf: {  	[tilespmem:s28+$0xD80] =	vst v2;
	v2 =	vmul.f32 v12, v14;
	v10 =	vld [tilespmem:s28+$0xDF0]  }
0x1c0: {  	[tilespmem:s28+$0xD90] =	vst v3;
	v3 =	vld [tilespmem:s28+$0xE00]  }
0x1c1: {  	[tilespmem:s28+$0x7D0] =	vst v11;
	v9 =	vmul.f32 v9, v14;
	v11 =	vld [tilespmem:s28+$0xE10]  }
0x1c2: {  	[tilespmem:s28+$0xD60] =	vst v5;
	v5 =	vmul.f32 v7, v14;
	v7 =	vld [tilespmem:s28+$0xE20]  }
0x1c3: {  	[tilespmem:s28+$0xDC0] =	vst v9;
	v8 =	vmul.f32 v8, v14;
	v9 =	vbroadcast v1, $0xD;
	v12 =	vld [tilespmem:s28+$0xE30]  }
0x1c4: {  	[tilespmem:s28+$0xDD0] =	vst v5;
	v5 =	vmul.f32 v10, v14;
	v10 =	vld [tilespmem:s28+$0xE40]  }
0x1c5: {  	[tilespmem:s28+$0xDE0] =	vst v8;
	v3 =	vmul.f32 v3, v9;
	v8 =	vld [tilespmem:s28+$0xE50]  }
0x1c6: {  	[tilespmem:s28+$0xDF0] =	vst v5;
	v5 =	vmul.f32 v11, v9;
	v11 =	vld [tilespmem:s28+$0xE60]  }
0x1c7: {  	[tilespmem:s28+$0xE00] =	vst v3;
	v3 =	vmul.f32 v7, v9;
	v7 =	vld [tilespmem:s28+$0xE70]  }
0x1c8: {  	[tilespmem:s28+$0xE10] =	vst v5;
	v5 =	vmul.f32 v12, v9;
	v12 =	vld [tilespmem:s28+$0xE80]  }
0x1c9: {  	[tilespmem:s28+$0xE20] =	vst v3;
	v3 =	vmul.f32 v10, v9;
	v10 =	vld [tilespmem:s28+$0xE90]  }
0x1ca: {  	[tilespmem:s28+$0xE30] =	vst v5;
	v5 =	vmul.f32 v8, v9;
	v8 =	vld [tilespmem:s28+$0xEA0]  }
0x1cb: {  	v1 =	vbroadcast v1, $0xE;
	[tilespmem:s28+$0xD70] =	vst v6;
	v6 =	vmul.f32 v11, v9;
	v11 =	vld [tilespmem:s28+$0xEB0]  }
0x1cc: {  	[tilespmem:s28+$0xE50] =	vst v5;
	v5 =	vmul.f32 v7, v9;
	v7 =	vld [tilespmem:s28+$0xEC0]  }
0x1cd: {  	[tilespmem:s28+$0xE60] =	vst v6;
	v6 =	vmul.f32 v12, v1;
	v9 =	vld [tilespmem:s28+$0xED0]  }
0x1ce: {  	[tilespmem:s28+$0xE70] =	vst v5;
	v5 =	vmul.f32 v10, v1;
	v10 =	vld [tilespmem:s28+$0xEE0]  }
0x1cf: {  	[tilespmem:s28+$0xE80] =	vst v6;
	v6 =	vmul.f32 v8, v1;
	v8 =	vld [tilespmem:s28+$0xEF0]  }
0x1d0: {  	[tilespmem:s28+$0xE90] =	vst v5;
	v5 =	vmul.f32 v11, v1;
	v11 =	vld [tilespmem:s28+$0xF00]  }
0x1d1: {  	[tilespmem:s28+$0xEA0] =	vst v6;
	v6 =	vmul.f32 v7, v1;
	v7 =	vld [tilespmem:s28+$0xF10]  }
0x1d2: {  	[tilespmem:s28+$0xEB0] =	vst v5;
	v5 =	vmul.f32 v9, v1;
	v9 =	vld [tilespmem:s28+$0xF20]  }
0x1d3: {  	[tilespmem:s28+$0xEC0] =	vst v6;
	v6 =	vmul.f32 v10, v1;
	v10 =	vld [tilespmem:s28+$0xF30]  }
0x1d4: {  	[tilespmem:s28+$0xE40] =	vst v3;
	v1 =	vmul.f32 v8, v1;
	v3 =	vld [tilespmem:s28+$0xF40]  }
0x1d5: {  	[tilespmem:s28+$0xEE0] =	vst v6;
	v6 =	vmul.f32 v11, v4;
	v8 =	vld [tilespmem:s28+$0xF60]  }
0x1d6: {  	[tilespmem:s28+$0xEF0] =	vst v1;
	v1 =	vmul.f32 v7, v4;
	v7 =	vld [tilespmem:s28+$0xF70]  }
0x1d7: {  	[tilespmem:s28+$0xF00] =	vst v6;
	v6 =	vmul.f32 v9, v4  }
0x1d8: {  	[tilespmem:s28+$0xF10] =	vst v1;
	v1 =	vmul.f32 v10, v4  }
0x1d9: {  	v9 =	vmul.f32 v15, v14;
	[tilespmem:s28+$0xF20] =	vst v6  }
0x1da: {  	[tilespmem:s28+$0xF30] =	vst v1;
	v1 =	vmul.f32 v3, v4  }
.Ltmp1:
0x1db: {  	[tilespmem:s28+$0xDB0] =	vst v9;
	v3 =	vmul.f32 v7, v4;
	(pc) =	sbr.rel @p1 .LBB2_5-.Ltmp1, $4  }
0x1dc: {  	[tilespmem:s28+$0xF40] =	vst v1  }
0x1dd: {  	v1 =	vmul.f32 v8, v4;
	[tilespmem:s28+$0xF70] =	vst v3  }
0x1de: {  	[tilespmem:s28+$0xED0] =	vst v5  }
0x1df: {  	[tilespmem:s28+$0xF60] =	vst v1  }
0x1e0: {  	[tilespmem:s28+$0xDA0] =	vst v2  }
0x1e1: {  	[spmem:s2] =	stream.indirect.scatter.add.f32 [tilespmem:s29], [sflag:$0x3], $0x80, s5, s5, $0xb8;
	[tilespmem:$0x1CF00] =	vst v63  }
0x1e2: {  	_ = 	snop  }
0x1e3: {  	[spmem:s3] =	stream.indirect.scatter.add.f32 [tilespmem:s31], [sflag:$0x3], $0x1, s5, s5, $0xb8;
	[tilespmem:$0x1CF00] =	vst v63  }
0x1e4: {  	_ =	swait.ge [sflag:s16], $0x80  }
0x1e5: {  	[sflag:s16] =	ssyncset.done $0x0  }
0x1e6: {  	[sflag:s16] =	ssyncadd.s32 $0xFFFFFF80  }
0x1e7: {  	_ =	swait.ge [sflag:s16], $0x80  }
0x1e8: {  	[sflag:s16] =	ssyncset.done $0x0  }
0x1e9: {  	[sflag:s16] =	ssyncadd.s32 $0xFFFFFF80  }
0x1ea: {  	v1 =	vld [tilespmem:$0x0]  }
0x1eb: {  	v2 =	vld [tilespmem:$0x380]  }
0x1ec: {  	v3 =	vld [tilespmem:$0x600]  }
0x1ed: {  	v4 =	vld [tilespmem:$0x700]  }
0x1ee: {  	v5 =	vld [tilespmem:$0x390]  }
0x1ef: {  	v6 =	vld [tilespmem:$0x610]  }
0x1f0: {  	v7 =	vld [tilespmem:$0x710]  }
0x1f1: {  	v8 =	vld [tilespmem:$0x3A0]  }
0x1f2: {  	v9 =	vld [tilespmem:$0x620]  }
0x1f3: {  	v32 =	vld [tilespmem:$0x720]  }
0x1f4: {  	v10 =	vld [tilespmem:$0x3B0]  }
0x1f5: {  	v33 =	vld [tilespmem:$0x730];
	v3 =	vmul.f32 v3, v2;
	v2 =	vmul.f32 v4, v2  }
0x1f6: {  	v12 =	vld [tilespmem:$0x3C0]  }
0x1f7: {  	v35 =	vld [tilespmem:$0x640];
	v6 =	vmul.f32 v6, v5;
	v5 =	vmul.f32 v7, v5;
	v2 =	vadd.f32 v2, v3  }
0x1f8: {  	v38 =	vld [tilespmem:$0x3D0]  }
0x1f9: {  	v15 =	vld [tilespmem:$0x750];
	v5 =	vadd.f32 v5, v6;
	v11 =	vmin.f32 v2, $0.0e+00  }
0x1fa: {  	v3 =	vld [tilespmem:$0x630];
	v36 =	vmul.f32 $2.000000030e-01, v11  }
0x1fb: {  	v42 =	vld [tilespmem:$0x3E0];
	v2 =	vmax.f32 v2, $0.0e+00;
	v13 =	vmin.f32 v5, $0.0e+00  }
0x1fc: {  	v44 =	vld [tilespmem:$0x760];
	v39 =	vmul.f32 $2.000000030e-01, v13;
	v2 =	vadd.f32 v36, v2  }
0x1fd: {  	v34 =	vmul.f32 v9, v8;
	v4 =	vmul.f32 v32, v8;
	v5 =	vmax.f32 v5, $0.0e+00  }
0x1fe: {  	v37 =	vld [tilespmem:$0x740];
	v7 =	vmul.f32 v33, v10;
	v5 =	vadd.f32 v39, v5;
	v2 =	vsub.f32 v2, v1  }
0x1ff: {  	v40 =	vld [tilespmem:$0x650];
	v8 =	vmul.f32 v35, v12;
	v3 =	vmul.f32 v3, v10  }
0x200: {  	v43 =	vld [tilespmem:$0x660];
	v4 =	vadd.f32 v4, v34;
	v5 =	vsub.f32 v5, v1;
	v2 =	vmul.f32 $1.442695020e+00, v2  }
0x201: {  	v45 =	vld [tilespmem:$0x3F0];
	v9 =	vmul.f32 v44, v42;
	v6 =	vmul.f32 v15, v38;
	v3 =	vadd.f32 v7, v3  }
0x202: {  	v47 =	vld [tilespmem:$0x770];
	v14 =	vmin.f32 v4, $0.0e+00;
	(erf) = vpow2.f32 v2;
	v2 =	vmul.f32 $1.442695020e+00, v5  }
0x203: {  	v46 =	vld [tilespmem:$0x670];
	v41 =	vmul.f32 $2.000000030e-01, v14;
	v11 =	vmul.f32 v37, v12;
	v16 =	vmin.f32 v3, $0.0e+00  }
0x204: {  	v4 =	vmax.f32 v4, $0.0e+00;
	(erf) = vpow2.f32 v2;
	v2 =	vmul.f32 $2.000000030e-01, v16  }
0x205: {  	v4 =	vadd.f32 v41, v4;
	v8 =	vadd.f32 v11, v8;
	v3 =	vmax.f32 v3, $0.0e+00  }
0x206: {  	v10 =	vmul.f32 v43, v42;
	v2 =	vadd.f32 v2, v3;
	v3 =	vmul.f32 v40, v38  }
0x207: {  	v48 =	vmul.f32 v47, v45;
	v4 =	vsub.f32 v4, v1;
	v11 =	vmin.f32 v8, $0.0e+00  }
0x208: {  	v9 =	vadd.f32 v9, v10;
	v5 =	vmul.f32 v46, v45;
	v3 =	vadd.f32 v6, v3  }
0x209: {  	v8 =	vmax.f32 v8, $0.0e+00;
	v49 =	vmul.f32 $2.000000030e-01, v11;
	v4 =	vmul.f32 $1.442695020e+00, v4  }
0x20a: {  	v53 =	vmin.f32 v9, $0.0e+00;
	v5 =	vadd.f32 v48, v5;
	v50 =	vmin.f32 v3, $0.0e+00  }
0x20b: {  	v55 =	vmax.f32 v9, $0.0e+00;
	v51 =	vadd.f32 v49, v8;
	v52 =	vmul.f32 $2.000000030e-01, v50  }
0x20c: {  	v8 =	vmul.f32 $2.000000030e-01, v53;
	v54 =	vmin.f32 v5, $0.0e+00;
	v3 =	vmax.f32 v3, $0.0e+00  }
0x20d: {  	v56 =	vmul.f32 $2.000000030e-01, v54;
	v2 =	vsub.f32 v2, v1;
	v3 =	vadd.f32 v52, v3  }
0x20e: {  	v7 =	vadd.f32 v8, v55;
	v5 =	vmax.f32 v5, $0.0e+00;
	v6 =	vsub.f32 v51, v1  }
0x20f: {  	v5 =	vadd.f32 v56, v5;
	v2 =	vmul.f32 $1.442695020e+00, v2;
	v3 =	vsub.f32 v3, v1  }
0x210: {  	(erf) = vpow2.f32 v4;
	v58 =	vsub.f32 v7, v1;
	v57 =	vmul.f32 $1.442695020e+00, v6  }
0x211: {  	(erf) = vpow2.f32 v2;
	v1 =	vsub.f32 v5, v1;
	v2 =	vmul.f32 $1.442695020e+00, v3  }
0x212: {  	(erf) = vpow2.f32 v57;
	v3 =	vmul.f32 $1.442695020e+00, v58  }
0x213: {  	v1 =	vmul.f32 $1.442695020e+00, v1;
	(erf) = vpow2.f32 v2  }
0x214: {  	(erf) = vpow2.f32 v3  }
0x215: {  	(erf) = vpow2.f32 v1;
	_ =	sdelay $0x1  }
0x216: {  	v1 =	vpop (erf)  }
0x217: {  	v2 =	vpop (erf);
	[tilespmem:$0x500] =	vst v1  }
0x218: {  	v1 =	vpop (erf);
	[tilespmem:$0x510] =	vst v2  }
0x219: {  	v2 =	vpop (erf);
	[tilespmem:$0x520] =	vst v1  }
0x21a: {  	v1 =	vpop (erf);
	[tilespmem:$0x530] =	vst v2  }
0x21b: {  	[tilespmem:$0x540] =	vst v1;
	v2 =	vpop (erf)  }
0x21c: {  	v1 =	vpop (erf);
	[tilespmem:$0x550] =	vst v2  }
0x21d: {  	[tilespmem:$0x560] =	vst v1;
	v1 =	vpop (erf)  }
0x21e: {  	[tilespmem:$0x570] =	vst v1  }
0x21f: {  	_ =	swait.ge [sflag:s17], $0x4000  }
0x220: {  	[sflag:s17] =	ssyncset.done $0x0  }
0x221: {  	[sflag:s17] =	ssyncadd.s32 $0xFFFFC000  }
0x222: {  	_ =	swait.ge [sflag:s18], $0x4000  }
0x223: {  	[sflag:s18] =	ssyncset.done $0x0  }
0x224: {  	p1 =	seq.s32 s25, $0x27;
	[sflag:s18] =	ssyncadd.s32 $0xFFFFC000  }
0x225: {  	s10 =	sadd.s32 @!p1 s26, s22;
	_ =	swait.ge [sflag:s18], $0x80  }
0x226: {  	s11 =	simm.s32 @!p1 $0x0;
	s10 =	sshrl.u32 @!p1 s10, $0x3;
	[sflag:s18] =	ssyncset.done $0x0  }
0x227: {  	s26 =	simm.s32 @!p1 $0x80;
	s10 =	sadd.s32 @!p1 s9, s10;
	[sflag:s18] =	ssyncadd.s32 $0xFFFFFF80  }
0x228: {  	[tilespmem:s26], [sflag:$0x7] =	stream.linear.gather @!p1 [hbm4b:s10+s11], $0x180, $0x38;
	[tilespmem:$0x1CF00] =	vst v63  }
0x229: {  	s10 =	simm.s32 @!p1 $0x7  }
0x22a: {  	_ =	swait.ge @!p1 [sflag:s10], $0x180  }
0x22b: {  	[sflag:s10] =	ssyncset.done @!p1 $0x0  }
0x22c: {  	[sflag:s10] =	ssyncadd.s32 @!p1 $0xFFFFFE80;
	s10 =	simm.s32 @!p1 $0x580  }
0x22d: {  	[tilespmem:s10], [sflag:$0x5] =	stream.indirect.gather @!p1 [spmem:s4], $0x1, s26, s26, $0xb8;
	[tilespmem:$0x1CF00] =	vst v63  }
0x22e: {  	s11 =	simm.s32 @!p1 $0x680;
	s10 =	simm.s32 @!p1 $0x100  }
0x22f: {  	[tilespmem:s11], [sflag:$0x5] =	stream.indirect.gather @!p1 [spmem:s6], $0x1, s10, s26, $0xb8;
	[tilespmem:$0x1CF00] =	vst v63  }
0x230: {  	s11 =	simm.s32 @!p1 $0x780  }
0x231: {  	[tilespmem:s11], [sflag:$0x1] =	stream.indirect.gather @!p1 [hbm4b:s1+s26], $0x80, s10, s26, $0xb8;
	[tilespmem:$0x1CF00] =	vst v63  }
0x232: {  	s26 =	simm.s32 $0x0  }
0x233: {  	s10 =	sand.u32 $0x3FFFFFF0, s26  }
0x234: {  	s28 =	simm.s32 $0x0;
	v1 =	vld [tilespmem:s10+$0x500]  }
0x235: {  	s26 =	sand.u32 $0x3FFFF800, s28  }
0x236: {  	v3 =	vld [tilespmem:s26+$0x47A0]  }
0x237: {  	v62 =	vld [tilespmem:s26+$0x47B0]  }
0x238: {  	v16 =	vld [tilespmem:s26+$0x47E0]  }
0x239: {  	v17 =	vld [tilespmem:s26+$0x47F0];
	v2 =	vbroadcast v1, $0x0  }
0x23a: {  	v18 =	vld [tilespmem:s26+$0x4800]  }
0x23b: {  	v19 =	vld [tilespmem:s26+$0x4810];
	v3 =	vmul.f32 v3, v2  }
0x23c: {  	v20 =	vld [tilespmem:s26+$0x4820];
	v4 =	vmul.f32 v62, v2  }
0x23d: {  	v61 =	vld [tilespmem:s26+$0x4830];
	v22 =	vbroadcast v1, $0x1;
	v21 =	vmul.f32 v16, v2;
	[tilespmem:s26+$0x47A0] =	vst v3  }
0x23e: {  	v59 =	vld [tilespmem:s26+$0x4840];
	v11 =	vmul.f32 v17, v2;
	[tilespmem:s26+$0x47B0] =	vst v4  }
0x23f: {  	v60 =	vld [tilespmem:s26+$0x4850];
	v12 =	vmul.f32 v18, v22;
	[tilespmem:s26+$0x47E0] =	vst v21  }
0x240: {  	v24 =	vld [tilespmem:s26+$0x4870];
	v13 =	vmul.f32 v19, v22;
	[tilespmem:s26+$0x47F0] =	vst v11  }
0x241: {  	v25 =	vld [tilespmem:s26+$0x4880];
	v14 =	vmul.f32 v20, v22;
	[tilespmem:s26+$0x4800] =	vst v12  }
0x242: {  	v26 =	vld [tilespmem:s26+$0x4890];
	v9 =	vmul.f32 v61, v22;
	[tilespmem:s26+$0x4810] =	vst v13  }
0x243: {  	v63 =	vld [tilespmem:s26+$0x4CF0];
	v7 =	vmul.f32 v59, v22;
	[tilespmem:s26+$0x4820] =	vst v14  }
0x244: {  	v23 =	vld [tilespmem:s26+$0x4860];
	v30 =	vbroadcast v1, $0x2;
	v8 =	vmul.f32 v60, v22;
	[tilespmem:s26+$0x4830] =	vst v9  }
0x245: {  	v27 =	vld [tilespmem:s26+$0x48A0];
	v10 =	vmul.f32 v24, v22;
	[tilespmem:s26+$0x4840] =	vst v7  }
0x246: {  	v28 =	vld [tilespmem:s26+$0x48B0];
	v5 =	vbroadcast v1, $0xA;
	v32 =	vmul.f32 v25, v30;
	[tilespmem:s26+$0x4850] =	vst v8  }
0x247: {  	v29 =	vld [tilespmem:s26+$0x48C0];
	v34 =	vmul.f32 v26, v30;
	[tilespmem:s26+$0x4870] =	vst v10  }
0x248: {  	v33 =	vld [tilespmem:s26+$0x48E0];
	v3 =	vmul.f32 v63, v5;
	[tilespmem:s26+$0x4880] =	vst v32  }
0x249: {  	v35 =	vld [tilespmem:s26+$0x48F0];
	v11 =	vmul.f32 v23, v22;
	[tilespmem:s26+$0x4890] =	vst v34  }
0x24a: {  	v36 =	vld [tilespmem:s26+$0x4900];
	v9 =	vmul.f32 v27, v30;
	[tilespmem:s26+$0x4CF0] =	vst v3  }
0x24b: {  	v31 =	vld [tilespmem:s26+$0x48D0];
	v7 =	vmul.f32 v28, v30;
	[tilespmem:s26+$0x4860] =	vst v11  }
0x24c: {  	v37 =	vld [tilespmem:s26+$0x4910];
	v8 =	vmul.f32 v29, v30;
	[tilespmem:s26+$0x48A0] =	vst v9  }
0x24d: {  	v38 =	vld [tilespmem:s26+$0x4920];
	v41 =	vbroadcast v1, $0x3;
	v10 =	vmul.f32 v33, v30;
	[tilespmem:s26+$0x48B0] =	vst v7  }
0x24e: {  	v39 =	vld [tilespmem:s26+$0x4930];
	v12 =	vmul.f32 v35, v30;
	[tilespmem:s26+$0x48C0] =	vst v8  }
0x24f: {  	v42 =	vld [tilespmem:s26+$0x4950];
	v13 =	vmul.f32 v36, v41;
	[tilespmem:s26+$0x48E0] =	vst v10  }
0x250: {  	v43 =	vld [tilespmem:s26+$0x4960];
	v11 =	vmul.f32 v31, v30;
	[tilespmem:s26+$0x48F0] =	vst v12  }
0x251: {  	v44 =	vld [tilespmem:s26+$0x4970];
	v9 =	vmul.f32 v37, v41;
	[tilespmem:s26+$0x4900] =	vst v13  }
0x252: {  	v40 =	vld [tilespmem:s26+$0x4940];
	v7 =	vmul.f32 v38, v41;
	[tilespmem:s26+$0x48D0] =	vst v11  }
0x253: {  	v45 =	vld [tilespmem:s26+$0x4980];
	v8 =	vmul.f32 v39, v41;
	[tilespmem:s26+$0x4910] =	vst v9  }
0x254: {  	v46 =	vld [tilespmem:s26+$0x4990];
	v10 =	vmul.f32 v42, v41;
	[tilespmem:s26+$0x4920] =	vst v7  }
0x255: {  	v47 =	vld [tilespmem:s26+$0x49A0];
	v12 =	vmul.f32 v43, v41;
	[tilespmem:s26+$0x4930] =	vst v8  }
0x256: {  	v49 =	vld [tilespmem:s26+$0x49C0];
	v50 =	vbroadcast v1, $0x4;
	v13 =	vmul.f32 v44, v41;
	[tilespmem:s26+$0x4950] =	vst v10  }
0x257: {  	v51 =	vld [tilespmem:s26+$0x49D0];
	v11 =	vmul.f32 v40, v41;
	[tilespmem:s26+$0x4960] =	vst v12  }
0x258: {  	v52 =	vld [tilespmem:s26+$0x49E0];
	v9 =	vmul.f32 v45, v50;
	[tilespmem:s26+$0x4970] =	vst v13  }
0x259: {  	v48 =	vld [tilespmem:s26+$0x49B0];
	v7 =	vmul.f32 v46, v50;
	[tilespmem:s26+$0x4940] =	vst v11  }
0x25a: {  	v53 =	vld [tilespmem:s26+$0x49F0];
	v8 =	vmul.f32 v47, v50;
	[tilespmem:s26+$0x4980] =	vst v9  }
0x25b: {  	v54 =	vld [tilespmem:s26+$0x4A00];
	v10 =	vmul.f32 v49, v50;
	[tilespmem:s26+$0x4990] =	vst v7  }
0x25c: {  	v55 =	vld [tilespmem:s26+$0x4A10];
	v12 =	vmul.f32 v51, v50;
	[tilespmem:s26+$0x49A0] =	vst v8  }
0x25d: {  	v57 =	vld [tilespmem:s26+$0x4A30];
	v13 =	vmul.f32 v52, v50;
	[tilespmem:s26+$0x49C0] =	vst v10  }
0x25e: {  	v58 =	vld [tilespmem:s26+$0x4A40];
	v59 =	vbroadcast v1, $0x5;
	v11 =	vmul.f32 v48, v50;
	[tilespmem:s26+$0x49D0] =	vst v12  }
0x25f: {  	v60 =	vld [tilespmem:s26+$0x4A50];
	v9 =	vmul.f32 v53, v50;
	[tilespmem:s26+$0x49E0] =	vst v13  }
0x260: {  	v56 =	vld [tilespmem:s26+$0x4A20];
	v7 =	vmul.f32 v54, v59;
	[tilespmem:s26+$0x49B0] =	vst v11  }
0x261: {  	v61 =	vld [tilespmem:s26+$0x4A60];
	v8 =	vmul.f32 v55, v59;
	[tilespmem:s26+$0x49F0] =	vst v9  }
0x262: {  	v62 =	vld [tilespmem:s26+$0x4A70];
	v10 =	vmul.f32 v57, v59;
	[tilespmem:s26+$0x4A00] =	vst v7  }
0x263: {  	v63 =	vld [tilespmem:s26+$0x4A80];
	v12 =	vmul.f32 v58, v59;
	[tilespmem:s26+$0x4A10] =	vst v8  }
0x264: {  	v19 =	vld [tilespmem:s26+$0x4AA0];
	v13 =	vmul.f32 v60, v59;
	[tilespmem:s26+$0x4A30] =	vst v10  }
0x265: {  	v20 =	vld [tilespmem:s26+$0x4AB0];
	v11 =	vmul.f32 v56, v59;
	[tilespmem:s26+$0x4A40] =	vst v12  }
0x266: {  	v21 =	vld [tilespmem:s26+$0x4AC0];
	v22 =	vbroadcast v1, $0x6;
	v9 =	vmul.f32 v61, v59;
	[tilespmem:s26+$0x4A50] =	vst v13  }
0x267: {  	v18 =	vld [tilespmem:s26+$0x4A90];
	v7 =	vmul.f32 v62, v59;
	[tilespmem:s26+$0x4A20] =	vst v11  }
0x268: {  	v23 =	vld [tilespmem:s26+$0x4AD0];
	v8 =	vmul.f32 v63, v22;
	[tilespmem:s26+$0x4A60] =	vst v9  }
0x269: {  	v24 =	vld [tilespmem:s26+$0x4AE0];
	v10 =	vmul.f32 v19, v22;
	[tilespmem:s26+$0x4A70] =	vst v7  }
0x26a: {  	v25 =	vld [tilespmem:s26+$0x4AF0];
	v12 =	vmul.f32 v20, v22;
	[tilespmem:s26+$0x4A80] =	vst v8  }
0x26b: {  	v27 =	vld [tilespmem:s26+$0x4B10];
	v13 =	vmul.f32 v21, v22;
	[tilespmem:s26+$0x4AA0] =	vst v10  }
0x26c: {  	v28 =	vld [tilespmem:s26+$0x4B20];
	v11 =	vmul.f32 v18, v22;
	[tilespmem:s26+$0x4AB0] =	vst v12  }
0x26d: {  	v29 =	vld [tilespmem:s26+$0x4B30];
	v9 =	vmul.f32 v23, v22;
	[tilespmem:s26+$0x4AC0] =	vst v13  }
0x26e: {  	v31 =	vbroadcast v1, $0x7;
	v53 =	vld [tilespmem:s26+$0x4C80];
	v7 =	vmul.f32 v24, v22;
	[tilespmem:s26+$0x4A90] =	vst v11  }
0x26f: {  	v57 =	vld [tilespmem:s26+$0x4CC0];
	v8 =	vmul.f32 v25, v22;
	[tilespmem:s26+$0x4AD0] =	vst v9  }
0x270: {  	v58 =	vld [tilespmem:s26+$0x4CD0];
	v10 =	vmul.f32 v27, v31;
	[tilespmem:s26+$0x4AE0] =	vst v7  }
0x271: {  	v26 =	vld [tilespmem:s26+$0x4B00];
	v12 =	vmul.f32 v28, v31;
	[tilespmem:s26+$0x4AF0] =	vst v8  }
0x272: {  	v30 =	vld [tilespmem:s26+$0x4B40];
	v13 =	vmul.f32 v29, v31;
	[tilespmem:s26+$0x4B10] =	vst v10  }
0x273: {  	v32 =	vld [tilespmem:s26+$0x4B50];
	v59 =	vmul.f32 v53, v5;
	[tilespmem:s26+$0x4B20] =	vst v12  }
0x274: {  	v33 =	vld [tilespmem:s26+$0x4B60];
	v18 =	vmul.f32 v57, v5;
	[tilespmem:s26+$0x4B30] =	vst v13  }
0x275: {  	v35 =	vld [tilespmem:s26+$0x4B80];
	v20 =	vmul.f32 v58, v5;
	[tilespmem:s26+$0x4C80] =	vst v59  }
0x276: {  	v36 =	vld [tilespmem:s26+$0x4B90];
	v11 =	vmul.f32 v26, v31;
	[tilespmem:s26+$0x4CC0] =	vst v18  }
0x277: {  	v37 =	vld [tilespmem:s26+$0x4BA0];
	v9 =	vmul.f32 v30, v31;
	[tilespmem:s26+$0x4CD0] =	vst v20  }
0x278: {  	v4 =	vld [tilespmem:s26+$0x4D00];
	v40 =	vbroadcast v1, $0x8;
	v7 =	vmul.f32 v32, v31;
	[tilespmem:s26+$0x4B00] =	vst v11  }
0x279: {  	v6 =	vld [tilespmem:s26+$0x4D10];
	v8 =	vmul.f32 v33, v31;
	[tilespmem:s26+$0x4B40] =	vst v9  }
0x27a: {  	v3 =	vld [tilespmem:s26+$0x4F50];
	v10 =	vmul.f32 v35, v40;
	[tilespmem:s26+$0x4B50] =	vst v7  }
0x27b: {  	v61 =	vld [tilespmem:s26+$0x4780];
	v23 =	vbroadcast v1, $0xB;
	v12 =	vmul.f32 v36, v40;
	[tilespmem:s26+$0x4B60] =	vst v8  }
0x27c: {  	v34 =	vld [tilespmem:s26+$0x4B70];
	v13 =	vmul.f32 v37, v40;
	[tilespmem:s26+$0x4B80] =	vst v10  }
0x27d: {  	v38 =	vld [tilespmem:s26+$0x4BB0];
	v27 =	vbroadcast v1, $0xF;
	v4 =	vmul.f32 v4, v23;
	[tilespmem:s26+$0x4B90] =	vst v12  }
0x27e: {  	v39 =	vld [tilespmem:s26+$0x4BC0];
	v6 =	vmul.f32 v6, v23;
	[tilespmem:s26+$0x4BA0] =	vst v13  }
0x27f: {  	v41 =	vld [tilespmem:s26+$0x4BD0];
	v3 =	vmul.f32 v3, v27;
	[tilespmem:s26+$0x4D00] =	vst v4  }
0x280: {  	v43 =	vld [tilespmem:s26+$0x4BF0];
	v24 =	vmul.f32 v2, v61;
	[tilespmem:s26+$0x4D10] =	vst v6  }
0x281: {  	v44 =	vld [tilespmem:s26+$0x4C00];
	v11 =	vmul.f32 v34, v31;
	[tilespmem:s26+$0x4F50] =	vst v3  }
0x282: {  	v45 =	vld [tilespmem:s26+$0x4C10];
	v9 =	vmul.f32 v38, v40;
	[tilespmem:s26+$0x4780] =	vst v24  }
0x283: {  	v63 =	vld [tilespmem:s26+$0x47C0];
	v7 =	vmul.f32 v39, v40;
	[tilespmem:s26+$0x4B70] =	vst v11  }
0x284: {  	v49 =	vbroadcast v1, $0x9;
	v29 =	vld [tilespmem:s26+$0x4D70];
	v8 =	vmul.f32 v41, v40;
	[tilespmem:s26+$0x4BB0] =	vst v9  }
0x285: {  	v42 =	vld [tilespmem:s26+$0x4BE0];
	v10 =	vmul.f32 v43, v40;
	[tilespmem:s26+$0x4BC0] =	vst v7  }
0x286: {  	v46 =	vld [tilespmem:s26+$0x4C20];
	v12 =	vmul.f32 v44, v49;
	[tilespmem:s26+$0x4BD0] =	vst v8  }
0x287: {  	v47 =	vld [tilespmem:s26+$0x4C30];
	v13 =	vmul.f32 v45, v49;
	[tilespmem:s26+$0x4BF0] =	vst v10  }
0x288: {  	v48 =	vld [tilespmem:s26+$0x4C40];
	v3 =	vmul.f32 v63, v2;
	[tilespmem:s26+$0x4C00] =	vst v12  }
0x289: {  	v51 =	vld [tilespmem:s26+$0x4C60];
	v6 =	vmul.f32 v29, v23;
	[tilespmem:s26+$0x4C10] =	vst v13  }
0x28a: {  	v52 =	vld [tilespmem:s26+$0x4C70];
	v11 =	vmul.f32 v42, v40;
	[tilespmem:s26+$0x47C0] =	vst v3  }
0x28b: {  	v28 =	vld [tilespmem:s26+$0x4D60];
	v9 =	vmul.f32 v46, v49;
	[tilespmem:s26+$0x4D70] =	vst v6  }
0x28c: {  	v26 =	vld [tilespmem:s26+$0x4D50];
	v7 =	vmul.f32 v47, v49;
	[tilespmem:s26+$0x4BE0] =	vst v11  }
0x28d: {  	v30 =	vld [tilespmem:s26+$0x4D80];
	v8 =	vmul.f32 v48, v49;
	[tilespmem:s26+$0x4C20] =	vst v9  }
0x28e: {  	v50 =	vld [tilespmem:s26+$0x4C50];
	v10 =	vmul.f32 v51, v49;
	[tilespmem:s26+$0x4C30] =	vst v7  }
0x28f: {  	v54 =	vld [tilespmem:s26+$0x4C90];
	v12 =	vmul.f32 v52, v49;
	[tilespmem:s26+$0x4C40] =	vst v8  }
0x290: {  	v55 =	vld [tilespmem:s26+$0x4CA0];
	v35 =	vbroadcast v1, $0xC;
	v40 =	vmul.f32 v28, v23;
	[tilespmem:s26+$0x4C60] =	vst v10  }
0x291: {  	v56 =	vld [tilespmem:s26+$0x4CB0];
	v32 =	vmul.f32 v26, v23;
	[tilespmem:s26+$0x4C70] =	vst v12  }
0x292: {  	v60 =	vld [tilespmem:s26+$0x4CE0];
	v15 =	vmul.f32 v30, v35;
	[tilespmem:s26+$0x4D60] =	vst v40  }
0x293: {  	v62 =	vld [tilespmem:s26+$0x4790];
	v11 =	vmul.f32 v50, v49;
	[tilespmem:s26+$0x4D50] =	vst v32  }
0x294: {  	v19 =	vld [tilespmem:s26+$0x47D0];
	v9 =	vmul.f32 v54, v5;
	[tilespmem:s26+$0x4D80] =	vst v15  }
0x295: {  	v33 =	vld [tilespmem:s26+$0x4DB0];
	v7 =	vmul.f32 v55, v5;
	[tilespmem:s26+$0x4C50] =	vst v11  }
0x296: {  	v61 =	vld [tilespmem:s26+$0x4F70];
	v8 =	vmul.f32 v56, v5;
	[tilespmem:s26+$0x4C90] =	vst v9  }
0x297: {  	v38 =	vld [tilespmem:s26+$0x4DF0];
	v5 =	vmul.f32 v60, v5;
	[tilespmem:s26+$0x4CA0] =	vst v7  }
0x298: {  	v21 =	vld [tilespmem:s26+$0x4D20];
	v12 =	vmul.f32 v62, v2;
	[tilespmem:s26+$0x4CB0] =	vst v8  }
0x299: {  	v22 =	vld [tilespmem:s26+$0x4D30];
	v2 =	vmul.f32 v19, v2;
	[tilespmem:s26+$0x4CE0] =	vst v5  }
0x29a: {  	v25 =	vld [tilespmem:s26+$0x4D40];
	v62 =	vmul.f32 v33, v35;
	[tilespmem:s26+$0x4790] =	vst v12  }
0x29b: {  	v31 =	vld [tilespmem:s26+$0x4D90];
	v63 =	vmul.f32 v61, v27;
	[tilespmem:s26+$0x47D0] =	vst v2  }
0x29c: {  	v34 =	vld [tilespmem:s26+$0x4DC0];
	v15 =	vmul.f32 v38, v35;
	[tilespmem:s26+$0x4DB0] =	vst v62  }
0x29d: {  	v41 =	vld [tilespmem:s26+$0x4E20];
	v7 =	vmul.f32 v21, v23;
	[tilespmem:s26+$0x4F70] =	vst v63  }
0x29e: {  	v46 =	vld [tilespmem:s26+$0x4E60];
	v8 =	vmul.f32 v22, v23;
	[tilespmem:s26+$0x4DF0] =	vst v15  }
0x29f: {  	v36 =	vld [tilespmem:s26+$0x4DD0];
	v5 =	vmul.f32 v25, v23;
	[tilespmem:s26+$0x4D20] =	vst v7  }
0x2a0: {  	v44 =	vbroadcast v1, $0xD;
	v9 =	vmul.f32 v31, v35;
	v2 =	vld [tilespmem:s26+$0x4E10];
	[tilespmem:s26+$0x4D30] =	vst v8  }
0x2a1: {  	v37 =	vld [tilespmem:s26+$0x4DE0];
	v12 =	vmul.f32 v34, v35;
	[tilespmem:s26+$0x4D40] =	vst v5  }
0x2a2: {  	v39 =	vld [tilespmem:s26+$0x4E00];
	v11 =	vmul.f32 v41, v44;
	[tilespmem:s26+$0x4D90] =	vst v9  }
0x2a3: {  	v42 =	vld [tilespmem:s26+$0x4E30];
	v51 =	vmul.f32 v46, v44;
	[tilespmem:s26+$0x4DC0] =	vst v12  }
0x2a4: {  	v48 =	vld [tilespmem:s26+$0x4E90];
	v8 =	vmul.f32 v36, v35;
	[tilespmem:s26+$0x4E20] =	vst v11  }
0x2a5: {  	v49 =	vld [tilespmem:s26+$0x4EA0];
	[tilespmem:s26+$0x4E60] =	vst v51;
	v2 =	vmul.f32 v2, v44  }
0x2a6: {  	v50 =	vld [tilespmem:s26+$0x4EB0];
	v5 =	vmul.f32 v37, v35;
	[tilespmem:s26+$0x4DD0] =	vst v8  }
0x2a7: {  	v1 =	vbroadcast v1, $0xE;
	v9 =	vmul.f32 v39, v44;
	[tilespmem:s26+$0x4E10] =	vst v2;
	v2 =	vld [tilespmem:s26+$0x4E80]  }
0x2a8: {  	v60 =	vld [tilespmem:s26+$0x4F60];
	v12 =	vmul.f32 v42, v44;
	[tilespmem:s26+$0x4DE0] =	vst v5  }
0x2a9: {  	v45 =	vld [tilespmem:s26+$0x4E50];
	v11 =	vmul.f32 v48, v1;
	[tilespmem:s26+$0x4E00] =	vst v9  }
0x2aa: {  	v47 =	vld [tilespmem:s26+$0x4E70];
	v10 =	vmul.f32 v49, v1;
	[tilespmem:s26+$0x4E30] =	vst v12  }
0x2ab: {  	v43 =	vld [tilespmem:s26+$0x4E40];
	v6 =	vmul.f32 v50, v1;
	[tilespmem:s26+$0x4E90] =	vst v11  }
0x2ac: {  	v55 =	vld [tilespmem:s26+$0x4F00];
	[tilespmem:s26+$0x4EA0] =	vst v10;
	v2 =	vmul.f32 v2, v1  }
0x2ad: {  	v57 =	vld [tilespmem:s26+$0x4F20];
	v4 =	vmul.f32 v60, v27;
	[tilespmem:s26+$0x4EB0] =	vst v6  }
0x2ae: {  	v5 =	vmul.f32 v45, v44;
	[tilespmem:s26+$0x4E80] =	vst v2;
	v2 =	vld [tilespmem:s26+$0x4EF0]  }
0x2af: {  	v52 =	vld [tilespmem:s26+$0x4EC0];
	v9 =	vmul.f32 v47, v44;
	[tilespmem:s26+$0x4F60] =	vst v4  }
0x2b0: {  	v56 =	vld [tilespmem:s26+$0x4F10];
	v8 =	vmul.f32 v43, v44;
	[tilespmem:s26+$0x4E50] =	vst v5  }
0x2b1: {  	v54 =	vld [tilespmem:s26+$0x4EE0];
	v11 =	vmul.f32 v55, v27;
	[tilespmem:s26+$0x4E70] =	vst v9  }
0x2b2: {  	v58 =	vld [tilespmem:s26+$0x4F30];
	v6 =	vmul.f32 v57, v27;
	[tilespmem:s26+$0x4E40] =	vst v8  }
0x2b3: {  	v53 =	vld [tilespmem:s26+$0x4ED0];
	[tilespmem:s26+$0x4F00] =	vst v11;
	v2 =	vmul.f32 v2, v1  }
0x2b4: {  	v59 =	vld [tilespmem:s26+$0x4F40];
	v5 =	vmul.f32 v52, v1;
	[tilespmem:s26+$0x4F20] =	vst v6  }
0x2b5: {  	[tilespmem:s26+$0x4EF0] =	vst v2;
	v2 =	vmul.f32 v56, v27  }
0x2b6: {  	v3 =	vld [tilespmem:s26+$0x4DA0];
	v9 =	vmul.f32 v54, v1;
	[tilespmem:s26+$0x4EC0] =	vst v5  }
0x2b7: {  	[tilespmem:s26+$0x4F10] =	vst v2;
	v2 =	vmul.f32 v58, v27  }
0x2b8: {  	[tilespmem:s26+$0x4EE0] =	vst v9;
	v1 =	vmul.f32 v53, v1  }
0x2b9: {  	[tilespmem:s26+$0x4F30] =	vst v2;
	v2 =	vmul.f32 v59, v27  }
0x2ba: {  	[tilespmem:s26+$0x4ED0] =	vst v1  }
0x2bb: {  	s10 =	simm.s32 $0x1;
	[tilespmem:s26+$0x4F40] =	vst v2;
	v2 =	vmul.f32 v3, v35  }
.LBB2_7:
0x2bc: {  	s11 =	sshll.u32 s10, $0x4  }
0x2bd: {  	p1 =	sne.s32 s10, $0x7;
	[tilespmem:s26+$0x4DA0] =	vst v2;
	s26 =	smov.u32 s10;
	s10 =	sadd.s32 $0x1, s10  }
0x2be: {  	s11 =	sand.u32 $0x3FFFFFF0, s11  }
0x2bf: {  	v1 =	vld [tilespmem:s11+$0x500];
	s11 =	sshll.u32 s26, $0xB  }
0x2c0: {  	s26 =	sand.u32 $0x3FFFF800, s11  }
0x2c1: {  	v8 =	vld [tilespmem:s26+$0x4840]  }
0x2c2: {  	v9 =	vld [tilespmem:s26+$0x4850]  }
0x2c3: {  	v10 =	vld [tilespmem:s26+$0x4830]  }
0x2c4: {  	v2 =	vbroadcast v1, $0x0;
	v3 =	vld [tilespmem:s26+$0x47A0];
	v7 =	vbroadcast v1, $0x4  }
0x2c5: {  	v5 =	vld [tilespmem:s26+$0x47B0]  }
0x2c6: {  	v6 =	vld [tilespmem:s26+$0x4CF0]  }
0x2c7: {  	v11 =	vld [tilespmem:s26+$0x47E0]  }
0x2c8: {  	v12 =	vld [tilespmem:s26+$0x47F0]  }
0x2c9: {  	v4 =	vbroadcast v1, $0xA;
	v3 =	vmul.f32 v3, v2;
	v13 =	vld [tilespmem:s26+$0x4800]  }
0x2ca: {  	v5 =	vmul.f32 v5, v2;
	v14 =	vld [tilespmem:s26+$0x4810]  }
0x2cb: {  	[tilespmem:s26+$0x47A0] =	vst v3;
	v15 =	vld [tilespmem:s26+$0x4820];
	v3 =	vmul.f32 v6, v4  }
0x2cc: {  	[tilespmem:s26+$0x47B0] =	vst v5;
	v6 =	vmul.f32 v11, v2;
	v11 =	vbroadcast v1, $0x1;
	v5 =	vld [tilespmem:s26+$0x4D00]  }
0x2cd: {  	v12 =	vmul.f32 v12, v2;
	[tilespmem:s26+$0x4CF0] =	vst v3;
	v3 =	vld [tilespmem:s26+$0x4F50]  }
0x2ce: {  	[tilespmem:s26+$0x47E0] =	vst v6;
	v13 =	vmul.f32 v13, v11;
	v6 =	vld [tilespmem:s26+$0x4D10]  }
0x2cf: {  	[tilespmem:s26+$0x47F0] =	vst v12;
	v12 =	vmul.f32 v14, v11;
	v14 =	vld [tilespmem:s26+$0x4860]  }
0x2d0: {  	[tilespmem:s26+$0x4800] =	vst v13;
	v13 =	vmul.f32 v15, v11;
	v15 =	vld [tilespmem:s26+$0x4870]  }
0x2d1: {  	v10 =	vmul.f32 v10, v11;
	[tilespmem:s26+$0x4810] =	vst v12;
	v12 =	vld [tilespmem:s26+$0x4880]  }
0x2d2: {  	v8 =	vmul.f32 v8, v11;
	[tilespmem:s26+$0x4820] =	vst v13;
	v13 =	vld [tilespmem:s26+$0x4890]  }
0x2d3: {  	v9 =	vmul.f32 v9, v11;
	[tilespmem:s26+$0x4830] =	vst v10;
	v10 =	vld [tilespmem:s26+$0x48A0]  }
0x2d4: {  	[tilespmem:s26+$0x4840] =	vst v8;
	v8 =	vmul.f32 v14, v11;
	v14 =	vbroadcast v1, $0x2;
	v16 =	vld [tilespmem:s26+$0x48B0]  }
0x2d5: {  	[tilespmem:s26+$0x4850] =	vst v9;
	v9 =	vmul.f32 v15, v11;
	v11 =	vld [tilespmem:s26+$0x48C0]  }
0x2d6: {  	[tilespmem:s26+$0x4860] =	vst v8;
	v8 =	vmul.f32 v12, v14;
	v12 =	vld [tilespmem:s26+$0x48D0]  }
0x2d7: {  	[tilespmem:s26+$0x4870] =	vst v9;
	v9 =	vmul.f32 v13, v14;
	v13 =	vld [tilespmem:s26+$0x48E0]  }
0x2d8: {  	[tilespmem:s26+$0x4880] =	vst v8;
	v8 =	vmul.f32 v10, v14;
	v10 =	vld [tilespmem:s26+$0x48F0]  }
0x2d9: {  	[tilespmem:s26+$0x4890] =	vst v9;
	v9 =	vmul.f32 v16, v14;
	v15 =	vld [tilespmem:s26+$0x4900]  }
0x2da: {  	[tilespmem:s26+$0x48A0] =	vst v8;
	v8 =	vmul.f32 v11, v14;
	v11 =	vld [tilespmem:s26+$0x4910]  }
0x2db: {  	[tilespmem:s26+$0x48B0] =	vst v9;
	v9 =	vmul.f32 v12, v14;
	v12 =	vld [tilespmem:s26+$0x4920]  }
0x2dc: {  	[tilespmem:s26+$0x48C0] =	vst v8;
	v8 =	vmul.f32 v13, v14;
	v13 =	vbroadcast v1, $0x3;
	v16 =	vld [tilespmem:s26+$0x4930]  }
0x2dd: {  	[tilespmem:s26+$0x48D0] =	vst v9;
	v9 =	vmul.f32 v10, v14;
	v10 =	vld [tilespmem:s26+$0x4940]  }
0x2de: {  	[tilespmem:s26+$0x48E0] =	vst v8;
	v8 =	vmul.f32 v15, v13;
	v14 =	vld [tilespmem:s26+$0x4950]  }
0x2df: {  	[tilespmem:s26+$0x48F0] =	vst v9;
	v9 =	vmul.f32 v11, v13;
	v11 =	vld [tilespmem:s26+$0x4960]  }
0x2e0: {  	[tilespmem:s26+$0x4900] =	vst v8;
	v8 =	vmul.f32 v12, v13;
	v12 =	vld [tilespmem:s26+$0x4970]  }
0x2e1: {  	[tilespmem:s26+$0x4910] =	vst v9;
	v9 =	vmul.f32 v16, v13;
	v15 =	vld [tilespmem:s26+$0x4980]  }
0x2e2: {  	[tilespmem:s26+$0x4920] =	vst v8;
	v8 =	vmul.f32 v10, v13;
	v10 =	vld [tilespmem:s26+$0x4990]  }
0x2e3: {  	[tilespmem:s26+$0x4930] =	vst v9;
	v9 =	vmul.f32 v14, v13;
	v14 =	vld [tilespmem:s26+$0x49A0]  }
0x2e4: {  	[tilespmem:s26+$0x4940] =	vst v8;
	v8 =	vmul.f32 v11, v13;
	v11 =	vld [tilespmem:s26+$0x49B0]  }
0x2e5: {  	[tilespmem:s26+$0x4950] =	vst v9;
	v9 =	vmul.f32 v12, v13;
	v12 =	vld [tilespmem:s26+$0x49C0]  }
0x2e6: {  	[tilespmem:s26+$0x4960] =	vst v8;
	v8 =	vmul.f32 v15, v7;
	v13 =	vld [tilespmem:s26+$0x49D0]  }
0x2e7: {  	[tilespmem:s26+$0x4970] =	vst v9;
	v9 =	vmul.f32 v10, v7;
	v10 =	vld [tilespmem:s26+$0x49E0]  }
0x2e8: {  	[tilespmem:s26+$0x4980] =	vst v8;
	v8 =	vmul.f32 v14, v7;
	v14 =	vld [tilespmem:s26+$0x49F0]  }
0x2e9: {  	[tilespmem:s26+$0x4990] =	vst v9;
	v9 =	vmul.f32 v11, v7;
	v11 =	vld [tilespmem:s26+$0x4A00]  }
0x2ea: {  	[tilespmem:s26+$0x49A0] =	vst v8;
	v8 =	vmul.f32 v12, v7;
	v12 =	vld [tilespmem:s26+$0x4A10]  }
0x2eb: {  	[tilespmem:s26+$0x49B0] =	vst v9;
	v9 =	vmul.f32 v13, v7;
	v13 =	vld [tilespmem:s26+$0x4A20]  }
0x2ec: {  	[tilespmem:s26+$0x49C0] =	vst v8;
	v8 =	vmul.f32 v10, v7;
	v10 =	vbroadcast v1, $0x5;
	v15 =	vld [tilespmem:s26+$0x4A30]  }
0x2ed: {  	[tilespmem:s26+$0x49D0] =	vst v9;
	v7 =	vmul.f32 v14, v7;
	v9 =	vld [tilespmem:s26+$0x4A40]  }
0x2ee: {  	[tilespmem:s26+$0x49E0] =	vst v8;
	v8 =	vmul.f32 v11, v10;
	v11 =	vld [tilespmem:s26+$0x4A50]  }
0x2ef: {  	[tilespmem:s26+$0x49F0] =	vst v7;
	v7 =	vmul.f32 v12, v10;
	v12 =	vld [tilespmem:s26+$0x4A60]  }
0x2f0: {  	[tilespmem:s26+$0x4A00] =	vst v8;
	v8 =	vmul.f32 v13, v10;
	v13 =	vld [tilespmem:s26+$0x4A70]  }
0x2f1: {  	[tilespmem:s26+$0x4A10] =	vst v7;
	v7 =	vmul.f32 v15, v10;
	v14 =	vld [tilespmem:s26+$0x4A80]  }
0x2f2: {  	[tilespmem:s26+$0x4A20] =	vst v8;
	v8 =	vmul.f32 v9, v10;
	v9 =	vld [tilespmem:s26+$0x4A90]  }
0x2f3: {  	[tilespmem:s26+$0x4A30] =	vst v7;
	v7 =	vmul.f32 v11, v10;
	v11 =	vld [tilespmem:s26+$0x4AA0]  }
0x2f4: {  	[tilespmem:s26+$0x4A40] =	vst v8;
	v8 =	vmul.f32 v12, v10;
	v12 =	vbroadcast v1, $0x6;
	v15 =	vld [tilespmem:s26+$0x4AB0]  }
0x2f5: {  	[tilespmem:s26+$0x4A50] =	vst v7;
	v7 =	vmul.f32 v13, v10;
	v10 =	vld [tilespmem:s26+$0x4AC0]  }
0x2f6: {  	[tilespmem:s26+$0x4A60] =	vst v8;
	v8 =	vmul.f32 v14, v12;
	v13 =	vld [tilespmem:s26+$0x4AD0]  }
0x2f7: {  	[tilespmem:s26+$0x4A70] =	vst v7;
	v7 =	vmul.f32 v9, v12;
	v9 =	vld [tilespmem:s26+$0x4AE0]  }
0x2f8: {  	[tilespmem:s26+$0x4A80] =	vst v8;
	v8 =	vmul.f32 v11, v12;
	v11 =	vld [tilespmem:s26+$0x4AF0]  }
0x2f9: {  	[tilespmem:s26+$0x4A90] =	vst v7;
	v7 =	vmul.f32 v15, v12;
	v14 =	vld [tilespmem:s26+$0x4B00]  }
0x2fa: {  	[tilespmem:s26+$0x4AA0] =	vst v8;
	v8 =	vmul.f32 v10, v12;
	v10 =	vld [tilespmem:s26+$0x4B10]  }
0x2fb: {  	[tilespmem:s26+$0x4AB0] =	vst v7;
	v7 =	vmul.f32 v13, v12;
	v13 =	vld [tilespmem:s26+$0x4B20]  }
0x2fc: {  	[tilespmem:s26+$0x4AC0] =	vst v8;
	v8 =	vmul.f32 v9, v12;
	v9 =	vbroadcast v1, $0x7;
	v15 =	vld [tilespmem:s26+$0x4B30]  }
0x2fd: {  	[tilespmem:s26+$0x4AD0] =	vst v7;
	v7 =	vmul.f32 v11, v12;
	v11 =	vld [tilespmem:s26+$0x4B40]  }
0x2fe: {  	[tilespmem:s26+$0x4AE0] =	vst v8;
	v8 =	vmul.f32 v14, v9;
	v12 =	vld [tilespmem:s26+$0x4B50]  }
0x2ff: {  	[tilespmem:s26+$0x4AF0] =	vst v7;
	v7 =	vmul.f32 v10, v9;
	v10 =	vld [tilespmem:s26+$0x4B60]  }
0x300: {  	[tilespmem:s26+$0x4B00] =	vst v8;
	v8 =	vmul.f32 v13, v9;
	v13 =	vld [tilespmem:s26+$0x4B70]  }
0x301: {  	[tilespmem:s26+$0x4B10] =	vst v7;
	v7 =	vmul.f32 v15, v9;
	v14 =	vld [tilespmem:s26+$0x4B80]  }
0x302: {  	[tilespmem:s26+$0x4B20] =	vst v8;
	v8 =	vmul.f32 v11, v9;
	v11 =	vld [tilespmem:s26+$0x4B90]  }
0x303: {  	[tilespmem:s26+$0x4B30] =	vst v7;
	v7 =	vmul.f32 v12, v9;
	v12 =	vld [tilespmem:s26+$0x4BA0]  }
0x304: {  	[tilespmem:s26+$0x4B40] =	vst v8;
	v8 =	vmul.f32 v10, v9;
	v10 =	vbroadcast v1, $0x8;
	v15 =	vld [tilespmem:s26+$0x4BB0]  }
0x305: {  	[tilespmem:s26+$0x4B50] =	vst v7;
	v7 =	vmul.f32 v13, v9;
	v9 =	vld [tilespmem:s26+$0x4BC0]  }
0x306: {  	[tilespmem:s26+$0x4B60] =	vst v8;
	v8 =	vmul.f32 v14, v10;
	v13 =	vld [tilespmem:s26+$0x4BD0]  }
0x307: {  	[tilespmem:s26+$0x4B70] =	vst v7;
	v7 =	vmul.f32 v11, v10;
	v11 =	vld [tilespmem:s26+$0x4BE0]  }
0x308: {  	[tilespmem:s26+$0x4B80] =	vst v8;
	v8 =	vmul.f32 v12, v10;
	v12 =	vld [tilespmem:s26+$0x4BF0]  }
0x309: {  	[tilespmem:s26+$0x4B90] =	vst v7;
	v7 =	vmul.f32 v15, v10;
	v14 =	vld [tilespmem:s26+$0x4C00]  }
0x30a: {  	[tilespmem:s26+$0x4BA0] =	vst v8;
	v8 =	vmul.f32 v9, v10;
	v9 =	vld [tilespmem:s26+$0x4C10]  }
0x30b: {  	[tilespmem:s26+$0x4BB0] =	vst v7;
	v7 =	vmul.f32 v13, v10;
	v13 =	vld [tilespmem:s26+$0x4C20]  }
0x30c: {  	[tilespmem:s26+$0x4BC0] =	vst v8;
	v8 =	vmul.f32 v11, v10;
	v11 =	vbroadcast v1, $0x9;
	v15 =	vld [tilespmem:s26+$0x4C30]  }
0x30d: {  	[tilespmem:s26+$0x4BD0] =	vst v7;
	v7 =	vmul.f32 v12, v10;
	v10 =	vld [tilespmem:s26+$0x4C40]  }
0x30e: {  	[tilespmem:s26+$0x4BE0] =	vst v8;
	v8 =	vmul.f32 v14, v11;
	v12 =	vld [tilespmem:s26+$0x4C50]  }
0x30f: {  	[tilespmem:s26+$0x4BF0] =	vst v7;
	v7 =	vmul.f32 v9, v11;
	v9 =	vld [tilespmem:s26+$0x4C60]  }
0x310: {  	[tilespmem:s26+$0x4C00] =	vst v8;
	v8 =	vmul.f32 v13, v11;
	v13 =	vld [tilespmem:s26+$0x4C70]  }
0x311: {  	[tilespmem:s26+$0x4C10] =	vst v7;
	v7 =	vmul.f32 v15, v11;
	v14 =	vld [tilespmem:s26+$0x4C80]  }
0x312: {  	[tilespmem:s26+$0x4C20] =	vst v8;
	v8 =	vmul.f32 v10, v11;
	v10 =	vld [tilespmem:s26+$0x4C90]  }
0x313: {  	[tilespmem:s26+$0x4C30] =	vst v7;
	v7 =	vmul.f32 v12, v11;
	v12 =	vld [tilespmem:s26+$0x4CA0]  }
0x314: {  	[tilespmem:s26+$0x4C40] =	vst v8;
	v8 =	vmul.f32 v9, v11;
	v9 =	vld [tilespmem:s26+$0x4CB0]  }
0x315: {  	[tilespmem:s26+$0x4C50] =	vst v7;
	v7 =	vmul.f32 v13, v11;
	v11 =	vld [tilespmem:s26+$0x4CC0]  }
0x316: {  	[tilespmem:s26+$0x4C60] =	vst v8;
	v8 =	vmul.f32 v14, v4;
	v13 =	vld [tilespmem:s26+$0x4CD0]  }
0x317: {  	[tilespmem:s26+$0x4C70] =	vst v7;
	v7 =	vmul.f32 v10, v4;
	v10 =	vld [tilespmem:s26+$0x4CE0]  }
0x318: {  	v14 =	vld [tilespmem:s26+$0x4780];
	[tilespmem:s26+$0x4C80] =	vst v8;
	v8 =	vmul.f32 v12, v4  }
0x319: {  	v12 =	vld [tilespmem:s26+$0x4790];
	[tilespmem:s26+$0x4C90] =	vst v7;
	v7 =	vmul.f32 v9, v4  }
0x31a: {  	v9 =	vld [tilespmem:s26+$0x47C0];
	[tilespmem:s26+$0x4CA0] =	vst v8;
	v8 =	vmul.f32 v11, v4  }
0x31b: {  	v11 =	vld [tilespmem:s26+$0x47D0];
	[tilespmem:s26+$0x4CB0] =	vst v7;
	v7 =	vmul.f32 v13, v4  }
0x31c: {  	[tilespmem:s26+$0x4CC0] =	vst v8;
	v8 =	vmul.f32 v10, v4;
	v10 =	vbroadcast v1, $0xB;
	v13 =	vld [tilespmem:s26+$0x4D20]  }
0x31d: {  	v4 =	vbroadcast v1, $0xF;
	v14 =	vmul.f32 v2, v14;
	[tilespmem:s26+$0x4CD0] =	vst v7;
	v7 =	vld [tilespmem:s26+$0x4D30]  }
0x31e: {  	v12 =	vmul.f32 v12, v2;
	[tilespmem:s26+$0x4CE0] =	vst v8;
	v5 =	vmul.f32 v5, v10;
	v8 =	vld [tilespmem:s26+$0x4D40]  }
0x31f: {  	v6 =	vmul.f32 v6, v10;
	[tilespmem:s26+$0x4780] =	vst v14;
	v9 =	vmul.f32 v9, v2;
	v14 =	vld [tilespmem:s26+$0x4D50]  }
0x320: {  	v3 =	vmul.f32 v3, v4;
	v11 =	vmul.f32 v11, v2;
	[tilespmem:s26+$0x4D00] =	vst v5;
	v2 =	vld [tilespmem:s26+$0x4D60]  }
0x321: {  	[tilespmem:s26+$0x4D10] =	vst v6;
	v5 =	vmul.f32 v13, v10;
	v6 =	vld [tilespmem:s26+$0x4D70]  }
0x322: {  	v7 =	vmul.f32 v7, v10;
	v13 =	vld [tilespmem:s26+$0x4D80];
	[tilespmem:s26+$0x4F50] =	vst v3  }
0x323: {  	[tilespmem:s26+$0x4790] =	vst v12;
	v3 =	vmul.f32 v8, v10;
	v8 =	vld [tilespmem:s26+$0x4D90]  }
0x324: {  	[tilespmem:s26+$0x47C0] =	vst v9;
	v9 =	vmul.f32 v14, v10;
	v12 =	vld [tilespmem:s26+$0x4DA0]  }
0x325: {  	v14 =	vbroadcast v1, $0xC;
	[tilespmem:s26+$0x4D20] =	vst v5;
	v5 =	vmul.f32 v2, v10;
	v15 =	vld [tilespmem:s26+$0x4DB0]  }
0x326: {  	[tilespmem:s26+$0x4D50] =	vst v9;
	v6 =	vmul.f32 v6, v10;
	v9 =	vld [tilespmem:s26+$0x4DC0]  }
0x327: {  	[tilespmem:s26+$0x4D30] =	vst v7;
	v2 =	vmul.f32 v13, v14;
	v7 =	vld [tilespmem:s26+$0x4DD0]  }
0x328: {  	[tilespmem:s26+$0x4D40] =	vst v3;
	v3 =	vmul.f32 v8, v14;
	v8 =	vld [tilespmem:s26+$0x4DE0]  }
0x329: {  	[tilespmem:s26+$0x4D80] =	vst v2;
	v2 =	vmul.f32 v12, v14;
	v10 =	vld [tilespmem:s26+$0x4DF0]  }
0x32a: {  	[tilespmem:s26+$0x4D90] =	vst v3;
	v3 =	vld [tilespmem:s26+$0x4E00]  }
0x32b: {  	[tilespmem:s26+$0x47D0] =	vst v11;
	v9 =	vmul.f32 v9, v14;
	v11 =	vld [tilespmem:s26+$0x4E10]  }
0x32c: {  	[tilespmem:s26+$0x4D60] =	vst v5;
	v5 =	vmul.f32 v7, v14;
	v7 =	vld [tilespmem:s26+$0x4E20]  }
0x32d: {  	[tilespmem:s26+$0x4DC0] =	vst v9;
	v8 =	vmul.f32 v8, v14;
	v9 =	vbroadcast v1, $0xD;
	v12 =	vld [tilespmem:s26+$0x4E30]  }
0x32e: {  	[tilespmem:s26+$0x4DD0] =	vst v5;
	v5 =	vmul.f32 v10, v14;
	v10 =	vld [tilespmem:s26+$0x4E40]  }
0x32f: {  	[tilespmem:s26+$0x4DE0] =	vst v8;
	v3 =	vmul.f32 v3, v9;
	v8 =	vld [tilespmem:s26+$0x4E50]  }
0x330: {  	[tilespmem:s26+$0x4DF0] =	vst v5;
	v5 =	vmul.f32 v11, v9;
	v11 =	vld [tilespmem:s26+$0x4E60]  }
0x331: {  	[tilespmem:s26+$0x4E00] =	vst v3;
	v3 =	vmul.f32 v7, v9;
	v7 =	vld [tilespmem:s26+$0x4E70]  }
0x332: {  	[tilespmem:s26+$0x4E10] =	vst v5;
	v5 =	vmul.f32 v12, v9;
	v12 =	vld [tilespmem:s26+$0x4E80]  }
0x333: {  	[tilespmem:s26+$0x4E20] =	vst v3;
	v3 =	vmul.f32 v10, v9;
	v10 =	vld [tilespmem:s26+$0x4E90]  }
0x334: {  	[tilespmem:s26+$0x4E30] =	vst v5;
	v5 =	vmul.f32 v8, v9;
	v8 =	vld [tilespmem:s26+$0x4EA0]  }
0x335: {  	v1 =	vbroadcast v1, $0xE;
	[tilespmem:s26+$0x4D70] =	vst v6;
	v6 =	vmul.f32 v11, v9;
	v11 =	vld [tilespmem:s26+$0x4EB0]  }
0x336: {  	[tilespmem:s26+$0x4E50] =	vst v5;
	v5 =	vmul.f32 v7, v9;
	v7 =	vld [tilespmem:s26+$0x4EC0]  }
0x337: {  	[tilespmem:s26+$0x4E60] =	vst v6;
	v6 =	vmul.f32 v12, v1;
	v9 =	vld [tilespmem:s26+$0x4ED0]  }
0x338: {  	[tilespmem:s26+$0x4E70] =	vst v5;
	v5 =	vmul.f32 v10, v1;
	v10 =	vld [tilespmem:s26+$0x4EE0]  }
0x339: {  	[tilespmem:s26+$0x4E80] =	vst v6;
	v6 =	vmul.f32 v8, v1;
	v8 =	vld [tilespmem:s26+$0x4EF0]  }
0x33a: {  	[tilespmem:s26+$0x4E90] =	vst v5;
	v5 =	vmul.f32 v11, v1;
	v11 =	vld [tilespmem:s26+$0x4F00]  }
0x33b: {  	[tilespmem:s26+$0x4EA0] =	vst v6;
	v6 =	vmul.f32 v7, v1;
	v7 =	vld [tilespmem:s26+$0x4F10]  }
0x33c: {  	[tilespmem:s26+$0x4EB0] =	vst v5;
	v5 =	vmul.f32 v9, v1;
	v9 =	vld [tilespmem:s26+$0x4F20]  }
0x33d: {  	[tilespmem:s26+$0x4EC0] =	vst v6;
	v6 =	vmul.f32 v10, v1;
	v10 =	vld [tilespmem:s26+$0x4F30]  }
0x33e: {  	[tilespmem:s26+$0x4E40] =	vst v3;
	v1 =	vmul.f32 v8, v1;
	v3 =	vld [tilespmem:s26+$0x4F40]  }
0x33f: {  	[tilespmem:s26+$0x4EE0] =	vst v6;
	v6 =	vmul.f32 v11, v4;
	v8 =	vld [tilespmem:s26+$0x4F60]  }
0x340: {  	[tilespmem:s26+$0x4EF0] =	vst v1;
	v1 =	vmul.f32 v7, v4;
	v7 =	vld [tilespmem:s26+$0x4F70]  }
0x341: {  	[tilespmem:s26+$0x4F00] =	vst v6;
	v6 =	vmul.f32 v9, v4  }
0x342: {  	[tilespmem:s26+$0x4F10] =	vst v1;
	v1 =	vmul.f32 v10, v4  }
0x343: {  	v9 =	vmul.f32 v15, v14;
	[tilespmem:s26+$0x4F20] =	vst v6  }
0x344: {  	[tilespmem:s26+$0x4F30] =	vst v1;
	v1 =	vmul.f32 v3, v4  }
.Ltmp2:
0x345: {  	[tilespmem:s26+$0x4DB0] =	vst v9;
	v3 =	vmul.f32 v7, v4;
	(pc) =	sbr.rel @p1 .LBB2_7-.Ltmp2, $4  }
0x346: {  	[tilespmem:s26+$0x4F40] =	vst v1  }
0x347: {  	v1 =	vmul.f32 v8, v4;
	[tilespmem:s26+$0x4F70] =	vst v3  }
0x348: {  	[tilespmem:s26+$0x4ED0] =	vst v5  }
0x349: {  	[tilespmem:s26+$0x4F60] =	vst v1  }
0x34a: {  	s25 =	sadd.s32 $0x1, s25  }
0x34b: {  	p1 =	sne.s32 s25, $0x28  }
.Ltmp3:
0x34c: {  	_ = 	snop;
	(pc) =	sbr.rel @p1 .LBB2_4-.Ltmp3, $4  }
0x34d: {  	[tilespmem:s26+$0x4DA0] =	vst v2  }
0x34e: {  	[spmem:s2] =	stream.indirect.scatter.add.f32 [tilespmem:s15], [sflag:$0x4], $0x80, s8, s5, $0xb8;
	[tilespmem:$0x1CF00] =	vst v63  }
0x34f: {  	_ = 	snop  }
0x350: {  	[spmem:s3] =	stream.indirect.scatter.add.f32 [tilespmem:s19], [sflag:$0x4], $0x1, s8, s5, $0xb8;
	[tilespmem:$0x1CF00] =	vst v63  }
0x351: {  	s10 =	simm.s32 $0x4  }
0x352: {  	_ =	swait.ge [sflag:s10], $0x4000  }
0x353: {  	[sflag:s10] =	ssyncset.done $0x0  }
0x354: {  	[sflag:s10] =	ssyncadd.s32 $0xFFFFC000  }
0x355: {  	_ =	swait.ge [sflag:s10], $0x80  }
0x356: {  	[sflag:s10] =	ssyncset.done $0x0  }
0x357: {  	[sflag:s10] =	ssyncadd.s32 $0xFFFFFF80  }
0x358: {  	s26 =	stileid.u32;
	[bflag:$0x0] =	sbarrier.arrive $0xFFFF  }
0x359: {  	s10 =	sshll.u32 s26, $0x6;
	s25 =	rddreg [dreg:$0x7]  }
0x35a: {  	s10 =	sor.u32 $0x1C07, s10;
	s24 =	rddreg [dreg:$0x12];
	s11 =	sshrl.u32 s25, $0x3  }
0x35b: {  	[hbm:s24], [sflag:s10] =	dma.local [spmem:s11], $0x2800  }
0x35c: {  	_ =	swait.ge [sflag:s30], $0x2800  }
0x35d: {  	s28 =	simm.s32 $0x20;
	[sflag:s30] =	ssyncset.done $0x0;
	s26 =	rddreg [dreg:$0x8]  }
0x35e: {  	s24 =	rddreg [dreg:$0x13];
	[sflag:s30] =	ssyncadd.s32 $0xFFFFD800;
	s11 =	sshrl.u32 s26, $0x3  }
0x35f: {  	[hbm:s24@s28], [sflag:s10] =	dma.strided [spmem:s11@s20], $0x50, s7, $0x10   }
0x360: {  	_ =	swait.ge [sflag:s30], $0x50  }
0x361: {  	s23 =	sadd.s32 $0x1, s23;
	s28 =	rddreg [dreg:$0x14]  }
0x362: {  	p1 =	sne.s32 s23, s28  }
.Ltmp4:
0x363: {  	_ = 	snop;
	(pc) =	sbr.rel @p1 .LBB2_1-.Ltmp4, $3  }
0x364: {  	_ =	sdelay $0x1  }
0x365: {  	[sflag:s30] =	ssyncset.done $0x0  }
0x366: {  	[sflag:s30] =	ssyncadd.s32 $0xFFFFFFB0  }
0x367: {  	_ =	sfence.sel $0x180000  }
0x368: {  	[bflag:$0x0] =	sbarrier.arrive $0xFFFF  }
0x369: {  	_ =	strace $0x90000047  }
0x36a: {  	[bflag:$0x2] =	sbarrier.arrive $0xFFFF  }
0x36b: {  	s0 =	rddreg [dreg:$0x6]  }
0x36c: {  	s0 =	sadd.s32 @!p0 $0x100000, s0  }
0x36d: {  	[sflag:s0] =	ssyncadd.tile.s32 @!p0 $0x1;
	_ =	shalt  }
.Lfunc_end2:
_tile_overlayer_lowered:
.L_overlay_start_2:
0x36e: {  	(tag) =	ssettag $0x2  }
0x36f: {  	s0 =	rddreg [dreg:$0x0];
	s2 =	stileid.u32  }
0x370: {  	s1 =	rddreg [dreg:$0x1];
	p0 =	sne.s32 s2, $0x0  }
0x371: {  	s3 =	rddreg [dreg:$0x2];
	[bflag:$0x3] =	sbarrier.arrive $0xFFFF;
	s2 =	simm.s32 @!p0 $0x1C07  }
0x372: {  	[timem:s3], [sflag:s2] =	dma.local @!p0 [hbm:s0], s1  }
0x373: {  	s0 =	simm.s32 @!p0 $0x7  }
0x374: {  	_ =	swait.ge @!p0 [sflag:s0], s1  }
0x375: {  	s1 =	ssub.s32 @!p0 $0x0, s1;
	[sflag:s0] =	ssyncset.done @!p0 $0x0  }
0x376: {  	[sflag:s0] =	ssyncadd.s32 @!p0 s1  }
0x377: {  	[bflag:$0x3] =	sbarrier.arrive $0xFFFF  }
0x378: {  	_ =	shalt  }

</sc_bundles>
